<compile_context>
chip_gen: v7x
topology: tpu7x:2x2x1
jax: 0.10.2.dev20260603
libtpu: 0.0.44.dev20260713+nightly
codegen_flags: <defaults>
</compile_context>

<pallas_src>
import functools

import jax
import jax.numpy as jnp
from jax import lax
from jax.experimental import pallas as pl
from jax.experimental.pallas import tpu as pltpu
from jax.experimental.pallas import tpu_sc as plsc

DIM = 1024
HIDDEN = 2048
E = 8
T = 2048

TM3 = 256
NT3 = 24
M_PAD = NT3 * TM3
CS = 256
NTP = 32

_NC, _NS = 2, 16
_NW = _NC * _NS



def _router_body(x_ref, wrt_ref, pf_ref, wf_ref, meta_ref):
    x = x_ref[...]
    xb = x.astype(jnp.bfloat16)
    logits = lax.dot_general(xb, wrt_ref[...].astype(jnp.bfloat16),
                             (((1,), (1,)), ((), ())),
                             preferred_element_type=jnp.float32)
    lanes = lax.broadcasted_iota(jnp.int32, (T, E), 1)
    m1 = jnp.max(logits, axis=1, keepdims=True)
    i1 = jnp.min(jnp.where(logits == m1, lanes, E), axis=1, keepdims=True)
    l2 = jnp.where(lanes == i1, -1e30, logits)
    m2 = jnp.max(l2, axis=1, keepdims=True)
    i2 = jnp.min(jnp.where(l2 == m2, lanes, E), axis=1, keepdims=True)
    r = jnp.exp(m2 - m1)
    den = 1.0 + r
    wf_ref[pl.ds(0, T), :] = 1.0 / den
    wf_ref[pl.ds(T, T), :] = r / den

    oh0 = (lanes == i1).astype(jnp.float32)
    oh1 = (lanes == i2).astype(jnp.float32)

    ii = lax.broadcasted_iota(jnp.int32, (CS, CS), 0)
    jj = lax.broadcasted_iota(jnp.int32, (CS, CS), 1)
    ltri = (jj < ii).astype(jnp.float32)
    off = jnp.zeros((1, E), jnp.float32)
    prefixes = []
    for oh in (oh0, oh1):
        parts = []
        for c in range(T // CS):
            blk = lax.slice(oh, (c * CS, 0), ((c + 1) * CS, E))
            ex = lax.dot(ltri, blk,
                         precision=lax.Precision.HIGHEST) + off
            off = off + jnp.sum(blk, axis=0, keepdims=True)
            parts.append(ex)
        prefixes.append(jnp.concatenate(parts, axis=0))
    counts = off
    padded = jnp.ceil(counts / TM3) * TM3

    acc = jnp.zeros((1, 1), jnp.float32)
    offp_parts = []
    for e in range(E):
        offp_parts.append(acc)
        acc = acc + lax.slice(padded, (0, e), (1, e + 1))
    offp = jnp.concatenate(offp_parts, axis=1)

    pos0 = jnp.sum(oh0 * (prefixes[0] + offp), axis=1, keepdims=True)
    pos1 = jnp.sum(oh1 * (prefixes[1] + offp), axis=1, keepdims=True)
    pf_ref[pl.ds(0, T), :] = pos0.astype(jnp.int32)
    pf_ref[pl.ds(T, T), :] = pos1.astype(jnp.int32)

    row0 = lax.broadcasted_iota(jnp.int32, (1, NTP), 1).astype(jnp.float32) * TM3
    active = (counts > 0)
    nxt_after = jnp.full((1, 1), -1.0, jnp.float32)
    nxts = [None] * E
    for e in range(E - 1, -1, -1):
        nxts[e] = nxt_after
        ae = lax.slice(active, (0, e), (1, e + 1))
        nxt_after = jnp.where(ae, float(e), nxt_after)
    nordacc = jnp.zeros((1, 1), jnp.float32)
    te = jnp.zeros((1, NTP), jnp.float32)
    fs = jnp.zeros((1, NTP), jnp.float32)
    ne = jnp.zeros((1, NTP), jnp.float32)
    od = jnp.zeros((1, NTP), jnp.float32)
    for e in range(E):
        oe = lax.slice(offp, (0, e), (1, e + 1))
        pe = lax.slice(padded, (0, e), (1, e + 1))
        inside = jnp.logical_and(row0 >= oe, row0 < oe + pe).astype(jnp.float32)
        te = te + e * inside
        fs = fs + jnp.where(row0 == oe, inside, 0.0)
        nv = jnp.where(nxts[e] < 0, float(e), nxts[e])
        ne = ne + nv * inside
        od = od + nordacc * inside
        ae = lax.slice(active, (0, e), (1, e + 1))
        nordacc = nordacc + ae.astype(jnp.float32)
    total = acc
    valid = row0 < total
    erow = lax.broadcasted_iota(jnp.int32, (1, E), 1).astype(jnp.float32)
    laste = jnp.max(jnp.where(counts > 0, erow, 0.0), axis=1, keepdims=True)
    te = jnp.where(valid, te, laste)
    odp = od - 2.0 * jnp.floor(od * 0.5)
    meta = jnp.concatenate(
        [te, valid.astype(jnp.float32), fs, ne, odp,
         jnp.zeros((3, NTP), jnp.float32)], axis=0)
    meta_ref[...] = meta.astype(jnp.int32)


def _router_sort(x, wrt):
    outs = pl.pallas_call(
        _router_body,
        out_shape=[
            jax.ShapeDtypeStruct((2 * T, 1), jnp.int32),
            jax.ShapeDtypeStruct((2 * T, 1), jnp.float32),
            jax.ShapeDtypeStruct((8, NTP), jnp.int32),
        ],
    )(x, wrt)
    return outs



def _dispatch_sc(x, pos_flat):
    ch = 32
    nj = (2 * T // _NW) // ch
    mesh = plsc.VectorSubcoreMesh(core_axis_name="c", subcore_axis_name="s")

    @functools.partial(
        pl.kernel, mesh=mesh,
        out_type=jax.ShapeDtypeStruct((M_PAD, DIM), jnp.float32),
        scratch_types=[
            pltpu.VMEM((ch,), jnp.int32),
            pltpu.VMEM((ch,), jnp.int32),
            pltpu.VMEM((ch, DIM), jnp.float32),
            pltpu.VMEM((ch, DIM), jnp.float32),
            pltpu.SemaphoreType.DMA,
            pltpu.SemaphoreType.DMA,
        ],
    )
    def k(x_hbm, pos_hbm, xs_hbm, idx0, idx1, rows0, rows1, sem0, sem1):
        wid = lax.axis_index("s") * _NC + lax.axis_index("c")
        base = wid * (ch * nj)
        idx = (idx0, idx1)
        rows = (rows0, rows1)
        sems = (sem0, sem1)

        def load(j, bi):
            b = base + j * ch
            tok = lax.rem(b, T)
            pltpu.sync_copy(pos_hbm.at[pl.ds(b, ch)], idx[bi])
            pltpu.sync_copy(x_hbm.at[pl.ds(tok, ch)], rows[bi])

        load(0, 0)
        for j in range(nj):
            cur = j % 2
            pltpu.make_async_copy(rows[cur], xs_hbm.at[idx[cur]], sems[cur]).start()
            if j + 1 < nj:
                if j >= 1:
                    pltpu.make_async_copy(rows[1 - cur],
                                          xs_hbm.at[idx[1 - cur]],
                                          sems[1 - cur]).wait()
                load(j + 1, 1 - cur)
        pltpu.make_async_copy(rows[(nj - 2) % 2], xs_hbm.at[idx[(nj - 2) % 2]],
                              sems[(nj - 2) % 2]).wait()
        pltpu.make_async_copy(rows[(nj - 1) % 2], xs_hbm.at[idx[(nj - 1) % 2]],
                              sems[(nj - 1) % 2]).wait()

    return k(x, pos_flat)



def _gmm_body(meta_r,
              x_ref, wg_hbm, wu_hbm, wd_hbm, out_ref,
              wg0, wu0, wd0, wg1, wu1, wd1,
              sg0, su0, sd0, sg1, su1, sd1):
    m = pl.program_id(0)
    e = meta_r[0, m]
    valid = meta_r[1, m] == 1
    first = meta_r[2, m] == 1
    nxt = meta_r[3, m]
    par = meta_r[4, m]

    def _issue(eidx, bg, bu, bd, s0, s1, s2):
        pltpu.make_async_copy(wg_hbm.at[eidx], bg, s0).start()
        pltpu.make_async_copy(wu_hbm.at[eidx], bu, s1).start()
        pltpu.make_async_copy(wd_hbm.at[eidx], bd, s2).start()

    def _wait(eidx, bg, bu, bd, s0, s1, s2):
        pltpu.make_async_copy(wg_hbm.at[eidx], bg, s0).wait()
        pltpu.make_async_copy(wu_hbm.at[eidx], bu, s1).wait()
        pltpu.make_async_copy(wd_hbm.at[eidx], bd, s2).wait()

    @pl.when(m == 0)
    def _():
        _issue(e, wg0, wu0, wd0, sg0, su0, sd0)

    @pl.when(jnp.logical_and(first, nxt != e))
    def _():
        @pl.when(par == 0)
        def _():
            _issue(nxt, wg1, wu1, wd1, sg1, su1, sd1)

        @pl.when(par == 1)
        def _():
            _issue(nxt, wg0, wu0, wd0, sg0, su0, sd0)

    @pl.when(first)
    def _():
        @pl.when(par == 0)
        def _():
            _wait(e, wg0, wu0, wd0, sg0, su0, sd0)

        @pl.when(par == 1)
        def _():
            _wait(e, wg1, wu1, wd1, sg1, su1, sd1)

    def _compute(bg, bu, bd):
        xv = x_ref[...]
        nt = (((1,), (1,)), ((), ()))
        g = lax.dot_general(xv, bg[...], nt, preferred_element_type=jnp.float32)
        u = lax.dot_general(xv, bu[...], nt, preferred_element_type=jnp.float32)
        act = (g * jax.nn.sigmoid(g)) * u
        out_ref[...] = lax.dot_general(act, bd[...], nt,
                                       preferred_element_type=jnp.float32)

    @pl.when(jnp.logical_and(valid, par == 0))
    def _():
        _compute(wg0, wu0, wd0)

    @pl.when(jnp.logical_and(valid, par == 1))
    def _():
        _compute(wg1, wu1, wd1)


def _gmm(xs, wgt, wut, wdt, meta):
    grid_spec = pltpu.PrefetchScalarGridSpec(
        num_scalar_prefetch=1,
        grid=(NT3,),
        in_specs=[
            pl.BlockSpec((TM3, DIM), lambda m, *_: (m, 0)),
            pl.BlockSpec(memory_space=pltpu.MemorySpace.HBM),
            pl.BlockSpec(memory_space=pltpu.MemorySpace.HBM),
            pl.BlockSpec(memory_space=pltpu.MemorySpace.HBM),
        ],
        out_specs=pl.BlockSpec((TM3, DIM), lambda m, *_: (m, 0)),
        scratch_shapes=[
            pltpu.VMEM((HIDDEN, DIM), jnp.float32),
            pltpu.VMEM((HIDDEN, DIM), jnp.float32),
            pltpu.VMEM((DIM, HIDDEN), jnp.float32),
            pltpu.VMEM((HIDDEN, DIM), jnp.float32),
            pltpu.VMEM((HIDDEN, DIM), jnp.float32),
            pltpu.VMEM((DIM, HIDDEN), jnp.float32),
        ] + [pltpu.SemaphoreType.DMA] * 6,
    )
    return pl.pallas_call(
        _gmm_body,
        grid_spec=grid_spec,
        out_shape=jax.ShapeDtypeStruct((M_PAD, DIM), jnp.float32),
        compiler_params=pltpu.CompilerParams(vmem_limit_bytes=100 * 1024 * 1024),
    )(meta, xs, wgt, wut, wdt)



def _combine_sc(y, pos_flat, w_flat):
    ct = 16
    nj = (T // _NW) // ct
    mesh = plsc.VectorSubcoreMesh(core_axis_name="c", subcore_axis_name="s")

    @functools.partial(
        pl.kernel, mesh=mesh,
        out_type=jax.ShapeDtypeStruct((T, DIM), jnp.float32),
        scratch_types=(
            [pltpu.VMEM((ct,), jnp.int32)] * 4
            + [pltpu.VMEM((ct,), jnp.float32)] * 4
            + [pltpu.VMEM((ct, DIM), jnp.float32)] * 6
            + [pltpu.SemaphoreType.DMA] * 6
        ),
    )
    def k(y_hbm, pf_hbm, wf_hbm, out_hbm,
          i0a, i0b, i1a, i1b, w0a_, w0b_, w1a_, w1b_,
          r0a, r0b, r1a, r1b, ova, ovb,
          s0a, s0b, s1a, s1b, soa, sob):
        wid = lax.axis_index("s") * _NC + lax.axis_index("c")
        ntok = T // _NW
        i0 = (i0a, i0b)
        i1 = (i1a, i1b)
        w0 = (w0a_, w0b_)
        w1 = (w1a_, w1b_)
        r0 = (r0a, r0b)
        r1 = (r1a, r1b)
        ov = (ova, ovb)
        s0 = (s0a, s0b)
        s1 = (s1a, s1b)
        so = (soa, sob)

        def issue(j, bi):
            b = wid * ntok + j * ct
            pltpu.sync_copy(pf_hbm.at[pl.ds(b, ct)], i0[bi])
            pltpu.sync_copy(pf_hbm.at[pl.ds(T + b, ct)], i1[bi])
            pltpu.sync_copy(wf_hbm.at[pl.ds(b, ct)], w0[bi])
            pltpu.sync_copy(wf_hbm.at[pl.ds(T + b, ct)], w1[bi])
            pltpu.make_async_copy(y_hbm.at[i0[bi]], r0[bi], s0[bi]).start()
            pltpu.make_async_copy(y_hbm.at[i1[bi]], r1[bi], s1[bi]).start()

        issue(0, 0)
        for j in range(nj):
            cur = j % 2
            b = wid * ntok + j * ct
            if j + 1 < nj:
                issue(j + 1, 1 - cur)
            pltpu.make_async_copy(y_hbm.at[i0[cur]], r0[cur], s0[cur]).wait()
            pltpu.make_async_copy(y_hbm.at[i1[cur]], r1[cur], s1[cur]).wait()
            if j >= 2:
                pltpu.make_async_copy(ov[cur], out_hbm.at[pl.ds(b, ct)],
                                      so[cur]).wait()
            wva = w0[cur][...]
            wvb = w1[cur][...]
            wa = [wva[tt] for tt in range(ct)]
            wb = [wvb[tt] for tt in range(ct)]
            r0c = r0[cur]
            r1c = r1[cur]
            ovc = ov[cur]

            def cbody(c, carry):
                for tt in range(ct):
                    sl = pl.ds(c * 16, 16)
                    ovc[tt, sl] = r0c[tt, sl] * wa[tt] + r1c[tt, sl] * wb[tt]
                return carry

            lax.fori_loop(0, DIM // 16, cbody, 0)
            pltpu.make_async_copy(ov[cur], out_hbm.at[pl.ds(b, ct)],
                                  so[cur]).start()
        for j in (nj - 2, nj - 1):
            b = wid * ntok + j * ct
            pltpu.make_async_copy(ov[j % 2], out_hbm.at[pl.ds(b, ct)],
                                  so[j % 2]).wait()

    return k(y, pos_flat, w_flat)



@jax.jit
def kernel(hidden_states, Wg, Wu, Wd, Wr):
    b, s, d = hidden_states.shape
    x = hidden_states.reshape(T, d)

    pf, wf, meta = _router_sort(x, Wr)
    pos_flat = pf.reshape(2 * T)
    w_flat = wf.reshape(2 * T)
    xs = _dispatch_sc(x, pos_flat)
    y = _gmm(xs, Wg, Wu, Wd, meta)
    out = _combine_sc(y, pos_flat, w_flat)
    return out.reshape(b, s, d)

# --- scband reference (transcript-rebuilt; emitter-appended) ---
"""Pipeline reference for scband-mo-elayer-88424786690743 (READ-ONLY COPY).

The authoritative reference and input builder live on the scoring server;
editing this copy changes nothing except your own understanding.
"""

import jax, jax.numpy as jnp
import numpy as np

DIM = 1024
HIDDEN = 2048
E = 8
TOP_K = 2
B, S = 1, 2048


def setup_inputs(seed: int = 0) -> dict:
    key = jax.random.key(seed)
    ks = jax.random.split(key, 5)
    hidden_states = jax.random.normal(ks[0], (B, S, DIM), dtype=jnp.float32)
    # Expert weights stacked across experts. Torch nn.Linear(dim, hidden) weight is [hidden, dim];
    # we store per-expert: Wg, Wu: [E, HIDDEN, DIM]; Wd: [E, DIM, HIDDEN]; router Wr: [E, DIM].
    scale_in = 1.0 / np.sqrt(DIM)
    scale_h = 1.0 / np.sqrt(HIDDEN)
    Wg = jax.random.normal(ks[1], (E, HIDDEN, DIM), dtype=jnp.float32) * scale_in
    Wu = jax.random.normal(ks[2], (E, HIDDEN, DIM), dtype=jnp.float32) * scale_in
    Wd = jax.random.normal(ks[3], (E, DIM, HIDDEN), dtype=jnp.float32) * scale_h
    Wr = jax.random.normal(ks[4], (E, DIM), dtype=jnp.float32) * scale_in
    return {"hidden_states": hidden_states, "Wg": Wg, "Wu": Wu, "Wd": Wd, "Wr": Wr}


def reference(hidden_states, Wg, Wu, Wd, Wr):
    b, s, d = hidden_states.shape
    x = hidden_states.reshape(-1, d)  # [T, D]
    # Router (nn.Linear without bias): logits = x @ Wr.T
    router_logits = x @ Wr.T  # [T, E]
    routing_probs = jax.nn.softmax(router_logits, axis=-1)
    top_k_probs, top_k_indices = jax.lax.top_k(routing_probs, TOP_K)  # [T, K]
    top_k_probs = top_k_probs / jnp.sum(top_k_probs, axis=-1, keepdims=True)
    # Per-token combine weight for each expert (equivalent to the masked dispatch loop):
    # weights[t, e] = sum_i top_k_probs[t, i] * (top_k_indices[t, i] == e)
    weights = (jax.nn.one_hot(top_k_indices, E, dtype=x.dtype) * top_k_probs[..., None]).sum(axis=1)  # [T, E]
    # Dense expert computation (SwiGLU per expert), then weighted combine.
    gate = jnp.einsum('td,ehd->teh', x, Wg)  # [T, E, H]
    up = jnp.einsum('td,ehd->teh', x, Wu)    # [T, E, H]
    h = jax.nn.silu(gate) * up                # [T, E, H]
    expert_out = jnp.einsum('teh,edh->ted', h, Wd)  # [T, E, D]
    final_output = jnp.einsum('ted,te->td', expert_out, weights)  # [T, D]
    return final_output.reshape(b, s, d)

if __name__ == "__main__":
    import jax
    _d = setup_inputs()
    print(jax.jit(kernel)(*tuple(_d.values())))

</pallas_src>

<mosaic_0001>
#map = affine_map<(d0, d1) -> (0, 0)>
#map1 = affine_map<(d0, d1) -> (0)>
module attributes {stable_mosaic.version = 14 : i64} {
  func.func @k(%arg0: i32, %arg1: i32, %arg2: memref<6144x1024xf32, #tpu.memory_space<hbm>>, %arg3: memref<4096xi32, #tpu.memory_space<hbm>>, %arg4: memref<4096xf32, #tpu.memory_space<hbm>>, %arg5: memref<2048x1024xf32, #tpu.memory_space<hbm>>, %arg6: memref<16xi32, #tpu.memory_space<vmem>>, %arg7: memref<16xi32, #tpu.memory_space<vmem>>, %arg8: memref<16xi32, #tpu.memory_space<vmem>>, %arg9: memref<16xi32, #tpu.memory_space<vmem>>, %arg10: memref<16xf32, #tpu.memory_space<vmem>>, %arg11: memref<16xf32, #tpu.memory_space<vmem>>, %arg12: memref<16xf32, #tpu.memory_space<vmem>>, %arg13: memref<16xf32, #tpu.memory_space<vmem>>, %arg14: memref<16x1024xf32, #tpu.memory_space<vmem>>, %arg15: memref<16x1024xf32, #tpu.memory_space<vmem>>, %arg16: memref<16x1024xf32, #tpu.memory_space<vmem>>, %arg17: memref<16x1024xf32, #tpu.memory_space<vmem>>, %arg18: memref<16x1024xf32, #tpu.memory_space<vmem>>, %arg19: memref<16x1024xf32, #tpu.memory_space<vmem>>, %arg20: memref<!tpu.dma_semaphore, #tpu.memory_space<semaphore_mem>>, %arg21: memref<!tpu.dma_semaphore, #tpu.memory_space<semaphore_mem>>, %arg22: memref<!tpu.dma_semaphore, #tpu.memory_space<semaphore_mem>>, %arg23: memref<!tpu.dma_semaphore, #tpu.memory_space<semaphore_mem>>, %arg24: memref<!tpu.dma_semaphore, #tpu.memory_space<semaphore_mem>>, %arg25: memref<!tpu.dma_semaphore, #tpu.memory_space<semaphore_mem>>) attributes {dimension_semantics = [#tpu.dimension_semantics<core_parallel>, #tpu.dimension_semantics<subcore_parallel>], iteration_bounds = array<i64: 2, 16>, scalar_prefetch = 0 : i64, scratch_operands = 20 : i64, tpu.core_type = #tpu.core_type<sc_vector_subcore>, window_params = [{transform_indices = #map}, {transform_indices = #map1}, {transform_indices = #map1}, {transform_indices = #map}]} {
    %mul3A = arith.constant 2 : i32
    %mul3A_0 = arith.muli %arg1, %mul3A : i32
    %add3A = arith.addi %mul3A_0, %arg0 : i32
    %mul3A_1 = arith.constant 64 : i32
    %mul3A_2 = arith.muli %add3A, %mul3A_1 : i32
    %add3A_3 = arith.constant 0 : i32
    %add3A_4 = arith.addi %mul3A_2, %add3A_3 : i32
    "tpu.region"() ({
      %run_scoped3A = tpu.sem_alloc : memref<!tpu.dma_semaphore, #tpu.memory_space<semaphore_mem>>
      %dma_start3A_435 = tpu.memref_slice %arg3[%add3A_4] : memref<4096xi32, #tpu.memory_space<hbm>> -> memref<16xi32, #tpu.memory_space<hbm>>
      %dma_start3A_436 = tpu.memref_slice %arg3[%add3A_4] : memref<4096xi32, #tpu.memory_space<hbm>> -> memref<16xi32, #tpu.memory_space<hbm>>
      tpu.enqueue_dma source(%dma_start3A_436 : memref<16xi32, #tpu.memory_space<hbm>>) target(%arg6 : memref<16xi32, #tpu.memory_space<vmem>>) target_semaphore(%run_scoped3A : memref<!tpu.dma_semaphore, #tpu.memory_space<semaphore_mem>>)
      %dma_wait3A_437 = tpu.memref_slice %arg3[%add3A_4] : memref<4096xi32, #tpu.memory_space<hbm>> -> memref<16xi32, #tpu.memory_space<hbm>>
      %dma_wait3A_438 = tpu.memref_slice %arg3[%add3A_4] : memref<4096xi32, #tpu.memory_space<hbm>> -> memref<16xi32, #tpu.memory_space<hbm>>
      tpu.wait_dma2 semaphore(%run_scoped3A : memref<!tpu.dma_semaphore, #tpu.memory_space<semaphore_mem>>) src(%dma_wait3A_438 : memref<16xi32, #tpu.memory_space<hbm>>) dst(%arg6 : memref<16xi32, #tpu.memory_space<vmem>>)
      tpu.yield
    }) : () -> ()
    %add3A_5 = arith.constant 2048 : i32
    %add3A_6 = arith.addi %add3A_5, %add3A_4 : i32
    "tpu.region"() ({
      %run_scoped3A = tpu.sem_alloc : memref<!tpu.dma_semaphore, #tpu.memory_space<semaphore_mem>>
      %dma_start3A_435 = tpu.memref_slice %arg3[%add3A_6] : memref<4096xi32, #tpu.memory_space<hbm>> -> memref<16xi32, #tpu.memory_space<hbm>>
      %dma_start3A_436 = tpu.memref_slice %arg3[%add3A_6] : memref<4096xi32, #tpu.memory_space<hbm>> -> memref<16xi32, #tpu.memory_space<hbm>>
      tpu.enqueue_dma source(%dma_start3A_436 : memref<16xi32, #tpu.memory_space<hbm>>) target(%arg8 : memref<16xi32, #tpu.memory_space<vmem>>) target_semaphore(%run_scoped3A : memref<!tpu.dma_semaphore, #tpu.memory_space<semaphore_mem>>)
      %dma_wait3A_437 = tpu.memref_slice %arg3[%add3A_6] : memref<4096xi32, #tpu.memory_space<hbm>> -> memref<16xi32, #tpu.memory_space<hbm>>
      %dma_wait3A_438 = tpu.memref_slice %arg3[%add3A_6] : memref<4096xi32, #tpu.memory_space<hbm>> -> memref<16xi32, #tpu.memory_space<hbm>>
      tpu.wait_dma2 semaphore(%run_scoped3A : memref<!tpu.dma_semaphore, #tpu.memory_space<semaphore_mem>>) src(%dma_wait3A_438 : memref<16xi32, #tpu.memory_space<hbm>>) dst(%arg8 : memref<16xi32, #tpu.memory_space<vmem>>)
      tpu.yield
    }) : () -> ()
    "tpu.region"() ({
      %run_scoped3A = tpu.sem_alloc : memref<!tpu.dma_semaphore, #tpu.memory_space<semaphore_mem>>
      %dma_start3A_435 = tpu.memref_slice %arg4[%add3A_4] : memref<4096xf32, #tpu.memory_space<hbm>> -> memref<16xf32, #tpu.memory_space<hbm>>
      %dma_start3A_436 = tpu.memref_slice %arg4[%add3A_4] : memref<4096xf32, #tpu.memory_space<hbm>> -> memref<16xf32, #tpu.memory_space<hbm>>
      tpu.enqueue_dma source(%dma_start3A_436 : memref<16xf32, #tpu.memory_space<hbm>>) target(%arg10 : memref<16xf32, #tpu.memory_space<vmem>>) target_semaphore(%run_scoped3A : memref<!tpu.dma_semaphore, #tpu.memory_space<semaphore_mem>>)
      %dma_wait3A_437 = tpu.memref_slice %arg4[%add3A_4] : memref<4096xf32, #tpu.memory_space<hbm>> -> memref<16xf32, #tpu.memory_space<hbm>>
      %dma_wait3A_438 = tpu.memref_slice %arg4[%add3A_4] : memref<4096xf32, #tpu.memory_space<hbm>> -> memref<16xf32, #tpu.memory_space<hbm>>
      tpu.wait_dma2 semaphore(%run_scoped3A : memref<!tpu.dma_semaphore, #tpu.memory_space<semaphore_mem>>) src(%dma_wait3A_438 : memref<16xf32, #tpu.memory_space<hbm>>) dst(%arg10 : memref<16xf32, #tpu.memory_space<vmem>>)
      tpu.yield
    }) : () -> ()
    %add3A_7 = arith.constant 2048 : i32
    %add3A_8 = arith.addi %add3A_7, %add3A_4 : i32
    "tpu.region"() ({
      %run_scoped3A = tpu.sem_alloc : memref<!tpu.dma_semaphore, #tpu.memory_space<semaphore_mem>>
      %dma_start3A_435 = tpu.memref_slice %arg4[%add3A_8] : memref<4096xf32, #tpu.memory_space<hbm>> -> memref<16xf32, #tpu.memory_space<hbm>>
      %dma_start3A_436 = tpu.memref_slice %arg4[%add3A_8] : memref<4096xf32, #tpu.memory_space<hbm>> -> memref<16xf32, #tpu.memory_space<hbm>>
      tpu.enqueue_dma source(%dma_start3A_436 : memref<16xf32, #tpu.memory_space<hbm>>) target(%arg12 : memref<16xf32, #tpu.memory_space<vmem>>) target_semaphore(%run_scoped3A : memref<!tpu.dma_semaphore, #tpu.memory_space<semaphore_mem>>)
      %dma_wait3A_437 = tpu.memref_slice %arg4[%add3A_8] : memref<4096xf32, #tpu.memory_space<hbm>> -> memref<16xf32, #tpu.memory_space<hbm>>
      %dma_wait3A_438 = tpu.memref_slice %arg4[%add3A_8] : memref<4096xf32, #tpu.memory_space<hbm>> -> memref<16xf32, #tpu.memory_space<hbm>>
      tpu.wait_dma2 semaphore(%run_scoped3A : memref<!tpu.dma_semaphore, #tpu.memory_space<semaphore_mem>>) src(%dma_wait3A_438 : memref<16xf32, #tpu.memory_space<hbm>>) dst(%arg12 : memref<16xf32, #tpu.memory_space<vmem>>)
      tpu.yield
    }) : () -> ()
    %dma_start3A = arith.constant 0 : i32
    %dma_start3A_9 = arith.constant 0 : i32
    %dma_start3A_10 = tpu.memref_slice %arg2[%dma_start3A, %dma_start3A_9] : memref<6144x1024xf32, #tpu.memory_space<hbm>> -> memref<6144x1024xf32, #tpu.memory_space<hbm>>
    tpu.enqueue_indirect_dma source(%dma_start3A_10 : memref<6144x1024xf32, #tpu.memory_space<hbm>>) target(%arg14 : memref<16x1024xf32, #tpu.memory_space<vmem>>) offsets(%arg6 : memref<16xi32, #tpu.memory_space<vmem>>) semaphore(%arg20 : memref<!tpu.dma_semaphore, #tpu.memory_space<semaphore_mem>>)
    %dma_start3A_11 = arith.constant 0 : i32
    %dma_start3A_12 = arith.constant 0 : i32
    %dma_start3A_13 = tpu.memref_slice %arg2[%dma_start3A_11, %dma_start3A_12] : memref<6144x1024xf32, #tpu.memory_space<hbm>> -> memref<6144x1024xf32, #tpu.memory_space<hbm>>
    tpu.enqueue_indirect_dma source(%dma_start3A_13 : memref<6144x1024xf32, #tpu.memory_space<hbm>>) target(%arg16 : memref<16x1024xf32, #tpu.memory_space<vmem>>) offsets(%arg8 : memref<16xi32, #tpu.memory_space<vmem>>) semaphore(%arg22 : memref<!tpu.dma_semaphore, #tpu.memory_space<semaphore_mem>>)
    %mul3A_14 = arith.constant 64 : i32
    %mul3A_15 = arith.muli %add3A, %mul3A_14 : i32
    %add3A_16 = arith.constant 0 : i32
    %add3A_17 = arith.addi %mul3A_15, %add3A_16 : i32
    %mul3A_18 = arith.constant 64 : i32
    %mul3A_19 = arith.muli %add3A, %mul3A_18 : i32
    %add3A_20 = arith.constant 16 : i32
    %add3A_21 = arith.addi %mul3A_19, %add3A_20 : i32
    "tpu.region"() ({
      %run_scoped3A = tpu.sem_alloc : memref<!tpu.dma_semaphore, #tpu.memory_space<semaphore_mem>>
      %dma_start3A_435 = tpu.memref_slice %arg3[%add3A_21] : memref<4096xi32, #tpu.memory_space<hbm>> -> memref<16xi32, #tpu.memory_space<hbm>>
      %dma_start3A_436 = tpu.memref_slice %arg3[%add3A_21] : memref<4096xi32, #tpu.memory_space<hbm>> -> memref<16xi32, #tpu.memory_space<hbm>>
      tpu.enqueue_dma source(%dma_start3A_436 : memref<16xi32, #tpu.memory_space<hbm>>) target(%arg7 : memref<16xi32, #tpu.memory_space<vmem>>) target_semaphore(%run_scoped3A : memref<!tpu.dma_semaphore, #tpu.memory_space<semaphore_mem>>)
      %dma_wait3A_437 = tpu.memref_slice %arg3[%add3A_21] : memref<4096xi32, #tpu.memory_space<hbm>> -> memref<16xi32, #tpu.memory_space<hbm>>
      %dma_wait3A_438 = tpu.memref_slice %arg3[%add3A_21] : memref<4096xi32, #tpu.memory_space<hbm>> -> memref<16xi32, #tpu.memory_space<hbm>>
      tpu.wait_dma2 semaphore(%run_scoped3A : memref<!tpu.dma_semaphore, #tpu.memory_space<semaphore_mem>>) src(%dma_wait3A_438 : memref<16xi32, #tpu.memory_space<hbm>>) dst(%arg7 : memref<16xi32, #tpu.memory_space<vmem>>)
      tpu.yield
    }) : () -> ()
    %add3A_22 = arith.constant 2048 : i32
    %add3A_23 = arith.addi %add3A_22, %add3A_21 : i32
    "tpu.region"() ({
      %run_scoped3A = tpu.sem_alloc : memref<!tpu.dma_semaphore, #tpu.memory_space<semaphore_mem>>
      %dma_start3A_435 = tpu.memref_slice %arg3[%add3A_23] : memref<4096xi32, #tpu.memory_space<hbm>> -> memref<16xi32, #tpu.memory_space<hbm>>
      %dma_start3A_436 = tpu.memref_slice %arg3[%add3A_23] : memref<4096xi32, #tpu.memory_space<hbm>> -> memref<16xi32, #tpu.memory_space<hbm>>
      tpu.enqueue_dma source(%dma_start3A_436 : memref<16xi32, #tpu.memory_space<hbm>>) target(%arg9 : memref<16xi32, #tpu.memory_space<vmem>>) target_semaphore(%run_scoped3A : memref<!tpu.dma_semaphore, #tpu.memory_space<semaphore_mem>>)
      %dma_wait3A_437 = tpu.memref_slice %arg3[%add3A_23] : memref<4096xi32, #tpu.memory_space<hbm>> -> memref<16xi32, #tpu.memory_space<hbm>>
      %dma_wait3A_438 = tpu.memref_slice %arg3[%add3A_23] : memref<4096xi32, #tpu.memory_space<hbm>> -> memref<16xi32, #tpu.memory_space<hbm>>
      tpu.wait_dma2 semaphore(%run_scoped3A : memref<!tpu.dma_semaphore, #tpu.memory_space<semaphore_mem>>) src(%dma_wait3A_438 : memref<16xi32, #tpu.memory_space<hbm>>) dst(%arg9 : memref<16xi32, #tpu.memory_space<vmem>>)
      tpu.yield
    }) : () -> ()
    "tpu.region"() ({
      %run_scoped3A = tpu.sem_alloc : memref<!tpu.dma_semaphore, #tpu.memory_space<semaphore_mem>>
      %dma_start3A_435 = tpu.memref_slice %arg4[%add3A_21] : memref<4096xf32, #tpu.memory_space<hbm>> -> memref<16xf32, #tpu.memory_space<hbm>>
      %dma_start3A_436 = tpu.memref_slice %arg4[%add3A_21] : memref<4096xf32, #tpu.memory_space<hbm>> -> memref<16xf32, #tpu.memory_space<hbm>>
      tpu.enqueue_dma source(%dma_start3A_436 : memref<16xf32, #tpu.memory_space<hbm>>) target(%arg11 : memref<16xf32, #tpu.memory_space<vmem>>) target_semaphore(%run_scoped3A : memref<!tpu.dma_semaphore, #tpu.memory_space<semaphore_mem>>)
      %dma_wait3A_437 = tpu.memref_slice %arg4[%add3A_21] : memref<4096xf32, #tpu.memory_space<hbm>> -> memref<16xf32, #tpu.memory_space<hbm>>
      %dma_wait3A_438 = tpu.memref_slice %arg4[%add3A_21] : memref<4096xf32, #tpu.memory_space<hbm>> -> memref<16xf32, #tpu.memory_space<hbm>>
      tpu.wait_dma2 semaphore(%run_scoped3A : memref<!tpu.dma_semaphore, #tpu.memory_space<semaphore_mem>>) src(%dma_wait3A_438 : memref<16xf32, #tpu.memory_space<hbm>>) dst(%arg11 : memref<16xf32, #tpu.memory_space<vmem>>)
      tpu.yield
    }) : () -> ()
    %add3A_24 = arith.constant 2048 : i32
    %add3A_25 = arith.addi %add3A_24, %add3A_21 : i32
    "tpu.region"() ({
      %run_scoped3A = tpu.sem_alloc : memref<!tpu.dma_semaphore, #tpu.memory_space<semaphore_mem>>
      %dma_start3A_435 = tpu.memref_slice %arg4[%add3A_25] : memref<4096xf32, #tpu.memory_space<hbm>> -> memref<16xf32, #tpu.memory_space<hbm>>
      %dma_start3A_436 = tpu.memref_slice %arg4[%add3A_25] : memref<4096xf32, #tpu.memory_space<hbm>> -> memref<16xf32, #tpu.memory_space<hbm>>
      tpu.enqueue_dma source(%dma_start3A_436 : memref<16xf32, #tpu.memory_space<hbm>>) target(%arg13 : memref<16xf32, #tpu.memory_space<vmem>>) target_semaphore(%run_scoped3A : memref<!tpu.dma_semaphore, #tpu.memory_space<semaphore_mem>>)
      %dma_wait3A_437 = tpu.memref_slice %arg4[%add3A_25] : memref<4096xf32, #tpu.memory_space<hbm>> -> memref<16xf32, #tpu.memory_space<hbm>>
      %dma_wait3A_438 = tpu.memref_slice %arg4[%add3A_25] : memref<4096xf32, #tpu.memory_space<hbm>> -> memref<16xf32, #tpu.memory_space<hbm>>
      tpu.wait_dma2 semaphore(%run_scoped3A : memref<!tpu.dma_semaphore, #tpu.memory_space<semaphore_mem>>) src(%dma_wait3A_438 : memref<16xf32, #tpu.memory_space<hbm>>) dst(%arg13 : memref<16xf32, #tpu.memory_space<vmem>>)
      tpu.yield
    }) : () -> ()
    %dma_start3A_26 = arith.constant 0 : i32
    %dma_start3A_27 = arith.constant 0 : i32
    %dma_start3A_28 = tpu.memref_slice %arg2[%dma_start3A_26, %dma_start3A_27] : memref<6144x1024xf32, #tpu.memory_space<hbm>> -> memref<6144x1024xf32, #tpu.memory_space<hbm>>
    tpu.enqueue_indirect_dma source(%dma_start3A_28 : memref<6144x1024xf32, #tpu.memory_space<hbm>>) target(%arg15 : memref<16x1024xf32, #tpu.memory_space<vmem>>) offsets(%arg7 : memref<16xi32, #tpu.memory_space<vmem>>) semaphore(%arg21 : memref<!tpu.dma_semaphore, #tpu.memory_space<semaphore_mem>>)
    %dma_start3A_29 = arith.constant 0 : i32
    %dma_start3A_30 = arith.constant 0 : i32
    %dma_start3A_31 = tpu.memref_slice %arg2[%dma_start3A_29, %dma_start3A_30] : memref<6144x1024xf32, #tpu.memory_space<hbm>> -> memref<6144x1024xf32, #tpu.memory_space<hbm>>
    tpu.enqueue_indirect_dma source(%dma_start3A_31 : memref<6144x1024xf32, #tpu.memory_space<hbm>>) target(%arg17 : memref<16x1024xf32, #tpu.memory_space<vmem>>) offsets(%arg9 : memref<16xi32, #tpu.memory_space<vmem>>) semaphore(%arg23 : memref<!tpu.dma_semaphore, #tpu.memory_space<semaphore_mem>>)
    %dma_wait3A = arith.constant 0 : i32
    %dma_wait3A_32 = arith.constant 0 : i32
    %dma_wait3A_33 = tpu.memref_slice %arg2[%dma_wait3A, %dma_wait3A_32] : memref<6144x1024xf32, #tpu.memory_space<hbm>> -> memref<6144x1024xf32, #tpu.memory_space<hbm>>
    tpu.wait_indirect_dma semaphore(%arg20 : memref<!tpu.dma_semaphore, #tpu.memory_space<semaphore_mem>>) src(%dma_wait3A_33 : memref<6144x1024xf32, #tpu.memory_space<hbm>>) dst(%arg14 : memref<16x1024xf32, #tpu.memory_space<vmem>>)
    %dma_wait3A_34 = arith.constant 0 : i32
    %dma_wait3A_35 = arith.constant 0 : i32
    %dma_wait3A_36 = tpu.memref_slice %arg2[%dma_wait3A_34, %dma_wait3A_35] : memref<6144x1024xf32, #tpu.memory_space<hbm>> -> memref<6144x1024xf32, #tpu.memory_space<hbm>>
    tpu.wait_indirect_dma semaphore(%arg22 : memref<!tpu.dma_semaphore, #tpu.memory_space<semaphore_mem>>) src(%dma_wait3A_36 : memref<6144x1024xf32, #tpu.memory_space<hbm>>) dst(%arg16 : memref<16x1024xf32, #tpu.memory_space<vmem>>)
    %get3A = arith.constant 0 : index
    %get3A_37 = tpu.vector_load %arg10[%get3A] {strides = array<i32>} : memref<16xf32, #tpu.memory_space<vmem>>, vector<16xf32>,
    %get3A_38 = vector.shape_cast %get3A_37 : vector<16xf32> to vector<16xf32>
    %get3A_39 = arith.constant 0 : index
    %get3A_40 = tpu.vector_load %arg12[%get3A_39] {strides = array<i32>} : memref<16xf32, #tpu.memory_space<vmem>>, vector<16xf32>,
    %get3A_41 = vector.shape_cast %get3A_40 : vector<16xf32> to vector<16xf32>
    %slice3A = vector.extract_strided_slice %get3A_38 {offsets = [0], sizes = [1], strides = [1]} : vector<16xf32> to vector<1xf32>
    %squeeze3A = vector.extract %slice3A[0] : f32 from vector<1xf32>
    %slice3A_42 = vector.extract_strided_slice %get3A_38 {offsets = [1], sizes = [1], strides = [1]} : vector<16xf32> to vector<1xf32>
    %squeeze3A_43 = vector.extract %slice3A_42[0] : f32 from vector<1xf32>
    %slice3A_44 = vector.extract_strided_slice %get3A_38 {offsets = [2], sizes = [1], strides = [1]} : vector<16xf32> to vector<1xf32>
    %squeeze3A_45 = vector.extract %slice3A_44[0] : f32 from vector<1xf32>
    %slice3A_46 = vector.extract_strided_slice %get3A_38 {offsets = [3], sizes = [1], strides = [1]} : vector<16xf32> to vector<1xf32>
    %squeeze3A_47 = vector.extract %slice3A_46[0] : f32 from vector<1xf32>
    %slice3A_48 = vector.extract_strided_slice %get3A_38 {offsets = [4], sizes = [1], strides = [1]} : vector<16xf32> to vector<1xf32>
    %squeeze3A_49 = vector.extract %slice3A_48[0] : f32 from vector<1xf32>
    %slice3A_50 = vector.extract_strided_slice %get3A_38 {offsets = [5], sizes = [1], strides = [1]} : vector<16xf32> to vector<1xf32>
    %squeeze3A_51 = vector.extract %slice3A_50[0] : f32 from vector<1xf32>
    %slice3A_52 = vector.extract_strided_slice %get3A_38 {offsets = [6], sizes = [1], strides = [1]} : vector<16xf32> to vector<1xf32>
    %squeeze3A_53 = vector.extract %slice3A_52[0] : f32 from vector<1xf32>
    %slice3A_54 = vector.extract_strided_slice %get3A_38 {offsets = [7], sizes = [1], strides = [1]} : vector<16xf32> to vector<1xf32>
    %squeeze3A_55 = vector.extract %slice3A_54[0] : f32 from vector<1xf32>
    %slice3A_56 = vector.extract_strided_slice %get3A_38 {offsets = [8], sizes = [1], strides = [1]} : vector<16xf32> to vector<1xf32>
    %squeeze3A_57 = vector.extract %slice3A_56[0] : f32 from vector<1xf32>
    %slice3A_58 = vector.extract_strided_slice %get3A_38 {offsets = [9], sizes = [1], strides = [1]} : vector<16xf32> to vector<1xf32>
    %squeeze3A_59 = vector.extract %slice3A_58[0] : f32 from vector<1xf32>
    %slice3A_60 = vector.extract_strided_slice %get3A_38 {offsets = [10], sizes = [1], strides = [1]} : vector<16xf32> to vector<1xf32>
    %squeeze3A_61 = vector.extract %slice3A_60[0] : f32 from vector<1xf32>
    %slice3A_62 = vector.extract_strided_slice %get3A_38 {offsets = [11], sizes = [1], strides = [1]} : vector<16xf32> to vector<1xf32>
    %squeeze3A_63 = vector.extract %slice3A_62[0] : f32 from vector<1xf32>
    %slice3A_64 = vector.extract_strided_slice %get3A_38 {offsets = [12], sizes = [1], strides = [1]} : vector<16xf32> to vector<1xf32>
    %squeeze3A_65 = vector.extract %slice3A_64[0] : f32 from vector<1xf32>
    %slice3A_66 = vector.extract_strided_slice %get3A_38 {offsets = [13], sizes = [1], strides = [1]} : vector<16xf32> to vector<1xf32>
    %squeeze3A_67 = vector.extract %slice3A_66[0] : f32 from vector<1xf32>
    %slice3A_68 = vector.extract_strided_slice %get3A_38 {offsets = [14], sizes = [1], strides = [1]} : vector<16xf32> to vector<1xf32>
    %squeeze3A_69 = vector.extract %slice3A_68[0] : f32 from vector<1xf32>
    %slice3A_70 = vector.extract_strided_slice %get3A_38 {offsets = [15], sizes = [1], strides = [1]} : vector<16xf32> to vector<1xf32>
    %squeeze3A_71 = vector.extract %slice3A_70[0] : f32 from vector<1xf32>
    %slice3A_72 = vector.extract_strided_slice %get3A_41 {offsets = [0], sizes = [1], strides = [1]} : vector<16xf32> to vector<1xf32>
    %squeeze3A_73 = vector.extract %slice3A_72[0] : f32 from vector<1xf32>
    %slice3A_74 = vector.extract_strided_slice %get3A_41 {offsets = [1], sizes = [1], strides = [1]} : vector<16xf32> to vector<1xf32>
    %squeeze3A_75 = vector.extract %slice3A_74[0] : f32 from vector<1xf32>
    %slice3A_76 = vector.extract_strided_slice %get3A_41 {offsets = [2], sizes = [1], strides = [1]} : vector<16xf32> to vector<1xf32>
    %squeeze3A_77 = vector.extract %slice3A_76[0] : f32 from vector<1xf32>
    %slice3A_78 = vector.extract_strided_slice %get3A_41 {offsets = [3], sizes = [1], strides = [1]} : vector<16xf32> to vector<1xf32>
    %squeeze3A_79 = vector.extract %slice3A_78[0] : f32 from vector<1xf32>
    %slice3A_80 = vector.extract_strided_slice %get3A_41 {offsets = [4], sizes = [1], strides = [1]} : vector<16xf32> to vector<1xf32>
    %squeeze3A_81 = vector.extract %slice3A_80[0] : f32 from vector<1xf32>
    %slice3A_82 = vector.extract_strided_slice %get3A_41 {offsets = [5], sizes = [1], strides = [1]} : vector<16xf32> to vector<1xf32>
    %squeeze3A_83 = vector.extract %slice3A_82[0] : f32 from vector<1xf32>
    %slice3A_84 = vector.extract_strided_slice %get3A_41 {offsets = [6], sizes = [1], strides = [1]} : vector<16xf32> to vector<1xf32>
    %squeeze3A_85 = vector.extract %slice3A_84[0] : f32 from vector<1xf32>
    %slice3A_86 = vector.extract_strided_slice %get3A_41 {offsets = [7], sizes = [1], strides = [1]} : vector<16xf32> to vector<1xf32>
    %squeeze3A_87 = vector.extract %slice3A_86[0] : f32 from vector<1xf32>
    %slice3A_88 = vector.extract_strided_slice %get3A_41 {offsets = [8], sizes = [1], strides = [1]} : vector<16xf32> to vector<1xf32>
    %squeeze3A_89 = vector.extract %slice3A_88[0] : f32 from vector<1xf32>
    %slice3A_90 = vector.extract_strided_slice %get3A_41 {offsets = [9], sizes = [1], strides = [1]} : vector<16xf32> to vector<1xf32>
    %squeeze3A_91 = vector.extract %slice3A_90[0] : f32 from vector<1xf32>
    %slice3A_92 = vector.extract_strided_slice %get3A_41 {offsets = [10], sizes = [1], strides = [1]} : vector<16xf32> to vector<1xf32>
    %squeeze3A_93 = vector.extract %slice3A_92[0] : f32 from vector<1xf32>
    %slice3A_94 = vector.extract_strided_slice %get3A_41 {offsets = [11], sizes = [1], strides = [1]} : vector<16xf32> to vector<1xf32>
    %squeeze3A_95 = vector.extract %slice3A_94[0] : f32 from vector<1xf32>
    %slice3A_96 = vector.extract_strided_slice %get3A_41 {offsets = [12], sizes = [1], strides = [1]} : vector<16xf32> to vector<1xf32>
    %squeeze3A_97 = vector.extract %slice3A_96[0] : f32 from vector<1xf32>
    %slice3A_98 = vector.extract_strided_slice %get3A_41 {offsets = [13], sizes = [1], strides = [1]} : vector<16xf32> to vector<1xf32>
    %squeeze3A_99 = vector.extract %slice3A_98[0] : f32 from vector<1xf32>
    %slice3A_100 = vector.extract_strided_slice %get3A_41 {offsets = [14], sizes = [1], strides = [1]} : vector<16xf32> to vector<1xf32>
    %squeeze3A_101 = vector.extract %slice3A_100[0] : f32 from vector<1xf32>
    %slice3A_102 = vector.extract_strided_slice %get3A_41 {offsets = [15], sizes = [1], strides = [1]} : vector<16xf32> to vector<1xf32>
    %squeeze3A_103 = vector.extract %slice3A_102[0] : f32 from vector<1xf32>
    %scan3A = arith.constant 0 : i32
    %scan3A_104 = arith.constant 0 : i32
    %scan3A_105 = arith.constant 64 : i32
    %scan3A_106 = arith.addi %scan3A_104, %scan3A_105 : i32
    %scan3A_107 = arith.constant 1 : i32
    scf.for %scan3A_435 = %scan3A_104 to %scan3A_106 step %scan3A_107  : i32 {
      %mul3A_436 = arith.constant 16 : i32
      %mul3A_437 = arith.muli %scan3A_435, %mul3A_436 : i32
      %get3A_438 = arith.constant 0 : i32
      %get3A_439 = arith.index_cast %get3A_438 : i32 to index
      %get3A_440 = arith.index_cast %mul3A_437 : i32 to index
      %get3A_441 = tpu.vector_load %arg14[%get3A_439, %get3A_440] {strides = array<i32>} : memref<16x1024xf32, #tpu.memory_space<vmem>>, vector<1x16xf32>,
      %get3A_442 = vector.shape_cast %get3A_441 : vector<1x16xf32> to vector<16xf32>
      %mul3A_443 = vector.broadcast %squeeze3A : f32 to vector<16xf32>
      %mul3A_444 = arith.mulf %get3A_442, %mul3A_443 : vector<16xf32>
      %get3A_445 = arith.constant 0 : i32
      %get3A_446 = arith.index_cast %get3A_445 : i32 to index
      %get3A_447 = arith.index_cast %mul3A_437 : i32 to index
      %get3A_448 = tpu.vector_load %arg16[%get3A_446, %get3A_447] {strides = array<i32>} : memref<16x1024xf32, #tpu.memory_space<vmem>>, vector<1x16xf32>,
      %get3A_449 = vector.shape_cast %get3A_448 : vector<1x16xf32> to vector<16xf32>
      %mul3A_450 = vector.broadcast %squeeze3A_73 : f32 to vector<16xf32>
      %mul3A_451 = arith.mulf %get3A_449, %mul3A_450 : vector<16xf32>
      %add3A_452 = arith.addf %mul3A_444, %mul3A_451 : vector<16xf32>
      %swap3A = arith.constant 0 : i32
      %swap3A_453 = arith.index_cast %swap3A : i32 to index
      %swap3A_454 = arith.index_cast %mul3A_437 : i32 to index
      %swap3A_455 = tpu.vector_load %arg18[%swap3A_453, %swap3A_454] {strides = array<i32>} : memref<16x1024xf32, #tpu.memory_space<vmem>>, vector<1x16xf32>,
      %swap3A_456 = vector.shape_cast %swap3A_455 : vector<1x16xf32> to vector<16xf32>
      %swap3A_457 = vector.shape_cast %add3A_452 : vector<16xf32> to vector<1x16xf32>
      tpu.vector_store %arg18[%swap3A_453, %swap3A_454], %swap3A_457 {strides = array<i32>} : memref<16x1024xf32, #tpu.memory_space<vmem>>, vector<1x16xf32>,
      %mul3A_458 = arith.constant 16 : i32
      %mul3A_459 = arith.muli %scan3A_435, %mul3A_458 : i32
      %get3A_460 = arith.constant 1 : i32
      %get3A_461 = arith.index_cast %get3A_460 : i32 to index
      %get3A_462 = arith.index_cast %mul3A_459 : i32 to index
      %get3A_463 = tpu.vector_load %arg14[%get3A_461, %get3A_462] {strides = array<i32>} : memref<16x1024xf32, #tpu.memory_space<vmem>>, vector<1x16xf32>,
      %get3A_464 = vector.shape_cast %get3A_463 : vector<1x16xf32> to vector<16xf32>
      %mul3A_465 = vector.broadcast %squeeze3A_43 : f32 to vector<16xf32>
      %mul3A_466 = arith.mulf %get3A_464, %mul3A_465 : vector<16xf32>
      %get3A_467 = arith.constant 1 : i32
      %get3A_468 = arith.index_cast %get3A_467 : i32 to index
      %get3A_469 = arith.index_cast %mul3A_459 : i32 to index
      %get3A_470 = tpu.vector_load %arg16[%get3A_468, %get3A_469] {strides = array<i32>} : memref<16x1024xf32, #tpu.memory_space<vmem>>, vector<1x16xf32>,
      %get3A_471 = vector.shape_cast %get3A_470 : vector<1x16xf32> to vector<16xf32>
      %mul3A_472 = vector.broadcast %squeeze3A_75 : f32 to vector<16xf32>
      %mul3A_473 = arith.mulf %get3A_471, %mul3A_472 : vector<16xf32>
      %add3A_474 = arith.addf %mul3A_466, %mul3A_473 : vector<16xf32>
      %swap3A_475 = arith.constant 1 : i32
      %swap3A_476 = arith.index_cast %swap3A_475 : i32 to index
      %swap3A_477 = arith.index_cast %mul3A_459 : i32 to index
      %swap3A_478 = tpu.vector_load %arg18[%swap3A_476, %swap3A_477] {strides = array<i32>} : memref<16x1024xf32, #tpu.memory_space<vmem>>, vector<1x16xf32>,
      %swap3A_479 = vector.shape_cast %swap3A_478 : vector<1x16xf32> to vector<16xf32>
      %swap3A_480 = vector.shape_cast %add3A_474 : vector<16xf32> to vector<1x16xf32>
      tpu.vector_store %arg18[%swap3A_476, %swap3A_477], %swap3A_480 {strides = array<i32>} : memref<16x1024xf32, #tpu.memory_space<vmem>>, vector<1x16xf32>,
      %mul3A_481 = arith.constant 16 : i32
      %mul3A_482 = arith.muli %scan3A_435, %mul3A_481 : i32
      %get3A_483 = arith.constant 2 : i32
      %get3A_484 = arith.index_cast %get3A_483 : i32 to index
      %get3A_485 = arith.index_cast %mul3A_482 : i32 to index
      %get3A_486 = tpu.vector_load %arg14[%get3A_484, %get3A_485] {strides = array<i32>} : memref<16x1024xf32, #tpu.memory_space<vmem>>, vector<1x16xf32>,
      %get3A_487 = vector.shape_cast %get3A_486 : vector<1x16xf32> to vector<16xf32>
      %mul3A_488 = vector.broadcast %squeeze3A_45 : f32 to vector<16xf32>
      %mul3A_489 = arith.mulf %get3A_487, %mul3A_488 : vector<16xf32>
      %get3A_490 = arith.constant 2 : i32
      %get3A_491 = arith.index_cast %get3A_490 : i32 to index
      %get3A_492 = arith.index_cast %mul3A_482 : i32 to index
      %get3A_493 = tpu.vector_load %arg16[%get3A_491, %get3A_492] {strides = array<i32>} : memref<16x1024xf32, #tpu.memory_space<vmem>>, vector<1x16xf32>,
      %get3A_494 = vector.shape_cast %get3A_493 : vector<1x16xf32> to vector<16xf32>
      %mul3A_495 = vector.broadcast %squeeze3A_77 : f32 to vector<16xf32>
      %mul3A_496 = arith.mulf %get3A_494, %mul3A_495 : vector<16xf32>
      %add3A_497 = arith.addf %mul3A_489, %mul3A_496 : vector<16xf32>
      %swap3A_498 = arith.constant 2 : i32
      %swap3A_499 = arith.index_cast %swap3A_498 : i32 to index
      %swap3A_500 = arith.index_cast %mul3A_482 : i32 to index
      %swap3A_501 = tpu.vector_load %arg18[%swap3A_499, %swap3A_500] {strides = array<i32>} : memref<16x1024xf32, #tpu.memory_space<vmem>>, vector<1x16xf32>,
      %swap3A_502 = vector.shape_cast %swap3A_501 : vector<1x16xf32> to vector<16xf32>
      %swap3A_503 = vector.shape_cast %add3A_497 : vector<16xf32> to vector<1x16xf32>
      tpu.vector_store %arg18[%swap3A_499, %swap3A_500], %swap3A_503 {strides = array<i32>} : memref<16x1024xf32, #tpu.memory_space<vmem>>, vector<1x16xf32>,
      %mul3A_504 = arith.constant 16 : i32
      %mul3A_505 = arith.muli %scan3A_435, %mul3A_504 : i32
      %get3A_506 = arith.constant 3 : i32
      %get3A_507 = arith.index_cast %get3A_506 : i32 to index
      %get3A_508 = arith.index_cast %mul3A_505 : i32 to index
      %get3A_509 = tpu.vector_load %arg14[%get3A_507, %get3A_508] {strides = array<i32>} : memref<16x1024xf32, #tpu.memory_space<vmem>>, vector<1x16xf32>,
      %get3A_510 = vector.shape_cast %get3A_509 : vector<1x16xf32> to vector<16xf32>
      %mul3A_511 = vector.broadcast %squeeze3A_47 : f32 to vector<16xf32>
      %mul3A_512 = arith.mulf %get3A_510, %mul3A_511 : vector<16xf32>
      %get3A_513 = arith.constant 3 : i32
      %get3A_514 = arith.index_cast %get3A_513 : i32 to index
      %get3A_515 = arith.index_cast %mul3A_505 : i32 to index
      %get3A_516 = tpu.vector_load %arg16[%get3A_514, %get3A_515] {strides = array<i32>} : memref<16x1024xf32, #tpu.memory_space<vmem>>, vector<1x16xf32>,
      %get3A_517 = vector.shape_cast %get3A_516 : vector<1x16xf32> to vector<16xf32>
      %mul3A_518 = vector.broadcast %squeeze3A_79 : f32 to vector<16xf32>
      %mul3A_519 = arith.mulf %get3A_517, %mul3A_518 : vector<16xf32>
      %add3A_520 = arith.addf %mul3A_512, %mul3A_519 : vector<16xf32>
      %swap3A_521 = arith.constant 3 : i32
      %swap3A_522 = arith.index_cast %swap3A_521 : i32 to index
      %swap3A_523 = arith.index_cast %mul3A_505 : i32 to index
      %swap3A_524 = tpu.vector_load %arg18[%swap3A_522, %swap3A_523] {strides = array<i32>} : memref<16x1024xf32, #tpu.memory_space<vmem>>, vector<1x16xf32>,
      %swap3A_525 = vector.shape_cast %swap3A_524 : vector<1x16xf32> to vector<16xf32>
      %swap3A_526 = vector.shape_cast %add3A_520 : vector<16xf32> to vector<1x16xf32>
      tpu.vector_store %arg18[%swap3A_522, %swap3A_523], %swap3A_526 {strides = array<i32>} : memref<16x1024xf32, #tpu.memory_space<vmem>>, vector<1x16xf32>,
      %mul3A_527 = arith.constant 16 : i32
      %mul3A_528 = arith.muli %scan3A_435, %mul3A_527 : i32
      %get3A_529 = arith.constant 4 : i32
      %get3A_530 = arith.index_cast %get3A_529 : i32 to index
      %get3A_531 = arith.index_cast %mul3A_528 : i32 to index
      %get3A_532 = tpu.vector_load %arg14[%get3A_530, %get3A_531] {strides = array<i32>} : memref<16x1024xf32, #tpu.memory_space<vmem>>, vector<1x16xf32>,
      %get3A_533 = vector.shape_cast %get3A_532 : vector<1x16xf32> to vector<16xf32>
      %mul3A_534 = vector.broadcast %squeeze3A_49 : f32 to vector<16xf32>
      %mul3A_535 = arith.mulf %get3A_533, %mul3A_534 : vector<16xf32>
      %get3A_536 = arith.constant 4 : i32
      %get3A_537 = arith.index_cast %get3A_536 : i32 to index
      %get3A_538 = arith.index_cast %mul3A_528 : i32 to index
      %get3A_539 = tpu.vector_load %arg16[%get3A_537, %get3A_538] {strides = array<i32>} : memref<16x1024xf32, #tpu.memory_space<vmem>>, vector<1x16xf32>,
      %get3A_540 = vector.shape_cast %get3A_539 : vector<1x16xf32> to vector<16xf32>
      %mul3A_541 = vector.broadcast %squeeze3A_81 : f32 to vector<16xf32>
      %mul3A_542 = arith.mulf %get3A_540, %mul3A_541 : vector<16xf32>
      %add3A_543 = arith.addf %mul3A_535, %mul3A_542 : vector<16xf32>
      %swap3A_544 = arith.constant 4 : i32
      %swap3A_545 = arith.index_cast %swap3A_544 : i32 to index
      %swap3A_546 = arith.index_cast %mul3A_528 : i32 to index
      %swap3A_547 = tpu.vector_load %arg18[%swap3A_545, %swap3A_546] {strides = array<i32>} : memref<16x1024xf32, #tpu.memory_space<vmem>>, vector<1x16xf32>,
      %swap3A_548 = vector.shape_cast %swap3A_547 : vector<1x16xf32> to vector<16xf32>
      %swap3A_549 = vector.shape_cast %add3A_543 : vector<16xf32> to vector<1x16xf32>
      tpu.vector_store %arg18[%swap3A_545, %swap3A_546], %swap3A_549 {strides = array<i32>} : memref<16x1024xf32, #tpu.memory_space<vmem>>, vector<1x16xf32>,
      %mul3A_550 = arith.constant 16 : i32
      %mul3A_551 = arith.muli %scan3A_435, %mul3A_550 : i32
      %get3A_552 = arith.constant 5 : i32
      %get3A_553 = arith.index_cast %get3A_552 : i32 to index
      %get3A_554 = arith.index_cast %mul3A_551 : i32 to index
      %get3A_555 = tpu.vector_load %arg14[%get3A_553, %get3A_554] {strides = array<i32>} : memref<16x1024xf32, #tpu.memory_space<vmem>>, vector<1x16xf32>,
      %get3A_556 = vector.shape_cast %get3A_555 : vector<1x16xf32> to vector<16xf32>
      %mul3A_557 = vector.broadcast %squeeze3A_51 : f32 to vector<16xf32>
      %mul3A_558 = arith.mulf %get3A_556, %mul3A_557 : vector<16xf32>
      %get3A_559 = arith.constant 5 : i32
      %get3A_560 = arith.index_cast %get3A_559 : i32 to index
      %get3A_561 = arith.index_cast %mul3A_551 : i32 to index
      %get3A_562 = tpu.vector_load %arg16[%get3A_560, %get3A_561] {strides = array<i32>} : memref<16x1024xf32, #tpu.memory_space<vmem>>, vector<1x16xf32>,
      %get3A_563 = vector.shape_cast %get3A_562 : vector<1x16xf32> to vector<16xf32>
      %mul3A_564 = vector.broadcast %squeeze3A_83 : f32 to vector<16xf32>
      %mul3A_565 = arith.mulf %get3A_563, %mul3A_564 : vector<16xf32>
      %add3A_566 = arith.addf %mul3A_558, %mul3A_565 : vector<16xf32>
      %swap3A_567 = arith.constant 5 : i32
      %swap3A_568 = arith.index_cast %swap3A_567 : i32 to index
      %swap3A_569 = arith.index_cast %mul3A_551 : i32 to index
      %swap3A_570 = tpu.vector_load %arg18[%swap3A_568, %swap3A_569] {strides = array<i32>} : memref<16x1024xf32, #tpu.memory_space<vmem>>, vector<1x16xf32>,
      %swap3A_571 = vector.shape_cast %swap3A_570 : vector<1x16xf32> to vector<16xf32>
      %swap3A_572 = vector.shape_cast %add3A_566 : vector<16xf32> to vector<1x16xf32>
      tpu.vector_store %arg18[%swap3A_568, %swap3A_569], %swap3A_572 {strides = array<i32>} : memref<16x1024xf32, #tpu.memory_space<vmem>>, vector<1x16xf32>,
      %mul3A_573 = arith.constant 16 : i32
      %mul3A_574 = arith.muli %scan3A_435, %mul3A_573 : i32
      %get3A_575 = arith.constant 6 : i32
      %get3A_576 = arith.index_cast %get3A_575 : i32 to index
      %get3A_577 = arith.index_cast %mul3A_574 : i32 to index
      %get3A_578 = tpu.vector_load %arg14[%get3A_576, %get3A_577] {strides = array<i32>} : memref<16x1024xf32, #tpu.memory_space<vmem>>, vector<1x16xf32>,
      %get3A_579 = vector.shape_cast %get3A_578 : vector<1x16xf32> to vector<16xf32>
      %mul3A_580 = vector.broadcast %squeeze3A_53 : f32 to vector<16xf32>
      %mul3A_581 = arith.mulf %get3A_579, %mul3A_580 : vector<16xf32>
      %get3A_582 = arith.constant 6 : i32
      %get3A_583 = arith.index_cast %get3A_582 : i32 to index
      %get3A_584 = arith.index_cast %mul3A_574 : i32 to index
      %get3A_585 = tpu.vector_load %arg16[%get3A_583, %get3A_584] {strides = array<i32>} : memref<16x1024xf32, #tpu.memory_space<vmem>>, vector<1x16xf32>,
      %get3A_586 = vector.shape_cast %get3A_585 : vector<1x16xf32> to vector<16xf32>
      %mul3A_587 = vector.broadcast %squeeze3A_85 : f32 to vector<16xf32>
      %mul3A_588 = arith.mulf %get3A_586, %mul3A_587 : vector<16xf32>
      %add3A_589 = arith.addf %mul3A_581, %mul3A_588 : vector<16xf32>
      %swap3A_590 = arith.constant 6 : i32
      %swap3A_591 = arith.index_cast %swap3A_590 : i32 to index
      %swap3A_592 = arith.index_cast %mul3A_574 : i32 to index
      %swap3A_593 = tpu.vector_load %arg18[%swap3A_591, %swap3A_592] {strides = array<i32>} : memref<16x1024xf32, #tpu.memory_space<vmem>>, vector<1x16xf32>,
      %swap3A_594 = vector.shape_cast %swap3A_593 : vector<1x16xf32> to vector<16xf32>
      %swap3A_595 = vector.shape_cast %add3A_589 : vector<16xf32> to vector<1x16xf32>
      tpu.vector_store %arg18[%swap3A_591, %swap3A_592], %swap3A_595 {strides = array<i32>} : memref<16x1024xf32, #tpu.memory_space<vmem>>, vector<1x16xf32>,
      %mul3A_596 = arith.constant 16 : i32
      %mul3A_597 = arith.muli %scan3A_435, %mul3A_596 : i32
      %get3A_598 = arith.constant 7 : i32
      %get3A_599 = arith.index_cast %get3A_598 : i32 to index
      %get3A_600 = arith.index_cast %mul3A_597 : i32 to index
      %get3A_601 = tpu.vector_load %arg14[%get3A_599, %get3A_600] {strides = array<i32>} : memref<16x1024xf32, #tpu.memory_space<vmem>>, vector<1x16xf32>,
      %get3A_602 = vector.shape_cast %get3A_601 : vector<1x16xf32> to vector<16xf32>
      %mul3A_603 = vector.broadcast %squeeze3A_55 : f32 to vector<16xf32>
      %mul3A_604 = arith.mulf %get3A_602, %mul3A_603 : vector<16xf32>
      %get3A_605 = arith.constant 7 : i32
      %get3A_606 = arith.index_cast %get3A_605 : i32 to index
      %get3A_607 = arith.index_cast %mul3A_597 : i32 to index
      %get3A_608 = tpu.vector_load %arg16[%get3A_606, %get3A_607] {strides = array<i32>} : memref<16x1024xf32, #tpu.memory_space<vmem>>, vector<1x16xf32>,
      %get3A_609 = vector.shape_cast %get3A_608 : vector<1x16xf32> to vector<16xf32>
      %mul3A_610 = vector.broadcast %squeeze3A_87 : f32 to vector<16xf32>
      %mul3A_611 = arith.mulf %get3A_609, %mul3A_610 : vector<16xf32>
      %add3A_612 = arith.addf %mul3A_604, %mul3A_611 : vector<16xf32>
      %swap3A_613 = arith.constant 7 : i32
      %swap3A_614 = arith.index_cast %swap3A_613 : i32 to index
      %swap3A_615 = arith.index_cast %mul3A_597 : i32 to index
      %swap3A_616 = tpu.vector_load %arg18[%swap3A_614, %swap3A_615] {strides = array<i32>} : memref<16x1024xf32, #tpu.memory_space<vmem>>, vector<1x16xf32>,
      %swap3A_617 = vector.shape_cast %swap3A_616 : vector<1x16xf32> to vector<16xf32>
      %swap3A_618 = vector.shape_cast %add3A_612 : vector<16xf32> to vector<1x16xf32>
      tpu.vector_store %arg18[%swap3A_614, %swap3A_615], %swap3A_618 {strides = array<i32>} : memref<16x1024xf32, #tpu.memory_space<vmem>>, vector<1x16xf32>,
      %mul3A_619 = arith.constant 16 : i32
      %mul3A_620 = arith.muli %scan3A_435, %mul3A_619 : i32
      %get3A_621 = arith.constant 8 : i32
      %get3A_622 = arith.index_cast %get3A_621 : i32 to index
      %get3A_623 = arith.index_cast %mul3A_620 : i32 to index
      %get3A_624 = tpu.vector_load %arg14[%get3A_622, %get3A_623] {strides = array<i32>} : memref<16x1024xf32, #tpu.memory_space<vmem>>, vector<1x16xf32>,
      %get3A_625 = vector.shape_cast %get3A_624 : vector<1x16xf32> to vector<16xf32>
      %mul3A_626 = vector.broadcast %squeeze3A_57 : f32 to vector<16xf32>
      %mul3A_627 = arith.mulf %get3A_625, %mul3A_626 : vector<16xf32>
      %get3A_628 = arith.constant 8 : i32
      %get3A_629 = arith.index_cast %get3A_628 : i32 to index
      %get3A_630 = arith.index_cast %mul3A_620 : i32 to index
      %get3A_631 = tpu.vector_load %arg16[%get3A_629, %get3A_630] {strides = array<i32>} : memref<16x1024xf32, #tpu.memory_space<vmem>>, vector<1x16xf32>,
      %get3A_632 = vector.shape_cast %get3A_631 : vector<1x16xf32> to vector<16xf32>
      %mul3A_633 = vector.broadcast %squeeze3A_89 : f32 to vector<16xf32>
      %mul3A_634 = arith.mulf %get3A_632, %mul3A_633 : vector<16xf32>
      %add3A_635 = arith.addf %mul3A_627, %mul3A_634 : vector<16xf32>
      %swap3A_636 = arith.constant 8 : i32
      %swap3A_637 = arith.index_cast %swap3A_636 : i32 to index
      %swap3A_638 = arith.index_cast %mul3A_620 : i32 to index
      %swap3A_639 = tpu.vector_load %arg18[%swap3A_637, %swap3A_638] {strides = array<i32>} : memref<16x1024xf32, #tpu.memory_space<vmem>>, vector<1x16xf32>,
      %swap3A_640 = vector.shape_cast %swap3A_639 : vector<1x16xf32> to vector<16xf32>
      %swap3A_641 = vector.shape_cast %add3A_635 : vector<16xf32> to vector<1x16xf32>
      tpu.vector_store %arg18[%swap3A_637, %swap3A_638], %swap3A_641 {strides = array<i32>} : memref<16x1024xf32, #tpu.memory_space<vmem>>, vector<1x16xf32>,
      %mul3A_642 = arith.constant 16 : i32
      %mul3A_643 = arith.muli %scan3A_435, %mul3A_642 : i32
      %get3A_644 = arith.constant 9 : i32
      %get3A_645 = arith.index_cast %get3A_644 : i32 to index
      %get3A_646 = arith.index_cast %mul3A_643 : i32 to index
      %get3A_647 = tpu.vector_load %arg14[%get3A_645, %get3A_646] {strides = array<i32>} : memref<16x1024xf32, #tpu.memory_space<vmem>>, vector<1x16xf32>,
      %get3A_648 = vector.shape_cast %get3A_647 : vector<1x16xf32> to vector<16xf32>
      %mul3A_649 = vector.broadcast %squeeze3A_59 : f32 to vector<16xf32>
      %mul3A_650 = arith.mulf %get3A_648, %mul3A_649 : vector<16xf32>
      %get3A_651 = arith.constant 9 : i32
      %get3A_652 = arith.index_cast %get3A_651 : i32 to index
      %get3A_653 = arith.index_cast %mul3A_643 : i32 to index
      %get3A_654 = tpu.vector_load %arg16[%get3A_652, %get3A_653] {strides = array<i32>} : memref<16x1024xf32, #tpu.memory_space<vmem>>, vector<1x16xf32>,
      %get3A_655 = vector.shape_cast %get3A_654 : vector<1x16xf32> to vector<16xf32>
      %mul3A_656 = vector.broadcast %squeeze3A_91 : f32 to vector<16xf32>
      %mul3A_657 = arith.mulf %get3A_655, %mul3A_656 : vector<16xf32>
      %add3A_658 = arith.addf %mul3A_650, %mul3A_657 : vector<16xf32>
      %swap3A_659 = arith.constant 9 : i32
      %swap3A_660 = arith.index_cast %swap3A_659 : i32 to index
      %swap3A_661 = arith.index_cast %mul3A_643 : i32 to index
      %swap3A_662 = tpu.vector_load %arg18[%swap3A_660, %swap3A_661] {strides = array<i32>} : memref<16x1024xf32, #tpu.memory_space<vmem>>, vector<1x16xf32>,
      %swap3A_663 = vector.shape_cast %swap3A_662 : vector<1x16xf32> to vector<16xf32>
      %swap3A_664 = vector.shape_cast %add3A_658 : vector<16xf32> to vector<1x16xf32>
      tpu.vector_store %arg18[%swap3A_660, %swap3A_661], %swap3A_664 {strides = array<i32>} : memref<16x1024xf32, #tpu.memory_space<vmem>>, vector<1x16xf32>,
      %mul3A_665 = arith.constant 16 : i32
      %mul3A_666 = arith.muli %scan3A_435, %mul3A_665 : i32
      %get3A_667 = arith.constant 10 : i32
      %get3A_668 = arith.index_cast %get3A_667 : i32 to index
      %get3A_669 = arith.index_cast %mul3A_666 : i32 to index
      %get3A_670 = tpu.vector_load %arg14[%get3A_668, %get3A_669] {strides = array<i32>} : memref<16x1024xf32, #tpu.memory_space<vmem>>, vector<1x16xf32>,
      %get3A_671 = vector.shape_cast %get3A_670 : vector<1x16xf32> to vector<16xf32>
      %mul3A_672 = vector.broadcast %squeeze3A_61 : f32 to vector<16xf32>
      %mul3A_673 = arith.mulf %get3A_671, %mul3A_672 : vector<16xf32>
      %get3A_674 = arith.constant 10 : i32
      %get3A_675 = arith.index_cast %get3A_674 : i32 to index
      %get3A_676 = arith.index_cast %mul3A_666 : i32 to index
      %get3A_677 = tpu.vector_load %arg16[%get3A_675, %get3A_676] {strides = array<i32>} : memref<16x1024xf32, #tpu.memory_space<vmem>>, vector<1x16xf32>,
      %get3A_678 = vector.shape_cast %get3A_677 : vector<1x16xf32> to vector<16xf32>
      %mul3A_679 = vector.broadcast %squeeze3A_93 : f32 to vector<16xf32>
      %mul3A_680 = arith.mulf %get3A_678, %mul3A_679 : vector<16xf32>
      %add3A_681 = arith.addf %mul3A_673, %mul3A_680 : vector<16xf32>
      %swap3A_682 = arith.constant 10 : i32
      %swap3A_683 = arith.index_cast %swap3A_682 : i32 to index
      %swap3A_684 = arith.index_cast %mul3A_666 : i32 to index
      %swap3A_685 = tpu.vector_load %arg18[%swap3A_683, %swap3A_684] {strides = array<i32>} : memref<16x1024xf32, #tpu.memory_space<vmem>>, vector<1x16xf32>,
      %swap3A_686 = vector.shape_cast %swap3A_685 : vector<1x16xf32> to vector<16xf32>
      %swap3A_687 = vector.shape_cast %add3A_681 : vector<16xf32> to vector<1x16xf32>
      tpu.vector_store %arg18[%swap3A_683, %swap3A_684], %swap3A_687 {strides = array<i32>} : memref<16x1024xf32, #tpu.memory_space<vmem>>, vector<1x16xf32>,
      %mul3A_688 = arith.constant 16 : i32
      %mul3A_689 = arith.muli %scan3A_435, %mul3A_688 : i32
      %get3A_690 = arith.constant 11 : i32
      %get3A_691 = arith.index_cast %get3A_690 : i32 to index
      %get3A_692 = arith.index_cast %mul3A_689 : i32 to index
      %get3A_693 = tpu.vector_load %arg14[%get3A_691, %get3A_692] {strides = array<i32>} : memref<16x1024xf32, #tpu.memory_space<vmem>>, vector<1x16xf32>,
      %get3A_694 = vector.shape_cast %get3A_693 : vector<1x16xf32> to vector<16xf32>
      %mul3A_695 = vector.broadcast %squeeze3A_63 : f32 to vector<16xf32>
      %mul3A_696 = arith.mulf %get3A_694, %mul3A_695 : vector<16xf32>
      %get3A_697 = arith.constant 11 : i32
      %get3A_698 = arith.index_cast %get3A_697 : i32 to index
      %get3A_699 = arith.index_cast %mul3A_689 : i32 to index
      %get3A_700 = tpu.vector_load %arg16[%get3A_698, %get3A_699] {strides = array<i32>} : memref<16x1024xf32, #tpu.memory_space<vmem>>, vector<1x16xf32>,
      %get3A_701 = vector.shape_cast %get3A_700 : vector<1x16xf32> to vector<16xf32>
      %mul3A_702 = vector.broadcast %squeeze3A_95 : f32 to vector<16xf32>
      %mul3A_703 = arith.mulf %get3A_701, %mul3A_702 : vector<16xf32>
      %add3A_704 = arith.addf %mul3A_696, %mul3A_703 : vector<16xf32>
      %swap3A_705 = arith.constant 11 : i32
      %swap3A_706 = arith.index_cast %swap3A_705 : i32 to index
      %swap3A_707 = arith.index_cast %mul3A_689 : i32 to index
      %swap3A_708 = tpu.vector_load %arg18[%swap3A_706, %swap3A_707] {strides = array<i32>} : memref<16x1024xf32, #tpu.memory_space<vmem>>, vector<1x16xf32>,
      %swap3A_709 = vector.shape_cast %swap3A_708 : vector<1x16xf32> to vector<16xf32>
      %swap3A_710 = vector.shape_cast %add3A_704 : vector<16xf32> to vector<1x16xf32>
      tpu.vector_store %arg18[%swap3A_706, %swap3A_707], %swap3A_710 {strides = array<i32>} : memref<16x1024xf32, #tpu.memory_space<vmem>>, vector<1x16xf32>,
      %mul3A_711 = arith.constant 16 : i32
      %mul3A_712 = arith.muli %scan3A_435, %mul3A_711 : i32
      %get3A_713 = arith.constant 12 : i32
      %get3A_714 = arith.index_cast %get3A_713 : i32 to index
      %get3A_715 = arith.index_cast %mul3A_712 : i32 to index
      %get3A_716 = tpu.vector_load %arg14[%get3A_714, %get3A_715] {strides = array<i32>} : memref<16x1024xf32, #tpu.memory_space<vmem>>, vector<1x16xf32>,
      %get3A_717 = vector.shape_cast %get3A_716 : vector<1x16xf32> to vector<16xf32>
      %mul3A_718 = vector.broadcast %squeeze3A_65 : f32 to vector<16xf32>
      %mul3A_719 = arith.mulf %get3A_717, %mul3A_718 : vector<16xf32>
      %get3A_720 = arith.constant 12 : i32
      %get3A_721 = arith.index_cast %get3A_720 : i32 to index
      %get3A_722 = arith.index_cast %mul3A_712 : i32 to index
      %get3A_723 = tpu.vector_load %arg16[%get3A_721, %get3A_722] {strides = array<i32>} : memref<16x1024xf32, #tpu.memory_space<vmem>>, vector<1x16xf32>,
      %get3A_724 = vector.shape_cast %get3A_723 : vector<1x16xf32> to vector<16xf32>
      %mul3A_725 = vector.broadcast %squeeze3A_97 : f32 to vector<16xf32>
      %mul3A_726 = arith.mulf %get3A_724, %mul3A_725 : vector<16xf32>
      %add3A_727 = arith.addf %mul3A_719, %mul3A_726 : vector<16xf32>
      %swap3A_728 = arith.constant 12 : i32
      %swap3A_729 = arith.index_cast %swap3A_728 : i32 to index
      %swap3A_730 = arith.index_cast %mul3A_712 : i32 to index
      %swap3A_731 = tpu.vector_load %arg18[%swap3A_729, %swap3A_730] {strides = array<i32>} : memref<16x1024xf32, #tpu.memory_space<vmem>>, vector<1x16xf32>,
      %swap3A_732 = vector.shape_cast %swap3A_731 : vector<1x16xf32> to vector<16xf32>
      %swap3A_733 = vector.shape_cast %add3A_727 : vector<16xf32> to vector<1x16xf32>
      tpu.vector_store %arg18[%swap3A_729, %swap3A_730], %swap3A_733 {strides = array<i32>} : memref<16x1024xf32, #tpu.memory_space<vmem>>, vector<1x16xf32>,
      %mul3A_734 = arith.constant 16 : i32
      %mul3A_735 = arith.muli %scan3A_435, %mul3A_734 : i32
      %get3A_736 = arith.constant 13 : i32
      %get3A_737 = arith.index_cast %get3A_736 : i32 to index
      %get3A_738 = arith.index_cast %mul3A_735 : i32 to index
      %get3A_739 = tpu.vector_load %arg14[%get3A_737, %get3A_738] {strides = array<i32>} : memref<16x1024xf32, #tpu.memory_space<vmem>>, vector<1x16xf32>,
      %get3A_740 = vector.shape_cast %get3A_739 : vector<1x16xf32> to vector<16xf32>
      %mul3A_741 = vector.broadcast %squeeze3A_67 : f32 to vector<16xf32>
      %mul3A_742 = arith.mulf %get3A_740, %mul3A_741 : vector<16xf32>
      %get3A_743 = arith.constant 13 : i32
      %get3A_744 = arith.index_cast %get3A_743 : i32 to index
      %get3A_745 = arith.index_cast %mul3A_735 : i32 to index
      %get3A_746 = tpu.vector_load %arg16[%get3A_744, %get3A_745] {strides = array<i32>} : memref<16x1024xf32, #tpu.memory_space<vmem>>, vector<1x16xf32>,
      %get3A_747 = vector.shape_cast %get3A_746 : vector<1x16xf32> to vector<16xf32>
      %mul3A_748 = vector.broadcast %squeeze3A_99 : f32 to vector<16xf32>
      %mul3A_749 = arith.mulf %get3A_747, %mul3A_748 : vector<16xf32>
      %add3A_750 = arith.addf %mul3A_742, %mul3A_749 : vector<16xf32>
      %swap3A_751 = arith.constant 13 : i32
      %swap3A_752 = arith.index_cast %swap3A_751 : i32 to index
      %swap3A_753 = arith.index_cast %mul3A_735 : i32 to index
      %swap3A_754 = tpu.vector_load %arg18[%swap3A_752, %swap3A_753] {strides = array<i32>} : memref<16x1024xf32, #tpu.memory_space<vmem>>, vector<1x16xf32>,
      %swap3A_755 = vector.shape_cast %swap3A_754 : vector<1x16xf32> to vector<16xf32>
      %swap3A_756 = vector.shape_cast %add3A_750 : vector<16xf32> to vector<1x16xf32>
      tpu.vector_store %arg18[%swap3A_752, %swap3A_753], %swap3A_756 {strides = array<i32>} : memref<16x1024xf32, #tpu.memory_space<vmem>>, vector<1x16xf32>,
      %mul3A_757 = arith.constant 16 : i32
      %mul3A_758 = arith.muli %scan3A_435, %mul3A_757 : i32
      %get3A_759 = arith.constant 14 : i32
      %get3A_760 = arith.index_cast %get3A_759 : i32 to index
      %get3A_761 = arith.index_cast %mul3A_758 : i32 to index
      %get3A_762 = tpu.vector_load %arg14[%get3A_760, %get3A_761] {strides = array<i32>} : memref<16x1024xf32, #tpu.memory_space<vmem>>, vector<1x16xf32>,
      %get3A_763 = vector.shape_cast %get3A_762 : vector<1x16xf32> to vector<16xf32>
      %mul3A_764 = vector.broadcast %squeeze3A_69 : f32 to vector<16xf32>
      %mul3A_765 = arith.mulf %get3A_763, %mul3A_764 : vector<16xf32>
      %get3A_766 = arith.constant 14 : i32
      %get3A_767 = arith.index_cast %get3A_766 : i32 to index
      %get3A_768 = arith.index_cast %mul3A_758 : i32 to index
      %get3A_769 = tpu.vector_load %arg16[%get3A_767, %get3A_768] {strides = array<i32>} : memref<16x1024xf32, #tpu.memory_space<vmem>>, vector<1x16xf32>,
      %get3A_770 = vector.shape_cast %get3A_769 : vector<1x16xf32> to vector<16xf32>
      %mul3A_771 = vector.broadcast %squeeze3A_101 : f32 to vector<16xf32>
      %mul3A_772 = arith.mulf %get3A_770, %mul3A_771 : vector<16xf32>
      %add3A_773 = arith.addf %mul3A_765, %mul3A_772 : vector<16xf32>
      %swap3A_774 = arith.constant 14 : i32
      %swap3A_775 = arith.index_cast %swap3A_774 : i32 to index
      %swap3A_776 = arith.index_cast %mul3A_758 : i32 to index
      %swap3A_777 = tpu.vector_load %arg18[%swap3A_775, %swap3A_776] {strides = array<i32>} : memref<16x1024xf32, #tpu.memory_space<vmem>>, vector<1x16xf32>,
      %swap3A_778 = vector.shape_cast %swap3A_777 : vector<1x16xf32> to vector<16xf32>
      %swap3A_779 = vector.shape_cast %add3A_773 : vector<16xf32> to vector<1x16xf32>
      tpu.vector_store %arg18[%swap3A_775, %swap3A_776], %swap3A_779 {strides = array<i32>} : memref<16x1024xf32, #tpu.memory_space<vmem>>, vector<1x16xf32>,
      %mul3A_780 = arith.constant 16 : i32
      %mul3A_781 = arith.muli %scan3A_435, %mul3A_780 : i32
      %get3A_782 = arith.constant 15 : i32
      %get3A_783 = arith.index_cast %get3A_782 : i32 to index
      %get3A_784 = arith.index_cast %mul3A_781 : i32 to index
      %get3A_785 = tpu.vector_load %arg14[%get3A_783, %get3A_784] {strides = array<i32>} : memref<16x1024xf32, #tpu.memory_space<vmem>>, vector<1x16xf32>,
      %get3A_786 = vector.shape_cast %get3A_785 : vector<1x16xf32> to vector<16xf32>
      %mul3A_787 = vector.broadcast %squeeze3A_71 : f32 to vector<16xf32>
      %mul3A_788 = arith.mulf %get3A_786, %mul3A_787 : vector<16xf32>
      %get3A_789 = arith.constant 15 : i32
      %get3A_790 = arith.index_cast %get3A_789 : i32 to index
      %get3A_791 = arith.index_cast %mul3A_781 : i32 to index
      %get3A_792 = tpu.vector_load %arg16[%get3A_790, %get3A_791] {strides = array<i32>} : memref<16x1024xf32, #tpu.memory_space<vmem>>, vector<1x16xf32>,
      %get3A_793 = vector.shape_cast %get3A_792 : vector<1x16xf32> to vector<16xf32>
      %mul3A_794 = vector.broadcast %squeeze3A_103 : f32 to vector<16xf32>
      %mul3A_795 = arith.mulf %get3A_793, %mul3A_794 : vector<16xf32>
      %add3A_796 = arith.addf %mul3A_788, %mul3A_795 : vector<16xf32>
      %swap3A_797 = arith.constant 15 : i32
      %swap3A_798 = arith.index_cast %swap3A_797 : i32 to index
      %swap3A_799 = arith.index_cast %mul3A_781 : i32 to index
      %swap3A_800 = tpu.vector_load %arg18[%swap3A_798, %swap3A_799] {strides = array<i32>} : memref<16x1024xf32, #tpu.memory_space<vmem>>, vector<1x16xf32>,
      %swap3A_801 = vector.shape_cast %swap3A_800 : vector<1x16xf32> to vector<16xf32>
      %swap3A_802 = vector.shape_cast %add3A_796 : vector<16xf32> to vector<1x16xf32>
      tpu.vector_store %arg18[%swap3A_798, %swap3A_799], %swap3A_802 {strides = array<i32>} : memref<16x1024xf32, #tpu.memory_space<vmem>>, vector<1x16xf32>,
    }
    %scan3A_108 = arith.constant 64 : i32
    %dma_start3A_109 = arith.constant 0 : i32
    %dma_start3A_110 = tpu.memref_slice %arg5[%add3A_17, %dma_start3A_109] : memref<2048x1024xf32, #tpu.memory_space<hbm>> -> memref<16x1024xf32, #tpu.memory_space<hbm>>
    %dma_start3A_111 = arith.constant 0 : i32
    %dma_start3A_112 = tpu.memref_slice %arg5[%add3A_17, %dma_start3A_111] : memref<2048x1024xf32, #tpu.memory_space<hbm>> -> memref<16x1024xf32, #tpu.memory_space<hbm>>
    tpu.enqueue_dma source(%arg18 : memref<16x1024xf32, #tpu.memory_space<vmem>>) target(%dma_start3A_112 : memref<16x1024xf32, #tpu.memory_space<hbm>>) target_semaphore(%arg24 : memref<!tpu.dma_semaphore, #tpu.memory_space<semaphore_mem>>)
    %mul3A_113 = arith.constant 64 : i32
    %mul3A_114 = arith.muli %add3A, %mul3A_113 : i32
    %add3A_115 = arith.constant 16 : i32
    %add3A_116 = arith.addi %mul3A_114, %add3A_115 : i32
    %mul3A_117 = arith.constant 64 : i32
    %mul3A_118 = arith.muli %add3A, %mul3A_117 : i32
    %add3A_119 = arith.constant 32 : i32
    %add3A_120 = arith.addi %mul3A_118, %add3A_119 : i32
    "tpu.region"() ({
      %run_scoped3A = tpu.sem_alloc : memref<!tpu.dma_semaphore, #tpu.memory_space<semaphore_mem>>
      %dma_start3A_435 = tpu.memref_slice %arg3[%add3A_120] : memref<4096xi32, #tpu.memory_space<hbm>> -> memref<16xi32, #tpu.memory_space<hbm>>
      %dma_start3A_436 = tpu.memref_slice %arg3[%add3A_120] : memref<4096xi32, #tpu.memory_space<hbm>> -> memref<16xi32, #tpu.memory_space<hbm>>
      tpu.enqueue_dma source(%dma_start3A_436 : memref<16xi32, #tpu.memory_space<hbm>>) target(%arg6 : memref<16xi32, #tpu.memory_space<vmem>>) target_semaphore(%run_scoped3A : memref<!tpu.dma_semaphore, #tpu.memory_space<semaphore_mem>>)
      %dma_wait3A_437 = tpu.memref_slice %arg3[%add3A_120] : memref<4096xi32, #tpu.memory_space<hbm>> -> memref<16xi32, #tpu.memory_space<hbm>>
      %dma_wait3A_438 = tpu.memref_slice %arg3[%add3A_120] : memref<4096xi32, #tpu.memory_space<hbm>> -> memref<16xi32, #tpu.memory_space<hbm>>
      tpu.wait_dma2 semaphore(%run_scoped3A : memref<!tpu.dma_semaphore, #tpu.memory_space<semaphore_mem>>) src(%dma_wait3A_438 : memref<16xi32, #tpu.memory_space<hbm>>) dst(%arg6 : memref<16xi32, #tpu.memory_space<vmem>>)
      tpu.yield
    }) : () -> ()
    %add3A_121 = arith.constant 2048 : i32
    %add3A_122 = arith.addi %add3A_121, %add3A_120 : i32
    "tpu.region"() ({
      %run_scoped3A = tpu.sem_alloc : memref<!tpu.dma_semaphore, #tpu.memory_space<semaphore_mem>>
      %dma_start3A_435 = tpu.memref_slice %arg3[%add3A_122] : memref<4096xi32, #tpu.memory_space<hbm>> -> memref<16xi32, #tpu.memory_space<hbm>>
      %dma_start3A_436 = tpu.memref_slice %arg3[%add3A_122] : memref<4096xi32, #tpu.memory_space<hbm>> -> memref<16xi32, #tpu.memory_space<hbm>>
      tpu.enqueue_dma source(%dma_start3A_436 : memref<16xi32, #tpu.memory_space<hbm>>) target(%arg8 : memref<16xi32, #tpu.memory_space<vmem>>) target_semaphore(%run_scoped3A : memref<!tpu.dma_semaphore, #tpu.memory_space<semaphore_mem>>)
      %dma_wait3A_437 = tpu.memref_slice %arg3[%add3A_122] : memref<4096xi32, #tpu.memory_space<hbm>> -> memref<16xi32, #tpu.memory_space<hbm>>
      %dma_wait3A_438 = tpu.memref_slice %arg3[%add3A_122] : memref<4096xi32, #tpu.memory_space<hbm>> -> memref<16xi32, #tpu.memory_space<hbm>>
      tpu.wait_dma2 semaphore(%run_scoped3A : memref<!tpu.dma_semaphore, #tpu.memory_space<semaphore_mem>>) src(%dma_wait3A_438 : memref<16xi32, #tpu.memory_space<hbm>>) dst(%arg8 : memref<16xi32, #tpu.memory_space<vmem>>)
      tpu.yield
    }) : () -> ()
    "tpu.region"() ({
      %run_scoped3A = tpu.sem_alloc : memref<!tpu.dma_semaphore, #tpu.memory_space<semaphore_mem>>
      %dma_start3A_435 = tpu.memref_slice %arg4[%add3A_120] : memref<4096xf32, #tpu.memory_space<hbm>> -> memref<16xf32, #tpu.memory_space<hbm>>
      %dma_start3A_436 = tpu.memref_slice %arg4[%add3A_120] : memref<4096xf32, #tpu.memory_space<hbm>> -> memref<16xf32, #tpu.memory_space<hbm>>
      tpu.enqueue_dma source(%dma_start3A_436 : memref<16xf32, #tpu.memory_space<hbm>>) target(%arg10 : memref<16xf32, #tpu.memory_space<vmem>>) target_semaphore(%run_scoped3A : memref<!tpu.dma_semaphore, #tpu.memory_space<semaphore_mem>>)
      %dma_wait3A_437 = tpu.memref_slice %arg4[%add3A_120] : memref<4096xf32, #tpu.memory_space<hbm>> -> memref<16xf32, #tpu.memory_space<hbm>>
      %dma_wait3A_438 = tpu.memref_slice %arg4[%add3A_120] : memref<4096xf32, #tpu.memory_space<hbm>> -> memref<16xf32, #tpu.memory_space<hbm>>
      tpu.wait_dma2 semaphore(%run_scoped3A : memref<!tpu.dma_semaphore, #tpu.memory_space<semaphore_mem>>) src(%dma_wait3A_438 : memref<16xf32, #tpu.memory_space<hbm>>) dst(%arg10 : memref<16xf32, #tpu.memory_space<vmem>>)
      tpu.yield
    }) : () -> ()
    %add3A_123 = arith.constant 2048 : i32
    %add3A_124 = arith.addi %add3A_123, %add3A_120 : i32
    "tpu.region"() ({
      %run_scoped3A = tpu.sem_alloc : memref<!tpu.dma_semaphore, #tpu.memory_space<semaphore_mem>>
      %dma_start3A_435 = tpu.memref_slice %arg4[%add3A_124] : memref<4096xf32, #tpu.memory_space<hbm>> -> memref<16xf32, #tpu.memory_space<hbm>>
      %dma_start3A_436 = tpu.memref_slice %arg4[%add3A_124] : memref<4096xf32, #tpu.memory_space<hbm>> -> memref<16xf32, #tpu.memory_space<hbm>>
      tpu.enqueue_dma source(%dma_start3A_436 : memref<16xf32, #tpu.memory_space<hbm>>) target(%arg12 : memref<16xf32, #tpu.memory_space<vmem>>) target_semaphore(%run_scoped3A : memref<!tpu.dma_semaphore, #tpu.memory_space<semaphore_mem>>)
      %dma_wait3A_437 = tpu.memref_slice %arg4[%add3A_124] : memref<4096xf32, #tpu.memory_space<hbm>> -> memref<16xf32, #tpu.memory_space<hbm>>
      %dma_wait3A_438 = tpu.memref_slice %arg4[%add3A_124] : memref<4096xf32, #tpu.memory_space<hbm>> -> memref<16xf32, #tpu.memory_space<hbm>>
      tpu.wait_dma2 semaphore(%run_scoped3A : memref<!tpu.dma_semaphore, #tpu.memory_space<semaphore_mem>>) src(%dma_wait3A_438 : memref<16xf32, #tpu.memory_space<hbm>>) dst(%arg12 : memref<16xf32, #tpu.memory_space<vmem>>)
      tpu.yield
    }) : () -> ()
    %dma_start3A_125 = arith.constant 0 : i32
    %dma_start3A_126 = arith.constant 0 : i32
    %dma_start3A_127 = tpu.memref_slice %arg2[%dma_start3A_125, %dma_start3A_126] : memref<6144x1024xf32, #tpu.memory_space<hbm>> -> memref<6144x1024xf32, #tpu.memory_space<hbm>>
    tpu.enqueue_indirect_dma source(%dma_start3A_127 : memref<6144x1024xf32, #tpu.memory_space<hbm>>) target(%arg14 : memref<16x1024xf32, #tpu.memory_space<vmem>>) offsets(%arg6 : memref<16xi32, #tpu.memory_space<vmem>>) semaphore(%arg20 : memref<!tpu.dma_semaphore, #tpu.memory_space<semaphore_mem>>)
    %dma_start3A_128 = arith.constant 0 : i32
    %dma_start3A_129 = arith.constant 0 : i32
    %dma_start3A_130 = tpu.memref_slice %arg2[%dma_start3A_128, %dma_start3A_129] : memref<6144x1024xf32, #tpu.memory_space<hbm>> -> memref<6144x1024xf32, #tpu.memory_space<hbm>>
    tpu.enqueue_indirect_dma source(%dma_start3A_130 : memref<6144x1024xf32, #tpu.memory_space<hbm>>) target(%arg16 : memref<16x1024xf32, #tpu.memory_space<vmem>>) offsets(%arg8 : memref<16xi32, #tpu.memory_space<vmem>>) semaphore(%arg22 : memref<!tpu.dma_semaphore, #tpu.memory_space<semaphore_mem>>)
    %dma_wait3A_131 = arith.constant 0 : i32
    %dma_wait3A_132 = arith.constant 0 : i32
    %dma_wait3A_133 = tpu.memref_slice %arg2[%dma_wait3A_131, %dma_wait3A_132] : memref<6144x1024xf32, #tpu.memory_space<hbm>> -> memref<6144x1024xf32, #tpu.memory_space<hbm>>
    tpu.wait_indirect_dma semaphore(%arg21 : memref<!tpu.dma_semaphore, #tpu.memory_space<semaphore_mem>>) src(%dma_wait3A_133 : memref<6144x1024xf32, #tpu.memory_space<hbm>>) dst(%arg15 : memref<16x1024xf32, #tpu.memory_space<vmem>>)
    %dma_wait3A_134 = arith.constant 0 : i32
    %dma_wait3A_135 = arith.constant 0 : i32
    %dma_wait3A_136 = tpu.memref_slice %arg2[%dma_wait3A_134, %dma_wait3A_135] : memref<6144x1024xf32, #tpu.memory_space<hbm>> -> memref<6144x1024xf32, #tpu.memory_space<hbm>>
    tpu.wait_indirect_dma semaphore(%arg23 : memref<!tpu.dma_semaphore, #tpu.memory_space<semaphore_mem>>) src(%dma_wait3A_136 : memref<6144x1024xf32, #tpu.memory_space<hbm>>) dst(%arg17 : memref<16x1024xf32, #tpu.memory_space<vmem>>)
    %get3A_137 = arith.constant 0 : index
    %get3A_138 = tpu.vector_load %arg11[%get3A_137] {strides = array<i32>} : memref<16xf32, #tpu.memory_space<vmem>>, vector<16xf32>,
    %get3A_139 = vector.shape_cast %get3A_138 : vector<16xf32> to vector<16xf32>
    %get3A_140 = arith.constant 0 : index
    %get3A_141 = tpu.vector_load %arg13[%get3A_140] {strides = array<i32>} : memref<16xf32, #tpu.memory_space<vmem>>, vector<16xf32>,
    %get3A_142 = vector.shape_cast %get3A_141 : vector<16xf32> to vector<16xf32>
    %slice3A_143 = vector.extract_strided_slice %get3A_139 {offsets = [0], sizes = [1], strides = [1]} : vector<16xf32> to vector<1xf32>
    %squeeze3A_144 = vector.extract %slice3A_143[0] : f32 from vector<1xf32>
    %slice3A_145 = vector.extract_strided_slice %get3A_139 {offsets = [1], sizes = [1], strides = [1]} : vector<16xf32> to vector<1xf32>
    %squeeze3A_146 = vector.extract %slice3A_145[0] : f32 from vector<1xf32>
    %slice3A_147 = vector.extract_strided_slice %get3A_139 {offsets = [2], sizes = [1], strides = [1]} : vector<16xf32> to vector<1xf32>
    %squeeze3A_148 = vector.extract %slice3A_147[0] : f32 from vector<1xf32>
    %slice3A_149 = vector.extract_strided_slice %get3A_139 {offsets = [3], sizes = [1], strides = [1]} : vector<16xf32> to vector<1xf32>
    %squeeze3A_150 = vector.extract %slice3A_149[0] : f32 from vector<1xf32>
    %slice3A_151 = vector.extract_strided_slice %get3A_139 {offsets = [4], sizes = [1], strides = [1]} : vector<16xf32> to vector<1xf32>
    %squeeze3A_152 = vector.extract %slice3A_151[0] : f32 from vector<1xf32>
    %slice3A_153 = vector.extract_strided_slice %get3A_139 {offsets = [5], sizes = [1], strides = [1]} : vector<16xf32> to vector<1xf32>
    %squeeze3A_154 = vector.extract %slice3A_153[0] : f32 from vector<1xf32>
    %slice3A_155 = vector.extract_strided_slice %get3A_139 {offsets = [6], sizes = [1], strides = [1]} : vector<16xf32> to vector<1xf32>
    %squeeze3A_156 = vector.extract %slice3A_155[0] : f32 from vector<1xf32>
    %slice3A_157 = vector.extract_strided_slice %get3A_139 {offsets = [7], sizes = [1], strides = [1]} : vector<16xf32> to vector<1xf32>
    %squeeze3A_158 = vector.extract %slice3A_157[0] : f32 from vector<1xf32>
    %slice3A_159 = vector.extract_strided_slice %get3A_139 {offsets = [8], sizes = [1], strides = [1]} : vector<16xf32> to vector<1xf32>
    %squeeze3A_160 = vector.extract %slice3A_159[0] : f32 from vector<1xf32>
    %slice3A_161 = vector.extract_strided_slice %get3A_139 {offsets = [9], sizes = [1], strides = [1]} : vector<16xf32> to vector<1xf32>
    %squeeze3A_162 = vector.extract %slice3A_161[0] : f32 from vector<1xf32>
    %slice3A_163 = vector.extract_strided_slice %get3A_139 {offsets = [10], sizes = [1], strides = [1]} : vector<16xf32> to vector<1xf32>
    %squeeze3A_164 = vector.extract %slice3A_163[0] : f32 from vector<1xf32>
    %slice3A_165 = vector.extract_strided_slice %get3A_139 {offsets = [11], sizes = [1], strides = [1]} : vector<16xf32> to vector<1xf32>
    %squeeze3A_166 = vector.extract %slice3A_165[0] : f32 from vector<1xf32>
    %slice3A_167 = vector.extract_strided_slice %get3A_139 {offsets = [12], sizes = [1], strides = [1]} : vector<16xf32> to vector<1xf32>
    %squeeze3A_168 = vector.extract %slice3A_167[0] : f32 from vector<1xf32>
    %slice3A_169 = vector.extract_strided_slice %get3A_139 {offsets = [13], sizes = [1], strides = [1]} : vector<16xf32> to vector<1xf32>
    %squeeze3A_170 = vector.extract %slice3A_169[0] : f32 from vector<1xf32>
    %slice3A_171 = vector.extract_strided_slice %get3A_139 {offsets = [14], sizes = [1], strides = [1]} : vector<16xf32> to vector<1xf32>
    %squeeze3A_172 = vector.extract %slice3A_171[0] : f32 from vector<1xf32>
    %slice3A_173 = vector.extract_strided_slice %get3A_139 {offsets = [15], sizes = [1], strides = [1]} : vector<16xf32> to vector<1xf32>
    %squeeze3A_174 = vector.extract %slice3A_173[0] : f32 from vector<1xf32>
    %slice3A_175 = vector.extract_strided_slice %get3A_142 {offsets = [0], sizes = [1], strides = [1]} : vector<16xf32> to vector<1xf32>
    %squeeze3A_176 = vector.extract %slice3A_175[0] : f32 from vector<1xf32>
    %slice3A_177 = vector.extract_strided_slice %get3A_142 {offsets = [1], sizes = [1], strides = [1]} : vector<16xf32> to vector<1xf32>
    %squeeze3A_178 = vector.extract %slice3A_177[0] : f32 from vector<1xf32>
    %slice3A_179 = vector.extract_strided_slice %get3A_142 {offsets = [2], sizes = [1], strides = [1]} : vector<16xf32> to vector<1xf32>
    %squeeze3A_180 = vector.extract %slice3A_179[0] : f32 from vector<1xf32>
    %slice3A_181 = vector.extract_strided_slice %get3A_142 {offsets = [3], sizes = [1], strides = [1]} : vector<16xf32> to vector<1xf32>
    %squeeze3A_182 = vector.extract %slice3A_181[0] : f32 from vector<1xf32>
    %slice3A_183 = vector.extract_strided_slice %get3A_142 {offsets = [4], sizes = [1], strides = [1]} : vector<16xf32> to vector<1xf32>
    %squeeze3A_184 = vector.extract %slice3A_183[0] : f32 from vector<1xf32>
    %slice3A_185 = vector.extract_strided_slice %get3A_142 {offsets = [5], sizes = [1], strides = [1]} : vector<16xf32> to vector<1xf32>
    %squeeze3A_186 = vector.extract %slice3A_185[0] : f32 from vector<1xf32>
    %slice3A_187 = vector.extract_strided_slice %get3A_142 {offsets = [6], sizes = [1], strides = [1]} : vector<16xf32> to vector<1xf32>
    %squeeze3A_188 = vector.extract %slice3A_187[0] : f32 from vector<1xf32>
    %slice3A_189 = vector.extract_strided_slice %get3A_142 {offsets = [7], sizes = [1], strides = [1]} : vector<16xf32> to vector<1xf32>
    %squeeze3A_190 = vector.extract %slice3A_189[0] : f32 from vector<1xf32>
    %slice3A_191 = vector.extract_strided_slice %get3A_142 {offsets = [8], sizes = [1], strides = [1]} : vector<16xf32> to vector<1xf32>
    %squeeze3A_192 = vector.extract %slice3A_191[0] : f32 from vector<1xf32>
    %slice3A_193 = vector.extract_strided_slice %get3A_142 {offsets = [9], sizes = [1], strides = [1]} : vector<16xf32> to vector<1xf32>
    %squeeze3A_194 = vector.extract %slice3A_193[0] : f32 from vector<1xf32>
    %slice3A_195 = vector.extract_strided_slice %get3A_142 {offsets = [10], sizes = [1], strides = [1]} : vector<16xf32> to vector<1xf32>
    %squeeze3A_196 = vector.extract %slice3A_195[0] : f32 from vector<1xf32>
    %slice3A_197 = vector.extract_strided_slice %get3A_142 {offsets = [11], sizes = [1], strides = [1]} : vector<16xf32> to vector<1xf32>
    %squeeze3A_198 = vector.extract %slice3A_197[0] : f32 from vector<1xf32>
    %slice3A_199 = vector.extract_strided_slice %get3A_142 {offsets = [12], sizes = [1], strides = [1]} : vector<16xf32> to vector<1xf32>
    %squeeze3A_200 = vector.extract %slice3A_199[0] : f32 from vector<1xf32>
    %slice3A_201 = vector.extract_strided_slice %get3A_142 {offsets = [13], sizes = [1], strides = [1]} : vector<16xf32> to vector<1xf32>
    %squeeze3A_202 = vector.extract %slice3A_201[0] : f32 from vector<1xf32>
    %slice3A_203 = vector.extract_strided_slice %get3A_142 {offsets = [14], sizes = [1], strides = [1]} : vector<16xf32> to vector<1xf32>
    %squeeze3A_204 = vector.extract %slice3A_203[0] : f32 from vector<1xf32>
    %slice3A_205 = vector.extract_strided_slice %get3A_142 {offsets = [15], sizes = [1], strides = [1]} : vector<16xf32> to vector<1xf32>
    %squeeze3A_206 = vector.extract %slice3A_205[0] : f32 from vector<1xf32>
    %scan3A_207 = arith.constant 0 : i32
    %scan3A_208 = arith.constant 0 : i32
    %scan3A_209 = arith.constant 64 : i32
    %scan3A_210 = arith.addi %scan3A_208, %scan3A_209 : i32
    %scan3A_211 = arith.constant 1 : i32
    scf.for %scan3A_435 = %scan3A_208 to %scan3A_210 step %scan3A_211  : i32 {
      %mul3A_436 = arith.constant 16 : i32
      %mul3A_437 = arith.muli %scan3A_435, %mul3A_436 : i32
      %get3A_438 = arith.constant 0 : i32
      %get3A_439 = arith.index_cast %get3A_438 : i32 to index
      %get3A_440 = arith.index_cast %mul3A_437 : i32 to index
      %get3A_441 = tpu.vector_load %arg15[%get3A_439, %get3A_440] {strides = array<i32>} : memref<16x1024xf32, #tpu.memory_space<vmem>>, vector<1x16xf32>,
      %get3A_442 = vector.shape_cast %get3A_441 : vector<1x16xf32> to vector<16xf32>
      %mul3A_443 = vector.broadcast %squeeze3A_144 : f32 to vector<16xf32>
      %mul3A_444 = arith.mulf %get3A_442, %mul3A_443 : vector<16xf32>
      %get3A_445 = arith.constant 0 : i32
      %get3A_446 = arith.index_cast %get3A_445 : i32 to index
      %get3A_447 = arith.index_cast %mul3A_437 : i32 to index
      %get3A_448 = tpu.vector_load %arg17[%get3A_446, %get3A_447] {strides = array<i32>} : memref<16x1024xf32, #tpu.memory_space<vmem>>, vector<1x16xf32>,
      %get3A_449 = vector.shape_cast %get3A_448 : vector<1x16xf32> to vector<16xf32>
      %mul3A_450 = vector.broadcast %squeeze3A_176 : f32 to vector<16xf32>
      %mul3A_451 = arith.mulf %get3A_449, %mul3A_450 : vector<16xf32>
      %add3A_452 = arith.addf %mul3A_444, %mul3A_451 : vector<16xf32>
      %swap3A = arith.constant 0 : i32
      %swap3A_453 = arith.index_cast %swap3A : i32 to index
      %swap3A_454 = arith.index_cast %mul3A_437 : i32 to index
      %swap3A_455 = tpu.vector_load %arg19[%swap3A_453, %swap3A_454] {strides = array<i32>} : memref<16x1024xf32, #tpu.memory_space<vmem>>, vector<1x16xf32>,
      %swap3A_456 = vector.shape_cast %swap3A_455 : vector<1x16xf32> to vector<16xf32>
      %swap3A_457 = vector.shape_cast %add3A_452 : vector<16xf32> to vector<1x16xf32>
      tpu.vector_store %arg19[%swap3A_453, %swap3A_454], %swap3A_457 {strides = array<i32>} : memref<16x1024xf32, #tpu.memory_space<vmem>>, vector<1x16xf32>,
      %mul3A_458 = arith.constant 16 : i32
      %mul3A_459 = arith.muli %scan3A_435, %mul3A_458 : i32
      %get3A_460 = arith.constant 1 : i32
      %get3A_461 = arith.index_cast %get3A_460 : i32 to index
      %get3A_462 = arith.index_cast %mul3A_459 : i32 to index
      %get3A_463 = tpu.vector_load %arg15[%get3A_461, %get3A_462] {strides = array<i32>} : memref<16x1024xf32, #tpu.memory_space<vmem>>, vector<1x16xf32>,
      %get3A_464 = vector.shape_cast %get3A_463 : vector<1x16xf32> to vector<16xf32>
      %mul3A_465 = vector.broadcast %squeeze3A_146 : f32 to vector<16xf32>
      %mul3A_466 = arith.mulf %get3A_464, %mul3A_465 : vector<16xf32>
      %get3A_467 = arith.constant 1 : i32
      %get3A_468 = arith.index_cast %get3A_467 : i32 to index
      %get3A_469 = arith.index_cast %mul3A_459 : i32 to index
      %get3A_470 = tpu.vector_load %arg17[%get3A_468, %get3A_469] {strides = array<i32>} : memref<16x1024xf32, #tpu.memory_space<vmem>>, vector<1x16xf32>,
      %get3A_471 = vector.shape_cast %get3A_470 : vector<1x16xf32> to vector<16xf32>
      %mul3A_472 = vector.broadcast %squeeze3A_178 : f32 to vector<16xf32>
      %mul3A_473 = arith.mulf %get3A_471, %mul3A_472 : vector<16xf32>
      %add3A_474 = arith.addf %mul3A_466, %mul3A_473 : vector<16xf32>
      %swap3A_475 = arith.constant 1 : i32
      %swap3A_476 = arith.index_cast %swap3A_475 : i32 to index
      %swap3A_477 = arith.index_cast %mul3A_459 : i32 to index
      %swap3A_478 = tpu.vector_load %arg19[%swap3A_476, %swap3A_477] {strides = array<i32>} : memref<16x1024xf32, #tpu.memory_space<vmem>>, vector<1x16xf32>,
      %swap3A_479 = vector.shape_cast %swap3A_478 : vector<1x16xf32> to vector<16xf32>
      %swap3A_480 = vector.shape_cast %add3A_474 : vector<16xf32> to vector<1x16xf32>
      tpu.vector_store %arg19[%swap3A_476, %swap3A_477], %swap3A_480 {strides = array<i32>} : memref<16x1024xf32, #tpu.memory_space<vmem>>, vector<1x16xf32>,
      %mul3A_481 = arith.constant 16 : i32
      %mul3A_482 = arith.muli %scan3A_435, %mul3A_481 : i32
      %get3A_483 = arith.constant 2 : i32
      %get3A_484 = arith.index_cast %get3A_483 : i32 to index
      %get3A_485 = arith.index_cast %mul3A_482 : i32 to index
      %get3A_486 = tpu.vector_load %arg15[%get3A_484, %get3A_485] {strides = array<i32>} : memref<16x1024xf32, #tpu.memory_space<vmem>>, vector<1x16xf32>,
      %get3A_487 = vector.shape_cast %get3A_486 : vector<1x16xf32> to vector<16xf32>
      %mul3A_488 = vector.broadcast %squeeze3A_148 : f32 to vector<16xf32>
      %mul3A_489 = arith.mulf %get3A_487, %mul3A_488 : vector<16xf32>
      %get3A_490 = arith.constant 2 : i32
      %get3A_491 = arith.index_cast %get3A_490 : i32 to index
      %get3A_492 = arith.index_cast %mul3A_482 : i32 to index
      %get3A_493 = tpu.vector_load %arg17[%get3A_491, %get3A_492] {strides = array<i32>} : memref<16x1024xf32, #tpu.memory_space<vmem>>, vector<1x16xf32>,
      %get3A_494 = vector.shape_cast %get3A_493 : vector<1x16xf32> to vector<16xf32>
      %mul3A_495 = vector.broadcast %squeeze3A_180 : f32 to vector<16xf32>
      %mul3A_496 = arith.mulf %get3A_494, %mul3A_495 : vector<16xf32>
      %add3A_497 = arith.addf %mul3A_489, %mul3A_496 : vector<16xf32>
      %swap3A_498 = arith.constant 2 : i32
      %swap3A_499 = arith.index_cast %swap3A_498 : i32 to index
      %swap3A_500 = arith.index_cast %mul3A_482 : i32 to index
      %swap3A_501 = tpu.vector_load %arg19[%swap3A_499, %swap3A_500] {strides = array<i32>} : memref<16x1024xf32, #tpu.memory_space<vmem>>, vector<1x16xf32>,
      %swap3A_502 = vector.shape_cast %swap3A_501 : vector<1x16xf32> to vector<16xf32>
      %swap3A_503 = vector.shape_cast %add3A_497 : vector<16xf32> to vector<1x16xf32>
      tpu.vector_store %arg19[%swap3A_499, %swap3A_500], %swap3A_503 {strides = array<i32>} : memref<16x1024xf32, #tpu.memory_space<vmem>>, vector<1x16xf32>,
      %mul3A_504 = arith.constant 16 : i32
      %mul3A_505 = arith.muli %scan3A_435, %mul3A_504 : i32
      %get3A_506 = arith.constant 3 : i32
      %get3A_507 = arith.index_cast %get3A_506 : i32 to index
      %get3A_508 = arith.index_cast %mul3A_505 : i32 to index
      %get3A_509 = tpu.vector_load %arg15[%get3A_507, %get3A_508] {strides = array<i32>} : memref<16x1024xf32, #tpu.memory_space<vmem>>, vector<1x16xf32>,
      %get3A_510 = vector.shape_cast %get3A_509 : vector<1x16xf32> to vector<16xf32>
      %mul3A_511 = vector.broadcast %squeeze3A_150 : f32 to vector<16xf32>
      %mul3A_512 = arith.mulf %get3A_510, %mul3A_511 : vector<16xf32>
      %get3A_513 = arith.constant 3 : i32
      %get3A_514 = arith.index_cast %get3A_513 : i32 to index
      %get3A_515 = arith.index_cast %mul3A_505 : i32 to index
      %get3A_516 = tpu.vector_load %arg17[%get3A_514, %get3A_515] {strides = array<i32>} : memref<16x1024xf32, #tpu.memory_space<vmem>>, vector<1x16xf32>,
      %get3A_517 = vector.shape_cast %get3A_516 : vector<1x16xf32> to vector<16xf32>
      %mul3A_518 = vector.broadcast %squeeze3A_182 : f32 to vector<16xf32>
      %mul3A_519 = arith.mulf %get3A_517, %mul3A_518 : vector<16xf32>
      %add3A_520 = arith.addf %mul3A_512, %mul3A_519 : vector<16xf32>
      %swap3A_521 = arith.constant 3 : i32
      %swap3A_522 = arith.index_cast %swap3A_521 : i32 to index
      %swap3A_523 = arith.index_cast %mul3A_505 : i32 to index
      %swap3A_524 = tpu.vector_load %arg19[%swap3A_522, %swap3A_523] {strides = array<i32>} : memref<16x1024xf32, #tpu.memory_space<vmem>>, vector<1x16xf32>,
      %swap3A_525 = vector.shape_cast %swap3A_524 : vector<1x16xf32> to vector<16xf32>
      %swap3A_526 = vector.shape_cast %add3A_520 : vector<16xf32> to vector<1x16xf32>
      tpu.vector_store %arg19[%swap3A_522, %swap3A_523], %swap3A_526 {strides = array<i32>} : memref<16x1024xf32, #tpu.memory_space<vmem>>, vector<1x16xf32>,
      %mul3A_527 = arith.constant 16 : i32
      %mul3A_528 = arith.muli %scan3A_435, %mul3A_527 : i32
      %get3A_529 = arith.constant 4 : i32
      %get3A_530 = arith.index_cast %get3A_529 : i32 to index
      %get3A_531 = arith.index_cast %mul3A_528 : i32 to index
      %get3A_532 = tpu.vector_load %arg15[%get3A_530, %get3A_531] {strides = array<i32>} : memref<16x1024xf32, #tpu.memory_space<vmem>>, vector<1x16xf32>,
      %get3A_533 = vector.shape_cast %get3A_532 : vector<1x16xf32> to vector<16xf32>
      %mul3A_534 = vector.broadcast %squeeze3A_152 : f32 to vector<16xf32>
      %mul3A_535 = arith.mulf %get3A_533, %mul3A_534 : vector<16xf32>
      %get3A_536 = arith.constant 4 : i32
      %get3A_537 = arith.index_cast %get3A_536 : i32 to index
      %get3A_538 = arith.index_cast %mul3A_528 : i32 to index
      %get3A_539 = tpu.vector_load %arg17[%get3A_537, %get3A_538] {strides = array<i32>} : memref<16x1024xf32, #tpu.memory_space<vmem>>, vector<1x16xf32>,
      %get3A_540 = vector.shape_cast %get3A_539 : vector<1x16xf32> to vector<16xf32>
      %mul3A_541 = vector.broadcast %squeeze3A_184 : f32 to vector<16xf32>
      %mul3A_542 = arith.mulf %get3A_540, %mul3A_541 : vector<16xf32>
      %add3A_543 = arith.addf %mul3A_535, %mul3A_542 : vector<16xf32>
      %swap3A_544 = arith.constant 4 : i32
      %swap3A_545 = arith.index_cast %swap3A_544 : i32 to index
      %swap3A_546 = arith.index_cast %mul3A_528 : i32 to index
      %swap3A_547 = tpu.vector_load %arg19[%swap3A_545, %swap3A_546] {strides = array<i32>} : memref<16x1024xf32, #tpu.memory_space<vmem>>, vector<1x16xf32>,
      %swap3A_548 = vector.shape_cast %swap3A_547 : vector<1x16xf32> to vector<16xf32>
      %swap3A_549 = vector.shape_cast %add3A_543 : vector<16xf32> to vector<1x16xf32>
      tpu.vector_store %arg19[%swap3A_545, %swap3A_546], %swap3A_549 {strides = array<i32>} : memref<16x1024xf32, #tpu.memory_space<vmem>>, vector<1x16xf32>,
      %mul3A_550 = arith.constant 16 : i32
      %mul3A_551 = arith.muli %scan3A_435, %mul3A_550 : i32
      %get3A_552 = arith.constant 5 : i32
      %get3A_553 = arith.index_cast %get3A_552 : i32 to index
      %get3A_554 = arith.index_cast %mul3A_551 : i32 to index
      %get3A_555 = tpu.vector_load %arg15[%get3A_553, %get3A_554] {strides = array<i32>} : memref<16x1024xf32, #tpu.memory_space<vmem>>, vector<1x16xf32>,
      %get3A_556 = vector.shape_cast %get3A_555 : vector<1x16xf32> to vector<16xf32>
      %mul3A_557 = vector.broadcast %squeeze3A_154 : f32 to vector<16xf32>
      %mul3A_558 = arith.mulf %get3A_556, %mul3A_557 : vector<16xf32>
      %get3A_559 = arith.constant 5 : i32
      %get3A_560 = arith.index_cast %get3A_559 : i32 to index
      %get3A_561 = arith.index_cast %mul3A_551 : i32 to index
      %get3A_562 = tpu.vector_load %arg17[%get3A_560, %get3A_561] {strides = array<i32>} : memref<16x1024xf32, #tpu.memory_space<vmem>>, vector<1x16xf32>,
      %get3A_563 = vector.shape_cast %get3A_562 : vector<1x16xf32> to vector<16xf32>
      %mul3A_564 = vector.broadcast %squeeze3A_186 : f32 to vector<16xf32>
      %mul3A_565 = arith.mulf %get3A_563, %mul3A_564 : vector<16xf32>
      %add3A_566 = arith.addf %mul3A_558, %mul3A_565 : vector<16xf32>
      %swap3A_567 = arith.constant 5 : i32
      %swap3A_568 = arith.index_cast %swap3A_567 : i32 to index
      %swap3A_569 = arith.index_cast %mul3A_551 : i32 to index
      %swap3A_570 = tpu.vector_load %arg19[%swap3A_568, %swap3A_569] {strides = array<i32>} : memref<16x1024xf32, #tpu.memory_space<vmem>>, vector<1x16xf32>,
      %swap3A_571 = vector.shape_cast %swap3A_570 : vector<1x16xf32> to vector<16xf32>
      %swap3A_572 = vector.shape_cast %add3A_566 : vector<16xf32> to vector<1x16xf32>
      tpu.vector_store %arg19[%swap3A_568, %swap3A_569], %swap3A_572 {strides = array<i32>} : memref<16x1024xf32, #tpu.memory_space<vmem>>, vector<1x16xf32>,
      %mul3A_573 = arith.constant 16 : i32
      %mul3A_574 = arith.muli %scan3A_435, %mul3A_573 : i32
      %get3A_575 = arith.constant 6 : i32
      %get3A_576 = arith.index_cast %get3A_575 : i32 to index
      %get3A_577 = arith.index_cast %mul3A_574 : i32 to index
      %get3A_578 = tpu.vector_load %arg15[%get3A_576, %get3A_577] {strides = array<i32>} : memref<16x1024xf32, #tpu.memory_space<vmem>>, vector<1x16xf32>,
      %get3A_579 = vector.shape_cast %get3A_578 : vector<1x16xf32> to vector<16xf32>
      %mul3A_580 = vector.broadcast %squeeze3A_156 : f32 to vector<16xf32>
      %mul3A_581 = arith.mulf %get3A_579, %mul3A_580 : vector<16xf32>
      %get3A_582 = arith.constant 6 : i32
      %get3A_583 = arith.index_cast %get3A_582 : i32 to index
      %get3A_584 = arith.index_cast %mul3A_574 : i32 to index
      %get3A_585 = tpu.vector_load %arg17[%get3A_583, %get3A_584] {strides = array<i32>} : memref<16x1024xf32, #tpu.memory_space<vmem>>, vector<1x16xf32>,
      %get3A_586 = vector.shape_cast %get3A_585 : vector<1x16xf32> to vector<16xf32>
      %mul3A_587 = vector.broadcast %squeeze3A_188 : f32 to vector<16xf32>
      %mul3A_588 = arith.mulf %get3A_586, %mul3A_587 : vector<16xf32>
      %add3A_589 = arith.addf %mul3A_581, %mul3A_588 : vector<16xf32>
      %swap3A_590 = arith.constant 6 : i32
      %swap3A_591 = arith.index_cast %swap3A_590 : i32 to index
      %swap3A_592 = arith.index_cast %mul3A_574 : i32 to index
      %swap3A_593 = tpu.vector_load %arg19[%swap3A_591, %swap3A_592] {strides = array<i32>} : memref<16x1024xf32, #tpu.memory_space<vmem>>, vector<1x16xf32>,
      %swap3A_594 = vector.shape_cast %swap3A_593 : vector<1x16xf32> to vector<16xf32>
      %swap3A_595 = vector.shape_cast %add3A_589 : vector<16xf32> to vector<1x16xf32>
      tpu.vector_store %arg19[%swap3A_591, %swap3A_592], %swap3A_595 {strides = array<i32>} : memref<16x1024xf32, #tpu.memory_space<vmem>>, vector<1x16xf32>,
      %mul3A_596 = arith.constant 16 : i32
      %mul3A_597 = arith.muli %scan3A_435, %mul3A_596 : i32
      %get3A_598 = arith.constant 7 : i32
      %get3A_599 = arith.index_cast %get3A_598 : i32 to index
      %get3A_600 = arith.index_cast %mul3A_597 : i32 to index
      %get3A_601 = tpu.vector_load %arg15[%get3A_599, %get3A_600] {strides = array<i32>} : memref<16x1024xf32, #tpu.memory_space<vmem>>, vector<1x16xf32>,
      %get3A_602 = vector.shape_cast %get3A_601 : vector<1x16xf32> to vector<16xf32>
      %mul3A_603 = vector.broadcast %squeeze3A_158 : f32 to vector<16xf32>
      %mul3A_604 = arith.mulf %get3A_602, %mul3A_603 : vector<16xf32>
      %get3A_605 = arith.constant 7 : i32
      %get3A_606 = arith.index_cast %get3A_605 : i32 to index
      %get3A_607 = arith.index_cast %mul3A_597 : i32 to index
      %get3A_608 = tpu.vector_load %arg17[%get3A_606, %get3A_607] {strides = array<i32>} : memref<16x1024xf32, #tpu.memory_space<vmem>>, vector<1x16xf32>,
      %get3A_609 = vector.shape_cast %get3A_608 : vector<1x16xf32> to vector<16xf32>
      %mul3A_610 = vector.broadcast %squeeze3A_190 : f32 to vector<16xf32>
      %mul3A_611 = arith.mulf %get3A_609, %mul3A_610 : vector<16xf32>
      %add3A_612 = arith.addf %mul3A_604, %mul3A_611 : vector<16xf32>
      %swap3A_613 = arith.constant 7 : i32
      %swap3A_614 = arith.index_cast %swap3A_613 : i32 to index
      %swap3A_615 = arith.index_cast %mul3A_597 : i32 to index
      %swap3A_616 = tpu.vector_load %arg19[%swap3A_614, %swap3A_615] {strides = array<i32>} : memref<16x1024xf32, #tpu.memory_space<vmem>>, vector<1x16xf32>,
      %swap3A_617 = vector.shape_cast %swap3A_616 : vector<1x16xf32> to vector<16xf32>
      %swap3A_618 = vector.shape_cast %add3A_612 : vector<16xf32> to vector<1x16xf32>
      tpu.vector_store %arg19[%swap3A_614, %swap3A_615], %swap3A_618 {strides = array<i32>} : memref<16x1024xf32, #tpu.memory_space<vmem>>, vector<1x16xf32>,
      %mul3A_619 = arith.constant 16 : i32
      %mul3A_620 = arith.muli %scan3A_435, %mul3A_619 : i32
      %get3A_621 = arith.constant 8 : i32
      %get3A_622 = arith.index_cast %get3A_621 : i32 to index
      %get3A_623 = arith.index_cast %mul3A_620 : i32 to index
      %get3A_624 = tpu.vector_load %arg15[%get3A_622, %get3A_623] {strides = array<i32>} : memref<16x1024xf32, #tpu.memory_space<vmem>>, vector<1x16xf32>,
      %get3A_625 = vector.shape_cast %get3A_624 : vector<1x16xf32> to vector<16xf32>
      %mul3A_626 = vector.broadcast %squeeze3A_160 : f32 to vector<16xf32>
      %mul3A_627 = arith.mulf %get3A_625, %mul3A_626 : vector<16xf32>
      %get3A_628 = arith.constant 8 : i32
      %get3A_629 = arith.index_cast %get3A_628 : i32 to index
      %get3A_630 = arith.index_cast %mul3A_620 : i32 to index
      %get3A_631 = tpu.vector_load %arg17[%get3A_629, %get3A_630] {strides = array<i32>} : memref<16x1024xf32, #tpu.memory_space<vmem>>, vector<1x16xf32>,
      %get3A_632 = vector.shape_cast %get3A_631 : vector<1x16xf32> to vector<16xf32>
      %mul3A_633 = vector.broadcast %squeeze3A_192 : f32 to vector<16xf32>
      %mul3A_634 = arith.mulf %get3A_632, %mul3A_633 : vector<16xf32>
      %add3A_635 = arith.addf %mul3A_627, %mul3A_634 : vector<16xf32>
      %swap3A_636 = arith.constant 8 : i32
      %swap3A_637 = arith.index_cast %swap3A_636 : i32 to index
      %swap3A_638 = arith.index_cast %mul3A_620 : i32 to index
      %swap3A_639 = tpu.vector_load %arg19[%swap3A_637, %swap3A_638] {strides = array<i32>} : memref<16x1024xf32, #tpu.memory_space<vmem>>, vector<1x16xf32>,
      %swap3A_640 = vector.shape_cast %swap3A_639 : vector<1x16xf32> to vector<16xf32>
      %swap3A_641 = vector.shape_cast %add3A_635 : vector<16xf32> to vector<1x16xf32>
      tpu.vector_store %arg19[%swap3A_637, %swap3A_638], %swap3A_641 {strides = array<i32>} : memref<16x1024xf32, #tpu.memory_space<vmem>>, vector<1x16xf32>,
      %mul3A_642 = arith.constant 16 : i32
      %mul3A_643 = arith.muli %scan3A_435, %mul3A_642 : i32
      %get3A_644 = arith.constant 9 : i32
      %get3A_645 = arith.index_cast %get3A_644 : i32 to index
      %get3A_646 = arith.index_cast %mul3A_643 : i32 to index
      %get3A_647 = tpu.vector_load %arg15[%get3A_645, %get3A_646] {strides = array<i32>} : memref<16x1024xf32, #tpu.memory_space<vmem>>, vector<1x16xf32>,
      %get3A_648 = vector.shape_cast %get3A_647 : vector<1x16xf32> to vector<16xf32>
      %mul3A_649 = vector.broadcast %squeeze3A_162 : f32 to vector<16xf32>
      %mul3A_650 = arith.mulf %get3A_648, %mul3A_649 : vector<16xf32>
      %get3A_651 = arith.constant 9 : i32
      %get3A_652 = arith.index_cast %get3A_651 : i32 to index
      %get3A_653 = arith.index_cast %mul3A_643 : i32 to index
      %get3A_654 = tpu.vector_load %arg17[%get3A_652, %get3A_653] {strides = array<i32>} : memref<16x1024xf32, #tpu.memory_space<vmem>>, vector<1x16xf32>,
      %get3A_655 = vector.shape_cast %get3A_654 : vector<1x16xf32> to vector<16xf32>
      %mul3A_656 = vector.broadcast %squeeze3A_194 : f32 to vector<16xf32>
      %mul3A_657 = arith.mulf %get3A_655, %mul3A_656 : vector<16xf32>
      %add3A_658 = arith.addf %mul3A_650, %mul3A_657 : vector<16xf32>
      %swap3A_659 = arith.constant 9 : i32
      %swap3A_660 = arith.index_cast %swap3A_659 : i32 to index
      %swap3A_661 = arith.index_cast %mul3A_643 : i32 to index
      %swap3A_662 = tpu.vector_load %arg19[%swap3A_660, %swap3A_661] {strides = array<i32>} : memref<16x1024xf32, #tpu.memory_space<vmem>>, vector<1x16xf32>,
      %swap3A_663 = vector.shape_cast %swap3A_662 : vector<1x16xf32> to vector<16xf32>
      %swap3A_664 = vector.shape_cast %add3A_658 : vector<16xf32> to vector<1x16xf32>
      tpu.vector_store %arg19[%swap3A_660, %swap3A_661], %swap3A_664 {strides = array<i32>} : memref<16x1024xf32, #tpu.memory_space<vmem>>, vector<1x16xf32>,
      %mul3A_665 = arith.constant 16 : i32
      %mul3A_666 = arith.muli %scan3A_435, %mul3A_665 : i32
      %get3A_667 = arith.constant 10 : i32
      %get3A_668 = arith.index_cast %get3A_667 : i32 to index
      %get3A_669 = arith.index_cast %mul3A_666 : i32 to index
      %get3A_670 = tpu.vector_load %arg15[%get3A_668, %get3A_669] {strides = array<i32>} : memref<16x1024xf32, #tpu.memory_space<vmem>>, vector<1x16xf32>,
      %get3A_671 = vector.shape_cast %get3A_670 : vector<1x16xf32> to vector<16xf32>
      %mul3A_672 = vector.broadcast %squeeze3A_164 : f32 to vector<16xf32>
      %mul3A_673 = arith.mulf %get3A_671, %mul3A_672 : vector<16xf32>
      %get3A_674 = arith.constant 10 : i32
      %get3A_675 = arith.index_cast %get3A_674 : i32 to index
      %get3A_676 = arith.index_cast %mul3A_666 : i32 to index
      %get3A_677 = tpu.vector_load %arg17[%get3A_675, %get3A_676] {strides = array<i32>} : memref<16x1024xf32, #tpu.memory_space<vmem>>, vector<1x16xf32>,
      %get3A_678 = vector.shape_cast %get3A_677 : vector<1x16xf32> to vector<16xf32>
      %mul3A_679 = vector.broadcast %squeeze3A_196 : f32 to vector<16xf32>
      %mul3A_680 = arith.mulf %get3A_678, %mul3A_679 : vector<16xf32>
      %add3A_681 = arith.addf %mul3A_673, %mul3A_680 : vector<16xf32>
      %swap3A_682 = arith.constant 10 : i32
      %swap3A_683 = arith.index_cast %swap3A_682 : i32 to index
      %swap3A_684 = arith.index_cast %mul3A_666 : i32 to index
      %swap3A_685 = tpu.vector_load %arg19[%swap3A_683, %swap3A_684] {strides = array<i32>} : memref<16x1024xf32, #tpu.memory_space<vmem>>, vector<1x16xf32>,
      %swap3A_686 = vector.shape_cast %swap3A_685 : vector<1x16xf32> to vector<16xf32>
      %swap3A_687 = vector.shape_cast %add3A_681 : vector<16xf32> to vector<1x16xf32>
      tpu.vector_store %arg19[%swap3A_683, %swap3A_684], %swap3A_687 {strides = array<i32>} : memref<16x1024xf32, #tpu.memory_space<vmem>>, vector<1x16xf32>,
      %mul3A_688 = arith.constant 16 : i32
      %mul3A_689 = arith.muli %scan3A_435, %mul3A_688 : i32
      %get3A_690 = arith.constant 11 : i32
      %get3A_691 = arith.index_cast %get3A_690 : i32 to index
      %get3A_692 = arith.index_cast %mul3A_689 : i32 to index
      %get3A_693 = tpu.vector_load %arg15[%get3A_691, %get3A_692] {strides = array<i32>} : memref<16x1024xf32, #tpu.memory_space<vmem>>, vector<1x16xf32>,
      %get3A_694 = vector.shape_cast %get3A_693 : vector<1x16xf32> to vector<16xf32>
      %mul3A_695 = vector.broadcast %squeeze3A_166 : f32 to vector<16xf32>
      %mul3A_696 = arith.mulf %get3A_694, %mul3A_695 : vector<16xf32>
      %get3A_697 = arith.constant 11 : i32
      %get3A_698 = arith.index_cast %get3A_697 : i32 to index
      %get3A_699 = arith.index_cast %mul3A_689 : i32 to index
      %get3A_700 = tpu.vector_load %arg17[%get3A_698, %get3A_699] {strides = array<i32>} : memref<16x1024xf32, #tpu.memory_space<vmem>>, vector<1x16xf32>,
      %get3A_701 = vector.shape_cast %get3A_700 : vector<1x16xf32> to vector<16xf32>
      %mul3A_702 = vector.broadcast %squeeze3A_198 : f32 to vector<16xf32>
      %mul3A_703 = arith.mulf %get3A_701, %mul3A_702 : vector<16xf32>
      %add3A_704 = arith.addf %mul3A_696, %mul3A_703 : vector<16xf32>
      %swap3A_705 = arith.constant 11 : i32
      %swap3A_706 = arith.index_cast %swap3A_705 : i32 to index
      %swap3A_707 = arith.index_cast %mul3A_689 : i32 to index
      %swap3A_708 = tpu.vector_load %arg19[%swap3A_706, %swap3A_707] {strides = array<i32>} : memref<16x1024xf32, #tpu.memory_space<vmem>>, vector<1x16xf32>,
      %swap3A_709 = vector.shape_cast %swap3A_708 : vector<1x16xf32> to vector<16xf32>
      %swap3A_710 = vector.shape_cast %add3A_704 : vector<16xf32> to vector<1x16xf32>
      tpu.vector_store %arg19[%swap3A_706, %swap3A_707], %swap3A_710 {strides = array<i32>} : memref<16x1024xf32, #tpu.memory_space<vmem>>, vector<1x16xf32>,
      %mul3A_711 = arith.constant 16 : i32
      %mul3A_712 = arith.muli %scan3A_435, %mul3A_711 : i32
      %get3A_713 = arith.constant 12 : i32
      %get3A_714 = arith.index_cast %get3A_713 : i32 to index
      %get3A_715 = arith.index_cast %mul3A_712 : i32 to index
      %get3A_716 = tpu.vector_load %arg15[%get3A_714, %get3A_715] {strides = array<i32>} : memref<16x1024xf32, #tpu.memory_space<vmem>>, vector<1x16xf32>,
      %get3A_717 = vector.shape_cast %get3A_716 : vector<1x16xf32> to vector<16xf32>
      %mul3A_718 = vector.broadcast %squeeze3A_168 : f32 to vector<16xf32>
      %mul3A_719 = arith.mulf %get3A_717, %mul3A_718 : vector<16xf32>
      %get3A_720 = arith.constant 12 : i32
      %get3A_721 = arith.index_cast %get3A_720 : i32 to index
      %get3A_722 = arith.index_cast %mul3A_712 : i32 to index
      %get3A_723 = tpu.vector_load %arg17[%get3A_721, %get3A_722] {strides = array<i32>} : memref<16x1024xf32, #tpu.memory_space<vmem>>, vector<1x16xf32>,
      %get3A_724 = vector.shape_cast %get3A_723 : vector<1x16xf32> to vector<16xf32>
      %mul3A_725 = vector.broadcast %squeeze3A_200 : f32 to vector<16xf32>
      %mul3A_726 = arith.mulf %get3A_724, %mul3A_725 : vector<16xf32>
      %add3A_727 = arith.addf %mul3A_719, %mul3A_726 : vector<16xf32>
      %swap3A_728 = arith.constant 12 : i32
      %swap3A_729 = arith.index_cast %swap3A_728 : i32 to index
      %swap3A_730 = arith.index_cast %mul3A_712 : i32 to index
      %swap3A_731 = tpu.vector_load %arg19[%swap3A_729, %swap3A_730] {strides = array<i32>} : memref<16x1024xf32, #tpu.memory_space<vmem>>, vector<1x16xf32>,
      %swap3A_732 = vector.shape_cast %swap3A_731 : vector<1x16xf32> to vector<16xf32>
      %swap3A_733 = vector.shape_cast %add3A_727 : vector<16xf32> to vector<1x16xf32>
      tpu.vector_store %arg19[%swap3A_729, %swap3A_730], %swap3A_733 {strides = array<i32>} : memref<16x1024xf32, #tpu.memory_space<vmem>>, vector<1x16xf32>,
      %mul3A_734 = arith.constant 16 : i32
      %mul3A_735 = arith.muli %scan3A_435, %mul3A_734 : i32
      %get3A_736 = arith.constant 13 : i32
      %get3A_737 = arith.index_cast %get3A_736 : i32 to index
      %get3A_738 = arith.index_cast %mul3A_735 : i32 to index
      %get3A_739 = tpu.vector_load %arg15[%get3A_737, %get3A_738] {strides = array<i32>} : memref<16x1024xf32, #tpu.memory_space<vmem>>, vector<1x16xf32>,
      %get3A_740 = vector.shape_cast %get3A_739 : vector<1x16xf32> to vector<16xf32>
      %mul3A_741 = vector.broadcast %squeeze3A_170 : f32 to vector<16xf32>
      %mul3A_742 = arith.mulf %get3A_740, %mul3A_741 : vector<16xf32>
      %get3A_743 = arith.constant 13 : i32
      %get3A_744 = arith.index_cast %get3A_743 : i32 to index
      %get3A_745 = arith.index_cast %mul3A_735 : i32 to index
      %get3A_746 = tpu.vector_load %arg17[%get3A_744, %get3A_745] {strides = array<i32>} : memref<16x1024xf32, #tpu.memory_space<vmem>>, vector<1x16xf32>,
      %get3A_747 = vector.shape_cast %get3A_746 : vector<1x16xf32> to vector<16xf32>
      %mul3A_748 = vector.broadcast %squeeze3A_202 : f32 to vector<16xf32>
      %mul3A_749 = arith.mulf %get3A_747, %mul3A_748 : vector<16xf32>
      %add3A_750 = arith.addf %mul3A_742, %mul3A_749 : vector<16xf32>
      %swap3A_751 = arith.constant 13 : i32
      %swap3A_752 = arith.index_cast %swap3A_751 : i32 to index
      %swap3A_753 = arith.index_cast %mul3A_735 : i32 to index
      %swap3A_754 = tpu.vector_load %arg19[%swap3A_752, %swap3A_753] {strides = array<i32>} : memref<16x1024xf32, #tpu.memory_space<vmem>>, vector<1x16xf32>,
      %swap3A_755 = vector.shape_cast %swap3A_754 : vector<1x16xf32> to vector<16xf32>
      %swap3A_756 = vector.shape_cast %add3A_750 : vector<16xf32> to vector<1x16xf32>
      tpu.vector_store %arg19[%swap3A_752, %swap3A_753], %swap3A_756 {strides = array<i32>} : memref<16x1024xf32, #tpu.memory_space<vmem>>, vector<1x16xf32>,
      %mul3A_757 = arith.constant 16 : i32
      %mul3A_758 = arith.muli %scan3A_435, %mul3A_757 : i32
      %get3A_759 = arith.constant 14 : i32
      %get3A_760 = arith.index_cast %get3A_759 : i32 to index
      %get3A_761 = arith.index_cast %mul3A_758 : i32 to index
      %get3A_762 = tpu.vector_load %arg15[%get3A_760, %get3A_761] {strides = array<i32>} : memref<16x1024xf32, #tpu.memory_space<vmem>>, vector<1x16xf32>,
      %get3A_763 = vector.shape_cast %get3A_762 : vector<1x16xf32> to vector<16xf32>
      %mul3A_764 = vector.broadcast %squeeze3A_172 : f32 to vector<16xf32>
      %mul3A_765 = arith.mulf %get3A_763, %mul3A_764 : vector<16xf32>
      %get3A_766 = arith.constant 14 : i32
      %get3A_767 = arith.index_cast %get3A_766 : i32 to index
      %get3A_768 = arith.index_cast %mul3A_758 : i32 to index
      %get3A_769 = tpu.vector_load %arg17[%get3A_767, %get3A_768] {strides = array<i32>} : memref<16x1024xf32, #tpu.memory_space<vmem>>, vector<1x16xf32>,
      %get3A_770 = vector.shape_cast %get3A_769 : vector<1x16xf32> to vector<16xf32>
      %mul3A_771 = vector.broadcast %squeeze3A_204 : f32 to vector<16xf32>
      %mul3A_772 = arith.mulf %get3A_770, %mul3A_771 : vector<16xf32>
      %add3A_773 = arith.addf %mul3A_765, %mul3A_772 : vector<16xf32>
      %swap3A_774 = arith.constant 14 : i32
      %swap3A_775 = arith.index_cast %swap3A_774 : i32 to index
      %swap3A_776 = arith.index_cast %mul3A_758 : i32 to index
      %swap3A_777 = tpu.vector_load %arg19[%swap3A_775, %swap3A_776] {strides = array<i32>} : memref<16x1024xf32, #tpu.memory_space<vmem>>, vector<1x16xf32>,
      %swap3A_778 = vector.shape_cast %swap3A_777 : vector<1x16xf32> to vector<16xf32>
      %swap3A_779 = vector.shape_cast %add3A_773 : vector<16xf32> to vector<1x16xf32>
      tpu.vector_store %arg19[%swap3A_775, %swap3A_776], %swap3A_779 {strides = array<i32>} : memref<16x1024xf32, #tpu.memory_space<vmem>>, vector<1x16xf32>,
      %mul3A_780 = arith.constant 16 : i32
      %mul3A_781 = arith.muli %scan3A_435, %mul3A_780 : i32
      %get3A_782 = arith.constant 15 : i32
      %get3A_783 = arith.index_cast %get3A_782 : i32 to index
      %get3A_784 = arith.index_cast %mul3A_781 : i32 to index
      %get3A_785 = tpu.vector_load %arg15[%get3A_783, %get3A_784] {strides = array<i32>} : memref<16x1024xf32, #tpu.memory_space<vmem>>, vector<1x16xf32>,
      %get3A_786 = vector.shape_cast %get3A_785 : vector<1x16xf32> to vector<16xf32>
      %mul3A_787 = vector.broadcast %squeeze3A_174 : f32 to vector<16xf32>
      %mul3A_788 = arith.mulf %get3A_786, %mul3A_787 : vector<16xf32>
      %get3A_789 = arith.constant 15 : i32
      %get3A_790 = arith.index_cast %get3A_789 : i32 to index
      %get3A_791 = arith.index_cast %mul3A_781 : i32 to index
      %get3A_792 = tpu.vector_load %arg17[%get3A_790, %get3A_791] {strides = array<i32>} : memref<16x1024xf32, #tpu.memory_space<vmem>>, vector<1x16xf32>,
      %get3A_793 = vector.shape_cast %get3A_792 : vector<1x16xf32> to vector<16xf32>
      %mul3A_794 = vector.broadcast %squeeze3A_206 : f32 to vector<16xf32>
      %mul3A_795 = arith.mulf %get3A_793, %mul3A_794 : vector<16xf32>
      %add3A_796 = arith.addf %mul3A_788, %mul3A_795 : vector<16xf32>
      %swap3A_797 = arith.constant 15 : i32
      %swap3A_798 = arith.index_cast %swap3A_797 : i32 to index
      %swap3A_799 = arith.index_cast %mul3A_781 : i32 to index
      %swap3A_800 = tpu.vector_load %arg19[%swap3A_798, %swap3A_799] {strides = array<i32>} : memref<16x1024xf32, #tpu.memory_space<vmem>>, vector<1x16xf32>,
      %swap3A_801 = vector.shape_cast %swap3A_800 : vector<1x16xf32> to vector<16xf32>
      %swap3A_802 = vector.shape_cast %add3A_796 : vector<16xf32> to vector<1x16xf32>
      tpu.vector_store %arg19[%swap3A_798, %swap3A_799], %swap3A_802 {strides = array<i32>} : memref<16x1024xf32, #tpu.memory_space<vmem>>, vector<1x16xf32>,
    }
    %scan3A_212 = arith.constant 64 : i32
    %dma_start3A_213 = arith.constant 0 : i32
    %dma_start3A_214 = tpu.memref_slice %arg5[%add3A_116, %dma_start3A_213] : memref<2048x1024xf32, #tpu.memory_space<hbm>> -> memref<16x1024xf32, #tpu.memory_space<hbm>>
    %dma_start3A_215 = arith.constant 0 : i32
    %dma_start3A_216 = tpu.memref_slice %arg5[%add3A_116, %dma_start3A_215] : memref<2048x1024xf32, #tpu.memory_space<hbm>> -> memref<16x1024xf32, #tpu.memory_space<hbm>>
    tpu.enqueue_dma source(%arg19 : memref<16x1024xf32, #tpu.memory_space<vmem>>) target(%dma_start3A_216 : memref<16x1024xf32, #tpu.memory_space<hbm>>) target_semaphore(%arg25 : memref<!tpu.dma_semaphore, #tpu.memory_space<semaphore_mem>>)
    %mul3A_217 = arith.constant 64 : i32
    %mul3A_218 = arith.muli %add3A, %mul3A_217 : i32
    %add3A_219 = arith.constant 32 : i32
    %add3A_220 = arith.addi %mul3A_218, %add3A_219 : i32
    %mul3A_221 = arith.constant 64 : i32
    %mul3A_222 = arith.muli %add3A, %mul3A_221 : i32
    %add3A_223 = arith.constant 48 : i32
    %add3A_224 = arith.addi %mul3A_222, %add3A_223 : i32
    "tpu.region"() ({
      %run_scoped3A = tpu.sem_alloc : memref<!tpu.dma_semaphore, #tpu.memory_space<semaphore_mem>>
      %dma_start3A_435 = tpu.memref_slice %arg3[%add3A_224] : memref<4096xi32, #tpu.memory_space<hbm>> -> memref<16xi32, #tpu.memory_space<hbm>>
      %dma_start3A_436 = tpu.memref_slice %arg3[%add3A_224] : memref<4096xi32, #tpu.memory_space<hbm>> -> memref<16xi32, #tpu.memory_space<hbm>>
      tpu.enqueue_dma source(%dma_start3A_436 : memref<16xi32, #tpu.memory_space<hbm>>) target(%arg7 : memref<16xi32, #tpu.memory_space<vmem>>) target_semaphore(%run_scoped3A : memref<!tpu.dma_semaphore, #tpu.memory_space<semaphore_mem>>)
      %dma_wait3A_437 = tpu.memref_slice %arg3[%add3A_224] : memref<4096xi32, #tpu.memory_space<hbm>> -> memref<16xi32, #tpu.memory_space<hbm>>
      %dma_wait3A_438 = tpu.memref_slice %arg3[%add3A_224] : memref<4096xi32, #tpu.memory_space<hbm>> -> memref<16xi32, #tpu.memory_space<hbm>>
      tpu.wait_dma2 semaphore(%run_scoped3A : memref<!tpu.dma_semaphore, #tpu.memory_space<semaphore_mem>>) src(%dma_wait3A_438 : memref<16xi32, #tpu.memory_space<hbm>>) dst(%arg7 : memref<16xi32, #tpu.memory_space<vmem>>)
      tpu.yield
    }) : () -> ()
    %add3A_225 = arith.constant 2048 : i32
    %add3A_226 = arith.addi %add3A_225, %add3A_224 : i32
    "tpu.region"() ({
      %run_scoped3A = tpu.sem_alloc : memref<!tpu.dma_semaphore, #tpu.memory_space<semaphore_mem>>
      %dma_start3A_435 = tpu.memref_slice %arg3[%add3A_226] : memref<4096xi32, #tpu.memory_space<hbm>> -> memref<16xi32, #tpu.memory_space<hbm>>
      %dma_start3A_436 = tpu.memref_slice %arg3[%add3A_226] : memref<4096xi32, #tpu.memory_space<hbm>> -> memref<16xi32, #tpu.memory_space<hbm>>
      tpu.enqueue_dma source(%dma_start3A_436 : memref<16xi32, #tpu.memory_space<hbm>>) target(%arg9 : memref<16xi32, #tpu.memory_space<vmem>>) target_semaphore(%run_scoped3A : memref<!tpu.dma_semaphore, #tpu.memory_space<semaphore_mem>>)
      %dma_wait3A_437 = tpu.memref_slice %arg3[%add3A_226] : memref<4096xi32, #tpu.memory_space<hbm>> -> memref<16xi32, #tpu.memory_space<hbm>>
      %dma_wait3A_438 = tpu.memref_slice %arg3[%add3A_226] : memref<4096xi32, #tpu.memory_space<hbm>> -> memref<16xi32, #tpu.memory_space<hbm>>
      tpu.wait_dma2 semaphore(%run_scoped3A : memref<!tpu.dma_semaphore, #tpu.memory_space<semaphore_mem>>) src(%dma_wait3A_438 : memref<16xi32, #tpu.memory_space<hbm>>) dst(%arg9 : memref<16xi32, #tpu.memory_space<vmem>>)
      tpu.yield
    }) : () -> ()
    "tpu.region"() ({
      %run_scoped3A = tpu.sem_alloc : memref<!tpu.dma_semaphore, #tpu.memory_space<semaphore_mem>>
      %dma_start3A_435 = tpu.memref_slice %arg4[%add3A_224] : memref<4096xf32, #tpu.memory_space<hbm>> -> memref<16xf32, #tpu.memory_space<hbm>>
      %dma_start3A_436 = tpu.memref_slice %arg4[%add3A_224] : memref<4096xf32, #tpu.memory_space<hbm>> -> memref<16xf32, #tpu.memory_space<hbm>>
      tpu.enqueue_dma source(%dma_start3A_436 : memref<16xf32, #tpu.memory_space<hbm>>) target(%arg11 : memref<16xf32, #tpu.memory_space<vmem>>) target_semaphore(%run_scoped3A : memref<!tpu.dma_semaphore, #tpu.memory_space<semaphore_mem>>)
      %dma_wait3A_437 = tpu.memref_slice %arg4[%add3A_224] : memref<4096xf32, #tpu.memory_space<hbm>> -> memref<16xf32, #tpu.memory_space<hbm>>
      %dma_wait3A_438 = tpu.memref_slice %arg4[%add3A_224] : memref<4096xf32, #tpu.memory_space<hbm>> -> memref<16xf32, #tpu.memory_space<hbm>>
      tpu.wait_dma2 semaphore(%run_scoped3A : memref<!tpu.dma_semaphore, #tpu.memory_space<semaphore_mem>>) src(%dma_wait3A_438 : memref<16xf32, #tpu.memory_space<hbm>>) dst(%arg11 : memref<16xf32, #tpu.memory_space<vmem>>)
      tpu.yield
    }) : () -> ()
    %add3A_227 = arith.constant 2048 : i32
    %add3A_228 = arith.addi %add3A_227, %add3A_224 : i32
    "tpu.region"() ({
      %run_scoped3A = tpu.sem_alloc : memref<!tpu.dma_semaphore, #tpu.memory_space<semaphore_mem>>
      %dma_start3A_435 = tpu.memref_slice %arg4[%add3A_228] : memref<4096xf32, #tpu.memory_space<hbm>> -> memref<16xf32, #tpu.memory_space<hbm>>
      %dma_start3A_436 = tpu.memref_slice %arg4[%add3A_228] : memref<4096xf32, #tpu.memory_space<hbm>> -> memref<16xf32, #tpu.memory_space<hbm>>
      tpu.enqueue_dma source(%dma_start3A_436 : memref<16xf32, #tpu.memory_space<hbm>>) target(%arg13 : memref<16xf32, #tpu.memory_space<vmem>>) target_semaphore(%run_scoped3A : memref<!tpu.dma_semaphore, #tpu.memory_space<semaphore_mem>>)
      %dma_wait3A_437 = tpu.memref_slice %arg4[%add3A_228] : memref<4096xf32, #tpu.memory_space<hbm>> -> memref<16xf32, #tpu.memory_space<hbm>>
      %dma_wait3A_438 = tpu.memref_slice %arg4[%add3A_228] : memref<4096xf32, #tpu.memory_space<hbm>> -> memref<16xf32, #tpu.memory_space<hbm>>
      tpu.wait_dma2 semaphore(%run_scoped3A : memref<!tpu.dma_semaphore, #tpu.memory_space<semaphore_mem>>) src(%dma_wait3A_438 : memref<16xf32, #tpu.memory_space<hbm>>) dst(%arg13 : memref<16xf32, #tpu.memory_space<vmem>>)
      tpu.yield
    }) : () -> ()
    %dma_start3A_229 = arith.constant 0 : i32
    %dma_start3A_230 = arith.constant 0 : i32
    %dma_start3A_231 = tpu.memref_slice %arg2[%dma_start3A_229, %dma_start3A_230] : memref<6144x1024xf32, #tpu.memory_space<hbm>> -> memref<6144x1024xf32, #tpu.memory_space<hbm>>
    tpu.enqueue_indirect_dma source(%dma_start3A_231 : memref<6144x1024xf32, #tpu.memory_space<hbm>>) target(%arg15 : memref<16x1024xf32, #tpu.memory_space<vmem>>) offsets(%arg7 : memref<16xi32, #tpu.memory_space<vmem>>) semaphore(%arg21 : memref<!tpu.dma_semaphore, #tpu.memory_space<semaphore_mem>>)
    %dma_start3A_232 = arith.constant 0 : i32
    %dma_start3A_233 = arith.constant 0 : i32
    %dma_start3A_234 = tpu.memref_slice %arg2[%dma_start3A_232, %dma_start3A_233] : memref<6144x1024xf32, #tpu.memory_space<hbm>> -> memref<6144x1024xf32, #tpu.memory_space<hbm>>
    tpu.enqueue_indirect_dma source(%dma_start3A_234 : memref<6144x1024xf32, #tpu.memory_space<hbm>>) target(%arg17 : memref<16x1024xf32, #tpu.memory_space<vmem>>) offsets(%arg9 : memref<16xi32, #tpu.memory_space<vmem>>) semaphore(%arg23 : memref<!tpu.dma_semaphore, #tpu.memory_space<semaphore_mem>>)
    %dma_wait3A_235 = arith.constant 0 : i32
    %dma_wait3A_236 = arith.constant 0 : i32
    %dma_wait3A_237 = tpu.memref_slice %arg2[%dma_wait3A_235, %dma_wait3A_236] : memref<6144x1024xf32, #tpu.memory_space<hbm>> -> memref<6144x1024xf32, #tpu.memory_space<hbm>>
    tpu.wait_indirect_dma semaphore(%arg20 : memref<!tpu.dma_semaphore, #tpu.memory_space<semaphore_mem>>) src(%dma_wait3A_237 : memref<6144x1024xf32, #tpu.memory_space<hbm>>) dst(%arg14 : memref<16x1024xf32, #tpu.memory_space<vmem>>)
    %dma_wait3A_238 = arith.constant 0 : i32
    %dma_wait3A_239 = arith.constant 0 : i32
    %dma_wait3A_240 = tpu.memref_slice %arg2[%dma_wait3A_238, %dma_wait3A_239] : memref<6144x1024xf32, #tpu.memory_space<hbm>> -> memref<6144x1024xf32, #tpu.memory_space<hbm>>
    tpu.wait_indirect_dma semaphore(%arg22 : memref<!tpu.dma_semaphore, #tpu.memory_space<semaphore_mem>>) src(%dma_wait3A_240 : memref<6144x1024xf32, #tpu.memory_space<hbm>>) dst(%arg16 : memref<16x1024xf32, #tpu.memory_space<vmem>>)
    %dma_wait3A_241 = arith.constant 0 : i32
    %dma_wait3A_242 = tpu.memref_slice %arg5[%add3A_220, %dma_wait3A_241] : memref<2048x1024xf32, #tpu.memory_space<hbm>> -> memref<16x1024xf32, #tpu.memory_space<hbm>>
    %dma_wait3A_243 = arith.constant 0 : i32
    %dma_wait3A_244 = tpu.memref_slice %arg5[%add3A_220, %dma_wait3A_243] : memref<2048x1024xf32, #tpu.memory_space<hbm>> -> memref<16x1024xf32, #tpu.memory_space<hbm>>
    tpu.wait_dma2 semaphore(%arg24 : memref<!tpu.dma_semaphore, #tpu.memory_space<semaphore_mem>>) src(%arg18 : memref<16x1024xf32, #tpu.memory_space<vmem>>) dst(%dma_wait3A_244 : memref<16x1024xf32, #tpu.memory_space<hbm>>)
    %get3A_245 = arith.constant 0 : index
    %get3A_246 = tpu.vector_load %arg10[%get3A_245] {strides = array<i32>} : memref<16xf32, #tpu.memory_space<vmem>>, vector<16xf32>,
    %get3A_247 = vector.shape_cast %get3A_246 : vector<16xf32> to vector<16xf32>
    %get3A_248 = arith.constant 0 : index
    %get3A_249 = tpu.vector_load %arg12[%get3A_248] {strides = array<i32>} : memref<16xf32, #tpu.memory_space<vmem>>, vector<16xf32>,
    %get3A_250 = vector.shape_cast %get3A_249 : vector<16xf32> to vector<16xf32>
    %slice3A_251 = vector.extract_strided_slice %get3A_247 {offsets = [0], sizes = [1], strides = [1]} : vector<16xf32> to vector<1xf32>
    %squeeze3A_252 = vector.extract %slice3A_251[0] : f32 from vector<1xf32>
    %slice3A_253 = vector.extract_strided_slice %get3A_247 {offsets = [1], sizes = [1], strides = [1]} : vector<16xf32> to vector<1xf32>
    %squeeze3A_254 = vector.extract %slice3A_253[0] : f32 from vector<1xf32>
    %slice3A_255 = vector.extract_strided_slice %get3A_247 {offsets = [2], sizes = [1], strides = [1]} : vector<16xf32> to vector<1xf32>
    %squeeze3A_256 = vector.extract %slice3A_255[0] : f32 from vector<1xf32>
    %slice3A_257 = vector.extract_strided_slice %get3A_247 {offsets = [3], sizes = [1], strides = [1]} : vector<16xf32> to vector<1xf32>
    %squeeze3A_258 = vector.extract %slice3A_257[0] : f32 from vector<1xf32>
    %slice3A_259 = vector.extract_strided_slice %get3A_247 {offsets = [4], sizes = [1], strides = [1]} : vector<16xf32> to vector<1xf32>
    %squeeze3A_260 = vector.extract %slice3A_259[0] : f32 from vector<1xf32>
    %slice3A_261 = vector.extract_strided_slice %get3A_247 {offsets = [5], sizes = [1], strides = [1]} : vector<16xf32> to vector<1xf32>
    %squeeze3A_262 = vector.extract %slice3A_261[0] : f32 from vector<1xf32>
    %slice3A_263 = vector.extract_strided_slice %get3A_247 {offsets = [6], sizes = [1], strides = [1]} : vector<16xf32> to vector<1xf32>
    %squeeze3A_264 = vector.extract %slice3A_263[0] : f32 from vector<1xf32>
    %slice3A_265 = vector.extract_strided_slice %get3A_247 {offsets = [7], sizes = [1], strides = [1]} : vector<16xf32> to vector<1xf32>
    %squeeze3A_266 = vector.extract %slice3A_265[0] : f32 from vector<1xf32>
    %slice3A_267 = vector.extract_strided_slice %get3A_247 {offsets = [8], sizes = [1], strides = [1]} : vector<16xf32> to vector<1xf32>
    %squeeze3A_268 = vector.extract %slice3A_267[0] : f32 from vector<1xf32>
    %slice3A_269 = vector.extract_strided_slice %get3A_247 {offsets = [9], sizes = [1], strides = [1]} : vector<16xf32> to vector<1xf32>
    %squeeze3A_270 = vector.extract %slice3A_269[0] : f32 from vector<1xf32>
    %slice3A_271 = vector.extract_strided_slice %get3A_247 {offsets = [10], sizes = [1], strides = [1]} : vector<16xf32> to vector<1xf32>
    %squeeze3A_272 = vector.extract %slice3A_271[0] : f32 from vector<1xf32>
    %slice3A_273 = vector.extract_strided_slice %get3A_247 {offsets = [11], sizes = [1], strides = [1]} : vector<16xf32> to vector<1xf32>
    %squeeze3A_274 = vector.extract %slice3A_273[0] : f32 from vector<1xf32>
    %slice3A_275 = vector.extract_strided_slice %get3A_247 {offsets = [12], sizes = [1], strides = [1]} : vector<16xf32> to vector<1xf32>
    %squeeze3A_276 = vector.extract %slice3A_275[0] : f32 from vector<1xf32>
    %slice3A_277 = vector.extract_strided_slice %get3A_247 {offsets = [13], sizes = [1], strides = [1]} : vector<16xf32> to vector<1xf32>
    %squeeze3A_278 = vector.extract %slice3A_277[0] : f32 from vector<1xf32>
    %slice3A_279 = vector.extract_strided_slice %get3A_247 {offsets = [14], sizes = [1], strides = [1]} : vector<16xf32> to vector<1xf32>
    %squeeze3A_280 = vector.extract %slice3A_279[0] : f32 from vector<1xf32>
    %slice3A_281 = vector.extract_strided_slice %get3A_247 {offsets = [15], sizes = [1], strides = [1]} : vector<16xf32> to vector<1xf32>
    %squeeze3A_282 = vector.extract %slice3A_281[0] : f32 from vector<1xf32>
    %slice3A_283 = vector.extract_strided_slice %get3A_250 {offsets = [0], sizes = [1], strides = [1]} : vector<16xf32> to vector<1xf32>
    %squeeze3A_284 = vector.extract %slice3A_283[0] : f32 from vector<1xf32>
    %slice3A_285 = vector.extract_strided_slice %get3A_250 {offsets = [1], sizes = [1], strides = [1]} : vector<16xf32> to vector<1xf32>
    %squeeze3A_286 = vector.extract %slice3A_285[0] : f32 from vector<1xf32>
    %slice3A_287 = vector.extract_strided_slice %get3A_250 {offsets = [2], sizes = [1], strides = [1]} : vector<16xf32> to vector<1xf32>
    %squeeze3A_288 = vector.extract %slice3A_287[0] : f32 from vector<1xf32>
    %slice3A_289 = vector.extract_strided_slice %get3A_250 {offsets = [3], sizes = [1], strides = [1]} : vector<16xf32> to vector<1xf32>
    %squeeze3A_290 = vector.extract %slice3A_289[0] : f32 from vector<1xf32>
    %slice3A_291 = vector.extract_strided_slice %get3A_250 {offsets = [4], sizes = [1], strides = [1]} : vector<16xf32> to vector<1xf32>
    %squeeze3A_292 = vector.extract %slice3A_291[0] : f32 from vector<1xf32>
    %slice3A_293 = vector.extract_strided_slice %get3A_250 {offsets = [5], sizes = [1], strides = [1]} : vector<16xf32> to vector<1xf32>
    %squeeze3A_294 = vector.extract %slice3A_293[0] : f32 from vector<1xf32>
    %slice3A_295 = vector.extract_strided_slice %get3A_250 {offsets = [6], sizes = [1], strides = [1]} : vector<16xf32> to vector<1xf32>
    %squeeze3A_296 = vector.extract %slice3A_295[0] : f32 from vector<1xf32>
    %slice3A_297 = vector.extract_strided_slice %get3A_250 {offsets = [7], sizes = [1], strides = [1]} : vector<16xf32> to vector<1xf32>
    %squeeze3A_298 = vector.extract %slice3A_297[0] : f32 from vector<1xf32>
    %slice3A_299 = vector.extract_strided_slice %get3A_250 {offsets = [8], sizes = [1], strides = [1]} : vector<16xf32> to vector<1xf32>
    %squeeze3A_300 = vector.extract %slice3A_299[0] : f32 from vector<1xf32>
    %slice3A_301 = vector.extract_strided_slice %get3A_250 {offsets = [9], sizes = [1], strides = [1]} : vector<16xf32> to vector<1xf32>
    %squeeze3A_302 = vector.extract %slice3A_301[0] : f32 from vector<1xf32>
    %slice3A_303 = vector.extract_strided_slice %get3A_250 {offsets = [10], sizes = [1], strides = [1]} : vector<16xf32> to vector<1xf32>
    %squeeze3A_304 = vector.extract %slice3A_303[0] : f32 from vector<1xf32>
    %slice3A_305 = vector.extract_strided_slice %get3A_250 {offsets = [11], sizes = [1], strides = [1]} : vector<16xf32> to vector<1xf32>
    %squeeze3A_306 = vector.extract %slice3A_305[0] : f32 from vector<1xf32>
    %slice3A_307 = vector.extract_strided_slice %get3A_250 {offsets = [12], sizes = [1], strides = [1]} : vector<16xf32> to vector<1xf32>
    %squeeze3A_308 = vector.extract %slice3A_307[0] : f32 from vector<1xf32>
    %slice3A_309 = vector.extract_strided_slice %get3A_250 {offsets = [13], sizes = [1], strides = [1]} : vector<16xf32> to vector<1xf32>
    %squeeze3A_310 = vector.extract %slice3A_309[0] : f32 from vector<1xf32>
    %slice3A_311 = vector.extract_strided_slice %get3A_250 {offsets = [14], sizes = [1], strides = [1]} : vector<16xf32> to vector<1xf32>
    %squeeze3A_312 = vector.extract %slice3A_311[0] : f32 from vector<1xf32>
    %slice3A_313 = vector.extract_strided_slice %get3A_250 {offsets = [15], sizes = [1], strides = [1]} : vector<16xf32> to vector<1xf32>
    %squeeze3A_314 = vector.extract %slice3A_313[0] : f32 from vector<1xf32>
    %scan3A_315 = arith.constant 0 : i32
    %scan3A_316 = arith.constant 0 : i32
    %scan3A_317 = arith.constant 64 : i32
    %scan3A_318 = arith.addi %scan3A_316, %scan3A_317 : i32
    %scan3A_319 = arith.constant 1 : i32
    scf.for %scan3A_435 = %scan3A_316 to %scan3A_318 step %scan3A_319  : i32 {
      %mul3A_436 = arith.constant 16 : i32
      %mul3A_437 = arith.muli %scan3A_435, %mul3A_436 : i32
      %get3A_438 = arith.constant 0 : i32
      %get3A_439 = arith.index_cast %get3A_438 : i32 to index
      %get3A_440 = arith.index_cast %mul3A_437 : i32 to index
      %get3A_441 = tpu.vector_load %arg14[%get3A_439, %get3A_440] {strides = array<i32>} : memref<16x1024xf32, #tpu.memory_space<vmem>>, vector<1x16xf32>,
      %get3A_442 = vector.shape_cast %get3A_441 : vector<1x16xf32> to vector<16xf32>
      %mul3A_443 = vector.broadcast %squeeze3A_252 : f32 to vector<16xf32>
      %mul3A_444 = arith.mulf %get3A_442, %mul3A_443 : vector<16xf32>
      %get3A_445 = arith.constant 0 : i32
      %get3A_446 = arith.index_cast %get3A_445 : i32 to index
      %get3A_447 = arith.index_cast %mul3A_437 : i32 to index
      %get3A_448 = tpu.vector_load %arg16[%get3A_446, %get3A_447] {strides = array<i32>} : memref<16x1024xf32, #tpu.memory_space<vmem>>, vector<1x16xf32>,
      %get3A_449 = vector.shape_cast %get3A_448 : vector<1x16xf32> to vector<16xf32>
      %mul3A_450 = vector.broadcast %squeeze3A_284 : f32 to vector<16xf32>
      %mul3A_451 = arith.mulf %get3A_449, %mul3A_450 : vector<16xf32>
      %add3A_452 = arith.addf %mul3A_444, %mul3A_451 : vector<16xf32>
      %swap3A = arith.constant 0 : i32
      %swap3A_453 = arith.index_cast %swap3A : i32 to index
      %swap3A_454 = arith.index_cast %mul3A_437 : i32 to index
      %swap3A_455 = tpu.vector_load %arg18[%swap3A_453, %swap3A_454] {strides = array<i32>} : memref<16x1024xf32, #tpu.memory_space<vmem>>, vector<1x16xf32>,
      %swap3A_456 = vector.shape_cast %swap3A_455 : vector<1x16xf32> to vector<16xf32>
      %swap3A_457 = vector.shape_cast %add3A_452 : vector<16xf32> to vector<1x16xf32>
      tpu.vector_store %arg18[%swap3A_453, %swap3A_454], %swap3A_457 {strides = array<i32>} : memref<16x1024xf32, #tpu.memory_space<vmem>>, vector<1x16xf32>,
      %mul3A_458 = arith.constant 16 : i32
      %mul3A_459 = arith.muli %scan3A_435, %mul3A_458 : i32
      %get3A_460 = arith.constant 1 : i32
      %get3A_461 = arith.index_cast %get3A_460 : i32 to index
      %get3A_462 = arith.index_cast %mul3A_459 : i32 to index
      %get3A_463 = tpu.vector_load %arg14[%get3A_461, %get3A_462] {strides = array<i32>} : memref<16x1024xf32, #tpu.memory_space<vmem>>, vector<1x16xf32>,
      %get3A_464 = vector.shape_cast %get3A_463 : vector<1x16xf32> to vector<16xf32>
      %mul3A_465 = vector.broadcast %squeeze3A_254 : f32 to vector<16xf32>
      %mul3A_466 = arith.mulf %get3A_464, %mul3A_465 : vector<16xf32>
      %get3A_467 = arith.constant 1 : i32
      %get3A_468 = arith.index_cast %get3A_467 : i32 to index
      %get3A_469 = arith.index_cast %mul3A_459 : i32 to index
      %get3A_470 = tpu.vector_load %arg16[%get3A_468, %get3A_469] {strides = array<i32>} : memref<16x1024xf32, #tpu.memory_space<vmem>>, vector<1x16xf32>,
      %get3A_471 = vector.shape_cast %get3A_470 : vector<1x16xf32> to vector<16xf32>
      %mul3A_472 = vector.broadcast %squeeze3A_286 : f32 to vector<16xf32>
      %mul3A_473 = arith.mulf %get3A_471, %mul3A_472 : vector<16xf32>
      %add3A_474 = arith.addf %mul3A_466, %mul3A_473 : vector<16xf32>
      %swap3A_475 = arith.constant 1 : i32
      %swap3A_476 = arith.index_cast %swap3A_475 : i32 to index
      %swap3A_477 = arith.index_cast %mul3A_459 : i32 to index
      %swap3A_478 = tpu.vector_load %arg18[%swap3A_476, %swap3A_477] {strides = array<i32>} : memref<16x1024xf32, #tpu.memory_space<vmem>>, vector<1x16xf32>,
      %swap3A_479 = vector.shape_cast %swap3A_478 : vector<1x16xf32> to vector<16xf32>
      %swap3A_480 = vector.shape_cast %add3A_474 : vector<16xf32> to vector<1x16xf32>
      tpu.vector_store %arg18[%swap3A_476, %swap3A_477], %swap3A_480 {strides = array<i32>} : memref<16x1024xf32, #tpu.memory_space<vmem>>, vector<1x16xf32>,
      %mul3A_481 = arith.constant 16 : i32
      %mul3A_482 = arith.muli %scan3A_435, %mul3A_481 : i32
      %get3A_483 = arith.constant 2 : i32
      %get3A_484 = arith.index_cast %get3A_483 : i32 to index
      %get3A_485 = arith.index_cast %mul3A_482 : i32 to index
      %get3A_486 = tpu.vector_load %arg14[%get3A_484, %get3A_485] {strides = array<i32>} : memref<16x1024xf32, #tpu.memory_space<vmem>>, vector<1x16xf32>,
      %get3A_487 = vector.shape_cast %get3A_486 : vector<1x16xf32> to vector<16xf32>
      %mul3A_488 = vector.broadcast %squeeze3A_256 : f32 to vector<16xf32>
      %mul3A_489 = arith.mulf %get3A_487, %mul3A_488 : vector<16xf32>
      %get3A_490 = arith.constant 2 : i32
      %get3A_491 = arith.index_cast %get3A_490 : i32 to index
      %get3A_492 = arith.index_cast %mul3A_482 : i32 to index
      %get3A_493 = tpu.vector_load %arg16[%get3A_491, %get3A_492] {strides = array<i32>} : memref<16x1024xf32, #tpu.memory_space<vmem>>, vector<1x16xf32>,
      %get3A_494 = vector.shape_cast %get3A_493 : vector<1x16xf32> to vector<16xf32>
      %mul3A_495 = vector.broadcast %squeeze3A_288 : f32 to vector<16xf32>
      %mul3A_496 = arith.mulf %get3A_494, %mul3A_495 : vector<16xf32>
      %add3A_497 = arith.addf %mul3A_489, %mul3A_496 : vector<16xf32>
      %swap3A_498 = arith.constant 2 : i32
      %swap3A_499 = arith.index_cast %swap3A_498 : i32 to index
      %swap3A_500 = arith.index_cast %mul3A_482 : i32 to index
      %swap3A_501 = tpu.vector_load %arg18[%swap3A_499, %swap3A_500] {strides = array<i32>} : memref<16x1024xf32, #tpu.memory_space<vmem>>, vector<1x16xf32>,
      %swap3A_502 = vector.shape_cast %swap3A_501 : vector<1x16xf32> to vector<16xf32>
      %swap3A_503 = vector.shape_cast %add3A_497 : vector<16xf32> to vector<1x16xf32>
      tpu.vector_store %arg18[%swap3A_499, %swap3A_500], %swap3A_503 {strides = array<i32>} : memref<16x1024xf32, #tpu.memory_space<vmem>>, vector<1x16xf32>,
      %mul3A_504 = arith.constant 16 : i32
      %mul3A_505 = arith.muli %scan3A_435, %mul3A_504 : i32
      %get3A_506 = arith.constant 3 : i32
      %get3A_507 = arith.index_cast %get3A_506 : i32 to index
      %get3A_508 = arith.index_cast %mul3A_505 : i32 to index
      %get3A_509 = tpu.vector_load %arg14[%get3A_507, %get3A_508] {strides = array<i32>} : memref<16x1024xf32, #tpu.memory_space<vmem>>, vector<1x16xf32>,
      %get3A_510 = vector.shape_cast %get3A_509 : vector<1x16xf32> to vector<16xf32>
      %mul3A_511 = vector.broadcast %squeeze3A_258 : f32 to vector<16xf32>
      %mul3A_512 = arith.mulf %get3A_510, %mul3A_511 : vector<16xf32>
      %get3A_513 = arith.constant 3 : i32
      %get3A_514 = arith.index_cast %get3A_513 : i32 to index
      %get3A_515 = arith.index_cast %mul3A_505 : i32 to index
      %get3A_516 = tpu.vector_load %arg16[%get3A_514, %get3A_515] {strides = array<i32>} : memref<16x1024xf32, #tpu.memory_space<vmem>>, vector<1x16xf32>,
      %get3A_517 = vector.shape_cast %get3A_516 : vector<1x16xf32> to vector<16xf32>
      %mul3A_518 = vector.broadcast %squeeze3A_290 : f32 to vector<16xf32>
      %mul3A_519 = arith.mulf %get3A_517, %mul3A_518 : vector<16xf32>
      %add3A_520 = arith.addf %mul3A_512, %mul3A_519 : vector<16xf32>
      %swap3A_521 = arith.constant 3 : i32
      %swap3A_522 = arith.index_cast %swap3A_521 : i32 to index
      %swap3A_523 = arith.index_cast %mul3A_505 : i32 to index
      %swap3A_524 = tpu.vector_load %arg18[%swap3A_522, %swap3A_523] {strides = array<i32>} : memref<16x1024xf32, #tpu.memory_space<vmem>>, vector<1x16xf32>,
      %swap3A_525 = vector.shape_cast %swap3A_524 : vector<1x16xf32> to vector<16xf32>
      %swap3A_526 = vector.shape_cast %add3A_520 : vector<16xf32> to vector<1x16xf32>
      tpu.vector_store %arg18[%swap3A_522, %swap3A_523], %swap3A_526 {strides = array<i32>} : memref<16x1024xf32, #tpu.memory_space<vmem>>, vector<1x16xf32>,
      %mul3A_527 = arith.constant 16 : i32
      %mul3A_528 = arith.muli %scan3A_435, %mul3A_527 : i32
      %get3A_529 = arith.constant 4 : i32
      %get3A_530 = arith.index_cast %get3A_529 : i32 to index
      %get3A_531 = arith.index_cast %mul3A_528 : i32 to index
      %get3A_532 = tpu.vector_load %arg14[%get3A_530, %get3A_531] {strides = array<i32>} : memref<16x1024xf32, #tpu.memory_space<vmem>>, vector<1x16xf32>,
      %get3A_533 = vector.shape_cast %get3A_532 : vector<1x16xf32> to vector<16xf32>
      %mul3A_534 = vector.broadcast %squeeze3A_260 : f32 to vector<16xf32>
      %mul3A_535 = arith.mulf %get3A_533, %mul3A_534 : vector<16xf32>
      %get3A_536 = arith.constant 4 : i32
      %get3A_537 = arith.index_cast %get3A_536 : i32 to index
      %get3A_538 = arith.index_cast %mul3A_528 : i32 to index
      %get3A_539 = tpu.vector_load %arg16[%get3A_537, %get3A_538] {strides = array<i32>} : memref<16x1024xf32, #tpu.memory_space<vmem>>, vector<1x16xf32>,
      %get3A_540 = vector.shape_cast %get3A_539 : vector<1x16xf32> to vector<16xf32>
      %mul3A_541 = vector.broadcast %squeeze3A_292 : f32 to vector<16xf32>
      %mul3A_542 = arith.mulf %get3A_540, %mul3A_541 : vector<16xf32>
      %add3A_543 = arith.addf %mul3A_535, %mul3A_542 : vector<16xf32>
      %swap3A_544 = arith.constant 4 : i32
      %swap3A_545 = arith.index_cast %swap3A_544 : i32 to index
      %swap3A_546 = arith.index_cast %mul3A_528 : i32 to index
      %swap3A_547 = tpu.vector_load %arg18[%swap3A_545, %swap3A_546] {strides = array<i32>} : memref<16x1024xf32, #tpu.memory_space<vmem>>, vector<1x16xf32>,
      %swap3A_548 = vector.shape_cast %swap3A_547 : vector<1x16xf32> to vector<16xf32>
      %swap3A_549 = vector.shape_cast %add3A_543 : vector<16xf32> to vector<1x16xf32>
      tpu.vector_store %arg18[%swap3A_545, %swap3A_546], %swap3A_549 {strides = array<i32>} : memref<16x1024xf32, #tpu.memory_space<vmem>>, vector<1x16xf32>,
      %mul3A_550 = arith.constant 16 : i32
      %mul3A_551 = arith.muli %scan3A_435, %mul3A_550 : i32
      %get3A_552 = arith.constant 5 : i32
      %get3A_553 = arith.index_cast %get3A_552 : i32 to index
      %get3A_554 = arith.index_cast %mul3A_551 : i32 to index
      %get3A_555 = tpu.vector_load %arg14[%get3A_553, %get3A_554] {strides = array<i32>} : memref<16x1024xf32, #tpu.memory_space<vmem>>, vector<1x16xf32>,
      %get3A_556 = vector.shape_cast %get3A_555 : vector<1x16xf32> to vector<16xf32>
      %mul3A_557 = vector.broadcast %squeeze3A_262 : f32 to vector<16xf32>
      %mul3A_558 = arith.mulf %get3A_556, %mul3A_557 : vector<16xf32>
      %get3A_559 = arith.constant 5 : i32
      %get3A_560 = arith.index_cast %get3A_559 : i32 to index
      %get3A_561 = arith.index_cast %mul3A_551 : i32 to index
      %get3A_562 = tpu.vector_load %arg16[%get3A_560, %get3A_561] {strides = array<i32>} : memref<16x1024xf32, #tpu.memory_space<vmem>>, vector<1x16xf32>,
      %get3A_563 = vector.shape_cast %get3A_562 : vector<1x16xf32> to vector<16xf32>
      %mul3A_564 = vector.broadcast %squeeze3A_294 : f32 to vector<16xf32>
      %mul3A_565 = arith.mulf %get3A_563, %mul3A_564 : vector<16xf32>
      %add3A_566 = arith.addf %mul3A_558, %mul3A_565 : vector<16xf32>
      %swap3A_567 = arith.constant 5 : i32
      %swap3A_568 = arith.index_cast %swap3A_567 : i32 to index
      %swap3A_569 = arith.index_cast %mul3A_551 : i32 to index
      %swap3A_570 = tpu.vector_load %arg18[%swap3A_568, %swap3A_569] {strides = array<i32>} : memref<16x1024xf32, #tpu.memory_space<vmem>>, vector<1x16xf32>,
      %swap3A_571 = vector.shape_cast %swap3A_570 : vector<1x16xf32> to vector<16xf32>
      %swap3A_572 = vector.shape_cast %add3A_566 : vector<16xf32> to vector<1x16xf32>
      tpu.vector_store %arg18[%swap3A_568, %swap3A_569], %swap3A_572 {strides = array<i32>} : memref<16x1024xf32, #tpu.memory_space<vmem>>, vector<1x16xf32>,
      %mul3A_573 = arith.constant 16 : i32
      %mul3A_574 = arith.muli %scan3A_435, %mul3A_573 : i32
      %get3A_575 = arith.constant 6 : i32
      %get3A_576 = arith.index_cast %get3A_575 : i32 to index
      %get3A_577 = arith.index_cast %mul3A_574 : i32 to index
      %get3A_578 = tpu.vector_load %arg14[%get3A_576, %get3A_577] {strides = array<i32>} : memref<16x1024xf32, #tpu.memory_space<vmem>>, vector<1x16xf32>,
      %get3A_579 = vector.shape_cast %get3A_578 : vector<1x16xf32> to vector<16xf32>
      %mul3A_580 = vector.broadcast %squeeze3A_264 : f32 to vector<16xf32>
      %mul3A_581 = arith.mulf %get3A_579, %mul3A_580 : vector<16xf32>
      %get3A_582 = arith.constant 6 : i32
      %get3A_583 = arith.index_cast %get3A_582 : i32 to index
      %get3A_584 = arith.index_cast %mul3A_574 : i32 to index
      %get3A_585 = tpu.vector_load %arg16[%get3A_583, %get3A_584] {strides = array<i32>} : memref<16x1024xf32, #tpu.memory_space<vmem>>, vector<1x16xf32>,
      %get3A_586 = vector.shape_cast %get3A_585 : vector<1x16xf32> to vector<16xf32>
      %mul3A_587 = vector.broadcast %squeeze3A_296 : f32 to vector<16xf32>
      %mul3A_588 = arith.mulf %get3A_586, %mul3A_587 : vector<16xf32>
      %add3A_589 = arith.addf %mul3A_581, %mul3A_588 : vector<16xf32>
      %swap3A_590 = arith.constant 6 : i32
      %swap3A_591 = arith.index_cast %swap3A_590 : i32 to index
      %swap3A_592 = arith.index_cast %mul3A_574 : i32 to index
      %swap3A_593 = tpu.vector_load %arg18[%swap3A_591, %swap3A_592] {strides = array<i32>} : memref<16x1024xf32, #tpu.memory_space<vmem>>, vector<1x16xf32>,
      %swap3A_594 = vector.shape_cast %swap3A_593 : vector<1x16xf32> to vector<16xf32>
      %swap3A_595 = vector.shape_cast %add3A_589 : vector<16xf32> to vector<1x16xf32>
      tpu.vector_store %arg18[%swap3A_591, %swap3A_592], %swap3A_595 {strides = array<i32>} : memref<16x1024xf32, #tpu.memory_space<vmem>>, vector<1x16xf32>,
      %mul3A_596 = arith.constant 16 : i32
      %mul3A_597 = arith.muli %scan3A_435, %mul3A_596 : i32
      %get3A_598 = arith.constant 7 : i32
      %get3A_599 = arith.index_cast %get3A_598 : i32 to index
      %get3A_600 = arith.index_cast %mul3A_597 : i32 to index
      %get3A_601 = tpu.vector_load %arg14[%get3A_599, %get3A_600] {strides = array<i32>} : memref<16x1024xf32, #tpu.memory_space<vmem>>, vector<1x16xf32>,
      %get3A_602 = vector.shape_cast %get3A_601 : vector<1x16xf32> to vector<16xf32>
      %mul3A_603 = vector.broadcast %squeeze3A_266 : f32 to vector<16xf32>
      %mul3A_604 = arith.mulf %get3A_602, %mul3A_603 : vector<16xf32>
      %get3A_605 = arith.constant 7 : i32
      %get3A_606 = arith.index_cast %get3A_605 : i32 to index
      %get3A_607 = arith.index_cast %mul3A_597 : i32 to index
      %get3A_608 = tpu.vector_load %arg16[%get3A_606, %get3A_607] {strides = array<i32>} : memref<16x1024xf32, #tpu.memory_space<vmem>>, vector<1x16xf32>,
      %get3A_609 = vector.shape_cast %get3A_608 : vector<1x16xf32> to vector<16xf32>
      %mul3A_610 = vector.broadcast %squeeze3A_298 : f32 to vector<16xf32>
      %mul3A_611 = arith.mulf %get3A_609, %mul3A_610 : vector<16xf32>
      %add3A_612 = arith.addf %mul3A_604, %mul3A_611 : vector<16xf32>
      %swap3A_613 = arith.constant 7 : i32
      %swap3A_614 = arith.index_cast %swap3A_613 : i32 to index
      %swap3A_615 = arith.index_cast %mul3A_597 : i32 to index
      %swap3A_616 = tpu.vector_load %arg18[%swap3A_614, %swap3A_615] {strides = array<i32>} : memref<16x1024xf32, #tpu.memory_space<vmem>>, vector<1x16xf32>,
      %swap3A_617 = vector.shape_cast %swap3A_616 : vector<1x16xf32> to vector<16xf32>
      %swap3A_618 = vector.shape_cast %add3A_612 : vector<16xf32> to vector<1x16xf32>
      tpu.vector_store %arg18[%swap3A_614, %swap3A_615], %swap3A_618 {strides = array<i32>} : memref<16x1024xf32, #tpu.memory_space<vmem>>, vector<1x16xf32>,
      %mul3A_619 = arith.constant 16 : i32
      %mul3A_620 = arith.muli %scan3A_435, %mul3A_619 : i32
      %get3A_621 = arith.constant 8 : i32
      %get3A_622 = arith.index_cast %get3A_621 : i32 to index
      %get3A_623 = arith.index_cast %mul3A_620 : i32 to index
      %get3A_624 = tpu.vector_load %arg14[%get3A_622, %get3A_623] {strides = array<i32>} : memref<16x1024xf32, #tpu.memory_space<vmem>>, vector<1x16xf32>,
      %get3A_625 = vector.shape_cast %get3A_624 : vector<1x16xf32> to vector<16xf32>
      %mul3A_626 = vector.broadcast %squeeze3A_268 : f32 to vector<16xf32>
      %mul3A_627 = arith.mulf %get3A_625, %mul3A_626 : vector<16xf32>
      %get3A_628 = arith.constant 8 : i32
      %get3A_629 = arith.index_cast %get3A_628 : i32 to index
      %get3A_630 = arith.index_cast %mul3A_620 : i32 to index
      %get3A_631 = tpu.vector_load %arg16[%get3A_629, %get3A_630] {strides = array<i32>} : memref<16x1024xf32, #tpu.memory_space<vmem>>, vector<1x16xf32>,
      %get3A_632 = vector.shape_cast %get3A_631 : vector<1x16xf32> to vector<16xf32>
      %mul3A_633 = vector.broadcast %squeeze3A_300 : f32 to vector<16xf32>
      %mul3A_634 = arith.mulf %get3A_632, %mul3A_633 : vector<16xf32>
      %add3A_635 = arith.addf %mul3A_627, %mul3A_634 : vector<16xf32>
      %swap3A_636 = arith.constant 8 : i32
      %swap3A_637 = arith.index_cast %swap3A_636 : i32 to index
      %swap3A_638 = arith.index_cast %mul3A_620 : i32 to index
      %swap3A_639 = tpu.vector_load %arg18[%swap3A_637, %swap3A_638] {strides = array<i32>} : memref<16x1024xf32, #tpu.memory_space<vmem>>, vector<1x16xf32>,
      %swap3A_640 = vector.shape_cast %swap3A_639 : vector<1x16xf32> to vector<16xf32>
      %swap3A_641 = vector.shape_cast %add3A_635 : vector<16xf32> to vector<1x16xf32>
      tpu.vector_store %arg18[%swap3A_637, %swap3A_638], %swap3A_641 {strides = array<i32>} : memref<16x1024xf32, #tpu.memory_space<vmem>>, vector<1x16xf32>,
      %mul3A_642 = arith.constant 16 : i32
      %mul3A_643 = arith.muli %scan3A_435, %mul3A_642 : i32
      %get3A_644 = arith.constant 9 : i32
      %get3A_645 = arith.index_cast %get3A_644 : i32 to index
      %get3A_646 = arith.index_cast %mul3A_643 : i32 to index
      %get3A_647 = tpu.vector_load %arg14[%get3A_645, %get3A_646] {strides = array<i32>} : memref<16x1024xf32, #tpu.memory_space<vmem>>, vector<1x16xf32>,
      %get3A_648 = vector.shape_cast %get3A_647 : vector<1x16xf32> to vector<16xf32>
      %mul3A_649 = vector.broadcast %squeeze3A_270 : f32 to vector<16xf32>
      %mul3A_650 = arith.mulf %get3A_648, %mul3A_649 : vector<16xf32>
      %get3A_651 = arith.constant 9 : i32
      %get3A_652 = arith.index_cast %get3A_651 : i32 to index
      %get3A_653 = arith.index_cast %mul3A_643 : i32 to index
      %get3A_654 = tpu.vector_load %arg16[%get3A_652, %get3A_653] {strides = array<i32>} : memref<16x1024xf32, #tpu.memory_space<vmem>>, vector<1x16xf32>,
      %get3A_655 = vector.shape_cast %get3A_654 : vector<1x16xf32> to vector<16xf32>
      %mul3A_656 = vector.broadcast %squeeze3A_302 : f32 to vector<16xf32>
      %mul3A_657 = arith.mulf %get3A_655, %mul3A_656 : vector<16xf32>
      %add3A_658 = arith.addf %mul3A_650, %mul3A_657 : vector<16xf32>
      %swap3A_659 = arith.constant 9 : i32
      %swap3A_660 = arith.index_cast %swap3A_659 : i32 to index
      %swap3A_661 = arith.index_cast %mul3A_643 : i32 to index
      %swap3A_662 = tpu.vector_load %arg18[%swap3A_660, %swap3A_661] {strides = array<i32>} : memref<16x1024xf32, #tpu.memory_space<vmem>>, vector<1x16xf32>,
      %swap3A_663 = vector.shape_cast %swap3A_662 : vector<1x16xf32> to vector<16xf32>
      %swap3A_664 = vector.shape_cast %add3A_658 : vector<16xf32> to vector<1x16xf32>
      tpu.vector_store %arg18[%swap3A_660, %swap3A_661], %swap3A_664 {strides = array<i32>} : memref<16x1024xf32, #tpu.memory_space<vmem>>, vector<1x16xf32>,
      %mul3A_665 = arith.constant 16 : i32
      %mul3A_666 = arith.muli %scan3A_435, %mul3A_665 : i32
      %get3A_667 = arith.constant 10 : i32
      %get3A_668 = arith.index_cast %get3A_667 : i32 to index
      %get3A_669 = arith.index_cast %mul3A_666 : i32 to index
      %get3A_670 = tpu.vector_load %arg14[%get3A_668, %get3A_669] {strides = array<i32>} : memref<16x1024xf32, #tpu.memory_space<vmem>>, vector<1x16xf32>,
      %get3A_671 = vector.shape_cast %get3A_670 : vector<1x16xf32> to vector<16xf32>
      %mul3A_672 = vector.broadcast %squeeze3A_272 : f32 to vector<16xf32>
      %mul3A_673 = arith.mulf %get3A_671, %mul3A_672 : vector<16xf32>
      %get3A_674 = arith.constant 10 : i32
      %get3A_675 = arith.index_cast %get3A_674 : i32 to index
      %get3A_676 = arith.index_cast %mul3A_666 : i32 to index
      %get3A_677 = tpu.vector_load %arg16[%get3A_675, %get3A_676] {strides = array<i32>} : memref<16x1024xf32, #tpu.memory_space<vmem>>, vector<1x16xf32>,
      %get3A_678 = vector.shape_cast %get3A_677 : vector<1x16xf32> to vector<16xf32>
      %mul3A_679 = vector.broadcast %squeeze3A_304 : f32 to vector<16xf32>
      %mul3A_680 = arith.mulf %get3A_678, %mul3A_679 : vector<16xf32>
      %add3A_681 = arith.addf %mul3A_673, %mul3A_680 : vector<16xf32>
      %swap3A_682 = arith.constant 10 : i32
      %swap3A_683 = arith.index_cast %swap3A_682 : i32 to index
      %swap3A_684 = arith.index_cast %mul3A_666 : i32 to index
      %swap3A_685 = tpu.vector_load %arg18[%swap3A_683, %swap3A_684] {strides = array<i32>} : memref<16x1024xf32, #tpu.memory_space<vmem>>, vector<1x16xf32>,
      %swap3A_686 = vector.shape_cast %swap3A_685 : vector<1x16xf32> to vector<16xf32>
      %swap3A_687 = vector.shape_cast %add3A_681 : vector<16xf32> to vector<1x16xf32>
      tpu.vector_store %arg18[%swap3A_683, %swap3A_684], %swap3A_687 {strides = array<i32>} : memref<16x1024xf32, #tpu.memory_space<vmem>>, vector<1x16xf32>,
      %mul3A_688 = arith.constant 16 : i32
      %mul3A_689 = arith.muli %scan3A_435, %mul3A_688 : i32
      %get3A_690 = arith.constant 11 : i32
      %get3A_691 = arith.index_cast %get3A_690 : i32 to index
      %get3A_692 = arith.index_cast %mul3A_689 : i32 to index
      %get3A_693 = tpu.vector_load %arg14[%get3A_691, %get3A_692] {strides = array<i32>} : memref<16x1024xf32, #tpu.memory_space<vmem>>, vector<1x16xf32>,
      %get3A_694 = vector.shape_cast %get3A_693 : vector<1x16xf32> to vector<16xf32>
      %mul3A_695 = vector.broadcast %squeeze3A_274 : f32 to vector<16xf32>
      %mul3A_696 = arith.mulf %get3A_694, %mul3A_695 : vector<16xf32>
      %get3A_697 = arith.constant 11 : i32
      %get3A_698 = arith.index_cast %get3A_697 : i32 to index
      %get3A_699 = arith.index_cast %mul3A_689 : i32 to index
      %get3A_700 = tpu.vector_load %arg16[%get3A_698, %get3A_699] {strides = array<i32>} : memref<16x1024xf32, #tpu.memory_space<vmem>>, vector<1x16xf32>,
      %get3A_701 = vector.shape_cast %get3A_700 : vector<1x16xf32> to vector<16xf32>
      %mul3A_702 = vector.broadcast %squeeze3A_306 : f32 to vector<16xf32>
      %mul3A_703 = arith.mulf %get3A_701, %mul3A_702 : vector<16xf32>
      %add3A_704 = arith.addf %mul3A_696, %mul3A_703 : vector<16xf32>
      %swap3A_705 = arith.constant 11 : i32
      %swap3A_706 = arith.index_cast %swap3A_705 : i32 to index
      %swap3A_707 = arith.index_cast %mul3A_689 : i32 to index
      %swap3A_708 = tpu.vector_load %arg18[%swap3A_706, %swap3A_707] {strides = array<i32>} : memref<16x1024xf32, #tpu.memory_space<vmem>>, vector<1x16xf32>,
      %swap3A_709 = vector.shape_cast %swap3A_708 : vector<1x16xf32> to vector<16xf32>
      %swap3A_710 = vector.shape_cast %add3A_704 : vector<16xf32> to vector<1x16xf32>
      tpu.vector_store %arg18[%swap3A_706, %swap3A_707], %swap3A_710 {strides = array<i32>} : memref<16x1024xf32, #tpu.memory_space<vmem>>, vector<1x16xf32>,
      %mul3A_711 = arith.constant 16 : i32
      %mul3A_712 = arith.muli %scan3A_435, %mul3A_711 : i32
      %get3A_713 = arith.constant 12 : i32
      %get3A_714 = arith.index_cast %get3A_713 : i32 to index
      %get3A_715 = arith.index_cast %mul3A_712 : i32 to index
      %get3A_716 = tpu.vector_load %arg14[%get3A_714, %get3A_715] {strides = array<i32>} : memref<16x1024xf32, #tpu.memory_space<vmem>>, vector<1x16xf32>,
      %get3A_717 = vector.shape_cast %get3A_716 : vector<1x16xf32> to vector<16xf32>
      %mul3A_718 = vector.broadcast %squeeze3A_276 : f32 to vector<16xf32>
      %mul3A_719 = arith.mulf %get3A_717, %mul3A_718 : vector<16xf32>
      %get3A_720 = arith.constant 12 : i32
      %get3A_721 = arith.index_cast %get3A_720 : i32 to index
      %get3A_722 = arith.index_cast %mul3A_712 : i32 to index
      %get3A_723 = tpu.vector_load %arg16[%get3A_721, %get3A_722] {strides = array<i32>} : memref<16x1024xf32, #tpu.memory_space<vmem>>, vector<1x16xf32>,
      %get3A_724 = vector.shape_cast %get3A_723 : vector<1x16xf32> to vector<16xf32>
      %mul3A_725 = vector.broadcast %squeeze3A_308 : f32 to vector<16xf32>
      %mul3A_726 = arith.mulf %get3A_724, %mul3A_725 : vector<16xf32>
      %add3A_727 = arith.addf %mul3A_719, %mul3A_726 : vector<16xf32>
      %swap3A_728 = arith.constant 12 : i32
      %swap3A_729 = arith.index_cast %swap3A_728 : i32 to index
      %swap3A_730 = arith.index_cast %mul3A_712 : i32 to index
      %swap3A_731 = tpu.vector_load %arg18[%swap3A_729, %swap3A_730] {strides = array<i32>} : memref<16x1024xf32, #tpu.memory_space<vmem>>, vector<1x16xf32>,
      %swap3A_732 = vector.shape_cast %swap3A_731 : vector<1x16xf32> to vector<16xf32>
      %swap3A_733 = vector.shape_cast %add3A_727 : vector<16xf32> to vector<1x16xf32>
      tpu.vector_store %arg18[%swap3A_729, %swap3A_730], %swap3A_733 {strides = array<i32>} : memref<16x1024xf32, #tpu.memory_space<vmem>>, vector<1x16xf32>,
      %mul3A_734 = arith.constant 16 : i32
      %mul3A_735 = arith.muli %scan3A_435, %mul3A_734 : i32
      %get3A_736 = arith.constant 13 : i32
      %get3A_737 = arith.index_cast %get3A_736 : i32 to index
      %get3A_738 = arith.index_cast %mul3A_735 : i32 to index
      %get3A_739 = tpu.vector_load %arg14[%get3A_737, %get3A_738] {strides = array<i32>} : memref<16x1024xf32, #tpu.memory_space<vmem>>, vector<1x16xf32>,
      %get3A_740 = vector.shape_cast %get3A_739 : vector<1x16xf32> to vector<16xf32>
      %mul3A_741 = vector.broadcast %squeeze3A_278 : f32 to vector<16xf32>
      %mul3A_742 = arith.mulf %get3A_740, %mul3A_741 : vector<16xf32>
      %get3A_743 = arith.constant 13 : i32
      %get3A_744 = arith.index_cast %get3A_743 : i32 to index
      %get3A_745 = arith.index_cast %mul3A_735 : i32 to index
      %get3A_746 = tpu.vector_load %arg16[%get3A_744, %get3A_745] {strides = array<i32>} : memref<16x1024xf32, #tpu.memory_space<vmem>>, vector<1x16xf32>,
      %get3A_747 = vector.shape_cast %get3A_746 : vector<1x16xf32> to vector<16xf32>
      %mul3A_748 = vector.broadcast %squeeze3A_310 : f32 to vector<16xf32>
      %mul3A_749 = arith.mulf %get3A_747, %mul3A_748 : vector<16xf32>
      %add3A_750 = arith.addf %mul3A_742, %mul3A_749 : vector<16xf32>
      %swap3A_751 = arith.constant 13 : i32
      %swap3A_752 = arith.index_cast %swap3A_751 : i32 to index
      %swap3A_753 = arith.index_cast %mul3A_735 : i32 to index
      %swap3A_754 = tpu.vector_load %arg18[%swap3A_752, %swap3A_753] {strides = array<i32>} : memref<16x1024xf32, #tpu.memory_space<vmem>>, vector<1x16xf32>,
      %swap3A_755 = vector.shape_cast %swap3A_754 : vector<1x16xf32> to vector<16xf32>
      %swap3A_756 = vector.shape_cast %add3A_750 : vector<16xf32> to vector<1x16xf32>
      tpu.vector_store %arg18[%swap3A_752, %swap3A_753], %swap3A_756 {strides = array<i32>} : memref<16x1024xf32, #tpu.memory_space<vmem>>, vector<1x16xf32>,
      %mul3A_757 = arith.constant 16 : i32
      %mul3A_758 = arith.muli %scan3A_435, %mul3A_757 : i32
      %get3A_759 = arith.constant 14 : i32
      %get3A_760 = arith.index_cast %get3A_759 : i32 to index
      %get3A_761 = arith.index_cast %mul3A_758 : i32 to index
      %get3A_762 = tpu.vector_load %arg14[%get3A_760, %get3A_761] {strides = array<i32>} : memref<16x1024xf32, #tpu.memory_space<vmem>>, vector<1x16xf32>,
      %get3A_763 = vector.shape_cast %get3A_762 : vector<1x16xf32> to vector<16xf32>
      %mul3A_764 = vector.broadcast %squeeze3A_280 : f32 to vector<16xf32>
      %mul3A_765 = arith.mulf %get3A_763, %mul3A_764 : vector<16xf32>
      %get3A_766 = arith.constant 14 : i32
      %get3A_767 = arith.index_cast %get3A_766 : i32 to index
      %get3A_768 = arith.index_cast %mul3A_758 : i32 to index
      %get3A_769 = tpu.vector_load %arg16[%get3A_767, %get3A_768] {strides = array<i32>} : memref<16x1024xf32, #tpu.memory_space<vmem>>, vector<1x16xf32>,
      %get3A_770 = vector.shape_cast %get3A_769 : vector<1x16xf32> to vector<16xf32>
      %mul3A_771 = vector.broadcast %squeeze3A_312 : f32 to vector<16xf32>
      %mul3A_772 = arith.mulf %get3A_770, %mul3A_771 : vector<16xf32>
      %add3A_773 = arith.addf %mul3A_765, %mul3A_772 : vector<16xf32>
      %swap3A_774 = arith.constant 14 : i32
      %swap3A_775 = arith.index_cast %swap3A_774 : i32 to index
      %swap3A_776 = arith.index_cast %mul3A_758 : i32 to index
      %swap3A_777 = tpu.vector_load %arg18[%swap3A_775, %swap3A_776] {strides = array<i32>} : memref<16x1024xf32, #tpu.memory_space<vmem>>, vector<1x16xf32>,
      %swap3A_778 = vector.shape_cast %swap3A_777 : vector<1x16xf32> to vector<16xf32>
      %swap3A_779 = vector.shape_cast %add3A_773 : vector<16xf32> to vector<1x16xf32>
      tpu.vector_store %arg18[%swap3A_775, %swap3A_776], %swap3A_779 {strides = array<i32>} : memref<16x1024xf32, #tpu.memory_space<vmem>>, vector<1x16xf32>,
      %mul3A_780 = arith.constant 16 : i32
      %mul3A_781 = arith.muli %scan3A_435, %mul3A_780 : i32
      %get3A_782 = arith.constant 15 : i32
      %get3A_783 = arith.index_cast %get3A_782 : i32 to index
      %get3A_784 = arith.index_cast %mul3A_781 : i32 to index
      %get3A_785 = tpu.vector_load %arg14[%get3A_783, %get3A_784] {strides = array<i32>} : memref<16x1024xf32, #tpu.memory_space<vmem>>, vector<1x16xf32>,
      %get3A_786 = vector.shape_cast %get3A_785 : vector<1x16xf32> to vector<16xf32>
      %mul3A_787 = vector.broadcast %squeeze3A_282 : f32 to vector<16xf32>
      %mul3A_788 = arith.mulf %get3A_786, %mul3A_787 : vector<16xf32>
      %get3A_789 = arith.constant 15 : i32
      %get3A_790 = arith.index_cast %get3A_789 : i32 to index
      %get3A_791 = arith.index_cast %mul3A_781 : i32 to index
      %get3A_792 = tpu.vector_load %arg16[%get3A_790, %get3A_791] {strides = array<i32>} : memref<16x1024xf32, #tpu.memory_space<vmem>>, vector<1x16xf32>,
      %get3A_793 = vector.shape_cast %get3A_792 : vector<1x16xf32> to vector<16xf32>
      %mul3A_794 = vector.broadcast %squeeze3A_314 : f32 to vector<16xf32>
      %mul3A_795 = arith.mulf %get3A_793, %mul3A_794 : vector<16xf32>
      %add3A_796 = arith.addf %mul3A_788, %mul3A_795 : vector<16xf32>
      %swap3A_797 = arith.constant 15 : i32
      %swap3A_798 = arith.index_cast %swap3A_797 : i32 to index
      %swap3A_799 = arith.index_cast %mul3A_781 : i32 to index
      %swap3A_800 = tpu.vector_load %arg18[%swap3A_798, %swap3A_799] {strides = array<i32>} : memref<16x1024xf32, #tpu.memory_space<vmem>>, vector<1x16xf32>,
      %swap3A_801 = vector.shape_cast %swap3A_800 : vector<1x16xf32> to vector<16xf32>
      %swap3A_802 = vector.shape_cast %add3A_796 : vector<16xf32> to vector<1x16xf32>
      tpu.vector_store %arg18[%swap3A_798, %swap3A_799], %swap3A_802 {strides = array<i32>} : memref<16x1024xf32, #tpu.memory_space<vmem>>, vector<1x16xf32>,
    }
    %scan3A_320 = arith.constant 64 : i32
    %dma_start3A_321 = arith.constant 0 : i32
    %dma_start3A_322 = tpu.memref_slice %arg5[%add3A_220, %dma_start3A_321] : memref<2048x1024xf32, #tpu.memory_space<hbm>> -> memref<16x1024xf32, #tpu.memory_space<hbm>>
    %dma_start3A_323 = arith.constant 0 : i32
    %dma_start3A_324 = tpu.memref_slice %arg5[%add3A_220, %dma_start3A_323] : memref<2048x1024xf32, #tpu.memory_space<hbm>> -> memref<16x1024xf32, #tpu.memory_space<hbm>>
    tpu.enqueue_dma source(%arg18 : memref<16x1024xf32, #tpu.memory_space<vmem>>) target(%dma_start3A_324 : memref<16x1024xf32, #tpu.memory_space<hbm>>) target_semaphore(%arg24 : memref<!tpu.dma_semaphore, #tpu.memory_space<semaphore_mem>>)
    %mul3A_325 = arith.constant 64 : i32
    %mul3A_326 = arith.muli %add3A, %mul3A_325 : i32
    %add3A_327 = arith.constant 48 : i32
    %add3A_328 = arith.addi %mul3A_326, %add3A_327 : i32
    %dma_wait3A_329 = arith.constant 0 : i32
    %dma_wait3A_330 = arith.constant 0 : i32
    %dma_wait3A_331 = tpu.memref_slice %arg2[%dma_wait3A_329, %dma_wait3A_330] : memref<6144x1024xf32, #tpu.memory_space<hbm>> -> memref<6144x1024xf32, #tpu.memory_space<hbm>>
    tpu.wait_indirect_dma semaphore(%arg21 : memref<!tpu.dma_semaphore, #tpu.memory_space<semaphore_mem>>) src(%dma_wait3A_331 : memref<6144x1024xf32, #tpu.memory_space<hbm>>) dst(%arg15 : memref<16x1024xf32, #tpu.memory_space<vmem>>)
    %dma_wait3A_332 = arith.constant 0 : i32
    %dma_wait3A_333 = arith.constant 0 : i32
    %dma_wait3A_334 = tpu.memref_slice %arg2[%dma_wait3A_332, %dma_wait3A_333] : memref<6144x1024xf32, #tpu.memory_space<hbm>> -> memref<6144x1024xf32, #tpu.memory_space<hbm>>
    tpu.wait_indirect_dma semaphore(%arg23 : memref<!tpu.dma_semaphore, #tpu.memory_space<semaphore_mem>>) src(%dma_wait3A_334 : memref<6144x1024xf32, #tpu.memory_space<hbm>>) dst(%arg17 : memref<16x1024xf32, #tpu.memory_space<vmem>>)
    %dma_wait3A_335 = arith.constant 0 : i32
    %dma_wait3A_336 = tpu.memref_slice %arg5[%add3A_328, %dma_wait3A_335] : memref<2048x1024xf32, #tpu.memory_space<hbm>> -> memref<16x1024xf32, #tpu.memory_space<hbm>>
    %dma_wait3A_337 = arith.constant 0 : i32
    %dma_wait3A_338 = tpu.memref_slice %arg5[%add3A_328, %dma_wait3A_337] : memref<2048x1024xf32, #tpu.memory_space<hbm>> -> memref<16x1024xf32, #tpu.memory_space<hbm>>
    tpu.wait_dma2 semaphore(%arg25 : memref<!tpu.dma_semaphore, #tpu.memory_space<semaphore_mem>>) src(%arg19 : memref<16x1024xf32, #tpu.memory_space<vmem>>) dst(%dma_wait3A_338 : memref<16x1024xf32, #tpu.memory_space<hbm>>)
    %get3A_339 = arith.constant 0 : index
    %get3A_340 = tpu.vector_load %arg11[%get3A_339] {strides = array<i32>} : memref<16xf32, #tpu.memory_space<vmem>>, vector<16xf32>,
    %get3A_341 = vector.shape_cast %get3A_340 : vector<16xf32> to vector<16xf32>
    %get3A_342 = arith.constant 0 : index
    %get3A_343 = tpu.vector_load %arg13[%get3A_342] {strides = array<i32>} : memref<16xf32, #tpu.memory_space<vmem>>, vector<16xf32>,
    %get3A_344 = vector.shape_cast %get3A_343 : vector<16xf32> to vector<16xf32>
    %slice3A_345 = vector.extract_strided_slice %get3A_341 {offsets = [0], sizes = [1], strides = [1]} : vector<16xf32> to vector<1xf32>
    %squeeze3A_346 = vector.extract %slice3A_345[0] : f32 from vector<1xf32>
    %slice3A_347 = vector.extract_strided_slice %get3A_341 {offsets = [1], sizes = [1], strides = [1]} : vector<16xf32> to vector<1xf32>
    %squeeze3A_348 = vector.extract %slice3A_347[0] : f32 from vector<1xf32>
    %slice3A_349 = vector.extract_strided_slice %get3A_341 {offsets = [2], sizes = [1], strides = [1]} : vector<16xf32> to vector<1xf32>
    %squeeze3A_350 = vector.extract %slice3A_349[0] : f32 from vector<1xf32>
    %slice3A_351 = vector.extract_strided_slice %get3A_341 {offsets = [3], sizes = [1], strides = [1]} : vector<16xf32> to vector<1xf32>
    %squeeze3A_352 = vector.extract %slice3A_351[0] : f32 from vector<1xf32>
    %slice3A_353 = vector.extract_strided_slice %get3A_341 {offsets = [4], sizes = [1], strides = [1]} : vector<16xf32> to vector<1xf32>
    %squeeze3A_354 = vector.extract %slice3A_353[0] : f32 from vector<1xf32>
    %slice3A_355 = vector.extract_strided_slice %get3A_341 {offsets = [5], sizes = [1], strides = [1]} : vector<16xf32> to vector<1xf32>
    %squeeze3A_356 = vector.extract %slice3A_355[0] : f32 from vector<1xf32>
    %slice3A_357 = vector.extract_strided_slice %get3A_341 {offsets = [6], sizes = [1], strides = [1]} : vector<16xf32> to vector<1xf32>
    %squeeze3A_358 = vector.extract %slice3A_357[0] : f32 from vector<1xf32>
    %slice3A_359 = vector.extract_strided_slice %get3A_341 {offsets = [7], sizes = [1], strides = [1]} : vector<16xf32> to vector<1xf32>
    %squeeze3A_360 = vector.extract %slice3A_359[0] : f32 from vector<1xf32>
    %slice3A_361 = vector.extract_strided_slice %get3A_341 {offsets = [8], sizes = [1], strides = [1]} : vector<16xf32> to vector<1xf32>
    %squeeze3A_362 = vector.extract %slice3A_361[0] : f32 from vector<1xf32>
    %slice3A_363 = vector.extract_strided_slice %get3A_341 {offsets = [9], sizes = [1], strides = [1]} : vector<16xf32> to vector<1xf32>
    %squeeze3A_364 = vector.extract %slice3A_363[0] : f32 from vector<1xf32>
    %slice3A_365 = vector.extract_strided_slice %get3A_341 {offsets = [10], sizes = [1], strides = [1]} : vector<16xf32> to vector<1xf32>
    %squeeze3A_366 = vector.extract %slice3A_365[0] : f32 from vector<1xf32>
    %slice3A_367 = vector.extract_strided_slice %get3A_341 {offsets = [11], sizes = [1], strides = [1]} : vector<16xf32> to vector<1xf32>
    %squeeze3A_368 = vector.extract %slice3A_367[0] : f32 from vector<1xf32>
    %slice3A_369 = vector.extract_strided_slice %get3A_341 {offsets = [12], sizes = [1], strides = [1]} : vector<16xf32> to vector<1xf32>
    %squeeze3A_370 = vector.extract %slice3A_369[0] : f32 from vector<1xf32>
    %slice3A_371 = vector.extract_strided_slice %get3A_341 {offsets = [13], sizes = [1], strides = [1]} : vector<16xf32> to vector<1xf32>
    %squeeze3A_372 = vector.extract %slice3A_371[0] : f32 from vector<1xf32>
    %slice3A_373 = vector.extract_strided_slice %get3A_341 {offsets = [14], sizes = [1], strides = [1]} : vector<16xf32> to vector<1xf32>
    %squeeze3A_374 = vector.extract %slice3A_373[0] : f32 from vector<1xf32>
    %slice3A_375 = vector.extract_strided_slice %get3A_341 {offsets = [15], sizes = [1], strides = [1]} : vector<16xf32> to vector<1xf32>
    %squeeze3A_376 = vector.extract %slice3A_375[0] : f32 from vector<1xf32>
    %slice3A_377 = vector.extract_strided_slice %get3A_344 {offsets = [0], sizes = [1], strides = [1]} : vector<16xf32> to vector<1xf32>
    %squeeze3A_378 = vector.extract %slice3A_377[0] : f32 from vector<1xf32>
    %slice3A_379 = vector.extract_strided_slice %get3A_344 {offsets = [1], sizes = [1], strides = [1]} : vector<16xf32> to vector<1xf32>
    %squeeze3A_380 = vector.extract %slice3A_379[0] : f32 from vector<1xf32>
    %slice3A_381 = vector.extract_strided_slice %get3A_344 {offsets = [2], sizes = [1], strides = [1]} : vector<16xf32> to vector<1xf32>
    %squeeze3A_382 = vector.extract %slice3A_381[0] : f32 from vector<1xf32>
    %slice3A_383 = vector.extract_strided_slice %get3A_344 {offsets = [3], sizes = [1], strides = [1]} : vector<16xf32> to vector<1xf32>
    %squeeze3A_384 = vector.extract %slice3A_383[0] : f32 from vector<1xf32>
    %slice3A_385 = vector.extract_strided_slice %get3A_344 {offsets = [4], sizes = [1], strides = [1]} : vector<16xf32> to vector<1xf32>
    %squeeze3A_386 = vector.extract %slice3A_385[0] : f32 from vector<1xf32>
    %slice3A_387 = vector.extract_strided_slice %get3A_344 {offsets = [5], sizes = [1], strides = [1]} : vector<16xf32> to vector<1xf32>
    %squeeze3A_388 = vector.extract %slice3A_387[0] : f32 from vector<1xf32>
    %slice3A_389 = vector.extract_strided_slice %get3A_344 {offsets = [6], sizes = [1], strides = [1]} : vector<16xf32> to vector<1xf32>
    %squeeze3A_390 = vector.extract %slice3A_389[0] : f32 from vector<1xf32>
    %slice3A_391 = vector.extract_strided_slice %get3A_344 {offsets = [7], sizes = [1], strides = [1]} : vector<16xf32> to vector<1xf32>
    %squeeze3A_392 = vector.extract %slice3A_391[0] : f32 from vector<1xf32>
    %slice3A_393 = vector.extract_strided_slice %get3A_344 {offsets = [8], sizes = [1], strides = [1]} : vector<16xf32> to vector<1xf32>
    %squeeze3A_394 = vector.extract %slice3A_393[0] : f32 from vector<1xf32>
    %slice3A_395 = vector.extract_strided_slice %get3A_344 {offsets = [9], sizes = [1], strides = [1]} : vector<16xf32> to vector<1xf32>
    %squeeze3A_396 = vector.extract %slice3A_395[0] : f32 from vector<1xf32>
    %slice3A_397 = vector.extract_strided_slice %get3A_344 {offsets = [10], sizes = [1], strides = [1]} : vector<16xf32> to vector<1xf32>
    %squeeze3A_398 = vector.extract %slice3A_397[0] : f32 from vector<1xf32>
    %slice3A_399 = vector.extract_strided_slice %get3A_344 {offsets = [11], sizes = [1], strides = [1]} : vector<16xf32> to vector<1xf32>
    %squeeze3A_400 = vector.extract %slice3A_399[0] : f32 from vector<1xf32>
    %slice3A_401 = vector.extract_strided_slice %get3A_344 {offsets = [12], sizes = [1], strides = [1]} : vector<16xf32> to vector<1xf32>
    %squeeze3A_402 = vector.extract %slice3A_401[0] : f32 from vector<1xf32>
    %slice3A_403 = vector.extract_strided_slice %get3A_344 {offsets = [13], sizes = [1], strides = [1]} : vector<16xf32> to vector<1xf32>
    %squeeze3A_404 = vector.extract %slice3A_403[0] : f32 from vector<1xf32>
    %slice3A_405 = vector.extract_strided_slice %get3A_344 {offsets = [14], sizes = [1], strides = [1]} : vector<16xf32> to vector<1xf32>
    %squeeze3A_406 = vector.extract %slice3A_405[0] : f32 from vector<1xf32>
    %slice3A_407 = vector.extract_strided_slice %get3A_344 {offsets = [15], sizes = [1], strides = [1]} : vector<16xf32> to vector<1xf32>
    %squeeze3A_408 = vector.extract %slice3A_407[0] : f32 from vector<1xf32>
    %scan3A_409 = arith.constant 0 : i32
    %scan3A_410 = arith.constant 0 : i32
    %scan3A_411 = arith.constant 64 : i32
    %scan3A_412 = arith.addi %scan3A_410, %scan3A_411 : i32
    %scan3A_413 = arith.constant 1 : i32
    scf.for %scan3A_435 = %scan3A_410 to %scan3A_412 step %scan3A_413  : i32 {
      %mul3A_436 = arith.constant 16 : i32
      %mul3A_437 = arith.muli %scan3A_435, %mul3A_436 : i32
      %get3A_438 = arith.constant 0 : i32
      %get3A_439 = arith.index_cast %get3A_438 : i32 to index
      %get3A_440 = arith.index_cast %mul3A_437 : i32 to index
      %get3A_441 = tpu.vector_load %arg15[%get3A_439, %get3A_440] {strides = array<i32>} : memref<16x1024xf32, #tpu.memory_space<vmem>>, vector<1x16xf32>,
      %get3A_442 = vector.shape_cast %get3A_441 : vector<1x16xf32> to vector<16xf32>
      %mul3A_443 = vector.broadcast %squeeze3A_346 : f32 to vector<16xf32>
      %mul3A_444 = arith.mulf %get3A_442, %mul3A_443 : vector<16xf32>
      %get3A_445 = arith.constant 0 : i32
      %get3A_446 = arith.index_cast %get3A_445 : i32 to index
      %get3A_447 = arith.index_cast %mul3A_437 : i32 to index
      %get3A_448 = tpu.vector_load %arg17[%get3A_446, %get3A_447] {strides = array<i32>} : memref<16x1024xf32, #tpu.memory_space<vmem>>, vector<1x16xf32>,
      %get3A_449 = vector.shape_cast %get3A_448 : vector<1x16xf32> to vector<16xf32>
      %mul3A_450 = vector.broadcast %squeeze3A_378 : f32 to vector<16xf32>
      %mul3A_451 = arith.mulf %get3A_449, %mul3A_450 : vector<16xf32>
      %add3A_452 = arith.addf %mul3A_444, %mul3A_451 : vector<16xf32>
      %swap3A = arith.constant 0 : i32
      %swap3A_453 = arith.index_cast %swap3A : i32 to index
      %swap3A_454 = arith.index_cast %mul3A_437 : i32 to index
      %swap3A_455 = tpu.vector_load %arg19[%swap3A_453, %swap3A_454] {strides = array<i32>} : memref<16x1024xf32, #tpu.memory_space<vmem>>, vector<1x16xf32>,
      %swap3A_456 = vector.shape_cast %swap3A_455 : vector<1x16xf32> to vector<16xf32>
      %swap3A_457 = vector.shape_cast %add3A_452 : vector<16xf32> to vector<1x16xf32>
      tpu.vector_store %arg19[%swap3A_453, %swap3A_454], %swap3A_457 {strides = array<i32>} : memref<16x1024xf32, #tpu.memory_space<vmem>>, vector<1x16xf32>,
      %mul3A_458 = arith.constant 16 : i32
      %mul3A_459 = arith.muli %scan3A_435, %mul3A_458 : i32
      %get3A_460 = arith.constant 1 : i32
      %get3A_461 = arith.index_cast %get3A_460 : i32 to index
      %get3A_462 = arith.index_cast %mul3A_459 : i32 to index
      %get3A_463 = tpu.vector_load %arg15[%get3A_461, %get3A_462] {strides = array<i32>} : memref<16x1024xf32, #tpu.memory_space<vmem>>, vector<1x16xf32>,
      %get3A_464 = vector.shape_cast %get3A_463 : vector<1x16xf32> to vector<16xf32>
      %mul3A_465 = vector.broadcast %squeeze3A_348 : f32 to vector<16xf32>
      %mul3A_466 = arith.mulf %get3A_464, %mul3A_465 : vector<16xf32>
      %get3A_467 = arith.constant 1 : i32
      %get3A_468 = arith.index_cast %get3A_467 : i32 to index
      %get3A_469 = arith.index_cast %mul3A_459 : i32 to index
      %get3A_470 = tpu.vector_load %arg17[%get3A_468, %get3A_469] {strides = array<i32>} : memref<16x1024xf32, #tpu.memory_space<vmem>>, vector<1x16xf32>,
      %get3A_471 = vector.shape_cast %get3A_470 : vector<1x16xf32> to vector<16xf32>
      %mul3A_472 = vector.broadcast %squeeze3A_380 : f32 to vector<16xf32>
      %mul3A_473 = arith.mulf %get3A_471, %mul3A_472 : vector<16xf32>
      %add3A_474 = arith.addf %mul3A_466, %mul3A_473 : vector<16xf32>
      %swap3A_475 = arith.constant 1 : i32
      %swap3A_476 = arith.index_cast %swap3A_475 : i32 to index
      %swap3A_477 = arith.index_cast %mul3A_459 : i32 to index
      %swap3A_478 = tpu.vector_load %arg19[%swap3A_476, %swap3A_477] {strides = array<i32>} : memref<16x1024xf32, #tpu.memory_space<vmem>>, vector<1x16xf32>,
      %swap3A_479 = vector.shape_cast %swap3A_478 : vector<1x16xf32> to vector<16xf32>
      %swap3A_480 = vector.shape_cast %add3A_474 : vector<16xf32> to vector<1x16xf32>
      tpu.vector_store %arg19[%swap3A_476, %swap3A_477], %swap3A_480 {strides = array<i32>} : memref<16x1024xf32, #tpu.memory_space<vmem>>, vector<1x16xf32>,
      %mul3A_481 = arith.constant 16 : i32
      %mul3A_482 = arith.muli %scan3A_435, %mul3A_481 : i32
      %get3A_483 = arith.constant 2 : i32
      %get3A_484 = arith.index_cast %get3A_483 : i32 to index
      %get3A_485 = arith.index_cast %mul3A_482 : i32 to index
      %get3A_486 = tpu.vector_load %arg15[%get3A_484, %get3A_485] {strides = array<i32>} : memref<16x1024xf32, #tpu.memory_space<vmem>>, vector<1x16xf32>,
      %get3A_487 = vector.shape_cast %get3A_486 : vector<1x16xf32> to vector<16xf32>
      %mul3A_488 = vector.broadcast %squeeze3A_350 : f32 to vector<16xf32>
      %mul3A_489 = arith.mulf %get3A_487, %mul3A_488 : vector<16xf32>
      %get3A_490 = arith.constant 2 : i32
      %get3A_491 = arith.index_cast %get3A_490 : i32 to index
      %get3A_492 = arith.index_cast %mul3A_482 : i32 to index
      %get3A_493 = tpu.vector_load %arg17[%get3A_491, %get3A_492] {strides = array<i32>} : memref<16x1024xf32, #tpu.memory_space<vmem>>, vector<1x16xf32>,
      %get3A_494 = vector.shape_cast %get3A_493 : vector<1x16xf32> to vector<16xf32>
      %mul3A_495 = vector.broadcast %squeeze3A_382 : f32 to vector<16xf32>
      %mul3A_496 = arith.mulf %get3A_494, %mul3A_495 : vector<16xf32>
      %add3A_497 = arith.addf %mul3A_489, %mul3A_496 : vector<16xf32>
      %swap3A_498 = arith.constant 2 : i32
      %swap3A_499 = arith.index_cast %swap3A_498 : i32 to index
      %swap3A_500 = arith.index_cast %mul3A_482 : i32 to index
      %swap3A_501 = tpu.vector_load %arg19[%swap3A_499, %swap3A_500] {strides = array<i32>} : memref<16x1024xf32, #tpu.memory_space<vmem>>, vector<1x16xf32>,
      %swap3A_502 = vector.shape_cast %swap3A_501 : vector<1x16xf32> to vector<16xf32>
      %swap3A_503 = vector.shape_cast %add3A_497 : vector<16xf32> to vector<1x16xf32>
      tpu.vector_store %arg19[%swap3A_499, %swap3A_500], %swap3A_503 {strides = array<i32>} : memref<16x1024xf32, #tpu.memory_space<vmem>>, vector<1x16xf32>,
      %mul3A_504 = arith.constant 16 : i32
      %mul3A_505 = arith.muli %scan3A_435, %mul3A_504 : i32
      %get3A_506 = arith.constant 3 : i32
      %get3A_507 = arith.index_cast %get3A_506 : i32 to index
      %get3A_508 = arith.index_cast %mul3A_505 : i32 to index
      %get3A_509 = tpu.vector_load %arg15[%get3A_507, %get3A_508] {strides = array<i32>} : memref<16x1024xf32, #tpu.memory_space<vmem>>, vector<1x16xf32>,
      %get3A_510 = vector.shape_cast %get3A_509 : vector<1x16xf32> to vector<16xf32>
      %mul3A_511 = vector.broadcast %squeeze3A_352 : f32 to vector<16xf32>
      %mul3A_512 = arith.mulf %get3A_510, %mul3A_511 : vector<16xf32>
      %get3A_513 = arith.constant 3 : i32
      %get3A_514 = arith.index_cast %get3A_513 : i32 to index
      %get3A_515 = arith.index_cast %mul3A_505 : i32 to index
      %get3A_516 = tpu.vector_load %arg17[%get3A_514, %get3A_515] {strides = array<i32>} : memref<16x1024xf32, #tpu.memory_space<vmem>>, vector<1x16xf32>,
      %get3A_517 = vector.shape_cast %get3A_516 : vector<1x16xf32> to vector<16xf32>
      %mul3A_518 = vector.broadcast %squeeze3A_384 : f32 to vector<16xf32>
      %mul3A_519 = arith.mulf %get3A_517, %mul3A_518 : vector<16xf32>
      %add3A_520 = arith.addf %mul3A_512, %mul3A_519 : vector<16xf32>
      %swap3A_521 = arith.constant 3 : i32
      %swap3A_522 = arith.index_cast %swap3A_521 : i32 to index
      %swap3A_523 = arith.index_cast %mul3A_505 : i32 to index
      %swap3A_524 = tpu.vector_load %arg19[%swap3A_522, %swap3A_523] {strides = array<i32>} : memref<16x1024xf32, #tpu.memory_space<vmem>>, vector<1x16xf32>,
      %swap3A_525 = vector.shape_cast %swap3A_524 : vector<1x16xf32> to vector<16xf32>
      %swap3A_526 = vector.shape_cast %add3A_520 : vector<16xf32> to vector<1x16xf32>
      tpu.vector_store %arg19[%swap3A_522, %swap3A_523], %swap3A_526 {strides = array<i32>} : memref<16x1024xf32, #tpu.memory_space<vmem>>, vector<1x16xf32>,
      %mul3A_527 = arith.constant 16 : i32
      %mul3A_528 = arith.muli %scan3A_435, %mul3A_527 : i32
      %get3A_529 = arith.constant 4 : i32
      %get3A_530 = arith.index_cast %get3A_529 : i32 to index
      %get3A_531 = arith.index_cast %mul3A_528 : i32 to index
      %get3A_532 = tpu.vector_load %arg15[%get3A_530, %get3A_531] {strides = array<i32>} : memref<16x1024xf32, #tpu.memory_space<vmem>>, vector<1x16xf32>,
      %get3A_533 = vector.shape_cast %get3A_532 : vector<1x16xf32> to vector<16xf32>
      %mul3A_534 = vector.broadcast %squeeze3A_354 : f32 to vector<16xf32>
      %mul3A_535 = arith.mulf %get3A_533, %mul3A_534 : vector<16xf32>
      %get3A_536 = arith.constant 4 : i32
      %get3A_537 = arith.index_cast %get3A_536 : i32 to index
      %get3A_538 = arith.index_cast %mul3A_528 : i32 to index
      %get3A_539 = tpu.vector_load %arg17[%get3A_537, %get3A_538] {strides = array<i32>} : memref<16x1024xf32, #tpu.memory_space<vmem>>, vector<1x16xf32>,
      %get3A_540 = vector.shape_cast %get3A_539 : vector<1x16xf32> to vector<16xf32>
      %mul3A_541 = vector.broadcast %squeeze3A_386 : f32 to vector<16xf32>
      %mul3A_542 = arith.mulf %get3A_540, %mul3A_541 : vector<16xf32>
      %add3A_543 = arith.addf %mul3A_535, %mul3A_542 : vector<16xf32>
      %swap3A_544 = arith.constant 4 : i32
      %swap3A_545 = arith.index_cast %swap3A_544 : i32 to index
      %swap3A_546 = arith.index_cast %mul3A_528 : i32 to index
      %swap3A_547 = tpu.vector_load %arg19[%swap3A_545, %swap3A_546] {strides = array<i32>} : memref<16x1024xf32, #tpu.memory_space<vmem>>, vector<1x16xf32>,
      %swap3A_548 = vector.shape_cast %swap3A_547 : vector<1x16xf32> to vector<16xf32>
      %swap3A_549 = vector.shape_cast %add3A_543 : vector<16xf32> to vector<1x16xf32>
      tpu.vector_store %arg19[%swap3A_545, %swap3A_546], %swap3A_549 {strides = array<i32>} : memref<16x1024xf32, #tpu.memory_space<vmem>>, vector<1x16xf32>,
      %mul3A_550 = arith.constant 16 : i32
      %mul3A_551 = arith.muli %scan3A_435, %mul3A_550 : i32
      %get3A_552 = arith.constant 5 : i32
      %get3A_553 = arith.index_cast %get3A_552 : i32 to index
      %get3A_554 = arith.index_cast %mul3A_551 : i32 to index
      %get3A_555 = tpu.vector_load %arg15[%get3A_553, %get3A_554] {strides = array<i32>} : memref<16x1024xf32, #tpu.memory_space<vmem>>, vector<1x16xf32>,
      %get3A_556 = vector.shape_cast %get3A_555 : vector<1x16xf32> to vector<16xf32>
      %mul3A_557 = vector.broadcast %squeeze3A_356 : f32 to vector<16xf32>
      %mul3A_558 = arith.mulf %get3A_556, %mul3A_557 : vector<16xf32>
      %get3A_559 = arith.constant 5 : i32
      %get3A_560 = arith.index_cast %get3A_559 : i32 to index
      %get3A_561 = arith.index_cast %mul3A_551 : i32 to index
      %get3A_562 = tpu.vector_load %arg17[%get3A_560, %get3A_561] {strides = array<i32>} : memref<16x1024xf32, #tpu.memory_space<vmem>>, vector<1x16xf32>,
      %get3A_563 = vector.shape_cast %get3A_562 : vector<1x16xf32> to vector<16xf32>
      %mul3A_564 = vector.broadcast %squeeze3A_388 : f32 to vector<16xf32>
      %mul3A_565 = arith.mulf %get3A_563, %mul3A_564 : vector<16xf32>
      %add3A_566 = arith.addf %mul3A_558, %mul3A_565 : vector<16xf32>
      %swap3A_567 = arith.constant 5 : i32
      %swap3A_568 = arith.index_cast %swap3A_567 : i32 to index
      %swap3A_569 = arith.index_cast %mul3A_551 : i32 to index
      %swap3A_570 = tpu.vector_load %arg19[%swap3A_568, %swap3A_569] {strides = array<i32>} : memref<16x1024xf32, #tpu.memory_space<vmem>>, vector<1x16xf32>,
      %swap3A_571 = vector.shape_cast %swap3A_570 : vector<1x16xf32> to vector<16xf32>
      %swap3A_572 = vector.shape_cast %add3A_566 : vector<16xf32> to vector<1x16xf32>
      tpu.vector_store %arg19[%swap3A_568, %swap3A_569], %swap3A_572 {strides = array<i32>} : memref<16x1024xf32, #tpu.memory_space<vmem>>, vector<1x16xf32>,
      %mul3A_573 = arith.constant 16 : i32
      %mul3A_574 = arith.muli %scan3A_435, %mul3A_573 : i32
      %get3A_575 = arith.constant 6 : i32
      %get3A_576 = arith.index_cast %get3A_575 : i32 to index
      %get3A_577 = arith.index_cast %mul3A_574 : i32 to index
      %get3A_578 = tpu.vector_load %arg15[%get3A_576, %get3A_577] {strides = array<i32>} : memref<16x1024xf32, #tpu.memory_space<vmem>>, vector<1x16xf32>,
      %get3A_579 = vector.shape_cast %get3A_578 : vector<1x16xf32> to vector<16xf32>
      %mul3A_580 = vector.broadcast %squeeze3A_358 : f32 to vector<16xf32>
      %mul3A_581 = arith.mulf %get3A_579, %mul3A_580 : vector<16xf32>
      %get3A_582 = arith.constant 6 : i32
      %get3A_583 = arith.index_cast %get3A_582 : i32 to index
      %get3A_584 = arith.index_cast %mul3A_574 : i32 to index
      %get3A_585 = tpu.vector_load %arg17[%get3A_583, %get3A_584] {strides = array<i32>} : memref<16x1024xf32, #tpu.memory_space<vmem>>, vector<1x16xf32>,
      %get3A_586 = vector.shape_cast %get3A_585 : vector<1x16xf32> to vector<16xf32>
      %mul3A_587 = vector.broadcast %squeeze3A_390 : f32 to vector<16xf32>
      %mul3A_588 = arith.mulf %get3A_586, %mul3A_587 : vector<16xf32>
      %add3A_589 = arith.addf %mul3A_581, %mul3A_588 : vector<16xf32>
      %swap3A_590 = arith.constant 6 : i32
      %swap3A_591 = arith.index_cast %swap3A_590 : i32 to index
      %swap3A_592 = arith.index_cast %mul3A_574 : i32 to index
      %swap3A_593 = tpu.vector_load %arg19[%swap3A_591, %swap3A_592] {strides = array<i32>} : memref<16x1024xf32, #tpu.memory_space<vmem>>, vector<1x16xf32>,
      %swap3A_594 = vector.shape_cast %swap3A_593 : vector<1x16xf32> to vector<16xf32>
      %swap3A_595 = vector.shape_cast %add3A_589 : vector<16xf32> to vector<1x16xf32>
      tpu.vector_store %arg19[%swap3A_591, %swap3A_592], %swap3A_595 {strides = array<i32>} : memref<16x1024xf32, #tpu.memory_space<vmem>>, vector<1x16xf32>,
      %mul3A_596 = arith.constant 16 : i32
      %mul3A_597 = arith.muli %scan3A_435, %mul3A_596 : i32
      %get3A_598 = arith.constant 7 : i32
      %get3A_599 = arith.index_cast %get3A_598 : i32 to index
      %get3A_600 = arith.index_cast %mul3A_597 : i32 to index
      %get3A_601 = tpu.vector_load %arg15[%get3A_599, %get3A_600] {strides = array<i32>} : memref<16x1024xf32, #tpu.memory_space<vmem>>, vector<1x16xf32>,
      %get3A_602 = vector.shape_cast %get3A_601 : vector<1x16xf32> to vector<16xf32>
      %mul3A_603 = vector.broadcast %squeeze3A_360 : f32 to vector<16xf32>
      %mul3A_604 = arith.mulf %get3A_602, %mul3A_603 : vector<16xf32>
      %get3A_605 = arith.constant 7 : i32
      %get3A_606 = arith.index_cast %get3A_605 : i32 to index
      %get3A_607 = arith.index_cast %mul3A_597 : i32 to index
      %get3A_608 = tpu.vector_load %arg17[%get3A_606, %get3A_607] {strides = array<i32>} : memref<16x1024xf32, #tpu.memory_space<vmem>>, vector<1x16xf32>,
      %get3A_609 = vector.shape_cast %get3A_608 : vector<1x16xf32> to vector<16xf32>
      %mul3A_610 = vector.broadcast %squeeze3A_392 : f32 to vector<16xf32>
      %mul3A_611 = arith.mulf %get3A_609, %mul3A_610 : vector<16xf32>
      %add3A_612 = arith.addf %mul3A_604, %mul3A_611 : vector<16xf32>
      %swap3A_613 = arith.constant 7 : i32
      %swap3A_614 = arith.index_cast %swap3A_613 : i32 to index
      %swap3A_615 = arith.index_cast %mul3A_597 : i32 to index
      %swap3A_616 = tpu.vector_load %arg19[%swap3A_614, %swap3A_615] {strides = array<i32>} : memref<16x1024xf32, #tpu.memory_space<vmem>>, vector<1x16xf32>,
      %swap3A_617 = vector.shape_cast %swap3A_616 : vector<1x16xf32> to vector<16xf32>
      %swap3A_618 = vector.shape_cast %add3A_612 : vector<16xf32> to vector<1x16xf32>
      tpu.vector_store %arg19[%swap3A_614, %swap3A_615], %swap3A_618 {strides = array<i32>} : memref<16x1024xf32, #tpu.memory_space<vmem>>, vector<1x16xf32>,
      %mul3A_619 = arith.constant 16 : i32
      %mul3A_620 = arith.muli %scan3A_435, %mul3A_619 : i32
      %get3A_621 = arith.constant 8 : i32
      %get3A_622 = arith.index_cast %get3A_621 : i32 to index
      %get3A_623 = arith.index_cast %mul3A_620 : i32 to index
      %get3A_624 = tpu.vector_load %arg15[%get3A_622, %get3A_623] {strides = array<i32>} : memref<16x1024xf32, #tpu.memory_space<vmem>>, vector<1x16xf32>,
      %get3A_625 = vector.shape_cast %get3A_624 : vector<1x16xf32> to vector<16xf32>
      %mul3A_626 = vector.broadcast %squeeze3A_362 : f32 to vector<16xf32>
      %mul3A_627 = arith.mulf %get3A_625, %mul3A_626 : vector<16xf32>
      %get3A_628 = arith.constant 8 : i32
      %get3A_629 = arith.index_cast %get3A_628 : i32 to index
      %get3A_630 = arith.index_cast %mul3A_620 : i32 to index
      %get3A_631 = tpu.vector_load %arg17[%get3A_629, %get3A_630] {strides = array<i32>} : memref<16x1024xf32, #tpu.memory_space<vmem>>, vector<1x16xf32>,
      %get3A_632 = vector.shape_cast %get3A_631 : vector<1x16xf32> to vector<16xf32>
      %mul3A_633 = vector.broadcast %squeeze3A_394 : f32 to vector<16xf32>
      %mul3A_634 = arith.mulf %get3A_632, %mul3A_633 : vector<16xf32>
      %add3A_635 = arith.addf %mul3A_627, %mul3A_634 : vector<16xf32>
      %swap3A_636 = arith.constant 8 : i32
      %swap3A_637 = arith.index_cast %swap3A_636 : i32 to index
      %swap3A_638 = arith.index_cast %mul3A_620 : i32 to index
      %swap3A_639 = tpu.vector_load %arg19[%swap3A_637, %swap3A_638] {strides = array<i32>} : memref<16x1024xf32, #tpu.memory_space<vmem>>, vector<1x16xf32>,
      %swap3A_640 = vector.shape_cast %swap3A_639 : vector<1x16xf32> to vector<16xf32>
      %swap3A_641 = vector.shape_cast %add3A_635 : vector<16xf32> to vector<1x16xf32>
      tpu.vector_store %arg19[%swap3A_637, %swap3A_638], %swap3A_641 {strides = array<i32>} : memref<16x1024xf32, #tpu.memory_space<vmem>>, vector<1x16xf32>,
      %mul3A_642 = arith.constant 16 : i32
      %mul3A_643 = arith.muli %scan3A_435, %mul3A_642 : i32
      %get3A_644 = arith.constant 9 : i32
      %get3A_645 = arith.index_cast %get3A_644 : i32 to index
      %get3A_646 = arith.index_cast %mul3A_643 : i32 to index
      %get3A_647 = tpu.vector_load %arg15[%get3A_645, %get3A_646] {strides = array<i32>} : memref<16x1024xf32, #tpu.memory_space<vmem>>, vector<1x16xf32>,
      %get3A_648 = vector.shape_cast %get3A_647 : vector<1x16xf32> to vector<16xf32>
      %mul3A_649 = vector.broadcast %squeeze3A_364 : f32 to vector<16xf32>
      %mul3A_650 = arith.mulf %get3A_648, %mul3A_649 : vector<16xf32>
      %get3A_651 = arith.constant 9 : i32
      %get3A_652 = arith.index_cast %get3A_651 : i32 to index
      %get3A_653 = arith.index_cast %mul3A_643 : i32 to index
      %get3A_654 = tpu.vector_load %arg17[%get3A_652, %get3A_653] {strides = array<i32>} : memref<16x1024xf32, #tpu.memory_space<vmem>>, vector<1x16xf32>,
      %get3A_655 = vector.shape_cast %get3A_654 : vector<1x16xf32> to vector<16xf32>
      %mul3A_656 = vector.broadcast %squeeze3A_396 : f32 to vector<16xf32>
      %mul3A_657 = arith.mulf %get3A_655, %mul3A_656 : vector<16xf32>
      %add3A_658 = arith.addf %mul3A_650, %mul3A_657 : vector<16xf32>
      %swap3A_659 = arith.constant 9 : i32
      %swap3A_660 = arith.index_cast %swap3A_659 : i32 to index
      %swap3A_661 = arith.index_cast %mul3A_643 : i32 to index
      %swap3A_662 = tpu.vector_load %arg19[%swap3A_660, %swap3A_661] {strides = array<i32>} : memref<16x1024xf32, #tpu.memory_space<vmem>>, vector<1x16xf32>,
      %swap3A_663 = vector.shape_cast %swap3A_662 : vector<1x16xf32> to vector<16xf32>
      %swap3A_664 = vector.shape_cast %add3A_658 : vector<16xf32> to vector<1x16xf32>
      tpu.vector_store %arg19[%swap3A_660, %swap3A_661], %swap3A_664 {strides = array<i32>} : memref<16x1024xf32, #tpu.memory_space<vmem>>, vector<1x16xf32>,
      %mul3A_665 = arith.constant 16 : i32
      %mul3A_666 = arith.muli %scan3A_435, %mul3A_665 : i32
      %get3A_667 = arith.constant 10 : i32
      %get3A_668 = arith.index_cast %get3A_667 : i32 to index
      %get3A_669 = arith.index_cast %mul3A_666 : i32 to index
      %get3A_670 = tpu.vector_load %arg15[%get3A_668, %get3A_669] {strides = array<i32>} : memref<16x1024xf32, #tpu.memory_space<vmem>>, vector<1x16xf32>,
      %get3A_671 = vector.shape_cast %get3A_670 : vector<1x16xf32> to vector<16xf32>
      %mul3A_672 = vector.broadcast %squeeze3A_366 : f32 to vector<16xf32>
      %mul3A_673 = arith.mulf %get3A_671, %mul3A_672 : vector<16xf32>
      %get3A_674 = arith.constant 10 : i32
      %get3A_675 = arith.index_cast %get3A_674 : i32 to index
      %get3A_676 = arith.index_cast %mul3A_666 : i32 to index
      %get3A_677 = tpu.vector_load %arg17[%get3A_675, %get3A_676] {strides = array<i32>} : memref<16x1024xf32, #tpu.memory_space<vmem>>, vector<1x16xf32>,
      %get3A_678 = vector.shape_cast %get3A_677 : vector<1x16xf32> to vector<16xf32>
      %mul3A_679 = vector.broadcast %squeeze3A_398 : f32 to vector<16xf32>
      %mul3A_680 = arith.mulf %get3A_678, %mul3A_679 : vector<16xf32>
      %add3A_681 = arith.addf %mul3A_673, %mul3A_680 : vector<16xf32>
      %swap3A_682 = arith.constant 10 : i32
      %swap3A_683 = arith.index_cast %swap3A_682 : i32 to index
      %swap3A_684 = arith.index_cast %mul3A_666 : i32 to index
      %swap3A_685 = tpu.vector_load %arg19[%swap3A_683, %swap3A_684] {strides = array<i32>} : memref<16x1024xf32, #tpu.memory_space<vmem>>, vector<1x16xf32>,
      %swap3A_686 = vector.shape_cast %swap3A_685 : vector<1x16xf32> to vector<16xf32>
      %swap3A_687 = vector.shape_cast %add3A_681 : vector<16xf32> to vector<1x16xf32>
      tpu.vector_store %arg19[%swap3A_683, %swap3A_684], %swap3A_687 {strides = array<i32>} : memref<16x1024xf32, #tpu.memory_space<vmem>>, vector<1x16xf32>,
      %mul3A_688 = arith.constant 16 : i32
      %mul3A_689 = arith.muli %scan3A_435, %mul3A_688 : i32
      %get3A_690 = arith.constant 11 : i32
      %get3A_691 = arith.index_cast %get3A_690 : i32 to index
      %get3A_692 = arith.index_cast %mul3A_689 : i32 to index
      %get3A_693 = tpu.vector_load %arg15[%get3A_691, %get3A_692] {strides = array<i32>} : memref<16x1024xf32, #tpu.memory_space<vmem>>, vector<1x16xf32>,
      %get3A_694 = vector.shape_cast %get3A_693 : vector<1x16xf32> to vector<16xf32>
      %mul3A_695 = vector.broadcast %squeeze3A_368 : f32 to vector<16xf32>
      %mul3A_696 = arith.mulf %get3A_694, %mul3A_695 : vector<16xf32>
      %get3A_697 = arith.constant 11 : i32
      %get3A_698 = arith.index_cast %get3A_697 : i32 to index
      %get3A_699 = arith.index_cast %mul3A_689 : i32 to index
      %get3A_700 = tpu.vector_load %arg17[%get3A_698, %get3A_699] {strides = array<i32>} : memref<16x1024xf32, #tpu.memory_space<vmem>>, vector<1x16xf32>,
      %get3A_701 = vector.shape_cast %get3A_700 : vector<1x16xf32> to vector<16xf32>
      %mul3A_702 = vector.broadcast %squeeze3A_400 : f32 to vector<16xf32>
      %mul3A_703 = arith.mulf %get3A_701, %mul3A_702 : vector<16xf32>
      %add3A_704 = arith.addf %mul3A_696, %mul3A_703 : vector<16xf32>
      %swap3A_705 = arith.constant 11 : i32
      %swap3A_706 = arith.index_cast %swap3A_705 : i32 to index
      %swap3A_707 = arith.index_cast %mul3A_689 : i32 to index
      %swap3A_708 = tpu.vector_load %arg19[%swap3A_706, %swap3A_707] {strides = array<i32>} : memref<16x1024xf32, #tpu.memory_space<vmem>>, vector<1x16xf32>,
      %swap3A_709 = vector.shape_cast %swap3A_708 : vector<1x16xf32> to vector<16xf32>
      %swap3A_710 = vector.shape_cast %add3A_704 : vector<16xf32> to vector<1x16xf32>
      tpu.vector_store %arg19[%swap3A_706, %swap3A_707], %swap3A_710 {strides = array<i32>} : memref<16x1024xf32, #tpu.memory_space<vmem>>, vector<1x16xf32>,
      %mul3A_711 = arith.constant 16 : i32
      %mul3A_712 = arith.muli %scan3A_435, %mul3A_711 : i32
      %get3A_713 = arith.constant 12 : i32
      %get3A_714 = arith.index_cast %get3A_713 : i32 to index
      %get3A_715 = arith.index_cast %mul3A_712 : i32 to index
      %get3A_716 = tpu.vector_load %arg15[%get3A_714, %get3A_715] {strides = array<i32>} : memref<16x1024xf32, #tpu.memory_space<vmem>>, vector<1x16xf32>,
      %get3A_717 = vector.shape_cast %get3A_716 : vector<1x16xf32> to vector<16xf32>
      %mul3A_718 = vector.broadcast %squeeze3A_370 : f32 to vector<16xf32>
      %mul3A_719 = arith.mulf %get3A_717, %mul3A_718 : vector<16xf32>
      %get3A_720 = arith.constant 12 : i32
      %get3A_721 = arith.index_cast %get3A_720 : i32 to index
      %get3A_722 = arith.index_cast %mul3A_712 : i32 to index
      %get3A_723 = tpu.vector_load %arg17[%get3A_721, %get3A_722] {strides = array<i32>} : memref<16x1024xf32, #tpu.memory_space<vmem>>, vector<1x16xf32>,
      %get3A_724 = vector.shape_cast %get3A_723 : vector<1x16xf32> to vector<16xf32>
      %mul3A_725 = vector.broadcast %squeeze3A_402 : f32 to vector<16xf32>
      %mul3A_726 = arith.mulf %get3A_724, %mul3A_725 : vector<16xf32>
      %add3A_727 = arith.addf %mul3A_719, %mul3A_726 : vector<16xf32>
      %swap3A_728 = arith.constant 12 : i32
      %swap3A_729 = arith.index_cast %swap3A_728 : i32 to index
      %swap3A_730 = arith.index_cast %mul3A_712 : i32 to index
      %swap3A_731 = tpu.vector_load %arg19[%swap3A_729, %swap3A_730] {strides = array<i32>} : memref<16x1024xf32, #tpu.memory_space<vmem>>, vector<1x16xf32>,
      %swap3A_732 = vector.shape_cast %swap3A_731 : vector<1x16xf32> to vector<16xf32>
      %swap3A_733 = vector.shape_cast %add3A_727 : vector<16xf32> to vector<1x16xf32>
      tpu.vector_store %arg19[%swap3A_729, %swap3A_730], %swap3A_733 {strides = array<i32>} : memref<16x1024xf32, #tpu.memory_space<vmem>>, vector<1x16xf32>,
      %mul3A_734 = arith.constant 16 : i32
      %mul3A_735 = arith.muli %scan3A_435, %mul3A_734 : i32
      %get3A_736 = arith.constant 13 : i32
      %get3A_737 = arith.index_cast %get3A_736 : i32 to index
      %get3A_738 = arith.index_cast %mul3A_735 : i32 to index
      %get3A_739 = tpu.vector_load %arg15[%get3A_737, %get3A_738] {strides = array<i32>} : memref<16x1024xf32, #tpu.memory_space<vmem>>, vector<1x16xf32>,
      %get3A_740 = vector.shape_cast %get3A_739 : vector<1x16xf32> to vector<16xf32>
      %mul3A_741 = vector.broadcast %squeeze3A_372 : f32 to vector<16xf32>
      %mul3A_742 = arith.mulf %get3A_740, %mul3A_741 : vector<16xf32>
      %get3A_743 = arith.constant 13 : i32
      %get3A_744 = arith.index_cast %get3A_743 : i32 to index
      %get3A_745 = arith.index_cast %mul3A_735 : i32 to index
      %get3A_746 = tpu.vector_load %arg17[%get3A_744, %get3A_745] {strides = array<i32>} : memref<16x1024xf32, #tpu.memory_space<vmem>>, vector<1x16xf32>,
      %get3A_747 = vector.shape_cast %get3A_746 : vector<1x16xf32> to vector<16xf32>
      %mul3A_748 = vector.broadcast %squeeze3A_404 : f32 to vector<16xf32>
      %mul3A_749 = arith.mulf %get3A_747, %mul3A_748 : vector<16xf32>
      %add3A_750 = arith.addf %mul3A_742, %mul3A_749 : vector<16xf32>
      %swap3A_751 = arith.constant 13 : i32
      %swap3A_752 = arith.index_cast %swap3A_751 : i32 to index
      %swap3A_753 = arith.index_cast %mul3A_735 : i32 to index
      %swap3A_754 = tpu.vector_load %arg19[%swap3A_752, %swap3A_753] {strides = array<i32>} : memref<16x1024xf32, #tpu.memory_space<vmem>>, vector<1x16xf32>,
      %swap3A_755 = vector.shape_cast %swap3A_754 : vector<1x16xf32> to vector<16xf32>
      %swap3A_756 = vector.shape_cast %add3A_750 : vector<16xf32> to vector<1x16xf32>
      tpu.vector_store %arg19[%swap3A_752, %swap3A_753], %swap3A_756 {strides = array<i32>} : memref<16x1024xf32, #tpu.memory_space<vmem>>, vector<1x16xf32>,
      %mul3A_757 = arith.constant 16 : i32
      %mul3A_758 = arith.muli %scan3A_435, %mul3A_757 : i32
      %get3A_759 = arith.constant 14 : i32
      %get3A_760 = arith.index_cast %get3A_759 : i32 to index
      %get3A_761 = arith.index_cast %mul3A_758 : i32 to index
      %get3A_762 = tpu.vector_load %arg15[%get3A_760, %get3A_761] {strides = array<i32>} : memref<16x1024xf32, #tpu.memory_space<vmem>>, vector<1x16xf32>,
      %get3A_763 = vector.shape_cast %get3A_762 : vector<1x16xf32> to vector<16xf32>
      %mul3A_764 = vector.broadcast %squeeze3A_374 : f32 to vector<16xf32>
      %mul3A_765 = arith.mulf %get3A_763, %mul3A_764 : vector<16xf32>
      %get3A_766 = arith.constant 14 : i32
      %get3A_767 = arith.index_cast %get3A_766 : i32 to index
      %get3A_768 = arith.index_cast %mul3A_758 : i32 to index
      %get3A_769 = tpu.vector_load %arg17[%get3A_767, %get3A_768] {strides = array<i32>} : memref<16x1024xf32, #tpu.memory_space<vmem>>, vector<1x16xf32>,
      %get3A_770 = vector.shape_cast %get3A_769 : vector<1x16xf32> to vector<16xf32>
      %mul3A_771 = vector.broadcast %squeeze3A_406 : f32 to vector<16xf32>
      %mul3A_772 = arith.mulf %get3A_770, %mul3A_771 : vector<16xf32>
      %add3A_773 = arith.addf %mul3A_765, %mul3A_772 : vector<16xf32>
      %swap3A_774 = arith.constant 14 : i32
      %swap3A_775 = arith.index_cast %swap3A_774 : i32 to index
      %swap3A_776 = arith.index_cast %mul3A_758 : i32 to index
      %swap3A_777 = tpu.vector_load %arg19[%swap3A_775, %swap3A_776] {strides = array<i32>} : memref<16x1024xf32, #tpu.memory_space<vmem>>, vector<1x16xf32>,
      %swap3A_778 = vector.shape_cast %swap3A_777 : vector<1x16xf32> to vector<16xf32>
      %swap3A_779 = vector.shape_cast %add3A_773 : vector<16xf32> to vector<1x16xf32>
      tpu.vector_store %arg19[%swap3A_775, %swap3A_776], %swap3A_779 {strides = array<i32>} : memref<16x1024xf32, #tpu.memory_space<vmem>>, vector<1x16xf32>,
      %mul3A_780 = arith.constant 16 : i32
      %mul3A_781 = arith.muli %scan3A_435, %mul3A_780 : i32
      %get3A_782 = arith.constant 15 : i32
      %get3A_783 = arith.index_cast %get3A_782 : i32 to index
      %get3A_784 = arith.index_cast %mul3A_781 : i32 to index
      %get3A_785 = tpu.vector_load %arg15[%get3A_783, %get3A_784] {strides = array<i32>} : memref<16x1024xf32, #tpu.memory_space<vmem>>, vector<1x16xf32>,
      %get3A_786 = vector.shape_cast %get3A_785 : vector<1x16xf32> to vector<16xf32>
      %mul3A_787 = vector.broadcast %squeeze3A_376 : f32 to vector<16xf32>
      %mul3A_788 = arith.mulf %get3A_786, %mul3A_787 : vector<16xf32>
      %get3A_789 = arith.constant 15 : i32
      %get3A_790 = arith.index_cast %get3A_789 : i32 to index
      %get3A_791 = arith.index_cast %mul3A_781 : i32 to index
      %get3A_792 = tpu.vector_load %arg17[%get3A_790, %get3A_791] {strides = array<i32>} : memref<16x1024xf32, #tpu.memory_space<vmem>>, vector<1x16xf32>,
      %get3A_793 = vector.shape_cast %get3A_792 : vector<1x16xf32> to vector<16xf32>
      %mul3A_794 = vector.broadcast %squeeze3A_408 : f32 to vector<16xf32>
      %mul3A_795 = arith.mulf %get3A_793, %mul3A_794 : vector<16xf32>
      %add3A_796 = arith.addf %mul3A_788, %mul3A_795 : vector<16xf32>
      %swap3A_797 = arith.constant 15 : i32
      %swap3A_798 = arith.index_cast %swap3A_797 : i32 to index
      %swap3A_799 = arith.index_cast %mul3A_781 : i32 to index
      %swap3A_800 = tpu.vector_load %arg19[%swap3A_798, %swap3A_799] {strides = array<i32>} : memref<16x1024xf32, #tpu.memory_space<vmem>>, vector<1x16xf32>,
      %swap3A_801 = vector.shape_cast %swap3A_800 : vector<1x16xf32> to vector<16xf32>
      %swap3A_802 = vector.shape_cast %add3A_796 : vector<16xf32> to vector<1x16xf32>
      tpu.vector_store %arg19[%swap3A_798, %swap3A_799], %swap3A_802 {strides = array<i32>} : memref<16x1024xf32, #tpu.memory_space<vmem>>, vector<1x16xf32>,
    }
    %scan3A_414 = arith.constant 64 : i32
    %dma_start3A_415 = arith.constant 0 : i32
    %dma_start3A_416 = tpu.memref_slice %arg5[%add3A_328, %dma_start3A_415] : memref<2048x1024xf32, #tpu.memory_space<hbm>> -> memref<16x1024xf32, #tpu.memory_space<hbm>>
    %dma_start3A_417 = arith.constant 0 : i32
    %dma_start3A_418 = tpu.memref_slice %arg5[%add3A_328, %dma_start3A_417] : memref<2048x1024xf32, #tpu.memory_space<hbm>> -> memref<16x1024xf32, #tpu.memory_space<hbm>>
    tpu.enqueue_dma source(%arg19 : memref<16x1024xf32, #tpu.memory_space<vmem>>) target(%dma_start3A_418 : memref<16x1024xf32, #tpu.memory_space<hbm>>) target_semaphore(%arg25 : memref<!tpu.dma_semaphore, #tpu.memory_space<semaphore_mem>>)
    %mul3A_419 = arith.constant 64 : i32
    %mul3A_420 = arith.muli %add3A, %mul3A_419 : i32
    %add3A_421 = arith.constant 32 : i32
    %add3A_422 = arith.addi %mul3A_420, %add3A_421 : i32
    %dma_wait3A_423 = arith.constant 0 : i32
    %dma_wait3A_424 = tpu.memref_slice %arg5[%add3A_422, %dma_wait3A_423] : memref<2048x1024xf32, #tpu.memory_space<hbm>> -> memref<16x1024xf32, #tpu.memory_space<hbm>>
    %dma_wait3A_425 = arith.constant 0 : i32
    %dma_wait3A_426 = tpu.memref_slice %arg5[%add3A_422, %dma_wait3A_425] : memref<2048x1024xf32, #tpu.memory_space<hbm>> -> memref<16x1024xf32, #tpu.memory_space<hbm>>
    tpu.wait_dma2 semaphore(%arg24 : memref<!tpu.dma_semaphore, #tpu.memory_space<semaphore_mem>>) src(%arg18 : memref<16x1024xf32, #tpu.memory_space<vmem>>) dst(%dma_wait3A_426 : memref<16x1024xf32, #tpu.memory_space<hbm>>)
    %mul3A_427 = arith.constant 64 : i32
    %mul3A_428 = arith.muli %add3A, %mul3A_427 : i32
    %add3A_429 = arith.constant 48 : i32
    %add3A_430 = arith.addi %mul3A_428, %add3A_429 : i32
    %dma_wait3A_431 = arith.constant 0 : i32
    %dma_wait3A_432 = tpu.memref_slice %arg5[%add3A_430, %dma_wait3A_431] : memref<2048x1024xf32, #tpu.memory_space<hbm>> -> memref<16x1024xf32, #tpu.memory_space<hbm>>
    %dma_wait3A_433 = arith.constant 0 : i32
    %dma_wait3A_434 = tpu.memref_slice %arg5[%add3A_430, %dma_wait3A_433] : memref<2048x1024xf32, #tpu.memory_space<hbm>> -> memref<16x1024xf32, #tpu.memory_space<hbm>>
    tpu.wait_dma2 semaphore(%arg25 : memref<!tpu.dma_semaphore, #tpu.memory_space<semaphore_mem>>) src(%arg19 : memref<16x1024xf32, #tpu.memory_space<vmem>>) dst(%dma_wait3A_434 : memref<16x1024xf32, #tpu.memory_space<hbm>>)
    return
  }
}

#map = affine_map<(d0, d1) -> (0, 0)>
#map1 = affine_map<(d0, d1) -> (0)>
module attributes {stable_mosaic.version = 14 : i64} {
  func.func @k(%arg0: i32, %arg1: i32, %arg2: memref<2048x1024xf32, #tpu.memory_space<hbm>>, %arg3: memref<4096xi32, #tpu.memory_space<hbm>>, %arg4: memref<6144x1024xf32, #tpu.memory_space<hbm>>, %arg5: memref<32xi32, #tpu.memory_space<vmem>>, %arg6: memref<32xi32, #tpu.memory_space<vmem>>, %arg7: memref<32x1024xf32, #tpu.memory_space<vmem>>, %arg8: memref<32x1024xf32, #tpu.memory_space<vmem>>, %arg9: memref<!tpu.dma_semaphore, #tpu.memory_space<semaphore_mem>>, %arg10: memref<!tpu.dma_semaphore, #tpu.memory_space<semaphore_mem>>) attributes {dimension_semantics = [#tpu.dimension_semantics<core_parallel>, #tpu.dimension_semantics<subcore_parallel>], iteration_bounds = array<i64: 2, 16>, scalar_prefetch = 0 : i64, scratch_operands = 6 : i64, tpu.core_type = #tpu.core_type<sc_vector_subcore>, window_params = [{transform_indices = #map}, {transform_indices = #map1}, {transform_indices = #map}]} {
    %mul3A = arith.constant 2 : i32
    %mul3A_0 = arith.muli %arg1, %mul3A : i32
    %add3A = arith.addi %mul3A_0, %arg0 : i32
    %mul3A_1 = arith.constant 128 : i32
    %mul3A_2 = arith.muli %add3A, %mul3A_1 : i32
    %add3A_3 = arith.constant 0 : i32
    %add3A_4 = arith.addi %mul3A_2, %add3A_3 : i32
    %rem3A = arith.constant 2048 : i32
    %rem3A_5 = arith.remsi %add3A_4, %rem3A : i32
    "tpu.region"() ({
      %run_scoped3A = tpu.sem_alloc : memref<!tpu.dma_semaphore, #tpu.memory_space<semaphore_mem>>
      %dma_start3A_40 = tpu.memref_slice %arg3[%add3A_4] : memref<4096xi32, #tpu.memory_space<hbm>> -> memref<32xi32, #tpu.memory_space<hbm>>
      %dma_start3A_41 = tpu.memref_slice %arg3[%add3A_4] : memref<4096xi32, #tpu.memory_space<hbm>> -> memref<32xi32, #tpu.memory_space<hbm>>
      tpu.enqueue_dma source(%dma_start3A_41 : memref<32xi32, #tpu.memory_space<hbm>>) target(%arg5 : memref<32xi32, #tpu.memory_space<vmem>>) target_semaphore(%run_scoped3A : memref<!tpu.dma_semaphore, #tpu.memory_space<semaphore_mem>>)
      %dma_wait3A_42 = tpu.memref_slice %arg3[%add3A_4] : memref<4096xi32, #tpu.memory_space<hbm>> -> memref<32xi32, #tpu.memory_space<hbm>>
      %dma_wait3A_43 = tpu.memref_slice %arg3[%add3A_4] : memref<4096xi32, #tpu.memory_space<hbm>> -> memref<32xi32, #tpu.memory_space<hbm>>
      tpu.wait_dma2 semaphore(%run_scoped3A : memref<!tpu.dma_semaphore, #tpu.memory_space<semaphore_mem>>) src(%dma_wait3A_43 : memref<32xi32, #tpu.memory_space<hbm>>) dst(%arg5 : memref<32xi32, #tpu.memory_space<vmem>>)
      tpu.yield
    }) : () -> ()
    "tpu.region"() ({
      %run_scoped3A = tpu.sem_alloc : memref<!tpu.dma_semaphore, #tpu.memory_space<semaphore_mem>>
      %dma_start3A_40 = arith.constant 0 : i32
      %dma_start3A_41 = tpu.memref_slice %arg2[%rem3A_5, %dma_start3A_40] : memref<2048x1024xf32, #tpu.memory_space<hbm>> -> memref<32x1024xf32, #tpu.memory_space<hbm>>
      %dma_start3A_42 = arith.constant 0 : i32
      %dma_start3A_43 = tpu.memref_slice %arg2[%rem3A_5, %dma_start3A_42] : memref<2048x1024xf32, #tpu.memory_space<hbm>> -> memref<32x1024xf32, #tpu.memory_space<hbm>>
      tpu.enqueue_dma source(%dma_start3A_43 : memref<32x1024xf32, #tpu.memory_space<hbm>>) target(%arg7 : memref<32x1024xf32, #tpu.memory_space<vmem>>) target_semaphore(%run_scoped3A : memref<!tpu.dma_semaphore, #tpu.memory_space<semaphore_mem>>)
      %dma_wait3A_44 = arith.constant 0 : i32
      %dma_wait3A_45 = tpu.memref_slice %arg2[%rem3A_5, %dma_wait3A_44] : memref<2048x1024xf32, #tpu.memory_space<hbm>> -> memref<32x1024xf32, #tpu.memory_space<hbm>>
      %dma_wait3A_46 = arith.constant 0 : i32
      %dma_wait3A_47 = tpu.memref_slice %arg2[%rem3A_5, %dma_wait3A_46] : memref<2048x1024xf32, #tpu.memory_space<hbm>> -> memref<32x1024xf32, #tpu.memory_space<hbm>>
      tpu.wait_dma2 semaphore(%run_scoped3A : memref<!tpu.dma_semaphore, #tpu.memory_space<semaphore_mem>>) src(%dma_wait3A_47 : memref<32x1024xf32, #tpu.memory_space<hbm>>) dst(%arg7 : memref<32x1024xf32, #tpu.memory_space<vmem>>)
      tpu.yield
    }) : () -> ()
    %dma_start3A = arith.constant 0 : i32
    %dma_start3A_6 = arith.constant 0 : i32
    %dma_start3A_7 = tpu.memref_slice %arg4[%dma_start3A, %dma_start3A_6] : memref<6144x1024xf32, #tpu.memory_space<hbm>> -> memref<6144x1024xf32, #tpu.memory_space<hbm>>
    tpu.enqueue_indirect_dma source(%arg7 : memref<32x1024xf32, #tpu.memory_space<vmem>>) target(%dma_start3A_7 : memref<6144x1024xf32, #tpu.memory_space<hbm>>) offsets(%arg5 : memref<32xi32, #tpu.memory_space<vmem>>) semaphore(%arg9 : memref<!tpu.dma_semaphore, #tpu.memory_space<semaphore_mem>>)
    %add3A_8 = arith.constant 32 : i32
    %add3A_9 = arith.addi %mul3A_2, %add3A_8 : i32
    %rem3A_10 = arith.constant 2048 : i32
    %rem3A_11 = arith.remsi %add3A_9, %rem3A_10 : i32
    "tpu.region"() ({
      %run_scoped3A = tpu.sem_alloc : memref<!tpu.dma_semaphore, #tpu.memory_space<semaphore_mem>>
      %dma_start3A_40 = tpu.memref_slice %arg3[%add3A_9] : memref<4096xi32, #tpu.memory_space<hbm>> -> memref<32xi32, #tpu.memory_space<hbm>>
      %dma_start3A_41 = tpu.memref_slice %arg3[%add3A_9] : memref<4096xi32, #tpu.memory_space<hbm>> -> memref<32xi32, #tpu.memory_space<hbm>>
      tpu.enqueue_dma source(%dma_start3A_41 : memref<32xi32, #tpu.memory_space<hbm>>) target(%arg6 : memref<32xi32, #tpu.memory_space<vmem>>) target_semaphore(%run_scoped3A : memref<!tpu.dma_semaphore, #tpu.memory_space<semaphore_mem>>)
      %dma_wait3A_42 = tpu.memref_slice %arg3[%add3A_9] : memref<4096xi32, #tpu.memory_space<hbm>> -> memref<32xi32, #tpu.memory_space<hbm>>
      %dma_wait3A_43 = tpu.memref_slice %arg3[%add3A_9] : memref<4096xi32, #tpu.memory_space<hbm>> -> memref<32xi32, #tpu.memory_space<hbm>>
      tpu.wait_dma2 semaphore(%run_scoped3A : memref<!tpu.dma_semaphore, #tpu.memory_space<semaphore_mem>>) src(%dma_wait3A_43 : memref<32xi32, #tpu.memory_space<hbm>>) dst(%arg6 : memref<32xi32, #tpu.memory_space<vmem>>)
      tpu.yield
    }) : () -> ()
    "tpu.region"() ({
      %run_scoped3A = tpu.sem_alloc : memref<!tpu.dma_semaphore, #tpu.memory_space<semaphore_mem>>
      %dma_start3A_40 = arith.constant 0 : i32
      %dma_start3A_41 = tpu.memref_slice %arg2[%rem3A_11, %dma_start3A_40] : memref<2048x1024xf32, #tpu.memory_space<hbm>> -> memref<32x1024xf32, #tpu.memory_space<hbm>>
      %dma_start3A_42 = arith.constant 0 : i32
      %dma_start3A_43 = tpu.memref_slice %arg2[%rem3A_11, %dma_start3A_42] : memref<2048x1024xf32, #tpu.memory_space<hbm>> -> memref<32x1024xf32, #tpu.memory_space<hbm>>
      tpu.enqueue_dma source(%dma_start3A_43 : memref<32x1024xf32, #tpu.memory_space<hbm>>) target(%arg8 : memref<32x1024xf32, #tpu.memory_space<vmem>>) target_semaphore(%run_scoped3A : memref<!tpu.dma_semaphore, #tpu.memory_space<semaphore_mem>>)
      %dma_wait3A_44 = arith.constant 0 : i32
      %dma_wait3A_45 = tpu.memref_slice %arg2[%rem3A_11, %dma_wait3A_44] : memref<2048x1024xf32, #tpu.memory_space<hbm>> -> memref<32x1024xf32, #tpu.memory_space<hbm>>
      %dma_wait3A_46 = arith.constant 0 : i32
      %dma_wait3A_47 = tpu.memref_slice %arg2[%rem3A_11, %dma_wait3A_46] : memref<2048x1024xf32, #tpu.memory_space<hbm>> -> memref<32x1024xf32, #tpu.memory_space<hbm>>
      tpu.wait_dma2 semaphore(%run_scoped3A : memref<!tpu.dma_semaphore, #tpu.memory_space<semaphore_mem>>) src(%dma_wait3A_47 : memref<32x1024xf32, #tpu.memory_space<hbm>>) dst(%arg8 : memref<32x1024xf32, #tpu.memory_space<vmem>>)
      tpu.yield
    }) : () -> ()
    %dma_start3A_12 = arith.constant 0 : i32
    %dma_start3A_13 = arith.constant 0 : i32
    %dma_start3A_14 = tpu.memref_slice %arg4[%dma_start3A_12, %dma_start3A_13] : memref<6144x1024xf32, #tpu.memory_space<hbm>> -> memref<6144x1024xf32, #tpu.memory_space<hbm>>
    tpu.enqueue_indirect_dma source(%arg8 : memref<32x1024xf32, #tpu.memory_space<vmem>>) target(%dma_start3A_14 : memref<6144x1024xf32, #tpu.memory_space<hbm>>) offsets(%arg6 : memref<32xi32, #tpu.memory_space<vmem>>) semaphore(%arg10 : memref<!tpu.dma_semaphore, #tpu.memory_space<semaphore_mem>>)
    %dma_wait3A = arith.constant 0 : i32
    %dma_wait3A_15 = arith.constant 0 : i32
    %dma_wait3A_16 = tpu.memref_slice %arg4[%dma_wait3A, %dma_wait3A_15] : memref<6144x1024xf32, #tpu.memory_space<hbm>> -> memref<6144x1024xf32, #tpu.memory_space<hbm>>
    tpu.wait_indirect_dma semaphore(%arg9 : memref<!tpu.dma_semaphore, #tpu.memory_space<semaphore_mem>>) src(%arg7 : memref<32x1024xf32, #tpu.memory_space<vmem>>) dst(%dma_wait3A_16 : memref<6144x1024xf32, #tpu.memory_space<hbm>>)
    %add3A_17 = arith.constant 64 : i32
    %add3A_18 = arith.addi %mul3A_2, %add3A_17 : i32
    %rem3A_19 = arith.constant 2048 : i32
    %rem3A_20 = arith.remsi %add3A_18, %rem3A_19 : i32
    "tpu.region"() ({
      %run_scoped3A = tpu.sem_alloc : memref<!tpu.dma_semaphore, #tpu.memory_space<semaphore_mem>>
      %dma_start3A_40 = tpu.memref_slice %arg3[%add3A_18] : memref<4096xi32, #tpu.memory_space<hbm>> -> memref<32xi32, #tpu.memory_space<hbm>>
      %dma_start3A_41 = tpu.memref_slice %arg3[%add3A_18] : memref<4096xi32, #tpu.memory_space<hbm>> -> memref<32xi32, #tpu.memory_space<hbm>>
      tpu.enqueue_dma source(%dma_start3A_41 : memref<32xi32, #tpu.memory_space<hbm>>) target(%arg5 : memref<32xi32, #tpu.memory_space<vmem>>) target_semaphore(%run_scoped3A : memref<!tpu.dma_semaphore, #tpu.memory_space<semaphore_mem>>)
      %dma_wait3A_42 = tpu.memref_slice %arg3[%add3A_18] : memref<4096xi32, #tpu.memory_space<hbm>> -> memref<32xi32, #tpu.memory_space<hbm>>
      %dma_wait3A_43 = tpu.memref_slice %arg3[%add3A_18] : memref<4096xi32, #tpu.memory_space<hbm>> -> memref<32xi32, #tpu.memory_space<hbm>>
      tpu.wait_dma2 semaphore(%run_scoped3A : memref<!tpu.dma_semaphore, #tpu.memory_space<semaphore_mem>>) src(%dma_wait3A_43 : memref<32xi32, #tpu.memory_space<hbm>>) dst(%arg5 : memref<32xi32, #tpu.memory_space<vmem>>)
      tpu.yield
    }) : () -> ()
    "tpu.region"() ({
      %run_scoped3A = tpu.sem_alloc : memref<!tpu.dma_semaphore, #tpu.memory_space<semaphore_mem>>
      %dma_start3A_40 = arith.constant 0 : i32
      %dma_start3A_41 = tpu.memref_slice %arg2[%rem3A_20, %dma_start3A_40] : memref<2048x1024xf32, #tpu.memory_space<hbm>> -> memref<32x1024xf32, #tpu.memory_space<hbm>>
      %dma_start3A_42 = arith.constant 0 : i32
      %dma_start3A_43 = tpu.memref_slice %arg2[%rem3A_20, %dma_start3A_42] : memref<2048x1024xf32, #tpu.memory_space<hbm>> -> memref<32x1024xf32, #tpu.memory_space<hbm>>
      tpu.enqueue_dma source(%dma_start3A_43 : memref<32x1024xf32, #tpu.memory_space<hbm>>) target(%arg7 : memref<32x1024xf32, #tpu.memory_space<vmem>>) target_semaphore(%run_scoped3A : memref<!tpu.dma_semaphore, #tpu.memory_space<semaphore_mem>>)
      %dma_wait3A_44 = arith.constant 0 : i32
      %dma_wait3A_45 = tpu.memref_slice %arg2[%rem3A_20, %dma_wait3A_44] : memref<2048x1024xf32, #tpu.memory_space<hbm>> -> memref<32x1024xf32, #tpu.memory_space<hbm>>
      %dma_wait3A_46 = arith.constant 0 : i32
      %dma_wait3A_47 = tpu.memref_slice %arg2[%rem3A_20, %dma_wait3A_46] : memref<2048x1024xf32, #tpu.memory_space<hbm>> -> memref<32x1024xf32, #tpu.memory_space<hbm>>
      tpu.wait_dma2 semaphore(%run_scoped3A : memref<!tpu.dma_semaphore, #tpu.memory_space<semaphore_mem>>) src(%dma_wait3A_47 : memref<32x1024xf32, #tpu.memory_space<hbm>>) dst(%arg7 : memref<32x1024xf32, #tpu.memory_space<vmem>>)
      tpu.yield
    }) : () -> ()
    %dma_start3A_21 = arith.constant 0 : i32
    %dma_start3A_22 = arith.constant 0 : i32
    %dma_start3A_23 = tpu.memref_slice %arg4[%dma_start3A_21, %dma_start3A_22] : memref<6144x1024xf32, #tpu.memory_space<hbm>> -> memref<6144x1024xf32, #tpu.memory_space<hbm>>
    tpu.enqueue_indirect_dma source(%arg7 : memref<32x1024xf32, #tpu.memory_space<vmem>>) target(%dma_start3A_23 : memref<6144x1024xf32, #tpu.memory_space<hbm>>) offsets(%arg5 : memref<32xi32, #tpu.memory_space<vmem>>) semaphore(%arg9 : memref<!tpu.dma_semaphore, #tpu.memory_space<semaphore_mem>>)
    %dma_wait3A_24 = arith.constant 0 : i32
    %dma_wait3A_25 = arith.constant 0 : i32
    %dma_wait3A_26 = tpu.memref_slice %arg4[%dma_wait3A_24, %dma_wait3A_25] : memref<6144x1024xf32, #tpu.memory_space<hbm>> -> memref<6144x1024xf32, #tpu.memory_space<hbm>>
    tpu.wait_indirect_dma semaphore(%arg10 : memref<!tpu.dma_semaphore, #tpu.memory_space<semaphore_mem>>) src(%arg8 : memref<32x1024xf32, #tpu.memory_space<vmem>>) dst(%dma_wait3A_26 : memref<6144x1024xf32, #tpu.memory_space<hbm>>)
    %add3A_27 = arith.constant 96 : i32
    %add3A_28 = arith.addi %mul3A_2, %add3A_27 : i32
    %rem3A_29 = arith.constant 2048 : i32
    %rem3A_30 = arith.remsi %add3A_28, %rem3A_29 : i32
    "tpu.region"() ({
      %run_scoped3A = tpu.sem_alloc : memref<!tpu.dma_semaphore, #tpu.memory_space<semaphore_mem>>
      %dma_start3A_40 = tpu.memref_slice %arg3[%add3A_28] : memref<4096xi32, #tpu.memory_space<hbm>> -> memref<32xi32, #tpu.memory_space<hbm>>
      %dma_start3A_41 = tpu.memref_slice %arg3[%add3A_28] : memref<4096xi32, #tpu.memory_space<hbm>> -> memref<32xi32, #tpu.memory_space<hbm>>
      tpu.enqueue_dma source(%dma_start3A_41 : memref<32xi32, #tpu.memory_space<hbm>>) target(%arg6 : memref<32xi32, #tpu.memory_space<vmem>>) target_semaphore(%run_scoped3A : memref<!tpu.dma_semaphore, #tpu.memory_space<semaphore_mem>>)
      %dma_wait3A_42 = tpu.memref_slice %arg3[%add3A_28] : memref<4096xi32, #tpu.memory_space<hbm>> -> memref<32xi32, #tpu.memory_space<hbm>>
      %dma_wait3A_43 = tpu.memref_slice %arg3[%add3A_28] : memref<4096xi32, #tpu.memory_space<hbm>> -> memref<32xi32, #tpu.memory_space<hbm>>
      tpu.wait_dma2 semaphore(%run_scoped3A : memref<!tpu.dma_semaphore, #tpu.memory_space<semaphore_mem>>) src(%dma_wait3A_43 : memref<32xi32, #tpu.memory_space<hbm>>) dst(%arg6 : memref<32xi32, #tpu.memory_space<vmem>>)
      tpu.yield
    }) : () -> ()
    "tpu.region"() ({
      %run_scoped3A = tpu.sem_alloc : memref<!tpu.dma_semaphore, #tpu.memory_space<semaphore_mem>>
      %dma_start3A_40 = arith.constant 0 : i32
      %dma_start3A_41 = tpu.memref_slice %arg2[%rem3A_30, %dma_start3A_40] : memref<2048x1024xf32, #tpu.memory_space<hbm>> -> memref<32x1024xf32, #tpu.memory_space<hbm>>
      %dma_start3A_42 = arith.constant 0 : i32
      %dma_start3A_43 = tpu.memref_slice %arg2[%rem3A_30, %dma_start3A_42] : memref<2048x1024xf32, #tpu.memory_space<hbm>> -> memref<32x1024xf32, #tpu.memory_space<hbm>>
      tpu.enqueue_dma source(%dma_start3A_43 : memref<32x1024xf32, #tpu.memory_space<hbm>>) target(%arg8 : memref<32x1024xf32, #tpu.memory_space<vmem>>) target_semaphore(%run_scoped3A : memref<!tpu.dma_semaphore, #tpu.memory_space<semaphore_mem>>)
      %dma_wait3A_44 = arith.constant 0 : i32
      %dma_wait3A_45 = tpu.memref_slice %arg2[%rem3A_30, %dma_wait3A_44] : memref<2048x1024xf32, #tpu.memory_space<hbm>> -> memref<32x1024xf32, #tpu.memory_space<hbm>>
      %dma_wait3A_46 = arith.constant 0 : i32
      %dma_wait3A_47 = tpu.memref_slice %arg2[%rem3A_30, %dma_wait3A_46] : memref<2048x1024xf32, #tpu.memory_space<hbm>> -> memref<32x1024xf32, #tpu.memory_space<hbm>>
      tpu.wait_dma2 semaphore(%run_scoped3A : memref<!tpu.dma_semaphore, #tpu.memory_space<semaphore_mem>>) src(%dma_wait3A_47 : memref<32x1024xf32, #tpu.memory_space<hbm>>) dst(%arg8 : memref<32x1024xf32, #tpu.memory_space<vmem>>)
      tpu.yield
    }) : () -> ()
    %dma_start3A_31 = arith.constant 0 : i32
    %dma_start3A_32 = arith.constant 0 : i32
    %dma_start3A_33 = tpu.memref_slice %arg4[%dma_start3A_31, %dma_start3A_32] : memref<6144x1024xf32, #tpu.memory_space<hbm>> -> memref<6144x1024xf32, #tpu.memory_space<hbm>>
    tpu.enqueue_indirect_dma source(%arg8 : memref<32x1024xf32, #tpu.memory_space<vmem>>) target(%dma_start3A_33 : memref<6144x1024xf32, #tpu.memory_space<hbm>>) offsets(%arg6 : memref<32xi32, #tpu.memory_space<vmem>>) semaphore(%arg10 : memref<!tpu.dma_semaphore, #tpu.memory_space<semaphore_mem>>)
    %dma_wait3A_34 = arith.constant 0 : i32
    %dma_wait3A_35 = arith.constant 0 : i32
    %dma_wait3A_36 = tpu.memref_slice %arg4[%dma_wait3A_34, %dma_wait3A_35] : memref<6144x1024xf32, #tpu.memory_space<hbm>> -> memref<6144x1024xf32, #tpu.memory_space<hbm>>
    tpu.wait_indirect_dma semaphore(%arg9 : memref<!tpu.dma_semaphore, #tpu.memory_space<semaphore_mem>>) src(%arg7 : memref<32x1024xf32, #tpu.memory_space<vmem>>) dst(%dma_wait3A_36 : memref<6144x1024xf32, #tpu.memory_space<hbm>>)
    %dma_wait3A_37 = arith.constant 0 : i32
    %dma_wait3A_38 = arith.constant 0 : i32
    %dma_wait3A_39 = tpu.memref_slice %arg4[%dma_wait3A_37, %dma_wait3A_38] : memref<6144x1024xf32, #tpu.memory_space<hbm>> -> memref<6144x1024xf32, #tpu.memory_space<hbm>>
    tpu.wait_indirect_dma semaphore(%arg10 : memref<!tpu.dma_semaphore, #tpu.memory_space<semaphore_mem>>) src(%arg8 : memref<32x1024xf32, #tpu.memory_space<vmem>>) dst(%dma_wait3A_39 : memref<6144x1024xf32, #tpu.memory_space<hbm>>)
    return
  }
}

module attributes {stable_mosaic.version = 14 : i64} {
  func.func @_router_body(%arg0: memref<2048x1024xf32, #tpu.memory_space<vmem>>, %arg1: memref<8x1024xf32, #tpu.memory_space<vmem>>, %arg2: memref<4096x1xi32, #tpu.memory_space<vmem>>, %arg3: memref<4096x1xf32, #tpu.memory_space<vmem>>, %arg4: memref<8x32xi32, #tpu.memory_space<vmem>>) attributes {dimension_semantics = [], scalar_prefetch = 0 : i64, scratch_operands = 0 : i64, tpu.core_type = #tpu.core_type<tc>} {
    %get3A = arith.constant 0 : index
    %get3A_0 = arith.constant 0 : index
    %get3A_1 = vector.load %arg0[%get3A, %get3A_0] : memref<2048x1024xf32, #tpu.memory_space<vmem>>, vector<2048x1024xf32>
    %convert_element_type3A = arith.truncf %get3A_1 : vector<2048x1024xf32> to vector<2048x1024xbf16>
    %get3A_2 = arith.constant 0 : index
    %get3A_3 = arith.constant 0 : index
    %get3A_4 = vector.load %arg1[%get3A_2, %get3A_3] : memref<8x1024xf32, #tpu.memory_space<vmem>>, vector<8x1024xf32>
    %convert_element_type3A_5 = arith.truncf %get3A_4 : vector<8x1024xf32> to vector<8x1024xbf16>
    %dot_general3A = arith.constant dense<0.000000e+00> : vector<2048x8xf32>
    %dot_general3A_6 = tpu.matmul %convert_element_type3A, %convert_element_type3A_5, %dot_general3A {dimension_numbers = #tpu.dot_dimension_numbers<[1], [1], [0], [0], [0, 0, 1, 0], [], []>, transpose_lhs_hint = false} : vector<2048x1024xbf16>, vector<8x1024xbf16>, vector<2048x8xf32> -> vector<2048x8xf32>
    %iota3A = tpu.iota {dimensions = array<i32: 1>} : vector<2048x8xi32>
    %reduce_max3A = arith.constant dense<0xFF800000> : vector<2048xf32>
    %reduce_max3A_7 = vector.multi_reduction <maximumf>, %dot_general3A_6, %reduce_max3A [1] : vector<2048x8xf32> to vector<2048xf32>
    %broadcast_in_dim3A = vector.shape_cast %reduce_max3A_7 : vector<2048xf32> to vector<2048x1xf32>
    %eq3A = vector.broadcast %broadcast_in_dim3A : vector<2048x1xf32> to vector<2048x8xf32>
    %eq3A_8 = arith.cmpf oeq, %dot_general3A_6, %eq3A : vector<2048x8xf32>
    %jit3A = arith.constant 8 : i32
    %broadcast_in_dim3A_9 = vector.broadcast %jit3A : i32 to vector<2048x8xi32>
    %select_n3A = arith.select %eq3A_8, %iota3A, %broadcast_in_dim3A_9 : vector<2048x8xi1>, vector<2048x8xi32>
    %reduce_min3A = arith.constant dense<2147483647> : vector<2048xi32>
    %reduce_min3A_10 = vector.multi_reduction <minsi>, %select_n3A, %reduce_min3A [1] : vector<2048x8xi32> to vector<2048xi32>
    %broadcast_in_dim3A_11 = vector.shape_cast %reduce_min3A_10 : vector<2048xi32> to vector<2048x1xi32>
    %eq3A_12 = vector.broadcast %broadcast_in_dim3A_11 : vector<2048x1xi32> to vector<2048x8xi32>
    %eq3A_13 = arith.cmpi eq, %iota3A, %eq3A_12 : vector<2048x8xi32>
    %jit3A_14 = arith.constant -1.000000e+30 : f32
    %broadcast_in_dim3A_15 = vector.broadcast %jit3A_14 : f32 to vector<2048x8xf32>
    %select_n3A_16 = arith.select %eq3A_13, %broadcast_in_dim3A_15, %dot_general3A_6 : vector<2048x8xi1>, vector<2048x8xf32>
    %reduce_max3A_17 = arith.constant dense<0xFF800000> : vector<2048xf32>
    %reduce_max3A_18 = vector.multi_reduction <maximumf>, %select_n3A_16, %reduce_max3A_17 [1] : vector<2048x8xf32> to vector<2048xf32>
    %broadcast_in_dim3A_19 = vector.shape_cast %reduce_max3A_18 : vector<2048xf32> to vector<2048x1xf32>
    %eq3A_20 = vector.broadcast %broadcast_in_dim3A_19 : vector<2048x1xf32> to vector<2048x8xf32>
    %eq3A_21 = arith.cmpf oeq, %select_n3A_16, %eq3A_20 : vector<2048x8xf32>
    %jit3A_22 = arith.constant 8 : i32
    %broadcast_in_dim3A_23 = vector.broadcast %jit3A_22 : i32 to vector<2048x8xi32>
    %select_n3A_24 = arith.select %eq3A_21, %iota3A, %broadcast_in_dim3A_23 : vector<2048x8xi1>, vector<2048x8xi32>
    %reduce_min3A_25 = arith.constant dense<2147483647> : vector<2048xi32>
    %reduce_min3A_26 = vector.multi_reduction <minsi>, %select_n3A_24, %reduce_min3A_25 [1] : vector<2048x8xi32> to vector<2048xi32>
    %broadcast_in_dim3A_27 = vector.shape_cast %reduce_min3A_26 : vector<2048xi32> to vector<2048x1xi32>
    %sub3A = arith.subf %broadcast_in_dim3A_19, %broadcast_in_dim3A : vector<2048x1xf32>
    %exp3A = math.exp %sub3A : vector<2048x1xf32>
    %add3A = arith.constant 1.000000e+00 : f32
    %add3A_28 = vector.broadcast %add3A : f32 to vector<2048x1xf32>
    %add3A_29 = arith.addf %add3A_28, %exp3A : vector<2048x1xf32>
    %div3A = arith.constant 1.000000e+00 : f32
    %div3A_30 = vector.broadcast %div3A : f32 to vector<2048x1xf32>
    %div3A_31 = arith.divf %div3A_30, %add3A_29 : vector<2048x1xf32>
    %swap3A = arith.constant 0 : index
    %swap3A_32 = arith.constant 0 : index
    %swap3A_33 = vector.load %arg3[%swap3A, %swap3A_32] : memref<4096x1xf32, #tpu.memory_space<vmem>>, vector<2048x1xf32>
    tpu.vector_store %arg3[%swap3A, %swap3A_32], %div3A_31 {strides = array<i32>} : memref<4096x1xf32, #tpu.memory_space<vmem>>, vector<2048x1xf32>,
    %div3A_34 = arith.divf %exp3A, %add3A_29 : vector<2048x1xf32>
    %swap3A_35 = arith.constant 2048 : index
    %swap3A_36 = arith.constant 0 : index
    %swap3A_37 = vector.load %arg3[%swap3A_35, %swap3A_36] : memref<4096x1xf32, #tpu.memory_space<vmem>>, vector<2048x1xf32>
    tpu.vector_store %arg3[%swap3A_35, %swap3A_36], %div3A_34 {strides = array<i32>} : memref<4096x1xf32, #tpu.memory_space<vmem>>, vector<2048x1xf32>,
    %eq3A_38 = vector.broadcast %broadcast_in_dim3A_11 : vector<2048x1xi32> to vector<2048x8xi32>
    %eq3A_39 = arith.cmpi eq, %iota3A, %eq3A_38 : vector<2048x8xi32>
    %convert_element_type3A_40 = arith.extui %eq3A_39 : vector<2048x8xi1> to vector<2048x8xi32>
    %convert_element_type3A_41 = arith.sitofp %convert_element_type3A_40 : vector<2048x8xi32> to vector<2048x8xf32>
    %eq3A_42 = vector.broadcast %broadcast_in_dim3A_27 : vector<2048x1xi32> to vector<2048x8xi32>
    %eq3A_43 = arith.cmpi eq, %iota3A, %eq3A_42 : vector<2048x8xi32>
    %convert_element_type3A_44 = arith.extui %eq3A_43 : vector<2048x8xi1> to vector<2048x8xi32>
    %convert_element_type3A_45 = arith.sitofp %convert_element_type3A_44 : vector<2048x8xi32> to vector<2048x8xf32>
    %iota3A_46 = tpu.iota {dimensions = array<i32: 0>} : vector<256x256xi32>
    %iota3A_47 = tpu.iota {dimensions = array<i32: 1>} : vector<256x256xi32>
    %lt3A = arith.cmpi slt, %iota3A_47, %iota3A_46 : vector<256x256xi32>
    %convert_element_type3A_48 = arith.extui %lt3A : vector<256x256xi1> to vector<256x256xi32>
    %convert_element_type3A_49 = arith.sitofp %convert_element_type3A_48 : vector<256x256xi32> to vector<256x256xf32>
    %broadcast_in_dim3A_50 = arith.constant 0.000000e+00 : f32
    %broadcast_in_dim3A_51 = vector.broadcast %broadcast_in_dim3A_50 : f32 to vector<1x8xf32>
    %slice3A = vector.extract_strided_slice %convert_element_type3A_41 {offsets = [0, 0], sizes = [256, 8], strides = [1, 1]} : vector<2048x8xf32> to vector<256x8xf32>
    %dot_general3A_52 = arith.constant dense<0.000000e+00> : vector<256x8xf32>
    %dot_general3A_53 = tpu.matmul %convert_element_type3A_49, %slice3A, %dot_general3A_52 {dimension_numbers = #tpu.dot_dimension_numbers<[1], [0], [0], [1], [0, 0, 1, 1], [], []>, precision = #tpu.contract_precision<fp32>, transpose_lhs_hint = false} : vector<256x256xf32>, vector<256x8xf32>, vector<256x8xf32> -> vector<256x8xf32>
    %add3A_54 = vector.broadcast %broadcast_in_dim3A_51 : vector<1x8xf32> to vector<256x8xf32>
    %add3A_55 = arith.addf %dot_general3A_53, %add3A_54 : vector<256x8xf32>
    %reduce_sum3A = arith.constant dense<0.000000e+00> : vector<8xf32>
    %reduce_sum3A_56 = vector.multi_reduction <add>, %slice3A, %reduce_sum3A [0] : vector<256x8xf32> to vector<8xf32>
    %broadcast_in_dim3A_57 = vector.shape_cast %reduce_sum3A_56 : vector<8xf32> to vector<1x8xf32>
    %add3A_58 = arith.addf %broadcast_in_dim3A_51, %broadcast_in_dim3A_57 : vector<1x8xf32>
    %slice3A_59 = vector.extract_strided_slice %convert_element_type3A_41 {offsets = [256, 0], sizes = [256, 8], strides = [1, 1]} : vector<2048x8xf32> to vector<256x8xf32>
    %dot_general3A_60 = arith.constant dense<0.000000e+00> : vector<256x8xf32>
    %dot_general3A_61 = tpu.matmul %convert_element_type3A_49, %slice3A_59, %dot_general3A_60 {dimension_numbers = #tpu.dot_dimension_numbers<[1], [0], [0], [1], [0, 0, 1, 1], [], []>, precision = #tpu.contract_precision<fp32>, transpose_lhs_hint = false} : vector<256x256xf32>, vector<256x8xf32>, vector<256x8xf32> -> vector<256x8xf32>
    %add3A_62 = vector.broadcast %add3A_58 : vector<1x8xf32> to vector<256x8xf32>
    %add3A_63 = arith.addf %dot_general3A_61, %add3A_62 : vector<256x8xf32>
    %reduce_sum3A_64 = arith.constant dense<0.000000e+00> : vector<8xf32>
    %reduce_sum3A_65 = vector.multi_reduction <add>, %slice3A_59, %reduce_sum3A_64 [0] : vector<256x8xf32> to vector<8xf32>
    %broadcast_in_dim3A_66 = vector.shape_cast %reduce_sum3A_65 : vector<8xf32> to vector<1x8xf32>
    %add3A_67 = arith.addf %add3A_58, %broadcast_in_dim3A_66 : vector<1x8xf32>
    %slice3A_68 = vector.extract_strided_slice %convert_element_type3A_41 {offsets = [512, 0], sizes = [256, 8], strides = [1, 1]} : vector<2048x8xf32> to vector<256x8xf32>
    %dot_general3A_69 = arith.constant dense<0.000000e+00> : vector<256x8xf32>
    %dot_general3A_70 = tpu.matmul %convert_element_type3A_49, %slice3A_68, %dot_general3A_69 {dimension_numbers = #tpu.dot_dimension_numbers<[1], [0], [0], [1], [0, 0, 1, 1], [], []>, precision = #tpu.contract_precision<fp32>, transpose_lhs_hint = false} : vector<256x256xf32>, vector<256x8xf32>, vector<256x8xf32> -> vector<256x8xf32>
    %add3A_71 = vector.broadcast %add3A_67 : vector<1x8xf32> to vector<256x8xf32>
    %add3A_72 = arith.addf %dot_general3A_70, %add3A_71 : vector<256x8xf32>
    %reduce_sum3A_73 = arith.constant dense<0.000000e+00> : vector<8xf32>
    %reduce_sum3A_74 = vector.multi_reduction <add>, %slice3A_68, %reduce_sum3A_73 [0] : vector<256x8xf32> to vector<8xf32>
    %broadcast_in_dim3A_75 = vector.shape_cast %reduce_sum3A_74 : vector<8xf32> to vector<1x8xf32>
    %add3A_76 = arith.addf %add3A_67, %broadcast_in_dim3A_75 : vector<1x8xf32>
    %slice3A_77 = vector.extract_strided_slice %convert_element_type3A_41 {offsets = [768, 0], sizes = [256, 8], strides = [1, 1]} : vector<2048x8xf32> to vector<256x8xf32>
    %dot_general3A_78 = arith.constant dense<0.000000e+00> : vector<256x8xf32>
    %dot_general3A_79 = tpu.matmul %convert_element_type3A_49, %slice3A_77, %dot_general3A_78 {dimension_numbers = #tpu.dot_dimension_numbers<[1], [0], [0], [1], [0, 0, 1, 1], [], []>, precision = #tpu.contract_precision<fp32>, transpose_lhs_hint = false} : vector<256x256xf32>, vector<256x8xf32>, vector<256x8xf32> -> vector<256x8xf32>
    %add3A_80 = vector.broadcast %add3A_76 : vector<1x8xf32> to vector<256x8xf32>
    %add3A_81 = arith.addf %dot_general3A_79, %add3A_80 : vector<256x8xf32>
    %reduce_sum3A_82 = arith.constant dense<0.000000e+00> : vector<8xf32>
    %reduce_sum3A_83 = vector.multi_reduction <add>, %slice3A_77, %reduce_sum3A_82 [0] : vector<256x8xf32> to vector<8xf32>
    %broadcast_in_dim3A_84 = vector.shape_cast %reduce_sum3A_83 : vector<8xf32> to vector<1x8xf32>
    %add3A_85 = arith.addf %add3A_76, %broadcast_in_dim3A_84 : vector<1x8xf32>
    %slice3A_86 = vector.extract_strided_slice %convert_element_type3A_41 {offsets = [1024, 0], sizes = [256, 8], strides = [1, 1]} : vector<2048x8xf32> to vector<256x8xf32>
    %dot_general3A_87 = arith.constant dense<0.000000e+00> : vector<256x8xf32>
    %dot_general3A_88 = tpu.matmul %convert_element_type3A_49, %slice3A_86, %dot_general3A_87 {dimension_numbers = #tpu.dot_dimension_numbers<[1], [0], [0], [1], [0, 0, 1, 1], [], []>, precision = #tpu.contract_precision<fp32>, transpose_lhs_hint = false} : vector<256x256xf32>, vector<256x8xf32>, vector<256x8xf32> -> vector<256x8xf32>
    %add3A_89 = vector.broadcast %add3A_85 : vector<1x8xf32> to vector<256x8xf32>
    %add3A_90 = arith.addf %dot_general3A_88, %add3A_89 : vector<256x8xf32>
    %reduce_sum3A_91 = arith.constant dense<0.000000e+00> : vector<8xf32>
    %reduce_sum3A_92 = vector.multi_reduction <add>, %slice3A_86, %reduce_sum3A_91 [0] : vector<256x8xf32> to vector<8xf32>
    %broadcast_in_dim3A_93 = vector.shape_cast %reduce_sum3A_92 : vector<8xf32> to vector<1x8xf32>
    %add3A_94 = arith.addf %add3A_85, %broadcast_in_dim3A_93 : vector<1x8xf32>
    %slice3A_95 = vector.extract_strided_slice %convert_element_type3A_41 {offsets = [1280, 0], sizes = [256, 8], strides = [1, 1]} : vector<2048x8xf32> to vector<256x8xf32>
    %dot_general3A_96 = arith.constant dense<0.000000e+00> : vector<256x8xf32>
    %dot_general3A_97 = tpu.matmul %convert_element_type3A_49, %slice3A_95, %dot_general3A_96 {dimension_numbers = #tpu.dot_dimension_numbers<[1], [0], [0], [1], [0, 0, 1, 1], [], []>, precision = #tpu.contract_precision<fp32>, transpose_lhs_hint = false} : vector<256x256xf32>, vector<256x8xf32>, vector<256x8xf32> -> vector<256x8xf32>
    %add3A_98 = vector.broadcast %add3A_94 : vector<1x8xf32> to vector<256x8xf32>
    %add3A_99 = arith.addf %dot_general3A_97, %add3A_98 : vector<256x8xf32>
    %reduce_sum3A_100 = arith.constant dense<0.000000e+00> : vector<8xf32>
    %reduce_sum3A_101 = vector.multi_reduction <add>, %slice3A_95, %reduce_sum3A_100 [0] : vector<256x8xf32> to vector<8xf32>
    %broadcast_in_dim3A_102 = vector.shape_cast %reduce_sum3A_101 : vector<8xf32> to vector<1x8xf32>
    %add3A_103 = arith.addf %add3A_94, %broadcast_in_dim3A_102 : vector<1x8xf32>
    %slice3A_104 = vector.extract_strided_slice %convert_element_type3A_41 {offsets = [1536, 0], sizes = [256, 8], strides = [1, 1]} : vector<2048x8xf32> to vector<256x8xf32>
    %dot_general3A_105 = arith.constant dense<0.000000e+00> : vector<256x8xf32>
    %dot_general3A_106 = tpu.matmul %convert_element_type3A_49, %slice3A_104, %dot_general3A_105 {dimension_numbers = #tpu.dot_dimension_numbers<[1], [0], [0], [1], [0, 0, 1, 1], [], []>, precision = #tpu.contract_precision<fp32>, transpose_lhs_hint = false} : vector<256x256xf32>, vector<256x8xf32>, vector<256x8xf32> -> vector<256x8xf32>
    %add3A_107 = vector.broadcast %add3A_103 : vector<1x8xf32> to vector<256x8xf32>
    %add3A_108 = arith.addf %dot_general3A_106, %add3A_107 : vector<256x8xf32>
    %reduce_sum3A_109 = arith.constant dense<0.000000e+00> : vector<8xf32>
    %reduce_sum3A_110 = vector.multi_reduction <add>, %slice3A_104, %reduce_sum3A_109 [0] : vector<256x8xf32> to vector<8xf32>
    %broadcast_in_dim3A_111 = vector.shape_cast %reduce_sum3A_110 : vector<8xf32> to vector<1x8xf32>
    %add3A_112 = arith.addf %add3A_103, %broadcast_in_dim3A_111 : vector<1x8xf32>
    %slice3A_113 = vector.extract_strided_slice %convert_element_type3A_41 {offsets = [1792, 0], sizes = [256, 8], strides = [1, 1]} : vector<2048x8xf32> to vector<256x8xf32>
    %dot_general3A_114 = arith.constant dense<0.000000e+00> : vector<256x8xf32>
    %dot_general3A_115 = tpu.matmul %convert_element_type3A_49, %slice3A_113, %dot_general3A_114 {dimension_numbers = #tpu.dot_dimension_numbers<[1], [0], [0], [1], [0, 0, 1, 1], [], []>, precision = #tpu.contract_precision<fp32>, transpose_lhs_hint = false} : vector<256x256xf32>, vector<256x8xf32>, vector<256x8xf32> -> vector<256x8xf32>
    %add3A_116 = vector.broadcast %add3A_112 : vector<1x8xf32> to vector<256x8xf32>
    %add3A_117 = arith.addf %dot_general3A_115, %add3A_116 : vector<256x8xf32>
    %reduce_sum3A_118 = arith.constant dense<0.000000e+00> : vector<8xf32>
    %reduce_sum3A_119 = vector.multi_reduction <add>, %slice3A_113, %reduce_sum3A_118 [0] : vector<256x8xf32> to vector<8xf32>
    %broadcast_in_dim3A_120 = vector.shape_cast %reduce_sum3A_119 : vector<8xf32> to vector<1x8xf32>
    %add3A_121 = arith.addf %add3A_112, %broadcast_in_dim3A_120 : vector<1x8xf32>
    %concatenate3A = tpu.concatenate %add3A_55, %add3A_63, %add3A_72, %add3A_81, %add3A_90, %add3A_99, %add3A_108, %add3A_117 in 0 : vector<256x8xf32>, vector<256x8xf32>, vector<256x8xf32>, vector<256x8xf32>, vector<256x8xf32>, vector<256x8xf32>, vector<256x8xf32>, vector<256x8xf32> -> vector<2048x8xf32>
    %slice3A_122 = vector.extract_strided_slice %convert_element_type3A_45 {offsets = [0, 0], sizes = [256, 8], strides = [1, 1]} : vector<2048x8xf32> to vector<256x8xf32>
    %dot_general3A_123 = arith.constant dense<0.000000e+00> : vector<256x8xf32>
    %dot_general3A_124 = tpu.matmul %convert_element_type3A_49, %slice3A_122, %dot_general3A_123 {dimension_numbers = #tpu.dot_dimension_numbers<[1], [0], [0], [1], [0, 0, 1, 1], [], []>, precision = #tpu.contract_precision<fp32>, transpose_lhs_hint = false} : vector<256x256xf32>, vector<256x8xf32>, vector<256x8xf32> -> vector<256x8xf32>
    %add3A_125 = vector.broadcast %add3A_121 : vector<1x8xf32> to vector<256x8xf32>
    %add3A_126 = arith.addf %dot_general3A_124, %add3A_125 : vector<256x8xf32>
    %reduce_sum3A_127 = arith.constant dense<0.000000e+00> : vector<8xf32>
    %reduce_sum3A_128 = vector.multi_reduction <add>, %slice3A_122, %reduce_sum3A_127 [0] : vector<256x8xf32> to vector<8xf32>
    %broadcast_in_dim3A_129 = vector.shape_cast %reduce_sum3A_128 : vector<8xf32> to vector<1x8xf32>
    %add3A_130 = arith.addf %add3A_121, %broadcast_in_dim3A_129 : vector<1x8xf32>
    %slice3A_131 = vector.extract_strided_slice %convert_element_type3A_45 {offsets = [256, 0], sizes = [256, 8], strides = [1, 1]} : vector<2048x8xf32> to vector<256x8xf32>
    %dot_general3A_132 = arith.constant dense<0.000000e+00> : vector<256x8xf32>
    %dot_general3A_133 = tpu.matmul %convert_element_type3A_49, %slice3A_131, %dot_general3A_132 {dimension_numbers = #tpu.dot_dimension_numbers<[1], [0], [0], [1], [0, 0, 1, 1], [], []>, precision = #tpu.contract_precision<fp32>, transpose_lhs_hint = false} : vector<256x256xf32>, vector<256x8xf32>, vector<256x8xf32> -> vector<256x8xf32>
    %add3A_134 = vector.broadcast %add3A_130 : vector<1x8xf32> to vector<256x8xf32>
    %add3A_135 = arith.addf %dot_general3A_133, %add3A_134 : vector<256x8xf32>
    %reduce_sum3A_136 = arith.constant dense<0.000000e+00> : vector<8xf32>
    %reduce_sum3A_137 = vector.multi_reduction <add>, %slice3A_131, %reduce_sum3A_136 [0] : vector<256x8xf32> to vector<8xf32>
    %broadcast_in_dim3A_138 = vector.shape_cast %reduce_sum3A_137 : vector<8xf32> to vector<1x8xf32>
    %add3A_139 = arith.addf %add3A_130, %broadcast_in_dim3A_138 : vector<1x8xf32>
    %slice3A_140 = vector.extract_strided_slice %convert_element_type3A_45 {offsets = [512, 0], sizes = [256, 8], strides = [1, 1]} : vector<2048x8xf32> to vector<256x8xf32>
    %dot_general3A_141 = arith.constant dense<0.000000e+00> : vector<256x8xf32>
    %dot_general3A_142 = tpu.matmul %convert_element_type3A_49, %slice3A_140, %dot_general3A_141 {dimension_numbers = #tpu.dot_dimension_numbers<[1], [0], [0], [1], [0, 0, 1, 1], [], []>, precision = #tpu.contract_precision<fp32>, transpose_lhs_hint = false} : vector<256x256xf32>, vector<256x8xf32>, vector<256x8xf32> -> vector<256x8xf32>
    %add3A_143 = vector.broadcast %add3A_139 : vector<1x8xf32> to vector<256x8xf32>
    %add3A_144 = arith.addf %dot_general3A_142, %add3A_143 : vector<256x8xf32>
    %reduce_sum3A_145 = arith.constant dense<0.000000e+00> : vector<8xf32>
    %reduce_sum3A_146 = vector.multi_reduction <add>, %slice3A_140, %reduce_sum3A_145 [0] : vector<256x8xf32> to vector<8xf32>
    %broadcast_in_dim3A_147 = vector.shape_cast %reduce_sum3A_146 : vector<8xf32> to vector<1x8xf32>
    %add3A_148 = arith.addf %add3A_139, %broadcast_in_dim3A_147 : vector<1x8xf32>
    %slice3A_149 = vector.extract_strided_slice %convert_element_type3A_45 {offsets = [768, 0], sizes = [256, 8], strides = [1, 1]} : vector<2048x8xf32> to vector<256x8xf32>
    %dot_general3A_150 = arith.constant dense<0.000000e+00> : vector<256x8xf32>
    %dot_general3A_151 = tpu.matmul %convert_element_type3A_49, %slice3A_149, %dot_general3A_150 {dimension_numbers = #tpu.dot_dimension_numbers<[1], [0], [0], [1], [0, 0, 1, 1], [], []>, precision = #tpu.contract_precision<fp32>, transpose_lhs_hint = false} : vector<256x256xf32>, vector<256x8xf32>, vector<256x8xf32> -> vector<256x8xf32>
    %add3A_152 = vector.broadcast %add3A_148 : vector<1x8xf32> to vector<256x8xf32>
    %add3A_153 = arith.addf %dot_general3A_151, %add3A_152 : vector<256x8xf32>
    %reduce_sum3A_154 = arith.constant dense<0.000000e+00> : vector<8xf32>
    %reduce_sum3A_155 = vector.multi_reduction <add>, %slice3A_149, %reduce_sum3A_154 [0] : vector<256x8xf32> to vector<8xf32>
    %broadcast_in_dim3A_156 = vector.shape_cast %reduce_sum3A_155 : vector<8xf32> to vector<1x8xf32>
    %add3A_157 = arith.addf %add3A_148, %broadcast_in_dim3A_156 : vector<1x8xf32>
    %slice3A_158 = vector.extract_strided_slice %convert_element_type3A_45 {offsets = [1024, 0], sizes = [256, 8], strides = [1, 1]} : vector<2048x8xf32> to vector<256x8xf32>
    %dot_general3A_159 = arith.constant dense<0.000000e+00> : vector<256x8xf32>
    %dot_general3A_160 = tpu.matmul %convert_element_type3A_49, %slice3A_158, %dot_general3A_159 {dimension_numbers = #tpu.dot_dimension_numbers<[1], [0], [0], [1], [0, 0, 1, 1], [], []>, precision = #tpu.contract_precision<fp32>, transpose_lhs_hint = false} : vector<256x256xf32>, vector<256x8xf32>, vector<256x8xf32> -> vector<256x8xf32>
    %add3A_161 = vector.broadcast %add3A_157 : vector<1x8xf32> to vector<256x8xf32>
    %add3A_162 = arith.addf %dot_general3A_160, %add3A_161 : vector<256x8xf32>
    %reduce_sum3A_163 = arith.constant dense<0.000000e+00> : vector<8xf32>
    %reduce_sum3A_164 = vector.multi_reduction <add>, %slice3A_158, %reduce_sum3A_163 [0] : vector<256x8xf32> to vector<8xf32>
    %broadcast_in_dim3A_165 = vector.shape_cast %reduce_sum3A_164 : vector<8xf32> to vector<1x8xf32>
    %add3A_166 = arith.addf %add3A_157, %broadcast_in_dim3A_165 : vector<1x8xf32>
    %slice3A_167 = vector.extract_strided_slice %convert_element_type3A_45 {offsets = [1280, 0], sizes = [256, 8], strides = [1, 1]} : vector<2048x8xf32> to vector<256x8xf32>
    %dot_general3A_168 = arith.constant dense<0.000000e+00> : vector<256x8xf32>
    %dot_general3A_169 = tpu.matmul %convert_element_type3A_49, %slice3A_167, %dot_general3A_168 {dimension_numbers = #tpu.dot_dimension_numbers<[1], [0], [0], [1], [0, 0, 1, 1], [], []>, precision = #tpu.contract_precision<fp32>, transpose_lhs_hint = false} : vector<256x256xf32>, vector<256x8xf32>, vector<256x8xf32> -> vector<256x8xf32>
    %add3A_170 = vector.broadcast %add3A_166 : vector<1x8xf32> to vector<256x8xf32>
    %add3A_171 = arith.addf %dot_general3A_169, %add3A_170 : vector<256x8xf32>
    %reduce_sum3A_172 = arith.constant dense<0.000000e+00> : vector<8xf32>
    %reduce_sum3A_173 = vector.multi_reduction <add>, %slice3A_167, %reduce_sum3A_172 [0] : vector<256x8xf32> to vector<8xf32>
    %broadcast_in_dim3A_174 = vector.shape_cast %reduce_sum3A_173 : vector<8xf32> to vector<1x8xf32>
    %add3A_175 = arith.addf %add3A_166, %broadcast_in_dim3A_174 : vector<1x8xf32>
    %slice3A_176 = vector.extract_strided_slice %convert_element_type3A_45 {offsets = [1536, 0], sizes = [256, 8], strides = [1, 1]} : vector<2048x8xf32> to vector<256x8xf32>
    %dot_general3A_177 = arith.constant dense<0.000000e+00> : vector<256x8xf32>
    %dot_general3A_178 = tpu.matmul %convert_element_type3A_49, %slice3A_176, %dot_general3A_177 {dimension_numbers = #tpu.dot_dimension_numbers<[1], [0], [0], [1], [0, 0, 1, 1], [], []>, precision = #tpu.contract_precision<fp32>, transpose_lhs_hint = false} : vector<256x256xf32>, vector<256x8xf32>, vector<256x8xf32> -> vector<256x8xf32>
    %add3A_179 = vector.broadcast %add3A_175 : vector<1x8xf32> to vector<256x8xf32>
    %add3A_180 = arith.addf %dot_general3A_178, %add3A_179 : vector<256x8xf32>
    %reduce_sum3A_181 = arith.constant dense<0.000000e+00> : vector<8xf32>
    %reduce_sum3A_182 = vector.multi_reduction <add>, %slice3A_176, %reduce_sum3A_181 [0] : vector<256x8xf32> to vector<8xf32>
    %broadcast_in_dim3A_183 = vector.shape_cast %reduce_sum3A_182 : vector<8xf32> to vector<1x8xf32>
    %add3A_184 = arith.addf %add3A_175, %broadcast_in_dim3A_183 : vector<1x8xf32>
    %slice3A_185 = vector.extract_strided_slice %convert_element_type3A_45 {offsets = [1792, 0], sizes = [256, 8], strides = [1, 1]} : vector<2048x8xf32> to vector<256x8xf32>
    %dot_general3A_186 = arith.constant dense<0.000000e+00> : vector<256x8xf32>
    %dot_general3A_187 = tpu.matmul %convert_element_type3A_49, %slice3A_185, %dot_general3A_186 {dimension_numbers = #tpu.dot_dimension_numbers<[1], [0], [0], [1], [0, 0, 1, 1], [], []>, precision = #tpu.contract_precision<fp32>, transpose_lhs_hint = false} : vector<256x256xf32>, vector<256x8xf32>, vector<256x8xf32> -> vector<256x8xf32>
    %add3A_188 = vector.broadcast %add3A_184 : vector<1x8xf32> to vector<256x8xf32>
    %add3A_189 = arith.addf %dot_general3A_187, %add3A_188 : vector<256x8xf32>
    %reduce_sum3A_190 = arith.constant dense<0.000000e+00> : vector<8xf32>
    %reduce_sum3A_191 = vector.multi_reduction <add>, %slice3A_185, %reduce_sum3A_190 [0] : vector<256x8xf32> to vector<8xf32>
    %broadcast_in_dim3A_192 = vector.shape_cast %reduce_sum3A_191 : vector<8xf32> to vector<1x8xf32>
    %add3A_193 = arith.addf %add3A_184, %broadcast_in_dim3A_192 : vector<1x8xf32>
    %concatenate3A_194 = tpu.concatenate %add3A_126, %add3A_135, %add3A_144, %add3A_153, %add3A_162, %add3A_171, %add3A_180, %add3A_189 in 0 : vector<256x8xf32>, vector<256x8xf32>, vector<256x8xf32>, vector<256x8xf32>, vector<256x8xf32>, vector<256x8xf32>, vector<256x8xf32>, vector<256x8xf32> -> vector<2048x8xf32>
    %div3A_195 = arith.constant 2.560000e+02 : f32
    %div3A_196 = vector.broadcast %div3A_195 : f32 to vector<1x8xf32>
    %div3A_197 = arith.divf %add3A_193, %div3A_196 : vector<1x8xf32>
    %ceil3A = math.ceil %div3A_197 : vector<1x8xf32>
    %mul3A = arith.constant 2.560000e+02 : f32
    %mul3A_198 = vector.broadcast %mul3A : f32 to vector<1x8xf32>
    %mul3A_199 = arith.mulf %ceil3A, %mul3A_198 : vector<1x8xf32>
    %broadcast_in_dim3A_200 = arith.constant 0.000000e+00 : f32
    %broadcast_in_dim3A_201 = vector.broadcast %broadcast_in_dim3A_200 : f32 to vector<1x1xf32>
    %slice3A_202 = vector.extract_strided_slice %mul3A_199 {offsets = [0, 0], sizes = [1, 1], strides = [1, 1]} : vector<1x8xf32> to vector<1x1xf32>
    %add3A_203 = arith.addf %broadcast_in_dim3A_201, %slice3A_202 : vector<1x1xf32>
    %slice3A_204 = vector.extract_strided_slice %mul3A_199 {offsets = [0, 1], sizes = [1, 1], strides = [1, 1]} : vector<1x8xf32> to vector<1x1xf32>
    %add3A_205 = arith.addf %add3A_203, %slice3A_204 : vector<1x1xf32>
    %slice3A_206 = vector.extract_strided_slice %mul3A_199 {offsets = [0, 2], sizes = [1, 1], strides = [1, 1]} : vector<1x8xf32> to vector<1x1xf32>
    %add3A_207 = arith.addf %add3A_205, %slice3A_206 : vector<1x1xf32>
    %slice3A_208 = vector.extract_strided_slice %mul3A_199 {offsets = [0, 3], sizes = [1, 1], strides = [1, 1]} : vector<1x8xf32> to vector<1x1xf32>
    %add3A_209 = arith.addf %add3A_207, %slice3A_208 : vector<1x1xf32>
    %slice3A_210 = vector.extract_strided_slice %mul3A_199 {offsets = [0, 4], sizes = [1, 1], strides = [1, 1]} : vector<1x8xf32> to vector<1x1xf32>
    %add3A_211 = arith.addf %add3A_209, %slice3A_210 : vector<1x1xf32>
    %slice3A_212 = vector.extract_strided_slice %mul3A_199 {offsets = [0, 5], sizes = [1, 1], strides = [1, 1]} : vector<1x8xf32> to vector<1x1xf32>
    %add3A_213 = arith.addf %add3A_211, %slice3A_212 : vector<1x1xf32>
    %slice3A_214 = vector.extract_strided_slice %mul3A_199 {offsets = [0, 6], sizes = [1, 1], strides = [1, 1]} : vector<1x8xf32> to vector<1x1xf32>
    %add3A_215 = arith.addf %add3A_213, %slice3A_214 : vector<1x1xf32>
    %slice3A_216 = vector.extract_strided_slice %mul3A_199 {offsets = [0, 7], sizes = [1, 1], strides = [1, 1]} : vector<1x8xf32> to vector<1x1xf32>
    %add3A_217 = arith.addf %add3A_215, %slice3A_216 : vector<1x1xf32>
    %concatenate3A_218 = tpu.concatenate %broadcast_in_dim3A_201, %add3A_203, %add3A_205, %add3A_207, %add3A_209, %add3A_211, %add3A_213, %add3A_215 in 1 : vector<1x1xf32>, vector<1x1xf32>, vector<1x1xf32>, vector<1x1xf32>, vector<1x1xf32>, vector<1x1xf32>, vector<1x1xf32>, vector<1x1xf32> -> vector<1x8xf32>
    %add3A_219 = vector.broadcast %concatenate3A_218 : vector<1x8xf32> to vector<2048x8xf32>
    %add3A_220 = arith.addf %concatenate3A, %add3A_219 : vector<2048x8xf32>
    %mul3A_221 = arith.mulf %convert_element_type3A_41, %add3A_220 : vector<2048x8xf32>
    %reduce_sum3A_222 = arith.constant dense<0.000000e+00> : vector<2048xf32>
    %reduce_sum3A_223 = vector.multi_reduction <add>, %mul3A_221, %reduce_sum3A_222 [1] : vector<2048x8xf32> to vector<2048xf32>
    %broadcast_in_dim3A_224 = vector.shape_cast %reduce_sum3A_223 : vector<2048xf32> to vector<2048x1xf32>
    %add3A_225 = vector.broadcast %concatenate3A_218 : vector<1x8xf32> to vector<2048x8xf32>
    %add3A_226 = arith.addf %concatenate3A_194, %add3A_225 : vector<2048x8xf32>
    %mul3A_227 = arith.mulf %convert_element_type3A_45, %add3A_226 : vector<2048x8xf32>
    %reduce_sum3A_228 = arith.constant dense<0.000000e+00> : vector<2048xf32>
    %reduce_sum3A_229 = vector.multi_reduction <add>, %mul3A_227, %reduce_sum3A_228 [1] : vector<2048x8xf32> to vector<2048xf32>
    %broadcast_in_dim3A_230 = vector.shape_cast %reduce_sum3A_229 : vector<2048xf32> to vector<2048x1xf32>
    %convert_element_type3A_231 = arith.fptosi %broadcast_in_dim3A_224 : vector<2048x1xf32> to vector<2048x1xi32>
    %swap3A_232 = arith.constant 0 : index
    %swap3A_233 = arith.constant 0 : index
    %swap3A_234 = vector.load %arg2[%swap3A_232, %swap3A_233] : memref<4096x1xi32, #tpu.memory_space<vmem>>, vector<2048x1xi32>
    tpu.vector_store %arg2[%swap3A_232, %swap3A_233], %convert_element_type3A_231 {strides = array<i32>} : memref<4096x1xi32, #tpu.memory_space<vmem>>, vector<2048x1xi32>,
    %convert_element_type3A_235 = arith.fptosi %broadcast_in_dim3A_230 : vector<2048x1xf32> to vector<2048x1xi32>
    %swap3A_236 = arith.constant 2048 : index
    %swap3A_237 = arith.constant 0 : index
    %swap3A_238 = vector.load %arg2[%swap3A_236, %swap3A_237] : memref<4096x1xi32, #tpu.memory_space<vmem>>, vector<2048x1xi32>
    tpu.vector_store %arg2[%swap3A_236, %swap3A_237], %convert_element_type3A_235 {strides = array<i32>} : memref<4096x1xi32, #tpu.memory_space<vmem>>, vector<2048x1xi32>,
    %iota3A_239 = tpu.iota {dimensions = array<i32: 1>} : vector<1x32xi32>
    %convert_element_type3A_240 = arith.sitofp %iota3A_239 : vector<1x32xi32> to vector<1x32xf32>
    %mul3A_241 = arith.constant 2.560000e+02 : f32
    %mul3A_242 = vector.broadcast %mul3A_241 : f32 to vector<1x32xf32>
    %mul3A_243 = arith.mulf %convert_element_type3A_240, %mul3A_242 : vector<1x32xf32>
    %gt3A = arith.constant 0.000000e+00 : f32
    %gt3A_244 = vector.broadcast %gt3A : f32 to vector<1x8xf32>
    %gt3A_245 = arith.cmpf ogt, %add3A_193, %gt3A_244 : vector<1x8xf32>
    %broadcast_in_dim3A_246 = arith.constant -1.000000e+00 : f32
    %broadcast_in_dim3A_247 = vector.broadcast %broadcast_in_dim3A_246 : f32 to vector<1x1xf32>
    %slice3A_248 = vector.extract_strided_slice %gt3A_245 {offsets = [0, 7], sizes = [1, 1], strides = [1, 1]} : vector<1x8xi1> to vector<1x1xi1>
    %jit3A_249 = arith.constant 7.000000e+00 : f32
    %broadcast_in_dim3A_250 = vector.broadcast %jit3A_249 : f32 to vector<1x1xf32>
    %select_n3A_251 = arith.select %slice3A_248, %broadcast_in_dim3A_250, %broadcast_in_dim3A_247 : vector<1x1xi1>, vector<1x1xf32>
    %slice3A_252 = vector.extract_strided_slice %gt3A_245 {offsets = [0, 6], sizes = [1, 1], strides = [1, 1]} : vector<1x8xi1> to vector<1x1xi1>
    %jit3A_253 = arith.constant 6.000000e+00 : f32
    %broadcast_in_dim3A_254 = vector.broadcast %jit3A_253 : f32 to vector<1x1xf32>
    %select_n3A_255 = arith.select %slice3A_252, %broadcast_in_dim3A_254, %select_n3A_251 : vector<1x1xi1>, vector<1x1xf32>
    %slice3A_256 = vector.extract_strided_slice %gt3A_245 {offsets = [0, 5], sizes = [1, 1], strides = [1, 1]} : vector<1x8xi1> to vector<1x1xi1>
    %jit3A_257 = arith.constant 5.000000e+00 : f32
    %broadcast_in_dim3A_258 = vector.broadcast %jit3A_257 : f32 to vector<1x1xf32>
    %select_n3A_259 = arith.select %slice3A_256, %broadcast_in_dim3A_258, %select_n3A_255 : vector<1x1xi1>, vector<1x1xf32>
    %slice3A_260 = vector.extract_strided_slice %gt3A_245 {offsets = [0, 4], sizes = [1, 1], strides = [1, 1]} : vector<1x8xi1> to vector<1x1xi1>
    %jit3A_261 = arith.constant 4.000000e+00 : f32
    %broadcast_in_dim3A_262 = vector.broadcast %jit3A_261 : f32 to vector<1x1xf32>
    %select_n3A_263 = arith.select %slice3A_260, %broadcast_in_dim3A_262, %select_n3A_259 : vector<1x1xi1>, vector<1x1xf32>
    %slice3A_264 = vector.extract_strided_slice %gt3A_245 {offsets = [0, 3], sizes = [1, 1], strides = [1, 1]} : vector<1x8xi1> to vector<1x1xi1>
    %jit3A_265 = arith.constant 3.000000e+00 : f32
    %broadcast_in_dim3A_266 = vector.broadcast %jit3A_265 : f32 to vector<1x1xf32>
    %select_n3A_267 = arith.select %slice3A_264, %broadcast_in_dim3A_266, %select_n3A_263 : vector<1x1xi1>, vector<1x1xf32>
    %slice3A_268 = vector.extract_strided_slice %gt3A_245 {offsets = [0, 2], sizes = [1, 1], strides = [1, 1]} : vector<1x8xi1> to vector<1x1xi1>
    %jit3A_269 = arith.constant 2.000000e+00 : f32
    %broadcast_in_dim3A_270 = vector.broadcast %jit3A_269 : f32 to vector<1x1xf32>
    %select_n3A_271 = arith.select %slice3A_268, %broadcast_in_dim3A_270, %select_n3A_267 : vector<1x1xi1>, vector<1x1xf32>
    %slice3A_272 = vector.extract_strided_slice %gt3A_245 {offsets = [0, 1], sizes = [1, 1], strides = [1, 1]} : vector<1x8xi1> to vector<1x1xi1>
    %jit3A_273 = arith.constant 1.000000e+00 : f32
    %broadcast_in_dim3A_274 = vector.broadcast %jit3A_273 : f32 to vector<1x1xf32>
    %select_n3A_275 = arith.select %slice3A_272, %broadcast_in_dim3A_274, %select_n3A_271 : vector<1x1xi1>, vector<1x1xf32>
    %broadcast_in_dim3A_276 = arith.constant 0.000000e+00 : f32
    %broadcast_in_dim3A_277 = vector.broadcast %broadcast_in_dim3A_276 : f32 to vector<1x1xf32>
    %broadcast_in_dim3A_278 = arith.constant 0.000000e+00 : f32
    %broadcast_in_dim3A_279 = vector.broadcast %broadcast_in_dim3A_278 : f32 to vector<1x32xf32>
    %broadcast_in_dim3A_280 = arith.constant 0.000000e+00 : f32
    %broadcast_in_dim3A_281 = vector.broadcast %broadcast_in_dim3A_280 : f32 to vector<1x32xf32>
    %broadcast_in_dim3A_282 = arith.constant 0.000000e+00 : f32
    %broadcast_in_dim3A_283 = vector.broadcast %broadcast_in_dim3A_282 : f32 to vector<1x32xf32>
    %broadcast_in_dim3A_284 = arith.constant 0.000000e+00 : f32
    %broadcast_in_dim3A_285 = vector.broadcast %broadcast_in_dim3A_284 : f32 to vector<1x32xf32>
    %slice3A_286 = vector.extract_strided_slice %concatenate3A_218 {offsets = [0, 0], sizes = [1, 1], strides = [1, 1]} : vector<1x8xf32> to vector<1x1xf32>
    %slice3A_287 = vector.extract_strided_slice %mul3A_199 {offsets = [0, 0], sizes = [1, 1], strides = [1, 1]} : vector<1x8xf32> to vector<1x1xf32>
    %ge3A = vector.broadcast %slice3A_286 : vector<1x1xf32> to vector<1x32xf32>
    %ge3A_288 = arith.cmpf oge, %mul3A_243, %ge3A : vector<1x32xf32>
    %add3A_289 = arith.addf %slice3A_286, %slice3A_287 : vector<1x1xf32>
    %lt3A_290 = vector.broadcast %add3A_289 : vector<1x1xf32> to vector<1x32xf32>
    %lt3A_291 = arith.cmpf olt, %mul3A_243, %lt3A_290 : vector<1x32xf32>
    %and3A = arith.andi %ge3A_288, %lt3A_291 : vector<1x32xi1>
    %convert_element_type3A_292 = arith.extui %and3A : vector<1x32xi1> to vector<1x32xi32>
    %convert_element_type3A_293 = arith.sitofp %convert_element_type3A_292 : vector<1x32xi32> to vector<1x32xf32>
    %mul3A_294 = arith.constant 0.000000e+00 : f32
    %mul3A_295 = vector.broadcast %mul3A_294 : f32 to vector<1x32xf32>
    %mul3A_296 = arith.mulf %mul3A_295, %convert_element_type3A_293 : vector<1x32xf32>
    %add3A_297 = arith.addf %broadcast_in_dim3A_279, %mul3A_296 : vector<1x32xf32>
    %eq3A_298 = vector.broadcast %slice3A_286 : vector<1x1xf32> to vector<1x32xf32>
    %eq3A_299 = arith.cmpf oeq, %mul3A_243, %eq3A_298 : vector<1x32xf32>
    %jit3A_300 = arith.constant 0.000000e+00 : f32
    %broadcast_in_dim3A_301 = vector.broadcast %jit3A_300 : f32 to vector<1x32xf32>
    %select_n3A_302 = arith.select %eq3A_299, %convert_element_type3A_293, %broadcast_in_dim3A_301 : vector<1x32xi1>, vector<1x32xf32>
    %add3A_303 = arith.addf %broadcast_in_dim3A_281, %select_n3A_302 : vector<1x32xf32>
    %lt3A_304 = arith.constant 0.000000e+00 : f32
    %lt3A_305 = vector.broadcast %lt3A_304 : f32 to vector<1x1xf32>
    %lt3A_306 = arith.cmpf olt, %select_n3A_275, %lt3A_305 : vector<1x1xf32>
    %jit3A_307 = arith.constant 0.000000e+00 : f32
    %broadcast_in_dim3A_308 = vector.broadcast %jit3A_307 : f32 to vector<1x1xf32>
    %select_n3A_309 = arith.select %lt3A_306, %broadcast_in_dim3A_308, %select_n3A_275 : vector<1x1xi1>, vector<1x1xf32>
    %mul3A_310 = vector.broadcast %select_n3A_309 : vector<1x1xf32> to vector<1x32xf32>
    %mul3A_311 = arith.mulf %mul3A_310, %convert_element_type3A_293 : vector<1x32xf32>
    %add3A_312 = arith.addf %broadcast_in_dim3A_283, %mul3A_311 : vector<1x32xf32>
    %mul3A_313 = vector.broadcast %broadcast_in_dim3A_277 : vector<1x1xf32> to vector<1x32xf32>
    %mul3A_314 = arith.mulf %mul3A_313, %convert_element_type3A_293 : vector<1x32xf32>
    %add3A_315 = arith.addf %broadcast_in_dim3A_285, %mul3A_314 : vector<1x32xf32>
    %slice3A_316 = vector.extract_strided_slice %gt3A_245 {offsets = [0, 0], sizes = [1, 1], strides = [1, 1]} : vector<1x8xi1> to vector<1x1xi1>
    %convert_element_type3A_317 = arith.extui %slice3A_316 : vector<1x1xi1> to vector<1x1xi32>
    %convert_element_type3A_318 = arith.sitofp %convert_element_type3A_317 : vector<1x1xi32> to vector<1x1xf32>
    %add3A_319 = arith.addf %broadcast_in_dim3A_277, %convert_element_type3A_318 : vector<1x1xf32>
    %slice3A_320 = vector.extract_strided_slice %concatenate3A_218 {offsets = [0, 1], sizes = [1, 1], strides = [1, 1]} : vector<1x8xf32> to vector<1x1xf32>
    %slice3A_321 = vector.extract_strided_slice %mul3A_199 {offsets = [0, 1], sizes = [1, 1], strides = [1, 1]} : vector<1x8xf32> to vector<1x1xf32>
    %ge3A_322 = vector.broadcast %slice3A_320 : vector<1x1xf32> to vector<1x32xf32>
    %ge3A_323 = arith.cmpf oge, %mul3A_243, %ge3A_322 : vector<1x32xf32>
    %add3A_324 = arith.addf %slice3A_320, %slice3A_321 : vector<1x1xf32>
    %lt3A_325 = vector.broadcast %add3A_324 : vector<1x1xf32> to vector<1x32xf32>
    %lt3A_326 = arith.cmpf olt, %mul3A_243, %lt3A_325 : vector<1x32xf32>
    %and3A_327 = arith.andi %ge3A_323, %lt3A_326 : vector<1x32xi1>
    %convert_element_type3A_328 = arith.extui %and3A_327 : vector<1x32xi1> to vector<1x32xi32>
    %convert_element_type3A_329 = arith.sitofp %convert_element_type3A_328 : vector<1x32xi32> to vector<1x32xf32>
    %mul3A_330 = arith.constant 1.000000e+00 : f32
    %mul3A_331 = vector.broadcast %mul3A_330 : f32 to vector<1x32xf32>
    %mul3A_332 = arith.mulf %mul3A_331, %convert_element_type3A_329 : vector<1x32xf32>
    %add3A_333 = arith.addf %add3A_297, %mul3A_332 : vector<1x32xf32>
    %eq3A_334 = vector.broadcast %slice3A_320 : vector<1x1xf32> to vector<1x32xf32>
    %eq3A_335 = arith.cmpf oeq, %mul3A_243, %eq3A_334 : vector<1x32xf32>
    %jit3A_336 = arith.constant 0.000000e+00 : f32
    %broadcast_in_dim3A_337 = vector.broadcast %jit3A_336 : f32 to vector<1x32xf32>
    %select_n3A_338 = arith.select %eq3A_335, %convert_element_type3A_329, %broadcast_in_dim3A_337 : vector<1x32xi1>, vector<1x32xf32>
    %add3A_339 = arith.addf %add3A_303, %select_n3A_338 : vector<1x32xf32>
    %lt3A_340 = arith.constant 0.000000e+00 : f32
    %lt3A_341 = vector.broadcast %lt3A_340 : f32 to vector<1x1xf32>
    %lt3A_342 = arith.cmpf olt, %select_n3A_271, %lt3A_341 : vector<1x1xf32>
    %jit3A_343 = arith.constant 1.000000e+00 : f32
    %broadcast_in_dim3A_344 = vector.broadcast %jit3A_343 : f32 to vector<1x1xf32>
    %select_n3A_345 = arith.select %lt3A_342, %broadcast_in_dim3A_344, %select_n3A_271 : vector<1x1xi1>, vector<1x1xf32>
    %mul3A_346 = vector.broadcast %select_n3A_345 : vector<1x1xf32> to vector<1x32xf32>
    %mul3A_347 = arith.mulf %mul3A_346, %convert_element_type3A_329 : vector<1x32xf32>
    %add3A_348 = arith.addf %add3A_312, %mul3A_347 : vector<1x32xf32>
    %mul3A_349 = vector.broadcast %add3A_319 : vector<1x1xf32> to vector<1x32xf32>
    %mul3A_350 = arith.mulf %mul3A_349, %convert_element_type3A_329 : vector<1x32xf32>
    %add3A_351 = arith.addf %add3A_315, %mul3A_350 : vector<1x32xf32>
    %slice3A_352 = vector.extract_strided_slice %gt3A_245 {offsets = [0, 1], sizes = [1, 1], strides = [1, 1]} : vector<1x8xi1> to vector<1x1xi1>
    %convert_element_type3A_353 = arith.extui %slice3A_352 : vector<1x1xi1> to vector<1x1xi32>
    %convert_element_type3A_354 = arith.sitofp %convert_element_type3A_353 : vector<1x1xi32> to vector<1x1xf32>
    %add3A_355 = arith.addf %add3A_319, %convert_element_type3A_354 : vector<1x1xf32>
    %slice3A_356 = vector.extract_strided_slice %concatenate3A_218 {offsets = [0, 2], sizes = [1, 1], strides = [1, 1]} : vector<1x8xf32> to vector<1x1xf32>
    %slice3A_357 = vector.extract_strided_slice %mul3A_199 {offsets = [0, 2], sizes = [1, 1], strides = [1, 1]} : vector<1x8xf32> to vector<1x1xf32>
    %ge3A_358 = vector.broadcast %slice3A_356 : vector<1x1xf32> to vector<1x32xf32>
    %ge3A_359 = arith.cmpf oge, %mul3A_243, %ge3A_358 : vector<1x32xf32>
    %add3A_360 = arith.addf %slice3A_356, %slice3A_357 : vector<1x1xf32>
    %lt3A_361 = vector.broadcast %add3A_360 : vector<1x1xf32> to vector<1x32xf32>
    %lt3A_362 = arith.cmpf olt, %mul3A_243, %lt3A_361 : vector<1x32xf32>
    %and3A_363 = arith.andi %ge3A_359, %lt3A_362 : vector<1x32xi1>
    %convert_element_type3A_364 = arith.extui %and3A_363 : vector<1x32xi1> to vector<1x32xi32>
    %convert_element_type3A_365 = arith.sitofp %convert_element_type3A_364 : vector<1x32xi32> to vector<1x32xf32>
    %mul3A_366 = arith.constant 2.000000e+00 : f32
    %mul3A_367 = vector.broadcast %mul3A_366 : f32 to vector<1x32xf32>
    %mul3A_368 = arith.mulf %mul3A_367, %convert_element_type3A_365 : vector<1x32xf32>
    %add3A_369 = arith.addf %add3A_333, %mul3A_368 : vector<1x32xf32>
    %eq3A_370 = vector.broadcast %slice3A_356 : vector<1x1xf32> to vector<1x32xf32>
    %eq3A_371 = arith.cmpf oeq, %mul3A_243, %eq3A_370 : vector<1x32xf32>
    %jit3A_372 = arith.constant 0.000000e+00 : f32
    %broadcast_in_dim3A_373 = vector.broadcast %jit3A_372 : f32 to vector<1x32xf32>
    %select_n3A_374 = arith.select %eq3A_371, %convert_element_type3A_365, %broadcast_in_dim3A_373 : vector<1x32xi1>, vector<1x32xf32>
    %add3A_375 = arith.addf %add3A_339, %select_n3A_374 : vector<1x32xf32>
    %lt3A_376 = arith.constant 0.000000e+00 : f32
    %lt3A_377 = vector.broadcast %lt3A_376 : f32 to vector<1x1xf32>
    %lt3A_378 = arith.cmpf olt, %select_n3A_267, %lt3A_377 : vector<1x1xf32>
    %jit3A_379 = arith.constant 2.000000e+00 : f32
    %broadcast_in_dim3A_380 = vector.broadcast %jit3A_379 : f32 to vector<1x1xf32>
    %select_n3A_381 = arith.select %lt3A_378, %broadcast_in_dim3A_380, %select_n3A_267 : vector<1x1xi1>, vector<1x1xf32>
    %mul3A_382 = vector.broadcast %select_n3A_381 : vector<1x1xf32> to vector<1x32xf32>
    %mul3A_383 = arith.mulf %mul3A_382, %convert_element_type3A_365 : vector<1x32xf32>
    %add3A_384 = arith.addf %add3A_348, %mul3A_383 : vector<1x32xf32>
    %mul3A_385 = vector.broadcast %add3A_355 : vector<1x1xf32> to vector<1x32xf32>
    %mul3A_386 = arith.mulf %mul3A_385, %convert_element_type3A_365 : vector<1x32xf32>
    %add3A_387 = arith.addf %add3A_351, %mul3A_386 : vector<1x32xf32>
    %slice3A_388 = vector.extract_strided_slice %gt3A_245 {offsets = [0, 2], sizes = [1, 1], strides = [1, 1]} : vector<1x8xi1> to vector<1x1xi1>
    %convert_element_type3A_389 = arith.extui %slice3A_388 : vector<1x1xi1> to vector<1x1xi32>
    %convert_element_type3A_390 = arith.sitofp %convert_element_type3A_389 : vector<1x1xi32> to vector<1x1xf32>
    %add3A_391 = arith.addf %add3A_355, %convert_element_type3A_390 : vector<1x1xf32>
    %slice3A_392 = vector.extract_strided_slice %concatenate3A_218 {offsets = [0, 3], sizes = [1, 1], strides = [1, 1]} : vector<1x8xf32> to vector<1x1xf32>
    %slice3A_393 = vector.extract_strided_slice %mul3A_199 {offsets = [0, 3], sizes = [1, 1], strides = [1, 1]} : vector<1x8xf32> to vector<1x1xf32>
    %ge3A_394 = vector.broadcast %slice3A_392 : vector<1x1xf32> to vector<1x32xf32>
    %ge3A_395 = arith.cmpf oge, %mul3A_243, %ge3A_394 : vector<1x32xf32>
    %add3A_396 = arith.addf %slice3A_392, %slice3A_393 : vector<1x1xf32>
    %lt3A_397 = vector.broadcast %add3A_396 : vector<1x1xf32> to vector<1x32xf32>
    %lt3A_398 = arith.cmpf olt, %mul3A_243, %lt3A_397 : vector<1x32xf32>
    %and3A_399 = arith.andi %ge3A_395, %lt3A_398 : vector<1x32xi1>
    %convert_element_type3A_400 = arith.extui %and3A_399 : vector<1x32xi1> to vector<1x32xi32>
    %convert_element_type3A_401 = arith.sitofp %convert_element_type3A_400 : vector<1x32xi32> to vector<1x32xf32>
    %mul3A_402 = arith.constant 3.000000e+00 : f32
    %mul3A_403 = vector.broadcast %mul3A_402 : f32 to vector<1x32xf32>
    %mul3A_404 = arith.mulf %mul3A_403, %convert_element_type3A_401 : vector<1x32xf32>
    %add3A_405 = arith.addf %add3A_369, %mul3A_404 : vector<1x32xf32>
    %eq3A_406 = vector.broadcast %slice3A_392 : vector<1x1xf32> to vector<1x32xf32>
    %eq3A_407 = arith.cmpf oeq, %mul3A_243, %eq3A_406 : vector<1x32xf32>
    %jit3A_408 = arith.constant 0.000000e+00 : f32
    %broadcast_in_dim3A_409 = vector.broadcast %jit3A_408 : f32 to vector<1x32xf32>
    %select_n3A_410 = arith.select %eq3A_407, %convert_element_type3A_401, %broadcast_in_dim3A_409 : vector<1x32xi1>, vector<1x32xf32>
    %add3A_411 = arith.addf %add3A_375, %select_n3A_410 : vector<1x32xf32>
    %lt3A_412 = arith.constant 0.000000e+00 : f32
    %lt3A_413 = vector.broadcast %lt3A_412 : f32 to vector<1x1xf32>
    %lt3A_414 = arith.cmpf olt, %select_n3A_263, %lt3A_413 : vector<1x1xf32>
    %jit3A_415 = arith.constant 3.000000e+00 : f32
    %broadcast_in_dim3A_416 = vector.broadcast %jit3A_415 : f32 to vector<1x1xf32>
    %select_n3A_417 = arith.select %lt3A_414, %broadcast_in_dim3A_416, %select_n3A_263 : vector<1x1xi1>, vector<1x1xf32>
    %mul3A_418 = vector.broadcast %select_n3A_417 : vector<1x1xf32> to vector<1x32xf32>
    %mul3A_419 = arith.mulf %mul3A_418, %convert_element_type3A_401 : vector<1x32xf32>
    %add3A_420 = arith.addf %add3A_384, %mul3A_419 : vector<1x32xf32>
    %mul3A_421 = vector.broadcast %add3A_391 : vector<1x1xf32> to vector<1x32xf32>
    %mul3A_422 = arith.mulf %mul3A_421, %convert_element_type3A_401 : vector<1x32xf32>
    %add3A_423 = arith.addf %add3A_387, %mul3A_422 : vector<1x32xf32>
    %slice3A_424 = vector.extract_strided_slice %gt3A_245 {offsets = [0, 3], sizes = [1, 1], strides = [1, 1]} : vector<1x8xi1> to vector<1x1xi1>
    %convert_element_type3A_425 = arith.extui %slice3A_424 : vector<1x1xi1> to vector<1x1xi32>
    %convert_element_type3A_426 = arith.sitofp %convert_element_type3A_425 : vector<1x1xi32> to vector<1x1xf32>
    %add3A_427 = arith.addf %add3A_391, %convert_element_type3A_426 : vector<1x1xf32>
    %slice3A_428 = vector.extract_strided_slice %concatenate3A_218 {offsets = [0, 4], sizes = [1, 1], strides = [1, 1]} : vector<1x8xf32> to vector<1x1xf32>
    %slice3A_429 = vector.extract_strided_slice %mul3A_199 {offsets = [0, 4], sizes = [1, 1], strides = [1, 1]} : vector<1x8xf32> to vector<1x1xf32>
    %ge3A_430 = vector.broadcast %slice3A_428 : vector<1x1xf32> to vector<1x32xf32>
    %ge3A_431 = arith.cmpf oge, %mul3A_243, %ge3A_430 : vector<1x32xf32>
    %add3A_432 = arith.addf %slice3A_428, %slice3A_429 : vector<1x1xf32>
    %lt3A_433 = vector.broadcast %add3A_432 : vector<1x1xf32> to vector<1x32xf32>
    %lt3A_434 = arith.cmpf olt, %mul3A_243, %lt3A_433 : vector<1x32xf32>
    %and3A_435 = arith.andi %ge3A_431, %lt3A_434 : vector<1x32xi1>
    %convert_element_type3A_436 = arith.extui %and3A_435 : vector<1x32xi1> to vector<1x32xi32>
    %convert_element_type3A_437 = arith.sitofp %convert_element_type3A_436 : vector<1x32xi32> to vector<1x32xf32>
    %mul3A_438 = arith.constant 4.000000e+00 : f32
    %mul3A_439 = vector.broadcast %mul3A_438 : f32 to vector<1x32xf32>
    %mul3A_440 = arith.mulf %mul3A_439, %convert_element_type3A_437 : vector<1x32xf32>
    %add3A_441 = arith.addf %add3A_405, %mul3A_440 : vector<1x32xf32>
    %eq3A_442 = vector.broadcast %slice3A_428 : vector<1x1xf32> to vector<1x32xf32>
    %eq3A_443 = arith.cmpf oeq, %mul3A_243, %eq3A_442 : vector<1x32xf32>
    %jit3A_444 = arith.constant 0.000000e+00 : f32
    %broadcast_in_dim3A_445 = vector.broadcast %jit3A_444 : f32 to vector<1x32xf32>
    %select_n3A_446 = arith.select %eq3A_443, %convert_element_type3A_437, %broadcast_in_dim3A_445 : vector<1x32xi1>, vector<1x32xf32>
    %add3A_447 = arith.addf %add3A_411, %select_n3A_446 : vector<1x32xf32>
    %lt3A_448 = arith.constant 0.000000e+00 : f32
    %lt3A_449 = vector.broadcast %lt3A_448 : f32 to vector<1x1xf32>
    %lt3A_450 = arith.cmpf olt, %select_n3A_259, %lt3A_449 : vector<1x1xf32>
    %jit3A_451 = arith.constant 4.000000e+00 : f32
    %broadcast_in_dim3A_452 = vector.broadcast %jit3A_451 : f32 to vector<1x1xf32>
    %select_n3A_453 = arith.select %lt3A_450, %broadcast_in_dim3A_452, %select_n3A_259 : vector<1x1xi1>, vector<1x1xf32>
    %mul3A_454 = vector.broadcast %select_n3A_453 : vector<1x1xf32> to vector<1x32xf32>
    %mul3A_455 = arith.mulf %mul3A_454, %convert_element_type3A_437 : vector<1x32xf32>
    %add3A_456 = arith.addf %add3A_420, %mul3A_455 : vector<1x32xf32>
    %mul3A_457 = vector.broadcast %add3A_427 : vector<1x1xf32> to vector<1x32xf32>
    %mul3A_458 = arith.mulf %mul3A_457, %convert_element_type3A_437 : vector<1x32xf32>
    %add3A_459 = arith.addf %add3A_423, %mul3A_458 : vector<1x32xf32>
    %slice3A_460 = vector.extract_strided_slice %gt3A_245 {offsets = [0, 4], sizes = [1, 1], strides = [1, 1]} : vector<1x8xi1> to vector<1x1xi1>
    %convert_element_type3A_461 = arith.extui %slice3A_460 : vector<1x1xi1> to vector<1x1xi32>
    %convert_element_type3A_462 = arith.sitofp %convert_element_type3A_461 : vector<1x1xi32> to vector<1x1xf32>
    %add3A_463 = arith.addf %add3A_427, %convert_element_type3A_462 : vector<1x1xf32>
    %slice3A_464 = vector.extract_strided_slice %concatenate3A_218 {offsets = [0, 5], sizes = [1, 1], strides = [1, 1]} : vector<1x8xf32> to vector<1x1xf32>
    %slice3A_465 = vector.extract_strided_slice %mul3A_199 {offsets = [0, 5], sizes = [1, 1], strides = [1, 1]} : vector<1x8xf32> to vector<1x1xf32>
    %ge3A_466 = vector.broadcast %slice3A_464 : vector<1x1xf32> to vector<1x32xf32>
    %ge3A_467 = arith.cmpf oge, %mul3A_243, %ge3A_466 : vector<1x32xf32>
    %add3A_468 = arith.addf %slice3A_464, %slice3A_465 : vector<1x1xf32>
    %lt3A_469 = vector.broadcast %add3A_468 : vector<1x1xf32> to vector<1x32xf32>
    %lt3A_470 = arith.cmpf olt, %mul3A_243, %lt3A_469 : vector<1x32xf32>
    %and3A_471 = arith.andi %ge3A_467, %lt3A_470 : vector<1x32xi1>
    %convert_element_type3A_472 = arith.extui %and3A_471 : vector<1x32xi1> to vector<1x32xi32>
    %convert_element_type3A_473 = arith.sitofp %convert_element_type3A_472 : vector<1x32xi32> to vector<1x32xf32>
    %mul3A_474 = arith.constant 5.000000e+00 : f32
    %mul3A_475 = vector.broadcast %mul3A_474 : f32 to vector<1x32xf32>
    %mul3A_476 = arith.mulf %mul3A_475, %convert_element_type3A_473 : vector<1x32xf32>
    %add3A_477 = arith.addf %add3A_441, %mul3A_476 : vector<1x32xf32>
    %eq3A_478 = vector.broadcast %slice3A_464 : vector<1x1xf32> to vector<1x32xf32>
    %eq3A_479 = arith.cmpf oeq, %mul3A_243, %eq3A_478 : vector<1x32xf32>
    %jit3A_480 = arith.constant 0.000000e+00 : f32
    %broadcast_in_dim3A_481 = vector.broadcast %jit3A_480 : f32 to vector<1x32xf32>
    %select_n3A_482 = arith.select %eq3A_479, %convert_element_type3A_473, %broadcast_in_dim3A_481 : vector<1x32xi1>, vector<1x32xf32>
    %add3A_483 = arith.addf %add3A_447, %select_n3A_482 : vector<1x32xf32>
    %lt3A_484 = arith.constant 0.000000e+00 : f32
    %lt3A_485 = vector.broadcast %lt3A_484 : f32 to vector<1x1xf32>
    %lt3A_486 = arith.cmpf olt, %select_n3A_255, %lt3A_485 : vector<1x1xf32>
    %jit3A_487 = arith.constant 5.000000e+00 : f32
    %broadcast_in_dim3A_488 = vector.broadcast %jit3A_487 : f32 to vector<1x1xf32>
    %select_n3A_489 = arith.select %lt3A_486, %broadcast_in_dim3A_488, %select_n3A_255 : vector<1x1xi1>, vector<1x1xf32>
    %mul3A_490 = vector.broadcast %select_n3A_489 : vector<1x1xf32> to vector<1x32xf32>
    %mul3A_491 = arith.mulf %mul3A_490, %convert_element_type3A_473 : vector<1x32xf32>
    %add3A_492 = arith.addf %add3A_456, %mul3A_491 : vector<1x32xf32>
    %mul3A_493 = vector.broadcast %add3A_463 : vector<1x1xf32> to vector<1x32xf32>
    %mul3A_494 = arith.mulf %mul3A_493, %convert_element_type3A_473 : vector<1x32xf32>
    %add3A_495 = arith.addf %add3A_459, %mul3A_494 : vector<1x32xf32>
    %slice3A_496 = vector.extract_strided_slice %gt3A_245 {offsets = [0, 5], sizes = [1, 1], strides = [1, 1]} : vector<1x8xi1> to vector<1x1xi1>
    %convert_element_type3A_497 = arith.extui %slice3A_496 : vector<1x1xi1> to vector<1x1xi32>
    %convert_element_type3A_498 = arith.sitofp %convert_element_type3A_497 : vector<1x1xi32> to vector<1x1xf32>
    %add3A_499 = arith.addf %add3A_463, %convert_element_type3A_498 : vector<1x1xf32>
    %slice3A_500 = vector.extract_strided_slice %concatenate3A_218 {offsets = [0, 6], sizes = [1, 1], strides = [1, 1]} : vector<1x8xf32> to vector<1x1xf32>
    %slice3A_501 = vector.extract_strided_slice %mul3A_199 {offsets = [0, 6], sizes = [1, 1], strides = [1, 1]} : vector<1x8xf32> to vector<1x1xf32>
    %ge3A_502 = vector.broadcast %slice3A_500 : vector<1x1xf32> to vector<1x32xf32>
    %ge3A_503 = arith.cmpf oge, %mul3A_243, %ge3A_502 : vector<1x32xf32>
    %add3A_504 = arith.addf %slice3A_500, %slice3A_501 : vector<1x1xf32>
    %lt3A_505 = vector.broadcast %add3A_504 : vector<1x1xf32> to vector<1x32xf32>
    %lt3A_506 = arith.cmpf olt, %mul3A_243, %lt3A_505 : vector<1x32xf32>
    %and3A_507 = arith.andi %ge3A_503, %lt3A_506 : vector<1x32xi1>
    %convert_element_type3A_508 = arith.extui %and3A_507 : vector<1x32xi1> to vector<1x32xi32>
    %convert_element_type3A_509 = arith.sitofp %convert_element_type3A_508 : vector<1x32xi32> to vector<1x32xf32>
    %mul3A_510 = arith.constant 6.000000e+00 : f32
    %mul3A_511 = vector.broadcast %mul3A_510 : f32 to vector<1x32xf32>
    %mul3A_512 = arith.mulf %mul3A_511, %convert_element_type3A_509 : vector<1x32xf32>
    %add3A_513 = arith.addf %add3A_477, %mul3A_512 : vector<1x32xf32>
    %eq3A_514 = vector.broadcast %slice3A_500 : vector<1x1xf32> to vector<1x32xf32>
    %eq3A_515 = arith.cmpf oeq, %mul3A_243, %eq3A_514 : vector<1x32xf32>
    %jit3A_516 = arith.constant 0.000000e+00 : f32
    %broadcast_in_dim3A_517 = vector.broadcast %jit3A_516 : f32 to vector<1x32xf32>
    %select_n3A_518 = arith.select %eq3A_515, %convert_element_type3A_509, %broadcast_in_dim3A_517 : vector<1x32xi1>, vector<1x32xf32>
    %add3A_519 = arith.addf %add3A_483, %select_n3A_518 : vector<1x32xf32>
    %lt3A_520 = arith.constant 0.000000e+00 : f32
    %lt3A_521 = vector.broadcast %lt3A_520 : f32 to vector<1x1xf32>
    %lt3A_522 = arith.cmpf olt, %select_n3A_251, %lt3A_521 : vector<1x1xf32>
    %jit3A_523 = arith.constant 6.000000e+00 : f32
    %broadcast_in_dim3A_524 = vector.broadcast %jit3A_523 : f32 to vector<1x1xf32>
    %select_n3A_525 = arith.select %lt3A_522, %broadcast_in_dim3A_524, %select_n3A_251 : vector<1x1xi1>, vector<1x1xf32>
    %mul3A_526 = vector.broadcast %select_n3A_525 : vector<1x1xf32> to vector<1x32xf32>
    %mul3A_527 = arith.mulf %mul3A_526, %convert_element_type3A_509 : vector<1x32xf32>
    %add3A_528 = arith.addf %add3A_492, %mul3A_527 : vector<1x32xf32>
    %mul3A_529 = vector.broadcast %add3A_499 : vector<1x1xf32> to vector<1x32xf32>
    %mul3A_530 = arith.mulf %mul3A_529, %convert_element_type3A_509 : vector<1x32xf32>
    %add3A_531 = arith.addf %add3A_495, %mul3A_530 : vector<1x32xf32>
    %slice3A_532 = vector.extract_strided_slice %gt3A_245 {offsets = [0, 6], sizes = [1, 1], strides = [1, 1]} : vector<1x8xi1> to vector<1x1xi1>
    %convert_element_type3A_533 = arith.extui %slice3A_532 : vector<1x1xi1> to vector<1x1xi32>
    %convert_element_type3A_534 = arith.sitofp %convert_element_type3A_533 : vector<1x1xi32> to vector<1x1xf32>
    %add3A_535 = arith.addf %add3A_499, %convert_element_type3A_534 : vector<1x1xf32>
    %slice3A_536 = vector.extract_strided_slice %concatenate3A_218 {offsets = [0, 7], sizes = [1, 1], strides = [1, 1]} : vector<1x8xf32> to vector<1x1xf32>
    %slice3A_537 = vector.extract_strided_slice %mul3A_199 {offsets = [0, 7], sizes = [1, 1], strides = [1, 1]} : vector<1x8xf32> to vector<1x1xf32>
    %ge3A_538 = vector.broadcast %slice3A_536 : vector<1x1xf32> to vector<1x32xf32>
    %ge3A_539 = arith.cmpf oge, %mul3A_243, %ge3A_538 : vector<1x32xf32>
    %add3A_540 = arith.addf %slice3A_536, %slice3A_537 : vector<1x1xf32>
    %lt3A_541 = vector.broadcast %add3A_540 : vector<1x1xf32> to vector<1x32xf32>
    %lt3A_542 = arith.cmpf olt, %mul3A_243, %lt3A_541 : vector<1x32xf32>
    %and3A_543 = arith.andi %ge3A_539, %lt3A_542 : vector<1x32xi1>
    %convert_element_type3A_544 = arith.extui %and3A_543 : vector<1x32xi1> to vector<1x32xi32>
    %convert_element_type3A_545 = arith.sitofp %convert_element_type3A_544 : vector<1x32xi32> to vector<1x32xf32>
    %mul3A_546 = arith.constant 7.000000e+00 : f32
    %mul3A_547 = vector.broadcast %mul3A_546 : f32 to vector<1x32xf32>
    %mul3A_548 = arith.mulf %mul3A_547, %convert_element_type3A_545 : vector<1x32xf32>
    %add3A_549 = arith.addf %add3A_513, %mul3A_548 : vector<1x32xf32>
    %eq3A_550 = vector.broadcast %slice3A_536 : vector<1x1xf32> to vector<1x32xf32>
    %eq3A_551 = arith.cmpf oeq, %mul3A_243, %eq3A_550 : vector<1x32xf32>
    %jit3A_552 = arith.constant 0.000000e+00 : f32
    %broadcast_in_dim3A_553 = vector.broadcast %jit3A_552 : f32 to vector<1x32xf32>
    %select_n3A_554 = arith.select %eq3A_551, %convert_element_type3A_545, %broadcast_in_dim3A_553 : vector<1x32xi1>, vector<1x32xf32>
    %add3A_555 = arith.addf %add3A_519, %select_n3A_554 : vector<1x32xf32>
    %lt3A_556 = arith.constant 0.000000e+00 : f32
    %lt3A_557 = vector.broadcast %lt3A_556 : f32 to vector<1x1xf32>
    %lt3A_558 = arith.cmpf olt, %broadcast_in_dim3A_247, %lt3A_557 : vector<1x1xf32>
    %jit3A_559 = arith.constant 7.000000e+00 : f32
    %broadcast_in_dim3A_560 = vector.broadcast %jit3A_559 : f32 to vector<1x1xf32>
    %select_n3A_561 = arith.select %lt3A_558, %broadcast_in_dim3A_560, %broadcast_in_dim3A_247 : vector<1x1xi1>, vector<1x1xf32>
    %mul3A_562 = vector.broadcast %select_n3A_561 : vector<1x1xf32> to vector<1x32xf32>
    %mul3A_563 = arith.mulf %mul3A_562, %convert_element_type3A_545 : vector<1x32xf32>
    %add3A_564 = arith.addf %add3A_528, %mul3A_563 : vector<1x32xf32>
    %mul3A_565 = vector.broadcast %add3A_535 : vector<1x1xf32> to vector<1x32xf32>
    %mul3A_566 = arith.mulf %mul3A_565, %convert_element_type3A_545 : vector<1x32xf32>
    %add3A_567 = arith.addf %add3A_531, %mul3A_566 : vector<1x32xf32>
    %lt3A_568 = vector.broadcast %add3A_217 : vector<1x1xf32> to vector<1x32xf32>
    %lt3A_569 = arith.cmpf olt, %mul3A_243, %lt3A_568 : vector<1x32xf32>
    %iota3A_570 = tpu.iota {dimensions = array<i32: 1>} : vector<1x8xi32>
    %convert_element_type3A_571 = arith.sitofp %iota3A_570 : vector<1x8xi32> to vector<1x8xf32>
    %gt3A_572 = arith.constant 0.000000e+00 : f32
    %gt3A_573 = vector.broadcast %gt3A_572 : f32 to vector<1x8xf32>
    %gt3A_574 = arith.cmpf ogt, %add3A_193, %gt3A_573 : vector<1x8xf32>
    %jit3A_575 = arith.constant 0.000000e+00 : f32
    %broadcast_in_dim3A_576 = vector.broadcast %jit3A_575 : f32 to vector<1x8xf32>
    %select_n3A_577 = arith.select %gt3A_574, %convert_element_type3A_571, %broadcast_in_dim3A_576 : vector<1x8xi1>, vector<1x8xf32>
    %reduce_max3A_578 = arith.constant dense<0xFF800000> : vector<1xf32>
    %reduce_max3A_579 = vector.multi_reduction <maximumf>, %select_n3A_577, %reduce_max3A_578 [1] : vector<1x8xf32> to vector<1xf32>
    %broadcast_in_dim3A_580 = vector.shape_cast %reduce_max3A_579 : vector<1xf32> to vector<1x1xf32>
    %broadcast_in_dim3A_581 = vector.shape_cast %broadcast_in_dim3A_580 : vector<1x1xf32> to vector<1x1xf32>
    %broadcast_in_dim3A_582 = vector.broadcast %broadcast_in_dim3A_581 : vector<1x1xf32> to vector<1x32xf32>
    %select_n3A_583 = arith.select %lt3A_569, %add3A_549, %broadcast_in_dim3A_582 : vector<1x32xi1>, vector<1x32xf32>
    %mul3A_584 = arith.constant 5.000000e-01 : f32
    %mul3A_585 = vector.broadcast %mul3A_584 : f32 to vector<1x32xf32>
    %mul3A_586 = arith.mulf %add3A_567, %mul3A_585 : vector<1x32xf32>
    %floor3A = math.floor %mul3A_586 : vector<1x32xf32>
    %mul3A_587 = arith.constant 2.000000e+00 : f32
    %mul3A_588 = vector.broadcast %mul3A_587 : f32 to vector<1x32xf32>
    %mul3A_589 = arith.mulf %mul3A_588, %floor3A : vector<1x32xf32>
    %sub3A_590 = arith.subf %add3A_567, %mul3A_589 : vector<1x32xf32>
    %convert_element_type3A_591 = arith.extui %lt3A_569 : vector<1x32xi1> to vector<1x32xi32>
    %convert_element_type3A_592 = arith.sitofp %convert_element_type3A_591 : vector<1x32xi32> to vector<1x32xf32>
    %broadcast_in_dim3A_593 = arith.constant 0.000000e+00 : f32
    %broadcast_in_dim3A_594 = vector.broadcast %broadcast_in_dim3A_593 : f32 to vector<3x32xf32>
    %concatenate3A_595 = tpu.concatenate %select_n3A_583, %convert_element_type3A_592, %add3A_555, %add3A_564, %sub3A_590, %broadcast_in_dim3A_594 in 0 : vector<1x32xf32>, vector<1x32xf32>, vector<1x32xf32>, vector<1x32xf32>, vector<1x32xf32>, vector<3x32xf32> -> vector<8x32xf32>
    %convert_element_type3A_596 = arith.fptosi %concatenate3A_595 : vector<8x32xf32> to vector<8x32xi32>
    %swap3A_597 = arith.constant 0 : index
    %swap3A_598 = arith.constant 0 : index
    %swap3A_599 = vector.load %arg4[%swap3A_597, %swap3A_598] : memref<8x32xi32, #tpu.memory_space<vmem>>, vector<8x32xi32>
    tpu.vector_store %arg4[%swap3A_597, %swap3A_598], %convert_element_type3A_596 {strides = array<i32>} : memref<8x32xi32, #tpu.memory_space<vmem>>, vector<8x32xi32>,
    return
  }
}

module attributes {stable_mosaic.version = 14 : i64} {
  func.func @_gmm_body(%arg0: i32, %arg1: memref<8x32xi32, #tpu.memory_space<smem>>, %arg2: memref<256x1024xf32, #tpu.memory_space<vmem>>, %arg3: memref<8x2048x1024xf32, #tpu.memory_space<hbm>>, %arg4: memref<8x2048x1024xf32, #tpu.memory_space<hbm>>, %arg5: memref<8x1024x2048xf32, #tpu.memory_space<hbm>>, %arg6: memref<256x1024xf32, #tpu.memory_space<vmem>>, %arg7: memref<2048x1024xf32, #tpu.memory_space<vmem>>, %arg8: memref<2048x1024xf32, #tpu.memory_space<vmem>>, %arg9: memref<1024x2048xf32, #tpu.memory_space<vmem>>, %arg10: memref<2048x1024xf32, #tpu.memory_space<vmem>>, %arg11: memref<2048x1024xf32, #tpu.memory_space<vmem>>, %arg12: memref<1024x2048xf32, #tpu.memory_space<vmem>>, %arg13: memref<!tpu.dma_semaphore, #tpu.memory_space<semaphore_mem>>, %arg14: memref<!tpu.dma_semaphore, #tpu.memory_space<semaphore_mem>>, %arg15: memref<!tpu.dma_semaphore, #tpu.memory_space<semaphore_mem>>, %arg16: memref<!tpu.dma_semaphore, #tpu.memory_space<semaphore_mem>>, %arg17: memref<!tpu.dma_semaphore, #tpu.memory_space<semaphore_mem>>, %arg18: memref<!tpu.dma_semaphore, #tpu.memory_space<semaphore_mem>>) attributes {dimension_semantics = [#tpu.dimension_semantics<arbitrary>], iteration_bounds = array<i64: 24>, scalar_prefetch = 1 : i64, scratch_operands = 12 : i64, tpu.core_type = #tpu.core_type<tc>, window_params = [{transform_indices = @transform_0, window_bounds = array<i64: 256, 1024>}, {}, {}, {}, {transform_indices = @transform_4, window_bounds = array<i64: 256, 1024>}]} {
    %get3A = arith.constant 0 : index
    %get3A_0 = arith.index_cast %arg0 : i32 to index
    %get3A_1 = memref.load %arg1[%get3A, %get3A_0] : memref<8x32xi32, #tpu.memory_space<smem>>
    %get3A_2 = arith.constant 1 : index
    %get3A_3 = arith.index_cast %arg0 : i32 to index
    %get3A_4 = memref.load %arg1[%get3A_2, %get3A_3] : memref<8x32xi32, #tpu.memory_space<smem>>
    %eq3A = arith.constant 1 : i32
    %eq3A_5 = arith.cmpi eq, %get3A_4, %eq3A : i32
    %get3A_6 = arith.constant 2 : index
    %get3A_7 = arith.index_cast %arg0 : i32 to index
    %get3A_8 = memref.load %arg1[%get3A_6, %get3A_7] : memref<8x32xi32, #tpu.memory_space<smem>>
    %eq3A_9 = arith.constant 1 : i32
    %eq3A_10 = arith.cmpi eq, %get3A_8, %eq3A_9 : i32
    %get3A_11 = arith.constant 3 : index
    %get3A_12 = arith.index_cast %arg0 : i32 to index
    %get3A_13 = memref.load %arg1[%get3A_11, %get3A_12] : memref<8x32xi32, #tpu.memory_space<smem>>
    %get3A_14 = arith.constant 4 : index
    %get3A_15 = arith.index_cast %arg0 : i32 to index
    %get3A_16 = memref.load %arg1[%get3A_14, %get3A_15] : memref<8x32xi32, #tpu.memory_space<smem>>
    %eq3A_17 = arith.constant 0 : i32
    %eq3A_18 = arith.cmpi eq, %arg0, %eq3A_17 : i32
    %convert_element_type3A = arith.extui %eq3A_18 : i1 to i32
    %cond3A = arith.constant 0 : i32
    %cond3A_19 = arith.cmpi ne, %convert_element_type3A, %cond3A : i32
    scf.if %cond3A_19 {
      %dma_start3A = arith.constant 0 : i32
      %dma_start3A_38 = arith.constant 0 : i32
      %dma_start3A_39 = tpu.memref_slice %arg3[%get3A_1, %dma_start3A, %dma_start3A_38] : memref<8x2048x1024xf32, #tpu.memory_space<hbm>> -> memref<1x2048x1024xf32, #tpu.memory_space<hbm>>
      %dma_start3A_40 = tpu.memref_squeeze %dma_start3A_39 : memref<1x2048x1024xf32, #tpu.memory_space<hbm>> -> memref<2048x1024xf32, #tpu.memory_space<hbm>>
      tpu.enqueue_dma source(%dma_start3A_40 : memref<2048x1024xf32, #tpu.memory_space<hbm>>) target(%arg7 : memref<2048x1024xf32, #tpu.memory_space<vmem>>) target_semaphore(%arg13 : memref<!tpu.dma_semaphore, #tpu.memory_space<semaphore_mem>>)
      %dma_start3A_41 = arith.constant 0 : i32
      %dma_start3A_42 = arith.constant 0 : i32
      %dma_start3A_43 = tpu.memref_slice %arg4[%get3A_1, %dma_start3A_41, %dma_start3A_42] : memref<8x2048x1024xf32, #tpu.memory_space<hbm>> -> memref<1x2048x1024xf32, #tpu.memory_space<hbm>>
      %dma_start3A_44 = tpu.memref_squeeze %dma_start3A_43 : memref<1x2048x1024xf32, #tpu.memory_space<hbm>> -> memref<2048x1024xf32, #tpu.memory_space<hbm>>
      tpu.enqueue_dma source(%dma_start3A_44 : memref<2048x1024xf32, #tpu.memory_space<hbm>>) target(%arg8 : memref<2048x1024xf32, #tpu.memory_space<vmem>>) target_semaphore(%arg14 : memref<!tpu.dma_semaphore, #tpu.memory_space<semaphore_mem>>)
      %dma_start3A_45 = arith.constant 0 : i32
      %dma_start3A_46 = arith.constant 0 : i32
      %dma_start3A_47 = tpu.memref_slice %arg5[%get3A_1, %dma_start3A_45, %dma_start3A_46] : memref<8x1024x2048xf32, #tpu.memory_space<hbm>> -> memref<1x1024x2048xf32, #tpu.memory_space<hbm>>
      %dma_start3A_48 = tpu.memref_squeeze %dma_start3A_47 : memref<1x1024x2048xf32, #tpu.memory_space<hbm>> -> memref<1024x2048xf32, #tpu.memory_space<hbm>>
      tpu.enqueue_dma source(%dma_start3A_48 : memref<1024x2048xf32, #tpu.memory_space<hbm>>) target(%arg9 : memref<1024x2048xf32, #tpu.memory_space<vmem>>) target_semaphore(%arg15 : memref<!tpu.dma_semaphore, #tpu.memory_space<semaphore_mem>>)
    } else {
    }
    %ne3A = arith.cmpi ne, %get3A_13, %get3A_1 : i32
    %and3A = arith.andi %eq3A_10, %ne3A : i1
    %convert_element_type3A_20 = arith.extui %and3A : i1 to i32
    %cond3A_21 = arith.constant 0 : i32
    %cond3A_22 = arith.cmpi ne, %convert_element_type3A_20, %cond3A_21 : i32
    scf.if %cond3A_22 {
      %eq3A_38 = arith.constant 0 : i32
      %eq3A_39 = arith.cmpi eq, %get3A_16, %eq3A_38 : i32
      %convert_element_type3A_40 = arith.extui %eq3A_39 : i1 to i32
      %cond3A_41 = arith.constant 0 : i32
      %cond3A_42 = arith.cmpi ne, %convert_element_type3A_40, %cond3A_41 : i32
      scf.if %cond3A_42 {
        %dma_start3A = arith.constant 0 : i32
        %dma_start3A_48 = arith.constant 0 : i32
        %dma_start3A_49 = tpu.memref_slice %arg3[%get3A_13, %dma_start3A, %dma_start3A_48] : memref<8x2048x1024xf32, #tpu.memory_space<hbm>> -> memref<1x2048x1024xf32, #tpu.memory_space<hbm>>
        %dma_start3A_50 = tpu.memref_squeeze %dma_start3A_49 : memref<1x2048x1024xf32, #tpu.memory_space<hbm>> -> memref<2048x1024xf32, #tpu.memory_space<hbm>>
        tpu.enqueue_dma source(%dma_start3A_50 : memref<2048x1024xf32, #tpu.memory_space<hbm>>) target(%arg10 : memref<2048x1024xf32, #tpu.memory_space<vmem>>) target_semaphore(%arg16 : memref<!tpu.dma_semaphore, #tpu.memory_space<semaphore_mem>>)
        %dma_start3A_51 = arith.constant 0 : i32
        %dma_start3A_52 = arith.constant 0 : i32
        %dma_start3A_53 = tpu.memref_slice %arg4[%get3A_13, %dma_start3A_51, %dma_start3A_52] : memref<8x2048x1024xf32, #tpu.memory_space<hbm>> -> memref<1x2048x1024xf32, #tpu.memory_space<hbm>>
        %dma_start3A_54 = tpu.memref_squeeze %dma_start3A_53 : memref<1x2048x1024xf32, #tpu.memory_space<hbm>> -> memref<2048x1024xf32, #tpu.memory_space<hbm>>
        tpu.enqueue_dma source(%dma_start3A_54 : memref<2048x1024xf32, #tpu.memory_space<hbm>>) target(%arg11 : memref<2048x1024xf32, #tpu.memory_space<vmem>>) target_semaphore(%arg17 : memref<!tpu.dma_semaphore, #tpu.memory_space<semaphore_mem>>)
        %dma_start3A_55 = arith.constant 0 : i32
        %dma_start3A_56 = arith.constant 0 : i32
        %dma_start3A_57 = tpu.memref_slice %arg5[%get3A_13, %dma_start3A_55, %dma_start3A_56] : memref<8x1024x2048xf32, #tpu.memory_space<hbm>> -> memref<1x1024x2048xf32, #tpu.memory_space<hbm>>
        %dma_start3A_58 = tpu.memref_squeeze %dma_start3A_57 : memref<1x1024x2048xf32, #tpu.memory_space<hbm>> -> memref<1024x2048xf32, #tpu.memory_space<hbm>>
        tpu.enqueue_dma source(%dma_start3A_58 : memref<1024x2048xf32, #tpu.memory_space<hbm>>) target(%arg12 : memref<1024x2048xf32, #tpu.memory_space<vmem>>) target_semaphore(%arg18 : memref<!tpu.dma_semaphore, #tpu.memory_space<semaphore_mem>>)
      } else {
      }
      %eq3A_43 = arith.constant 1 : i32
      %eq3A_44 = arith.cmpi eq, %get3A_16, %eq3A_43 : i32
      %convert_element_type3A_45 = arith.extui %eq3A_44 : i1 to i32
      %cond3A_46 = arith.constant 0 : i32
      %cond3A_47 = arith.cmpi ne, %convert_element_type3A_45, %cond3A_46 : i32
      scf.if %cond3A_47 {
        %dma_start3A = arith.constant 0 : i32
        %dma_start3A_48 = arith.constant 0 : i32
        %dma_start3A_49 = tpu.memref_slice %arg3[%get3A_13, %dma_start3A, %dma_start3A_48] : memref<8x2048x1024xf32, #tpu.memory_space<hbm>> -> memref<1x2048x1024xf32, #tpu.memory_space<hbm>>
        %dma_start3A_50 = tpu.memref_squeeze %dma_start3A_49 : memref<1x2048x1024xf32, #tpu.memory_space<hbm>> -> memref<2048x1024xf32, #tpu.memory_space<hbm>>
        tpu.enqueue_dma source(%dma_start3A_50 : memref<2048x1024xf32, #tpu.memory_space<hbm>>) target(%arg7 : memref<2048x1024xf32, #tpu.memory_space<vmem>>) target_semaphore(%arg13 : memref<!tpu.dma_semaphore, #tpu.memory_space<semaphore_mem>>)
        %dma_start3A_51 = arith.constant 0 : i32
        %dma_start3A_52 = arith.constant 0 : i32
        %dma_start3A_53 = tpu.memref_slice %arg4[%get3A_13, %dma_start3A_51, %dma_start3A_52] : memref<8x2048x1024xf32, #tpu.memory_space<hbm>> -> memref<1x2048x1024xf32, #tpu.memory_space<hbm>>
        %dma_start3A_54 = tpu.memref_squeeze %dma_start3A_53 : memref<1x2048x1024xf32, #tpu.memory_space<hbm>> -> memref<2048x1024xf32, #tpu.memory_space<hbm>>
        tpu.enqueue_dma source(%dma_start3A_54 : memref<2048x1024xf32, #tpu.memory_space<hbm>>) target(%arg8 : memref<2048x1024xf32, #tpu.memory_space<vmem>>) target_semaphore(%arg14 : memref<!tpu.dma_semaphore, #tpu.memory_space<semaphore_mem>>)
        %dma_start3A_55 = arith.constant 0 : i32
        %dma_start3A_56 = arith.constant 0 : i32
        %dma_start3A_57 = tpu.memref_slice %arg5[%get3A_13, %dma_start3A_55, %dma_start3A_56] : memref<8x1024x2048xf32, #tpu.memory_space<hbm>> -> memref<1x1024x2048xf32, #tpu.memory_space<hbm>>
        %dma_start3A_58 = tpu.memref_squeeze %dma_start3A_57 : memref<1x1024x2048xf32, #tpu.memory_space<hbm>> -> memref<1024x2048xf32, #tpu.memory_space<hbm>>
        tpu.enqueue_dma source(%dma_start3A_58 : memref<1024x2048xf32, #tpu.memory_space<hbm>>) target(%arg9 : memref<1024x2048xf32, #tpu.memory_space<vmem>>) target_semaphore(%arg15 : memref<!tpu.dma_semaphore, #tpu.memory_space<semaphore_mem>>)
      } else {
      }
    } else {
    }
    %convert_element_type3A_23 = arith.extui %eq3A_10 : i1 to i32
    %cond3A_24 = arith.constant 0 : i32
    %cond3A_25 = arith.cmpi ne, %convert_element_type3A_23, %cond3A_24 : i32
    scf.if %cond3A_25 {
      %eq3A_38 = arith.constant 0 : i32
      %eq3A_39 = arith.cmpi eq, %get3A_16, %eq3A_38 : i32
      %convert_element_type3A_40 = arith.extui %eq3A_39 : i1 to i32
      %cond3A_41 = arith.constant 0 : i32
      %cond3A_42 = arith.cmpi ne, %convert_element_type3A_40, %cond3A_41 : i32
      scf.if %cond3A_42 {
        %dma_wait3A = arith.constant 0 : i32
        %dma_wait3A_48 = arith.constant 0 : i32
        %dma_wait3A_49 = tpu.memref_slice %arg3[%get3A_1, %dma_wait3A, %dma_wait3A_48] : memref<8x2048x1024xf32, #tpu.memory_space<hbm>> -> memref<1x2048x1024xf32, #tpu.memory_space<hbm>>
        %dma_wait3A_50 = tpu.memref_squeeze %dma_wait3A_49 : memref<1x2048x1024xf32, #tpu.memory_space<hbm>> -> memref<2048x1024xf32, #tpu.memory_space<hbm>>
        tpu.wait_dma2 semaphore(%arg13 : memref<!tpu.dma_semaphore, #tpu.memory_space<semaphore_mem>>) src(%dma_wait3A_50 : memref<2048x1024xf32, #tpu.memory_space<hbm>>) dst(%arg7 : memref<2048x1024xf32, #tpu.memory_space<vmem>>)
        %dma_wait3A_51 = arith.constant 0 : i32
        %dma_wait3A_52 = arith.constant 0 : i32
        %dma_wait3A_53 = tpu.memref_slice %arg4[%get3A_1, %dma_wait3A_51, %dma_wait3A_52] : memref<8x2048x1024xf32, #tpu.memory_space<hbm>> -> memref<1x2048x1024xf32, #tpu.memory_space<hbm>>
        %dma_wait3A_54 = tpu.memref_squeeze %dma_wait3A_53 : memref<1x2048x1024xf32, #tpu.memory_space<hbm>> -> memref<2048x1024xf32, #tpu.memory_space<hbm>>
        tpu.wait_dma2 semaphore(%arg14 : memref<!tpu.dma_semaphore, #tpu.memory_space<semaphore_mem>>) src(%dma_wait3A_54 : memref<2048x1024xf32, #tpu.memory_space<hbm>>) dst(%arg8 : memref<2048x1024xf32, #tpu.memory_space<vmem>>)
        %dma_wait3A_55 = arith.constant 0 : i32
        %dma_wait3A_56 = arith.constant 0 : i32
        %dma_wait3A_57 = tpu.memref_slice %arg5[%get3A_1, %dma_wait3A_55, %dma_wait3A_56] : memref<8x1024x2048xf32, #tpu.memory_space<hbm>> -> memref<1x1024x2048xf32, #tpu.memory_space<hbm>>
        %dma_wait3A_58 = tpu.memref_squeeze %dma_wait3A_57 : memref<1x1024x2048xf32, #tpu.memory_space<hbm>> -> memref<1024x2048xf32, #tpu.memory_space<hbm>>
        tpu.wait_dma2 semaphore(%arg15 : memref<!tpu.dma_semaphore, #tpu.memory_space<semaphore_mem>>) src(%dma_wait3A_58 : memref<1024x2048xf32, #tpu.memory_space<hbm>>) dst(%arg9 : memref<1024x2048xf32, #tpu.memory_space<vmem>>)
      } else {
      }
      %eq3A_43 = arith.constant 1 : i32
      %eq3A_44 = arith.cmpi eq, %get3A_16, %eq3A_43 : i32
      %convert_element_type3A_45 = arith.extui %eq3A_44 : i1 to i32
      %cond3A_46 = arith.constant 0 : i32
      %cond3A_47 = arith.cmpi ne, %convert_element_type3A_45, %cond3A_46 : i32
      scf.if %cond3A_47 {
        %dma_wait3A = arith.constant 0 : i32
        %dma_wait3A_48 = arith.constant 0 : i32
        %dma_wait3A_49 = tpu.memref_slice %arg3[%get3A_1, %dma_wait3A, %dma_wait3A_48] : memref<8x2048x1024xf32, #tpu.memory_space<hbm>> -> memref<1x2048x1024xf32, #tpu.memory_space<hbm>>
        %dma_wait3A_50 = tpu.memref_squeeze %dma_wait3A_49 : memref<1x2048x1024xf32, #tpu.memory_space<hbm>> -> memref<2048x1024xf32, #tpu.memory_space<hbm>>
        tpu.wait_dma2 semaphore(%arg16 : memref<!tpu.dma_semaphore, #tpu.memory_space<semaphore_mem>>) src(%dma_wait3A_50 : memref<2048x1024xf32, #tpu.memory_space<hbm>>) dst(%arg10 : memref<2048x1024xf32, #tpu.memory_space<vmem>>)
        %dma_wait3A_51 = arith.constant 0 : i32
        %dma_wait3A_52 = arith.constant 0 : i32
        %dma_wait3A_53 = tpu.memref_slice %arg4[%get3A_1, %dma_wait3A_51, %dma_wait3A_52] : memref<8x2048x1024xf32, #tpu.memory_space<hbm>> -> memref<1x2048x1024xf32, #tpu.memory_space<hbm>>
        %dma_wait3A_54 = tpu.memref_squeeze %dma_wait3A_53 : memref<1x2048x1024xf32, #tpu.memory_space<hbm>> -> memref<2048x1024xf32, #tpu.memory_space<hbm>>
        tpu.wait_dma2 semaphore(%arg17 : memref<!tpu.dma_semaphore, #tpu.memory_space<semaphore_mem>>) src(%dma_wait3A_54 : memref<2048x1024xf32, #tpu.memory_space<hbm>>) dst(%arg11 : memref<2048x1024xf32, #tpu.memory_space<vmem>>)
        %dma_wait3A_55 = arith.constant 0 : i32
        %dma_wait3A_56 = arith.constant 0 : i32
        %dma_wait3A_57 = tpu.memref_slice %arg5[%get3A_1, %dma_wait3A_55, %dma_wait3A_56] : memref<8x1024x2048xf32, #tpu.memory_space<hbm>> -> memref<1x1024x2048xf32, #tpu.memory_space<hbm>>
        %dma_wait3A_58 = tpu.memref_squeeze %dma_wait3A_57 : memref<1x1024x2048xf32, #tpu.memory_space<hbm>> -> memref<1024x2048xf32, #tpu.memory_space<hbm>>
        tpu.wait_dma2 semaphore(%arg18 : memref<!tpu.dma_semaphore, #tpu.memory_space<semaphore_mem>>) src(%dma_wait3A_58 : memref<1024x2048xf32, #tpu.memory_space<hbm>>) dst(%arg12 : memref<1024x2048xf32, #tpu.memory_space<vmem>>)
      } else {
      }
    } else {
    }
    %eq3A_26 = arith.constant 0 : i32
    %eq3A_27 = arith.cmpi eq, %get3A_16, %eq3A_26 : i32
    %and3A_28 = arith.andi %eq3A_5, %eq3A_27 : i1
    %convert_element_type3A_29 = arith.extui %and3A_28 : i1 to i32
    %cond3A_30 = arith.constant 0 : i32
    %cond3A_31 = arith.cmpi ne, %convert_element_type3A_29, %cond3A_30 : i32
    scf.if %cond3A_31 {
      %get3A_38 = arith.constant 0 : index
      %get3A_39 = arith.constant 0 : index
      %get3A_40 = vector.load %arg2[%get3A_38, %get3A_39] : memref<256x1024xf32, #tpu.memory_space<vmem>>, vector<256x1024xf32>
      %get3A_41 = arith.constant 0 : index
      %get3A_42 = arith.constant 0 : index
      %get3A_43 = vector.load %arg7[%get3A_41, %get3A_42] : memref<2048x1024xf32, #tpu.memory_space<vmem>>, vector<2048x1024xf32>
      %dot_general3A = arith.constant dense<0.000000e+00> : vector<256x2048xf32>
      %dot_general3A_44 = tpu.matmul %get3A_40, %get3A_43, %dot_general3A {dimension_numbers = #tpu.dot_dimension_numbers<[1], [1], [0], [0], [0, 0, 1, 0], [], []>, transpose_lhs_hint = false} : vector<256x1024xf32>, vector<2048x1024xf32>, vector<256x2048xf32> -> vector<256x2048xf32>
      %get3A_45 = arith.constant 0 : index
      %get3A_46 = arith.constant 0 : index
      %get3A_47 = vector.load %arg8[%get3A_45, %get3A_46] : memref<2048x1024xf32, #tpu.memory_space<vmem>>, vector<2048x1024xf32>
      %dot_general3A_48 = arith.constant dense<0.000000e+00> : vector<256x2048xf32>
      %dot_general3A_49 = tpu.matmul %get3A_40, %get3A_47, %dot_general3A_48 {dimension_numbers = #tpu.dot_dimension_numbers<[1], [1], [0], [0], [0, 0, 1, 0], [], []>, transpose_lhs_hint = false} : vector<256x1024xf32>, vector<2048x1024xf32>, vector<256x2048xf32> -> vector<256x2048xf32>
      %logistic3A = arith.negf %dot_general3A_44 : vector<256x2048xf32>
      %logistic3A_50 = math.exp %logistic3A : vector<256x2048xf32>
      %logistic3A_51 = arith.constant 1.000000e+00 : f32
      %logistic3A_52 = vector.broadcast %logistic3A_51 : f32 to vector<256x2048xf32>
      %logistic3A_53 = arith.addf %logistic3A_52, %logistic3A_50 : vector<256x2048xf32>
      %logistic3A_54 = arith.divf %logistic3A_52, %logistic3A_53 : vector<256x2048xf32>
      %mul3A = arith.mulf %dot_general3A_44, %logistic3A_54 : vector<256x2048xf32>
      %mul3A_55 = arith.mulf %mul3A, %dot_general3A_49 : vector<256x2048xf32>
      %get3A_56 = arith.constant 0 : index
      %get3A_57 = arith.constant 0 : index
      %get3A_58 = vector.load %arg9[%get3A_56, %get3A_57] : memref<1024x2048xf32, #tpu.memory_space<vmem>>, vector<1024x2048xf32>
      %dot_general3A_59 = arith.constant dense<0.000000e+00> : vector<256x1024xf32>
      %dot_general3A_60 = tpu.matmul %mul3A_55, %get3A_58, %dot_general3A_59 {dimension_numbers = #tpu.dot_dimension_numbers<[1], [1], [0], [0], [0, 0, 1, 0], [], []>, transpose_lhs_hint = false} : vector<256x2048xf32>, vector<1024x2048xf32>, vector<256x1024xf32> -> vector<256x1024xf32>
      %swap3A = arith.constant 0 : index
      %swap3A_61 = arith.constant 0 : index
      %swap3A_62 = vector.load %arg6[%swap3A, %swap3A_61] : memref<256x1024xf32, #tpu.memory_space<vmem>>, vector<256x1024xf32>
      tpu.vector_store %arg6[%swap3A, %swap3A_61], %dot_general3A_60 {strides = array<i32>} : memref<256x1024xf32, #tpu.memory_space<vmem>>, vector<256x1024xf32>,
    } else {
    }
    %eq3A_32 = arith.constant 1 : i32
    %eq3A_33 = arith.cmpi eq, %get3A_16, %eq3A_32 : i32
    %and3A_34 = arith.andi %eq3A_5, %eq3A_33 : i1
    %convert_element_type3A_35 = arith.extui %and3A_34 : i1 to i32
    %cond3A_36 = arith.constant 0 : i32
    %cond3A_37 = arith.cmpi ne, %convert_element_type3A_35, %cond3A_36 : i32
    scf.if %cond3A_37 {
      %get3A_38 = arith.constant 0 : index
      %get3A_39 = arith.constant 0 : index
      %get3A_40 = vector.load %arg2[%get3A_38, %get3A_39] : memref<256x1024xf32, #tpu.memory_space<vmem>>, vector<256x1024xf32>
      %get3A_41 = arith.constant 0 : index
      %get3A_42 = arith.constant 0 : index
      %get3A_43 = vector.load %arg10[%get3A_41, %get3A_42] : memref<2048x1024xf32, #tpu.memory_space<vmem>>, vector<2048x1024xf32>
      %dot_general3A = arith.constant dense<0.000000e+00> : vector<256x2048xf32>
      %dot_general3A_44 = tpu.matmul %get3A_40, %get3A_43, %dot_general3A {dimension_numbers = #tpu.dot_dimension_numbers<[1], [1], [0], [0], [0, 0, 1, 0], [], []>, transpose_lhs_hint = false} : vector<256x1024xf32>, vector<2048x1024xf32>, vector<256x2048xf32> -> vector<256x2048xf32>
      %get3A_45 = arith.constant 0 : index
      %get3A_46 = arith.constant 0 : index
      %get3A_47 = vector.load %arg11[%get3A_45, %get3A_46] : memref<2048x1024xf32, #tpu.memory_space<vmem>>, vector<2048x1024xf32>
      %dot_general3A_48 = arith.constant dense<0.000000e+00> : vector<256x2048xf32>
      %dot_general3A_49 = tpu.matmul %get3A_40, %get3A_47, %dot_general3A_48 {dimension_numbers = #tpu.dot_dimension_numbers<[1], [1], [0], [0], [0, 0, 1, 0], [], []>, transpose_lhs_hint = false} : vector<256x1024xf32>, vector<2048x1024xf32>, vector<256x2048xf32> -> vector<256x2048xf32>
      %logistic3A = arith.negf %dot_general3A_44 : vector<256x2048xf32>
      %logistic3A_50 = math.exp %logistic3A : vector<256x2048xf32>
      %logistic3A_51 = arith.constant 1.000000e+00 : f32
      %logistic3A_52 = vector.broadcast %logistic3A_51 : f32 to vector<256x2048xf32>
      %logistic3A_53 = arith.addf %logistic3A_52, %logistic3A_50 : vector<256x2048xf32>
      %logistic3A_54 = arith.divf %logistic3A_52, %logistic3A_53 : vector<256x2048xf32>
      %mul3A = arith.mulf %dot_general3A_44, %logistic3A_54 : vector<256x2048xf32>
      %mul3A_55 = arith.mulf %mul3A, %dot_general3A_49 : vector<256x2048xf32>
      %get3A_56 = arith.constant 0 : index
      %get3A_57 = arith.constant 0 : index
      %get3A_58 = vector.load %arg12[%get3A_56, %get3A_57] : memref<1024x2048xf32, #tpu.memory_space<vmem>>, vector<1024x2048xf32>
      %dot_general3A_59 = arith.constant dense<0.000000e+00> : vector<256x1024xf32>
      %dot_general3A_60 = tpu.matmul %mul3A_55, %get3A_58, %dot_general3A_59 {dimension_numbers = #tpu.dot_dimension_numbers<[1], [1], [0], [0], [0, 0, 1, 0], [], []>, transpose_lhs_hint = false} : vector<256x2048xf32>, vector<1024x2048xf32>, vector<256x1024xf32> -> vector<256x1024xf32>
      %swap3A = arith.constant 0 : index
      %swap3A_61 = arith.constant 0 : index
      %swap3A_62 = vector.load %arg6[%swap3A, %swap3A_61] : memref<256x1024xf32, #tpu.memory_space<vmem>>, vector<256x1024xf32>
      tpu.vector_store %arg6[%swap3A, %swap3A_61], %dot_general3A_60 {strides = array<i32>} : memref<256x1024xf32, #tpu.memory_space<vmem>>, vector<256x1024xf32>,
    } else {
    }
    return
  }
  func.func @transform_0(%arg0: i32, %arg1: memref<8x32xi32, #tpu.memory_space<smem>>) -> (i32, i32) {
    %c0_i32 = arith.constant 0 : i32
    %c0_i32_0 = arith.constant 0 : i32
    return %arg0, %c0_i32 : i32, i32
  }
  func.func @transform_4(%arg0: i32, %arg1: memref<8x32xi32, #tpu.memory_space<smem>>) -> (i32, i32) {
    %c0_i32 = arith.constant 0 : i32
    %c0_i32_0 = arith.constant 0 : i32
    return %arg0, %c0_i32 : i32, i32
  }
}

</mosaic_0001>

<sc_bundles>
// kernel: kernel.6.cloned.1.call-start
scs
__scs_entry_jumppad:
0x0: {  	(pc) =	sbr.rel $0x88, $3  }
0x1: {  	(tag) =	ssettag $0x0;
	lr =	simm.s32 $0x1  }
0x2: {  	[smem:$0x3F9C] =	sst lr;
	_ =	strace $0xD0000000  }
0x3: {  	_ = 	snop  }
0x4: {  	_ = 	snop  }
0x5: {  	_ = 	snop  }
0x6: {  	_ = 	snop  }
0x7: {  	_ = 	snop  }
__scs_overlays_trampoline_lowered:
0x8: {  	[smem:$0x3FAB] =	sst s0  }
0x9: {  	[smem:$0x3FAC] =	sst s1  }
0xa: {  	[smem:$0x3FAD] =	sst s2  }
0xb: {  	[smem:$0x3FAE] =	sst s3  }
0xc: {  	[smem:$0x3FAF] =	sst s4  }
0xd: {  	[smem:$0x3FB0] =	sst s5  }
0xe: {  	[smem:$0x3FB1] =	sst s6  }
0xf: {  	[smem:$0x3FB2] =	sst s7  }
0x10: {  	[smem:$0x3FB3] =	sst s8  }
0x11: {  	[smem:$0x3FB4] =	sst s9;
	s0 =	simm.s32 @!p0 $0x0  }
0x12: {  	s1 =	sld [smem:$0x3F9A];
	s0 =	simm.s32 @p0 $0x1  }
0x13: {  	[smem:$0x3FB5] =	sst s0;
	s0 =	simm.s32 @!p1 $0x0  }
0x14: {  	s2 =	sld [smem:$0x3F99];
	s0 =	simm.s32 @p1 $0x1  }
0x15: {  	[smem:$0x3FB6] =	sst s0;
	s0 =	simm.s32 @!p2 $0x0  }
0x16: {  	s3 =	sld [smem:$0x3FDB];
	s0 =	simm.s32 @p2 $0x1  }
0x17: {  	s4 =	simm.s32 $0x1BF5;
	[smem:$0x3FB8] =	sst s0  }
0x18: {  	s0 =	sld [smem:$0x3F9B];
	_ =	swait.ge [sflag:s4], $0x0  }
0x19: {  	s7 =	sld [smem:$0x3F9C]  }
0x1a: {  	s8 =	sadd.s32 $0xFFFFE003, lr  }
0x1b: {  	s9 =	sadd.s32 $0xFFFFFEF7, lr;
	s5 =	simm.s32 $0xFFFFFFFF;
	p2 =	slt.u32 s8, $0xFFFFF086  }
0x1c: {  	p1 =	slt.u32 s9, $0xF7A;
	s5 =	simm.s32 @!p2 $0x0  }
0x1d: {  	s5 =	simm.s32 @p1 $0x1;
	p0 =	seq.s32 s7, s2  }
0x1e: {  	s7 =	smul.u32 @!p0 $0xF7A, s2;
	p2 =	seq.s32 @!p0 s5, $0x0  }
0x1f: {  	s9 =	smul.u32 $0xF7A, s1;
	s8 =	simm.s32 @!p0 $0x1BF5;
	p2 =	por !p2, p0  }
0x20: {  	[sflag:s8] =	ssyncset.s32 @!p0 $0xFFFFF086;
	s6 =	sadd.s32 @!p0 s3, s7;
	s7 =	simm.s32 @!p0 $0x108  }
0x21: {  	s3 =	sadd.s32 s3, s9;
	s6 =	sadd.s32 @!p0 $0x88, s6;
	s7 =	simm.s32 @p2 $0x1082  }
0x22: {  	[simem:s7], [sflag:s8] =	dma.local @!p0 [hbm:s6], $0xF7A  }
0x23: {  	s9 =	sor.u32 $0xD0000000, s2;
	s6 =	simm.s32 $0x108;
	_ =	swait.ge @!p0 [sflag:s8], $0x0  }
0x24: {  	s3 =	sadd.s32 $0x88, s3;
	s6 =	simm.s32 @!p1 $0x1082;
	[sflag:s4] =	ssyncset.s32 $0xFFFFF086  }
0x25: {  	[simem:s6], [sflag:s4] =	dma.local [hbm:s3], $0xF7A  }
0x26: {  	[smem:$0x3F9C] =	sst s1;
	(tag) =	ssettag s2;
	_ =	strace s9  }
0x27: {  	s1 =	sld [smem:$0x3FAC]  }
0x28: {  	s2 =	sld [smem:$0x3FAD]  }
0x29: {  	s4 =	sld [smem:$0x3FAF]  }
0x2a: {  	p0 =	seq.s32 s5, $0x0;
	s5 =	sld [smem:$0x3FB0]  }
0x2b: {  	s6 =	sld [smem:$0x3FB1]  }
0x2c: {  	s7 =	sld [smem:$0x3FB2]  }
0x2d: {  	s3 =	simm.s32 $0x108;
	s8 =	sld [smem:$0x3FB3]  }
0x2e: {  	s3 =	simm.s32 @!p0 $0x1082;
	s9 =	sld [smem:$0x3FB4]  }
0x2f: {  	lr =	sadd.s32 s0, s3;
	s0 =	sld [smem:$0x3FAB]  }
0x30: {  	s3 =	sld [smem:$0x3FAE]  }
0x31: {  	[smem:$0x3FB7] =	sst s10  }
0x32: {  	s10 =	sld [smem:$0x3FB5];
	_ =	sdelay $0x3  }
0x33: {  	p0 =	seq.s32 s10, $0x1;
	s10 =	sld [smem:$0x3FB7];
	_ =	sdelay $0x3  }
0x34: {  	[smem:$0x3FB7] =	sst s10  }
0x35: {  	s10 =	sld [smem:$0x3FB6];
	_ =	sdelay $0x3  }
0x36: {  	p1 =	seq.s32 s10, $0x1;
	s10 =	sld [smem:$0x3FB7];
	_ =	sdelay $0x3  }
0x37: {  	[smem:$0x3FB7] =	sst s10  }
0x38: {  	s10 =	sld [smem:$0x3FB8]  }
0x39: {  	_ = 	snop;
	(pc) =	sbr.ind lr, $3  }
0x3a: {  	_ = 	snop  }
0x3b: {  	_ = 	snop  }
0x3c: {  	p2 =	seq.s32 s10, $0x1;
	s10 =	sld [smem:$0x3FB7]  }
0x3d: {  	_ =	shalt  }
0x3e: {  	_ =	shalt  }
0x3f: {  	_ =	shalt  }
0x40: {  	_ =	shalt  }
0x41: {  	_ =	shalt  }
0x42: {  	_ =	shalt  }
0x43: {  	_ =	shalt  }
0x44: {  	_ =	shalt  }
0x45: {  	_ =	shalt  }
0x46: {  	_ =	shalt  }
0x47: {  	_ =	shalt  }
0x48: {  	_ =	shalt  }
0x49: {  	_ =	shalt  }
0x4a: {  	_ =	shalt  }
0x4b: {  	_ =	shalt  }
0x4c: {  	_ =	shalt  }
0x4d: {  	_ =	shalt  }
0x4e: {  	_ =	shalt  }
0x4f: {  	_ =	shalt  }
0x50: {  	_ =	shalt  }
0x51: {  	_ =	shalt  }
0x52: {  	_ =	shalt  }
0x53: {  	_ =	shalt  }
0x54: {  	_ =	shalt  }
0x55: {  	_ =	shalt  }
0x56: {  	_ =	shalt  }
0x57: {  	_ =	shalt  }
0x58: {  	_ =	shalt  }
0x59: {  	_ =	shalt  }
0x5a: {  	_ =	shalt  }
0x5b: {  	_ =	shalt  }
0x5c: {  	_ =	shalt  }
0x5d: {  	_ =	shalt  }
0x5e: {  	_ =	shalt  }
0x5f: {  	_ =	shalt  }
0x60: {  	_ =	shalt  }
0x61: {  	_ =	shalt  }
0x62: {  	_ =	shalt  }
0x63: {  	_ =	shalt  }
0x64: {  	_ =	shalt  }
0x65: {  	_ =	shalt  }
0x66: {  	_ =	shalt  }
0x67: {  	_ =	shalt  }
0x68: {  	_ =	shalt  }
0x69: {  	_ =	shalt  }
0x6a: {  	_ =	shalt  }
0x6b: {  	_ =	shalt  }
0x6c: {  	_ =	shalt  }
0x6d: {  	_ =	shalt  }
0x6e: {  	_ =	shalt  }
0x6f: {  	_ =	shalt  }
0x70: {  	_ =	shalt  }
0x71: {  	_ =	shalt  }
0x72: {  	_ =	shalt  }
0x73: {  	_ =	shalt  }
0x74: {  	_ =	shalt  }
0x75: {  	_ =	shalt  }
0x76: {  	_ =	shalt  }
0x77: {  	_ =	shalt  }
0x78: {  	_ =	shalt  }
0x79: {  	_ =	shalt  }
0x7a: {  	_ =	shalt  }
0x7b: {  	_ =	shalt  }
0x7c: {  	_ =	shalt  }
0x7d: {  	_ =	shalt  }
0x7e: {  	_ =	shalt  }
0x7f: {  	_ =	shalt  }
0x80: {  	_ =	shalt  }
0x81: {  	_ =	shalt  }
0x82: {  	_ =	shalt  }
0x83: {  	_ =	shalt  }
0x84: {  	_ =	shalt  }
0x85: {  	_ =	shalt  }
0x86: {  	_ =	shalt  }
0x87: {  	_ =	shalt  }
.Lfunc_end0:
.L_simem_size_0:
called_computation_lowered:
.L_overlay_start_0:
0x88: {  	s2 =	sld [smem:$0x3FD9]  }
0x89: {  	s3 =	sld [smem:$0x3FFE];
	_ =	sdelay $0x1  }
0x8a: {  	s1 =	srdreg.scid  }
0x8b: {  	s0 =	sand.u32 $0x1, s1  }
0x8c: {  	s17 =	sshll.u32 s0, $0xA;
	s2 =	sadd.s32 s3, s2  }
0x8d: {  	s2 =	sadd.s32 s2, s17  }
0x8e: {  	[smem:$0x3FC3] =	sst s2  }
0x8f: {  	_ = 	snop  }
0x90: {  	s2 =	sld [smem:$0x3FC9];
	(tm) =	ssettm $0x1  }
0x91: {  	s18 =	sld [smem:$0x3FFB];
	_ =	sdelay $0x3  }
0x92: {  	_ =	strace s18  }
0x93: {  	s3 =	sld [smem:$0x3FFC];
	_ =	sdelay $0x3  }
0x94: {  	_ =	strace s3  }
0x95: {  	s3 =	sld [smem:$0x3FFD];
	_ =	sdelay $0x3  }
0x96: {  	_ =	strace s3  }
0x97: {  	_ =	strace $0x8FFFFFFF  }
0x98: {  	s19 =	sld [smem:$0x3FDB];
	_ =	sdelay $0x1  }
0x99: {  	s4 =	simm.s32 $_scs_section_size  }
0x9a: {  	s5 =	simm.s32 $_size__tile_overlayer_lowered;
	s6 =	simm.s32 $_tile_overlayer_lowered  }
0x9b: {  	s22 =	simm.s32 $0x1BFF;
	s21 =	sshll.u32 s6, $0x1;
	s3 =	sadd.s32 s4, s19  }
0x9c: {  	s7 =	simm.s32 $0x0;
	s20 =	sshll.u32 s5, $0x1;
	s5 =	sadd.s32 s21, s3  }
0x9d: {  	[timem:s7], [sflag:s22] =	dma.local [hbm:s5], s20  }
0x9e: {  	_ =	swait.ge [sflag:s22], s20  }
0x9f: {  	s4 =	ssub.s32 $0x0, s20;
	[sflag:s22] =	ssyncset.done $0x0  }
0xa0: {  	[sflag:s22] =	ssyncadd.s32 s4;
	_ =	sdelay $0x1  }
0xa1: {  	s23 =	simm.s32 $0x1B8B  }
0xa2: {  	_ =	swait.ge [sflag:s23], $0x1  }
0xa3: {  	[sflag:s23] =	ssyncset.done $0x0  }
0xa4: {  	s25 =	simm.s32 $0x1B8E;
	s24 =	sld [smem:$0x3FFE];
	[sflag:s23] =	ssyncadd.s32 $0xFFFFFFFF  }
0xa5: {  	s26 =	simm.s32 $execute0_lowered;
	[smem:$0x3FD2] =	sst s25  }
0xa6: {  	s5 =	sshll.u32 s26, $0x1;
	_ =	strace $0x80000046;
	[dreg:$0x1] =	wrdreg $0xFFFFFFFF  }
0xa7: {  	s28 =	simm.s32 $_size_execute0_lowered;
	s3 =	sadd.s32 s3, s5;
	[dreg:$0x0] =	wrdreg $0x0  }
0xa8: {  	s5 =	sshll.u32 s28, $0x1;
	[dreg:$0x2] =	wrdreg s3  }
0xa9: {  	[dreg:$0x3] =	wrdreg s5  }
0xaa: {  	[dreg:$0x4] =	wrdreg $0xC0  }
0xab: {  	_ =	task [dreg:s7], $0x5FFFF  }
0xac: {  	[dreg:$0x1] =	wrdreg $0xFFFFFFFF  }
0xad: {  	[dreg:$0x0] =	wrdreg $0x60  }
0xae: {  	[dreg:$0x2] =	wrdreg s2  }
0xaf: {  	[dreg:$0x3] =	wrdreg s24  }
0xb0: {  	[dreg:$0x4] =	wrdreg $0x9  }
0xb1: {  	_ =	task.clear_ibuf [dreg:s7], $0x5FFFF;
	_ =	strace $0x90000046  }
0xb2: {  	s29 =	simm.s32 $0x9;
	_ =	strace $0x80000048  }
0xb3: {  	_ =	swait.ge [sflag:s29], $0x1  }
0xb4: {  	[sflag:s29] =	ssyncadd.s32 $0xFFFFFFFF  }
0xb5: {  	_ =	strace $0x90000048  }
0xb6: {  	_ =	sfence  }
0xb7: {  	s30 =	sld [smem:$0x0];
	_ =	sdelay $0x2  }
0xb8: {  	s31 =	sshll.u32 s1, $0xD;
	s1 =	sshrl.u32 s1, $0x2  }
0xb9: {  	s3 =	sand.u32 $0x4000, s31;
	s1 =	sadd.s32 s1, s30  }
0xba: {  	s0 =	sor.u32 s3, s0;
	s1 =	sshll.u32 s1, $0x11  }
0xbb: {  	s0 =	sor.u32 s1, s0  }
0xbc: {  	s0 =	sadd.s32 $0x8F2B, s0  }
0xbd: {  	[sflag:s0] =	ssyncadd.remote.s32 $0x1  }
0xbe: {  	_ =	sfence.sel $0xFFFF  }
0xbf: {  	[dreg:$0x0] =	wrdreg $0xFFFFFFFF;
	(pc) =	sbr.abs _section_cstart, $3  }
0xc0: {  	[dreg:$0x1] =	wrdreg $0xFFFFFFFF  }
0xc1: {  	_ =	task.clear_ibuf [dreg:s7], $0x2FFFF;
	_ =	strace $0x9FFFFFFF  }
0xc2: {  	(tm) =	ssettm $0x7FFFFFFF  }
0xc3: {  	_ =	shalt  }
tec
execute0_lowered:
.L_overlay_start_1:
0x0: {  	(tag) =	ssettag $0x1  }
0x1: {  	s0 =	rddreg [dreg:$0x0]  }
0x2: {  	s1 =	rddreg [dreg:$0x1]  }
0x3: {  	s3 =	srdreg.scid;
	s2 =	simm.s32 $0x0;
	s5 =	stileid.u32  }
0x4: {  	s28 =	simm.s32 $0x2900;
	s29 =	simm.s32 $0x3100;
	s30 =	simm.s32 $0x3900  }
0x5: {  	s31 =	simm.s32 $0x4100;
	s11 =	simm.s32 $0x6100;
	s12 =	simm.s32 $0x6900  }
0x6: {  	s13 =	simm.s32 $0x7100;
	s14 =	simm.s32 $0x7900;
	s4 =	sand.u32 $0x1, s3  }
0x7: {  	[smem:$0x7FF] =	sst s2;
	s15 =	sshll.u32 s5, $0x8;
	s6 =	sadd.s32 $0x600, s1  }
0x8: {  	s3 =	sadd.s32 $0x800, s1;
	s16 =	sshll.u32 s4, $0x7;
	s4 =	ssub.s32 $0x2, s4  }
0x9: {  	_ =	strace $0x80000047;
	s5 =	sor.u32 s16, s15;
	s9 =	sshrl.u32 s4, $0x1  }
0xa: {  	s15 =	simm.s32 $0x80;
	s16 =	simm.s32 $0x8900;
	s7 =	sshrl.u32 s5, $0x3  }
0xb: {  	s8 =	sshll.u32 s5, $0x7;
	s18 =	ssub.s32 s4, s9;
	s19 =	sor.u32 $0x20, s5  }
0xc: {  	s4 =	sadd.s32 $0x900, s1;
	s10 =	sor.u32 $0x40, s5;
	s5 =	sor.u32 $0x60, s5  }
0xd: {  	s7 =	sadd.s32 s6, s7;
	s8 =	sand.u32 $0x3C000, s8;
	s20 =	sshrl.u32 s19, $0x3  }
0xe: {  	s21 =	sshrl.u32 s10, $0x3;
	s23 =	sshll.u32 s10, $0x7;
	s25 =	sshrl.u32 s5, $0x3  }
0xf: {  	s5 =	sshll.u32 s5, $0x7;
	s10 =	simm.s32 $0x5900;
	[dreg:$0x3] =	wrdreg s7  }
0x10: {  	s17 =	sadd.s32 s0, s8;
	s7 =	sshll.u32 s19, $0x7;
	s9 =	sadd.s32 s6, s20  }
0x11: {  	s22 =	sadd.s32 s6, s21;
	s24 =	sand.u32 $0x3E000, s23;
	s6 =	sadd.s32 s6, s25  }
0x12: {  	s26 =	sand.u32 $0x3F000, s5;
	s5 =	sadd.s32 $0xA00, s1;
	[dreg:$0x4] =	wrdreg s17  }
0x13: {  	s8 =	simm.s32 $0x3;
	s19 =	simm.s32 $0x1;
	[dreg:$0x5] =	wrdreg s9  }
0x14: {  	s20 =	simm.s32 $0x2;
	s23 =	simm.s32 $0x1100;
	[dreg:$0x7] =	wrdreg s22  }
0x15: {  	s25 =	simm.s32 $0x2100;
	s7 =	sand.u32 $0x3D000, s7;
	[dreg:$0x9] =	wrdreg s6  }
0x16: {  	s6 =	sadd.s32 $0xB00, s1;
	s22 =	simm.s32 $0x900;
	s9 =	simm.s32 $0x4900  }
0x17: {  	s1 =	simm.s32 $0x5100;
	s17 =	simm.s32 $0x9100;
	s7 =	sadd.s32 s0, s7  }
0x18: {  	v2 =	vlaneseq.u32;
	[dreg:$0x6] =	wrdreg s7;
	s7 =	sadd.s32 s0, s24;
	s0 =	sadd.s32 s0, s26  }
0x19: {  	vm0 =	vmmov $0xffff;
	v1 =	vshrl.u32 v2, $0x3;
	s26 =	simm.s32 $0x100;
	s24 =	simm.s32 $0x1900;
	[dreg:$0x8] =	wrdreg s7  }
0x1a: {  	v0 =	vand.u32 $0x7, v2;
	v2 =	vor.u32 $0x8, v2;
	v1 =	vmul.u32 $0x8, v1;
	[dreg:$0xa] =	wrdreg s0;
	s7 =	smax.u32 s18, $0x1;
	s18 =	simm.s32 $0x9900  }
.LBB2_1:
0x1b: {  	s21 =	rddreg [dreg:$0x3]  }
0x1c: {  	[tilespmem:s2], [sflag:$0x3] =	stream.linear.gather [hbm4b:s21+s2], $0x20, $0x38;
	[tilespmem:$0x10100] =	vst v63  }
0x1d: {  	_ =	swait.ge [sflag:s8], $0x20  }
0x1e: {  	[sflag:s8] =	ssyncset.done $0x0  }
0x1f: {  	s0 =	rddreg [dreg:$0x4];
	[sflag:s8] =	ssyncadd.s32 $0xFFFFFFE0  }
0x20: {  	[tilespmem:s26], [sflag:$0x3] =	stream.linear.gather [hbm4b:s0+s2], $0x8000, $0x38;
	[tilespmem:$0x10100] =	vst v63  }
0x21: {  	_ =	swait.ge [sflag:s8], $0x8000  }
0x22: {  	[sflag:s8] =	ssyncset.done $0x0  }
0x23: {  	[sflag:s8] =	ssyncadd.s32 $0xFFFF8000  }
0x24: {  	v3 =	vld [tilespmem:$0x0];
	_ =	sdelay $0x4  }
0x25: {  	v4 =	vshll.u32 v3, $0x3  }
0x26: {  	v3 =	vand.u32 $0x7, v3;
	v4 =	vand.u32 $0xFFFFFFC0, v4  }
0x27: {  	v3 =	vor.u32 v3, v4  }
0x28: {  	v4 =	vperm.xlane v3, v0;
	_ =	sdelay $0x1  }
0x29: {  	v4 =	vadd.s32 v1, v4;
	_ =	sdelay $0x4  }
0x2a: {  	[hbm4b:s3+s2] =	stream.indirect_vreg.scatter [tilespmem:s26], [sflag:$0x1], $0x80, v4, vm0, $0xb8;
	[tilespmem:$0x10100] =	vst v63  }
0x2b: {  	v3 =	vperm.xlane v3, v2  }
0x2c: {  	[hbm4b:s4+s2] =	stream.indirect_vreg.scatter [tilespmem:s22], [sflag:$0x1], $0x80, v4, vm0, $0xb8;
	[tilespmem:$0x10100] =	vst v63  }
0x2d: {  	v3 =	vadd.s32 v1, v3  }
0x2e: {  	[hbm4b:s5+s2] =	stream.indirect_vreg.scatter [tilespmem:s23], [sflag:$0x1], $0x80, v4, vm0, $0xb8;
	[tilespmem:$0x10100] =	vst v63  }
0x2f: {  	_ = 	snop  }
0x30: {  	[hbm4b:s6+s2] =	stream.indirect_vreg.scatter [tilespmem:s24], [sflag:$0x1], $0x80, v4, vm0, $0xb8;
	[tilespmem:$0x10100] =	vst v63  }
0x31: {  	_ = 	snop  }
0x32: {  	[hbm4b:s3+s2] =	stream.indirect_vreg.scatter [tilespmem:s25], [sflag:$0x1], $0x80, v3, vm0, $0xb8;
	[tilespmem:$0x10100] =	vst v63  }
0x33: {  	_ = 	snop  }
0x34: {  	[hbm4b:s4+s2] =	stream.indirect_vreg.scatter [tilespmem:s28], [sflag:$0x1], $0x80, v3, vm0, $0xb8;
	[tilespmem:$0x10100] =	vst v63  }
0x35: {  	_ = 	snop  }
0x36: {  	[hbm4b:s5+s2] =	stream.indirect_vreg.scatter [tilespmem:s29], [sflag:$0x1], $0x80, v3, vm0, $0xb8;
	[tilespmem:$0x10100] =	vst v63  }
0x37: {  	_ = 	snop  }
0x38: {  	[hbm4b:s6+s2] =	stream.indirect_vreg.scatter [tilespmem:s30], [sflag:$0x1], $0x80, v3, vm0, $0xb8;
	[tilespmem:$0x10100] =	vst v63  }
0x39: {  	v3 =	vld [tilespmem:$0x10];
	_ =	sdelay $0x4  }
0x3a: {  	v57 =	vshll.u32 v3, $0x3  }
0x3b: {  	v3 =	vand.u32 $0x7, v3;
	v4 =	vand.u32 $0xFFFFFFC0, v57  }
0x3c: {  	v3 =	vor.u32 v3, v4  }
0x3d: {  	v4 =	vperm.xlane v3, v0;
	_ =	sdelay $0x1  }
0x3e: {  	v4 =	vadd.s32 v1, v4;
	_ =	sdelay $0x4  }
0x3f: {  	[hbm4b:s3+s2] =	stream.indirect_vreg.scatter [tilespmem:s31], [sflag:$0x1], $0x80, v4, vm0, $0xb8;
	[tilespmem:$0x10100] =	vst v63  }
0x40: {  	v3 =	vperm.xlane v3, v2  }
0x41: {  	[hbm4b:s4+s2] =	stream.indirect_vreg.scatter [tilespmem:s9], [sflag:$0x1], $0x80, v4, vm0, $0xb8;
	[tilespmem:$0x10100] =	vst v63  }
0x42: {  	v3 =	vadd.s32 v1, v3  }
0x43: {  	[hbm4b:s5+s2] =	stream.indirect_vreg.scatter [tilespmem:s1], [sflag:$0x1], $0x80, v4, vm0, $0xb8;
	[tilespmem:$0x10100] =	vst v63  }
0x44: {  	_ = 	snop  }
0x45: {  	[hbm4b:s6+s2] =	stream.indirect_vreg.scatter [tilespmem:s10], [sflag:$0x1], $0x80, v4, vm0, $0xb8;
	[tilespmem:$0x10100] =	vst v63  }
0x46: {  	_ = 	snop  }
0x47: {  	[hbm4b:s3+s2] =	stream.indirect_vreg.scatter [tilespmem:s11], [sflag:$0x1], $0x80, v3, vm0, $0xb8;
	[tilespmem:$0x10100] =	vst v63  }
0x48: {  	_ = 	snop  }
0x49: {  	[hbm4b:s4+s2] =	stream.indirect_vreg.scatter [tilespmem:s12], [sflag:$0x1], $0x80, v3, vm0, $0xb8;
	[tilespmem:$0x10100] =	vst v63  }
0x4a: {  	_ = 	snop  }
0x4b: {  	[hbm4b:s5+s2] =	stream.indirect_vreg.scatter [tilespmem:s13], [sflag:$0x1], $0x80, v3, vm0, $0xb8;
	[tilespmem:$0x10100] =	vst v63  }
0x4c: {  	_ = 	snop  }
0x4d: {  	[hbm4b:s6+s2] =	stream.indirect_vreg.scatter [tilespmem:s14], [sflag:$0x1], $0x80, v3, vm0, $0xb8;
	[tilespmem:$0x10100] =	vst v63  }
0x4e: {  	s0 =	rddreg [dreg:$0x5]  }
0x4f: {  	[tilespmem:s15], [sflag:$0x3] =	stream.linear.gather [hbm4b:s0+s2], $0x20, $0x38;
	[tilespmem:$0x10100] =	vst v63  }
0x50: {  	_ =	swait.ge [sflag:s8], $0x20  }
0x51: {  	[sflag:s8] =	ssyncset.done $0x0  }
0x52: {  	s0 =	simm.s32 $0x8100;
	s21 =	rddreg [dreg:$0x6];
	[sflag:s8] =	ssyncadd.s32 $0xFFFFFFE0  }
0x53: {  	[tilespmem:s0], [sflag:$0x3] =	stream.linear.gather [hbm4b:s21+s2], $0x8000, $0x38;
	[tilespmem:$0x10100] =	vst v63  }
0x54: {  	_ =	swait.ge [sflag:s8], $0x8000  }
0x55: {  	[sflag:s8] =	ssyncset.done $0x0  }
0x56: {  	[sflag:s8] =	ssyncadd.s32 $0xFFFF8000  }
0x57: {  	v3 =	vld [tilespmem:$0x80];
	_ =	sdelay $0x4  }
0x58: {  	v58 =	vshll.u32 v3, $0x3  }
0x59: {  	v3 =	vand.u32 $0x7, v3;
	v4 =	vand.u32 $0xFFFFFFC0, v58  }
0x5a: {  	v3 =	vor.u32 v3, v4  }
0x5b: {  	v4 =	vperm.xlane v3, v0;
	_ =	sdelay $0x1  }
0x5c: {  	v4 =	vadd.s32 v1, v4;
	_ =	sdelay $0x4  }
0x5d: {  	[hbm4b:s3+s2] =	stream.indirect_vreg.scatter [tilespmem:s0], [sflag:$0x2], $0x80, v4, vm0, $0xb8;
	[tilespmem:$0x10100] =	vst v63  }
0x5e: {  	v3 =	vperm.xlane v3, v2  }
0x5f: {  	[hbm4b:s4+s2] =	stream.indirect_vreg.scatter [tilespmem:s16], [sflag:$0x2], $0x80, v4, vm0, $0xb8;
	[tilespmem:$0x10100] =	vst v63  }
0x60: {  	v3 =	vadd.s32 v1, v3  }
0x61: {  	[hbm4b:s5+s2] =	stream.indirect_vreg.scatter [tilespmem:s17], [sflag:$0x2], $0x80, v4, vm0, $0xb8;
	[tilespmem:$0x10100] =	vst v63  }
0x62: {  	_ = 	snop  }
0x63: {  	[hbm4b:s6+s2] =	stream.indirect_vreg.scatter [tilespmem:s18], [sflag:$0x2], $0x80, v4, vm0, $0xb8;
	[tilespmem:$0x10100] =	vst v63  }
0x64: {  	s21 =	simm.s32 $0xA100  }
0x65: {  	[hbm4b:s3+s2] =	stream.indirect_vreg.scatter [tilespmem:s21], [sflag:$0x2], $0x80, v3, vm0, $0xb8;
	[tilespmem:$0x10100] =	vst v63  }
0x66: {  	s21 =	simm.s32 $0xA900  }
0x67: {  	[hbm4b:s4+s2] =	stream.indirect_vreg.scatter [tilespmem:s21], [sflag:$0x2], $0x80, v3, vm0, $0xb8;
	[tilespmem:$0x10100] =	vst v63  }
0x68: {  	s21 =	simm.s32 $0xB100  }
0x69: {  	[hbm4b:s5+s2] =	stream.indirect_vreg.scatter [tilespmem:s21], [sflag:$0x2], $0x80, v3, vm0, $0xb8;
	[tilespmem:$0x10100] =	vst v63  }
0x6a: {  	s21 =	simm.s32 $0xB900  }
0x6b: {  	[hbm4b:s6+s2] =	stream.indirect_vreg.scatter [tilespmem:s21], [sflag:$0x2], $0x80, v3, vm0, $0xb8;
	[tilespmem:$0x10100] =	vst v63  }
0x6c: {  	v3 =	vld [tilespmem:$0x90];
	_ =	sdelay $0x4  }
0x6d: {  	v59 =	vshll.u32 v3, $0x3  }
0x6e: {  	v3 =	vand.u32 $0x7, v3;
	v4 =	vand.u32 $0xFFFFFFC0, v59  }
0x6f: {  	v3 =	vor.u32 v3, v4  }
0x70: {  	v4 =	vperm.xlane v3, v0;
	_ =	sdelay $0x1  }
0x71: {  	v4 =	vadd.s32 v1, v4;
	_ =	sdelay $0x3  }
0x72: {  	s21 =	simm.s32 $0xC100  }
0x73: {  	[hbm4b:s3+s2] =	stream.indirect_vreg.scatter [tilespmem:s21], [sflag:$0x2], $0x80, v4, vm0, $0xb8;
	[tilespmem:$0x10100] =	vst v63  }
0x74: {  	v3 =	vperm.xlane v3, v2;
	s21 =	simm.s32 $0xC900  }
0x75: {  	[hbm4b:s4+s2] =	stream.indirect_vreg.scatter [tilespmem:s21], [sflag:$0x2], $0x80, v4, vm0, $0xb8;
	[tilespmem:$0x10100] =	vst v63  }
0x76: {  	v3 =	vadd.s32 v1, v3;
	s21 =	simm.s32 $0xD100  }
0x77: {  	[hbm4b:s5+s2] =	stream.indirect_vreg.scatter [tilespmem:s21], [sflag:$0x2], $0x80, v4, vm0, $0xb8;
	[tilespmem:$0x10100] =	vst v63  }
0x78: {  	s21 =	simm.s32 $0xD900  }
0x79: {  	[hbm4b:s6+s2] =	stream.indirect_vreg.scatter [tilespmem:s21], [sflag:$0x2], $0x80, v4, vm0, $0xb8;
	[tilespmem:$0x10100] =	vst v63  }
0x7a: {  	s21 =	simm.s32 $0xE100  }
0x7b: {  	[hbm4b:s3+s2] =	stream.indirect_vreg.scatter [tilespmem:s21], [sflag:$0x2], $0x80, v3, vm0, $0xb8;
	[tilespmem:$0x10100] =	vst v63  }
0x7c: {  	s21 =	simm.s32 $0xE900  }
0x7d: {  	[hbm4b:s4+s2] =	stream.indirect_vreg.scatter [tilespmem:s21], [sflag:$0x2], $0x80, v3, vm0, $0xb8;
	[tilespmem:$0x10100] =	vst v63  }
0x7e: {  	s21 =	simm.s32 $0xF100  }
0x7f: {  	[hbm4b:s5+s2] =	stream.indirect_vreg.scatter [tilespmem:s21], [sflag:$0x2], $0x80, v3, vm0, $0xb8;
	[tilespmem:$0x10100] =	vst v63  }
0x80: {  	s21 =	simm.s32 $0xF900  }
0x81: {  	[hbm4b:s6+s2] =	stream.indirect_vreg.scatter [tilespmem:s21], [sflag:$0x2], $0x80, v3, vm0, $0xb8;
	[tilespmem:$0x10100] =	vst v63  }
0x82: {  	_ =	swait.ge [sflag:s19], $0x8000  }
0x83: {  	[sflag:s19] =	ssyncset.done $0x0  }
0x84: {  	s21 =	rddreg [dreg:$0x7];
	[sflag:s19] =	ssyncadd.s32 $0xFFFF8000  }
0x85: {  	[tilespmem:s2], [sflag:$0x3] =	stream.linear.gather [hbm4b:s21+s2], $0x20, $0x38;
	[tilespmem:$0x10100] =	vst v63  }
0x86: {  	_ =	swait.ge [sflag:s8], $0x20  }
0x87: {  	[sflag:s8] =	ssyncset.done $0x0  }
0x88: {  	s21 =	rddreg [dreg:$0x8];
	[sflag:s8] =	ssyncadd.s32 $0xFFFFFFE0  }
0x89: {  	[tilespmem:s26], [sflag:$0x3] =	stream.linear.gather [hbm4b:s21+s2], $0x8000, $0x38;
	[tilespmem:$0x10100] =	vst v63  }
0x8a: {  	_ =	swait.ge [sflag:s8], $0x8000  }
0x8b: {  	[sflag:s8] =	ssyncset.done $0x0  }
0x8c: {  	[sflag:s8] =	ssyncadd.s32 $0xFFFF8000  }
0x8d: {  	v3 =	vld [tilespmem:$0x0];
	_ =	sdelay $0x4  }
0x8e: {  	v60 =	vshll.u32 v3, $0x3  }
0x8f: {  	v3 =	vand.u32 $0x7, v3;
	v4 =	vand.u32 $0xFFFFFFC0, v60  }
0x90: {  	v3 =	vor.u32 v3, v4  }
0x91: {  	v4 =	vperm.xlane v3, v0;
	_ =	sdelay $0x1  }
0x92: {  	v4 =	vadd.s32 v1, v4;
	_ =	sdelay $0x4  }
0x93: {  	[hbm4b:s3+s2] =	stream.indirect_vreg.scatter [tilespmem:s26], [sflag:$0x1], $0x80, v4, vm0, $0xb8;
	[tilespmem:$0x10100] =	vst v63  }
0x94: {  	v3 =	vperm.xlane v3, v2  }
0x95: {  	[hbm4b:s4+s2] =	stream.indirect_vreg.scatter [tilespmem:s22], [sflag:$0x1], $0x80, v4, vm0, $0xb8;
	[tilespmem:$0x10100] =	vst v63  }
0x96: {  	v3 =	vadd.s32 v1, v3  }
0x97: {  	[hbm4b:s5+s2] =	stream.indirect_vreg.scatter [tilespmem:s23], [sflag:$0x1], $0x80, v4, vm0, $0xb8;
	[tilespmem:$0x10100] =	vst v63  }
0x98: {  	_ = 	snop  }
0x99: {  	[hbm4b:s6+s2] =	stream.indirect_vreg.scatter [tilespmem:s24], [sflag:$0x1], $0x80, v4, vm0, $0xb8;
	[tilespmem:$0x10100] =	vst v63  }
0x9a: {  	_ = 	snop  }
0x9b: {  	[hbm4b:s3+s2] =	stream.indirect_vreg.scatter [tilespmem:s25], [sflag:$0x1], $0x80, v3, vm0, $0xb8;
	[tilespmem:$0x10100] =	vst v63  }
0x9c: {  	_ = 	snop  }
0x9d: {  	[hbm4b:s4+s2] =	stream.indirect_vreg.scatter [tilespmem:s28], [sflag:$0x1], $0x80, v3, vm0, $0xb8;
	[tilespmem:$0x10100] =	vst v63  }
0x9e: {  	_ = 	snop  }
0x9f: {  	[hbm4b:s5+s2] =	stream.indirect_vreg.scatter [tilespmem:s29], [sflag:$0x1], $0x80, v3, vm0, $0xb8;
	[tilespmem:$0x10100] =	vst v63  }
0xa0: {  	_ = 	snop  }
0xa1: {  	[hbm4b:s6+s2] =	stream.indirect_vreg.scatter [tilespmem:s30], [sflag:$0x1], $0x80, v3, vm0, $0xb8;
	[tilespmem:$0x10100] =	vst v63  }
0xa2: {  	v3 =	vld [tilespmem:$0x10];
	_ =	sdelay $0x4  }
0xa3: {  	v61 =	vshll.u32 v3, $0x3  }
0xa4: {  	v3 =	vand.u32 $0x7, v3;
	v4 =	vand.u32 $0xFFFFFFC0, v61  }
0xa5: {  	v3 =	vor.u32 v3, v4  }
0xa6: {  	v4 =	vperm.xlane v3, v0;
	_ =	sdelay $0x1  }
0xa7: {  	v4 =	vadd.s32 v1, v4;
	_ =	sdelay $0x4  }
0xa8: {  	[hbm4b:s3+s2] =	stream.indirect_vreg.scatter [tilespmem:s31], [sflag:$0x1], $0x80, v4, vm0, $0xb8;
	[tilespmem:$0x10100] =	vst v63  }
0xa9: {  	v3 =	vperm.xlane v3, v2  }
0xaa: {  	[hbm4b:s4+s2] =	stream.indirect_vreg.scatter [tilespmem:s9], [sflag:$0x1], $0x80, v4, vm0, $0xb8;
	[tilespmem:$0x10100] =	vst v63  }
0xab: {  	v3 =	vadd.s32 v1, v3  }
0xac: {  	[hbm4b:s5+s2] =	stream.indirect_vreg.scatter [tilespmem:s1], [sflag:$0x1], $0x80, v4, vm0, $0xb8;
	[tilespmem:$0x10100] =	vst v63  }
0xad: {  	_ = 	snop  }
0xae: {  	[hbm4b:s6+s2] =	stream.indirect_vreg.scatter [tilespmem:s10], [sflag:$0x1], $0x80, v4, vm0, $0xb8;
	[tilespmem:$0x10100] =	vst v63  }
0xaf: {  	_ = 	snop  }
0xb0: {  	[hbm4b:s3+s2] =	stream.indirect_vreg.scatter [tilespmem:s11], [sflag:$0x1], $0x80, v3, vm0, $0xb8;
	[tilespmem:$0x10100] =	vst v63  }
0xb1: {  	_ = 	snop  }
0xb2: {  	[hbm4b:s4+s2] =	stream.indirect_vreg.scatter [tilespmem:s12], [sflag:$0x1], $0x80, v3, vm0, $0xb8;
	[tilespmem:$0x10100] =	vst v63  }
0xb3: {  	_ = 	snop  }
0xb4: {  	[hbm4b:s5+s2] =	stream.indirect_vreg.scatter [tilespmem:s13], [sflag:$0x1], $0x80, v3, vm0, $0xb8;
	[tilespmem:$0x10100] =	vst v63  }
0xb5: {  	_ = 	snop  }
0xb6: {  	[hbm4b:s6+s2] =	stream.indirect_vreg.scatter [tilespmem:s14], [sflag:$0x1], $0x80, v3, vm0, $0xb8;
	[tilespmem:$0x10100] =	vst v63  }
0xb7: {  	_ =	swait.ge [sflag:s20], $0x8000  }
0xb8: {  	[sflag:s20] =	ssyncset.done $0x0  }
0xb9: {  	s21 =	rddreg [dreg:$0x9];
	[sflag:s20] =	ssyncadd.s32 $0xFFFF8000  }
0xba: {  	[tilespmem:s15], [sflag:$0x3] =	stream.linear.gather [hbm4b:s21+s2], $0x20, $0x38;
	[tilespmem:$0x10100] =	vst v63  }
0xbb: {  	_ =	swait.ge [sflag:s8], $0x20  }
0xbc: {  	[sflag:s8] =	ssyncset.done $0x0  }
0xbd: {  	s21 =	rddreg [dreg:$0xa];
	[sflag:s8] =	ssyncadd.s32 $0xFFFFFFE0  }
0xbe: {  	[tilespmem:s0], [sflag:$0x3] =	stream.linear.gather [hbm4b:s21+s2], $0x8000, $0x38;
	[tilespmem:$0x10100] =	vst v63  }
0xbf: {  	_ =	swait.ge [sflag:s8], $0x8000  }
0xc0: {  	[sflag:s8] =	ssyncset.done $0x0  }
0xc1: {  	[sflag:s8] =	ssyncadd.s32 $0xFFFF8000  }
0xc2: {  	v3 =	vld [tilespmem:$0x80];
	_ =	sdelay $0x4  }
0xc3: {  	v62 =	vshll.u32 v3, $0x3  }
0xc4: {  	v3 =	vand.u32 $0x7, v3;
	v4 =	vand.u32 $0xFFFFFFC0, v62  }
0xc5: {  	v3 =	vor.u32 v3, v4  }
0xc6: {  	v4 =	vperm.xlane v3, v0;
	_ =	sdelay $0x1  }
0xc7: {  	v4 =	vadd.s32 v1, v4;
	_ =	sdelay $0x4  }
0xc8: {  	[hbm4b:s3+s2] =	stream.indirect_vreg.scatter [tilespmem:s0], [sflag:$0x2], $0x80, v4, vm0, $0xb8;
	[tilespmem:$0x10100] =	vst v63  }
0xc9: {  	v3 =	vperm.xlane v3, v2  }
0xca: {  	[hbm4b:s4+s2] =	stream.indirect_vreg.scatter [tilespmem:s16], [sflag:$0x2], $0x80, v4, vm0, $0xb8;
	[tilespmem:$0x10100] =	vst v63  }
0xcb: {  	v3 =	vadd.s32 v1, v3  }
0xcc: {  	[hbm4b:s5+s2] =	stream.indirect_vreg.scatter [tilespmem:s17], [sflag:$0x2], $0x80, v4, vm0, $0xb8;
	[tilespmem:$0x10100] =	vst v63  }
0xcd: {  	_ = 	snop  }
0xce: {  	[hbm4b:s6+s2] =	stream.indirect_vreg.scatter [tilespmem:s18], [sflag:$0x2], $0x80, v4, vm0, $0xb8;
	[tilespmem:$0x10100] =	vst v63  }
0xcf: {  	s21 =	simm.s32 $0xA100  }
0xd0: {  	[hbm4b:s3+s2] =	stream.indirect_vreg.scatter [tilespmem:s21], [sflag:$0x2], $0x80, v3, vm0, $0xb8;
	[tilespmem:$0x10100] =	vst v63  }
0xd1: {  	s21 =	simm.s32 $0xA900  }
0xd2: {  	[hbm4b:s4+s2] =	stream.indirect_vreg.scatter [tilespmem:s21], [sflag:$0x2], $0x80, v3, vm0, $0xb8;
	[tilespmem:$0x10100] =	vst v63  }
0xd3: {  	s21 =	simm.s32 $0xB100  }
0xd4: {  	[hbm4b:s5+s2] =	stream.indirect_vreg.scatter [tilespmem:s21], [sflag:$0x2], $0x80, v3, vm0, $0xb8;
	[tilespmem:$0x10100] =	vst v63  }
0xd5: {  	s21 =	simm.s32 $0xB900  }
0xd6: {  	[hbm4b:s6+s2] =	stream.indirect_vreg.scatter [tilespmem:s21], [sflag:$0x2], $0x80, v3, vm0, $0xb8;
	[tilespmem:$0x10100] =	vst v63  }
0xd7: {  	v3 =	vld [tilespmem:$0x90];
	_ =	sdelay $0x4  }
0xd8: {  	v63 =	vshll.u32 v3, $0x3  }
0xd9: {  	v3 =	vand.u32 $0x7, v3;
	v4 =	vand.u32 $0xFFFFFFC0, v63  }
0xda: {  	v3 =	vor.u32 v3, v4  }
0xdb: {  	v4 =	vperm.xlane v3, v0;
	_ =	sdelay $0x1  }
0xdc: {  	v4 =	vadd.s32 v1, v4;
	_ =	sdelay $0x3  }
0xdd: {  	s21 =	simm.s32 $0xC100  }
0xde: {  	[hbm4b:s3+s2] =	stream.indirect_vreg.scatter [tilespmem:s21], [sflag:$0x2], $0x80, v4, vm0, $0xb8;
	[tilespmem:$0x10100] =	vst v63  }
0xdf: {  	v3 =	vperm.xlane v3, v2;
	s21 =	simm.s32 $0xC900  }
0xe0: {  	[hbm4b:s4+s2] =	stream.indirect_vreg.scatter [tilespmem:s21], [sflag:$0x2], $0x80, v4, vm0, $0xb8;
	[tilespmem:$0x10100] =	vst v63  }
0xe1: {  	v3 =	vadd.s32 v1, v3;
	s21 =	simm.s32 $0xD100  }
0xe2: {  	[hbm4b:s5+s2] =	stream.indirect_vreg.scatter [tilespmem:s21], [sflag:$0x2], $0x80, v4, vm0, $0xb8;
	[tilespmem:$0x10100] =	vst v63  }
0xe3: {  	s21 =	simm.s32 $0xD900  }
0xe4: {  	[hbm4b:s6+s2] =	stream.indirect_vreg.scatter [tilespmem:s21], [sflag:$0x2], $0x80, v4, vm0, $0xb8;
	[tilespmem:$0x10100] =	vst v63  }
0xe5: {  	s21 =	simm.s32 $0xE100  }
0xe6: {  	[hbm4b:s3+s2] =	stream.indirect_vreg.scatter [tilespmem:s21], [sflag:$0x2], $0x80, v3, vm0, $0xb8;
	[tilespmem:$0x10100] =	vst v63  }
0xe7: {  	s21 =	simm.s32 $0xE900  }
0xe8: {  	[hbm4b:s4+s2] =	stream.indirect_vreg.scatter [tilespmem:s21], [sflag:$0x2], $0x80, v3, vm0, $0xb8;
	[tilespmem:$0x10100] =	vst v63  }
0xe9: {  	s21 =	simm.s32 $0xF100  }
0xea: {  	[hbm4b:s5+s2] =	stream.indirect_vreg.scatter [tilespmem:s21], [sflag:$0x2], $0x80, v3, vm0, $0xb8;
	[tilespmem:$0x10100] =	vst v63  }
0xeb: {  	s21 =	simm.s32 $0xF900  }
0xec: {  	[hbm4b:s6+s2] =	stream.indirect_vreg.scatter [tilespmem:s21], [sflag:$0x2], $0x80, v3, vm0, $0xb8;
	[tilespmem:$0x10100] =	vst v63  }
0xed: {  	p0 =	sne.s32 s7, $0x1;
	_ =	swait.ge [sflag:s19], $0x8000  }
.Ltmp0:
0xee: {  	[sflag:s19] =	ssyncset.done $0x0;
	(pc) =	sbr.rel @p0 .LBB2_1-.Ltmp0, $4  }
0xef: {  	[sflag:s19] =	ssyncadd.s32 $0xFFFF8000  }
0xf0: {  	_ =	swait.ge [sflag:s20], $0x8000  }
0xf1: {  	[sflag:s20] =	ssyncset.done $0x0  }
0xf2: {  	s7 =	sadd.s32 $0xFFFFFFFF, s7;
	[sflag:s20] =	ssyncadd.s32 $0xFFFF8000  }
0xf3: {  	_ =	sfence.sel $0x180000  }
0xf4: {  	[bflag:$0x0] =	sbarrier.arrive $0xFFFF  }
0xf5: {  	_ =	strace $0x90000047  }
0xf6: {  	s0 =	stileid.u32;
	[bflag:$0x2] =	sbarrier.arrive $0xFFFF  }
0xf7: {  	p0 =	sne.s32 s0, $0x0;
	s0 =	rddreg [dreg:$0x2]  }
0xf8: {  	s0 =	sadd.s32 @!p0 $0x100000, s0  }
0xf9: {  	[sflag:s0] =	ssyncadd.tile.s32 @!p0 $0x1;
	_ =	shalt  }
.Lfunc_end2:
_tile_overlayer_lowered:
.L_overlay_start_2:
0xfa: {  	(tag) =	ssettag $0x2  }
0xfb: {  	s0 =	rddreg [dreg:$0x0];
	s2 =	stileid.u32  }
0xfc: {  	s1 =	rddreg [dreg:$0x1];
	p0 =	sne.s32 s2, $0x0  }
0xfd: {  	s3 =	rddreg [dreg:$0x2];
	[bflag:$0x3] =	sbarrier.arrive $0xFFFF;
	s2 =	simm.s32 @!p0 $0x1C03  }
0xfe: {  	[timem:s3], [sflag:s2] =	dma.local @!p0 [hbm:s0], s1  }
0xff: {  	s0 =	simm.s32 @!p0 $0x3  }
0x100: {  	_ =	swait.ge @!p0 [sflag:s0], s1  }
0x101: {  	s1 =	ssub.s32 @!p0 $0x0, s1;
	[sflag:s0] =	ssyncset.done @!p0 $0x0  }
0x102: {  	[sflag:s0] =	ssyncadd.s32 @!p0 s1  }
0x103: {  	[bflag:$0x3] =	sbarrier.arrive $0xFFFF  }
0x104: {  	_ =	shalt  }

// kernel: kernel.9.cloned.1.call-start
scs
__scs_entry_jumppad:
0x0: {  	(pc) =	sbr.rel $0x88, $3  }
0x1: {  	(tag) =	ssettag $0x0;
	lr =	simm.s32 $0x1  }
0x2: {  	[smem:$0x3F9C] =	sst lr;
	_ =	strace $0xD0000000  }
0x3: {  	_ = 	snop  }
0x4: {  	_ = 	snop  }
0x5: {  	_ = 	snop  }
0x6: {  	_ = 	snop  }
0x7: {  	_ = 	snop  }
__scs_overlays_trampoline_lowered:
0x8: {  	[smem:$0x3FAB] =	sst s0  }
0x9: {  	[smem:$0x3FAC] =	sst s1  }
0xa: {  	[smem:$0x3FAD] =	sst s2  }
0xb: {  	[smem:$0x3FAE] =	sst s3  }
0xc: {  	[smem:$0x3FAF] =	sst s4  }
0xd: {  	[smem:$0x3FB0] =	sst s5  }
0xe: {  	[smem:$0x3FB1] =	sst s6  }
0xf: {  	[smem:$0x3FB2] =	sst s7  }
0x10: {  	[smem:$0x3FB3] =	sst s8  }
0x11: {  	[smem:$0x3FB4] =	sst s9;
	s0 =	simm.s32 @!p0 $0x0  }
0x12: {  	s1 =	sld [smem:$0x3F9A];
	s0 =	simm.s32 @p0 $0x1  }
0x13: {  	[smem:$0x3FB5] =	sst s0;
	s0 =	simm.s32 @!p1 $0x0  }
0x14: {  	s2 =	sld [smem:$0x3F99];
	s0 =	simm.s32 @p1 $0x1  }
0x15: {  	[smem:$0x3FB6] =	sst s0;
	s0 =	simm.s32 @!p2 $0x0  }
0x16: {  	s3 =	sld [smem:$0x3FDB];
	s0 =	simm.s32 @p2 $0x1  }
0x17: {  	s4 =	simm.s32 $0x1BF5;
	[smem:$0x3FB8] =	sst s0  }
0x18: {  	s0 =	sld [smem:$0x3F9B];
	_ =	swait.ge [sflag:s4], $0x0  }
0x19: {  	s7 =	sld [smem:$0x3F9C]  }
0x1a: {  	s8 =	sadd.s32 $0xFFFFE003, lr  }
0x1b: {  	s9 =	sadd.s32 $0xFFFFFEF7, lr;
	s5 =	simm.s32 $0xFFFFFFFF;
	p2 =	slt.u32 s8, $0xFFFFF086  }
0x1c: {  	p1 =	slt.u32 s9, $0xF7A;
	s5 =	simm.s32 @!p2 $0x0  }
0x1d: {  	s5 =	simm.s32 @p1 $0x1;
	p0 =	seq.s32 s7, s2  }
0x1e: {  	s7 =	smul.u32 @!p0 $0xF7A, s2;
	p2 =	seq.s32 @!p0 s5, $0x0  }
0x1f: {  	s9 =	smul.u32 $0xF7A, s1;
	s8 =	simm.s32 @!p0 $0x1BF5;
	p2 =	por !p2, p0  }
0x20: {  	[sflag:s8] =	ssyncset.s32 @!p0 $0xFFFFF086;
	s6 =	sadd.s32 @!p0 s3, s7;
	s7 =	simm.s32 @!p0 $0x108  }
0x21: {  	s3 =	sadd.s32 s3, s9;
	s6 =	sadd.s32 @!p0 $0x88, s6;
	s7 =	simm.s32 @p2 $0x1082  }
0x22: {  	[simem:s7], [sflag:s8] =	dma.local @!p0 [hbm:s6], $0xF7A  }
0x23: {  	s9 =	sor.u32 $0xD0000000, s2;
	s6 =	simm.s32 $0x108;
	_ =	swait.ge @!p0 [sflag:s8], $0x0  }
0x24: {  	s3 =	sadd.s32 $0x88, s3;
	s6 =	simm.s32 @!p1 $0x1082;
	[sflag:s4] =	ssyncset.s32 $0xFFFFF086  }
0x25: {  	[simem:s6], [sflag:s4] =	dma.local [hbm:s3], $0xF7A  }
0x26: {  	[smem:$0x3F9C] =	sst s1;
	(tag) =	ssettag s2;
	_ =	strace s9  }
0x27: {  	s1 =	sld [smem:$0x3FAC]  }
0x28: {  	s2 =	sld [smem:$0x3FAD]  }
0x29: {  	s4 =	sld [smem:$0x3FAF]  }
0x2a: {  	p0 =	seq.s32 s5, $0x0;
	s5 =	sld [smem:$0x3FB0]  }
0x2b: {  	s6 =	sld [smem:$0x3FB1]  }
0x2c: {  	s7 =	sld [smem:$0x3FB2]  }
0x2d: {  	s3 =	simm.s32 $0x108;
	s8 =	sld [smem:$0x3FB3]  }
0x2e: {  	s3 =	simm.s32 @!p0 $0x1082;
	s9 =	sld [smem:$0x3FB4]  }
0x2f: {  	lr =	sadd.s32 s0, s3;
	s0 =	sld [smem:$0x3FAB]  }
0x30: {  	s3 =	sld [smem:$0x3FAE]  }
0x31: {  	[smem:$0x3FB7] =	sst s10  }
0x32: {  	s10 =	sld [smem:$0x3FB5];
	_ =	sdelay $0x3  }
0x33: {  	p0 =	seq.s32 s10, $0x1;
	s10 =	sld [smem:$0x3FB7];
	_ =	sdelay $0x3  }
0x34: {  	[smem:$0x3FB7] =	sst s10  }
0x35: {  	s10 =	sld [smem:$0x3FB6];
	_ =	sdelay $0x3  }
0x36: {  	p1 =	seq.s32 s10, $0x1;
	s10 =	sld [smem:$0x3FB7];
	_ =	sdelay $0x3  }
0x37: {  	[smem:$0x3FB7] =	sst s10  }
0x38: {  	s10 =	sld [smem:$0x3FB8]  }
0x39: {  	_ = 	snop;
	(pc) =	sbr.ind lr, $3  }
0x3a: {  	_ = 	snop  }
0x3b: {  	_ = 	snop  }
0x3c: {  	p2 =	seq.s32 s10, $0x1;
	s10 =	sld [smem:$0x3FB7]  }
0x3d: {  	_ =	shalt  }
0x3e: {  	_ =	shalt  }
0x3f: {  	_ =	shalt  }
0x40: {  	_ =	shalt  }
0x41: {  	_ =	shalt  }
0x42: {  	_ =	shalt  }
0x43: {  	_ =	shalt  }
0x44: {  	_ =	shalt  }
0x45: {  	_ =	shalt  }
0x46: {  	_ =	shalt  }
0x47: {  	_ =	shalt  }
0x48: {  	_ =	shalt  }
0x49: {  	_ =	shalt  }
0x4a: {  	_ =	shalt  }
0x4b: {  	_ =	shalt  }
0x4c: {  	_ =	shalt  }
0x4d: {  	_ =	shalt  }
0x4e: {  	_ =	shalt  }
0x4f: {  	_ =	shalt  }
0x50: {  	_ =	shalt  }
0x51: {  	_ =	shalt  }
0x52: {  	_ =	shalt  }
0x53: {  	_ =	shalt  }
0x54: {  	_ =	shalt  }
0x55: {  	_ =	shalt  }
0x56: {  	_ =	shalt  }
0x57: {  	_ =	shalt  }
0x58: {  	_ =	shalt  }
0x59: {  	_ =	shalt  }
0x5a: {  	_ =	shalt  }
0x5b: {  	_ =	shalt  }
0x5c: {  	_ =	shalt  }
0x5d: {  	_ =	shalt  }
0x5e: {  	_ =	shalt  }
0x5f: {  	_ =	shalt  }
0x60: {  	_ =	shalt  }
0x61: {  	_ =	shalt  }
0x62: {  	_ =	shalt  }
0x63: {  	_ =	shalt  }
0x64: {  	_ =	shalt  }
0x65: {  	_ =	shalt  }
0x66: {  	_ =	shalt  }
0x67: {  	_ =	shalt  }
0x68: {  	_ =	shalt  }
0x69: {  	_ =	shalt  }
0x6a: {  	_ =	shalt  }
0x6b: {  	_ =	shalt  }
0x6c: {  	_ =	shalt  }
0x6d: {  	_ =	shalt  }
0x6e: {  	_ =	shalt  }
0x6f: {  	_ =	shalt  }
0x70: {  	_ =	shalt  }
0x71: {  	_ =	shalt  }
0x72: {  	_ =	shalt  }
0x73: {  	_ =	shalt  }
0x74: {  	_ =	shalt  }
0x75: {  	_ =	shalt  }
0x76: {  	_ =	shalt  }
0x77: {  	_ =	shalt  }
0x78: {  	_ =	shalt  }
0x79: {  	_ =	shalt  }
0x7a: {  	_ =	shalt  }
0x7b: {  	_ =	shalt  }
0x7c: {  	_ =	shalt  }
0x7d: {  	_ =	shalt  }
0x7e: {  	_ =	shalt  }
0x7f: {  	_ =	shalt  }
0x80: {  	_ =	shalt  }
0x81: {  	_ =	shalt  }
0x82: {  	_ =	shalt  }
0x83: {  	_ =	shalt  }
0x84: {  	_ =	shalt  }
0x85: {  	_ =	shalt  }
0x86: {  	_ =	shalt  }
0x87: {  	_ =	shalt  }
.Lfunc_end0:
.L_simem_size_0:
called_computation.1_lowered:
.L_overlay_start_0:
0x88: {  	s2 =	sld [smem:$0x3FD9]  }
0x89: {  	s3 =	sld [smem:$0x3FFE];
	_ =	sdelay $0x1  }
0x8a: {  	s1 =	srdreg.scid  }
0x8b: {  	s0 =	sand.u32 $0x1, s1  }
0x8c: {  	s17 =	sshll.u32 s0, $0xA;
	s2 =	sadd.s32 s3, s2  }
0x8d: {  	s2 =	sadd.s32 s2, s17  }
0x8e: {  	[smem:$0x3FC3] =	sst s2  }
0x8f: {  	_ = 	snop  }
0x90: {  	s2 =	sld [smem:$0x3FD0];
	(tm) =	ssettm $0x1  }
0x91: {  	s18 =	sld [smem:$0x3FFB];
	_ =	sdelay $0x3  }
0x92: {  	_ =	strace s18  }
0x93: {  	s3 =	sld [smem:$0x3FFC];
	_ =	sdelay $0x3  }
0x94: {  	_ =	strace s3  }
0x95: {  	s3 =	sld [smem:$0x3FFD];
	_ =	sdelay $0x3  }
0x96: {  	_ =	strace s3  }
0x97: {  	_ =	strace $0x8FFFFFFF  }
0x98: {  	s19 =	sld [smem:$0x3FDB];
	_ =	sdelay $0x1  }
0x99: {  	s4 =	simm.s32 $_scs_section_size  }
0x9a: {  	s5 =	simm.s32 $_size__tile_overlayer_lowered;
	s6 =	simm.s32 $_tile_overlayer_lowered  }
0x9b: {  	s22 =	simm.s32 $0x1BFF;
	s21 =	sshll.u32 s6, $0x1;
	s3 =	sadd.s32 s4, s19  }
0x9c: {  	s7 =	simm.s32 $0x0;
	s20 =	sshll.u32 s5, $0x1;
	s5 =	sadd.s32 s21, s3  }
0x9d: {  	[timem:s7], [sflag:s22] =	dma.local [hbm:s5], s20  }
0x9e: {  	_ =	swait.ge [sflag:s22], s20  }
0x9f: {  	s4 =	ssub.s32 $0x0, s20;
	[sflag:s22] =	ssyncset.done $0x0  }
0xa0: {  	[sflag:s22] =	ssyncadd.s32 s4;
	_ =	sdelay $0x1  }
0xa1: {  	s23 =	simm.s32 $0x1B8B  }
0xa2: {  	_ =	swait.ge [sflag:s23], $0x1  }
0xa3: {  	[sflag:s23] =	ssyncset.done $0x0  }
0xa4: {  	s25 =	simm.s32 $0x1B8E;
	s24 =	sld [smem:$0x3FFE];
	[sflag:s23] =	ssyncadd.s32 $0xFFFFFFFF  }
0xa5: {  	s26 =	simm.s32 $execute0_lowered;
	[smem:$0x3FD2] =	sst s25  }
0xa6: {  	s5 =	sshll.u32 s26, $0x1;
	_ =	strace $0x80000049;
	[dreg:$0x1] =	wrdreg $0xFFFFFFFF  }
0xa7: {  	s28 =	simm.s32 $_size_execute0_lowered;
	s3 =	sadd.s32 s3, s5;
	[dreg:$0x0] =	wrdreg $0x0  }
0xa8: {  	s5 =	sshll.u32 s28, $0x1;
	[dreg:$0x2] =	wrdreg s3  }
0xa9: {  	[dreg:$0x3] =	wrdreg s5  }
0xaa: {  	[dreg:$0x4] =	wrdreg $0xC0  }
0xab: {  	_ =	task [dreg:s7], $0x5FFFF  }
0xac: {  	[dreg:$0x1] =	wrdreg $0xFFFFFFFF  }
0xad: {  	[dreg:$0x0] =	wrdreg $0x60  }
0xae: {  	[dreg:$0x2] =	wrdreg s24  }
0xaf: {  	[dreg:$0x3] =	wrdreg s2  }
0xb0: {  	[dreg:$0x4] =	wrdreg $0x9  }
0xb1: {  	_ =	task.clear_ibuf [dreg:s7], $0x5FFFF;
	_ =	strace $0x90000049  }
0xb2: {  	s29 =	simm.s32 $0x9;
	_ =	strace $0x8000004B  }
0xb3: {  	_ =	swait.ge [sflag:s29], $0x1  }
0xb4: {  	[sflag:s29] =	ssyncadd.s32 $0xFFFFFFFF  }
0xb5: {  	_ =	strace $0x9000004B  }
0xb6: {  	_ =	sfence  }
0xb7: {  	s30 =	sld [smem:$0x0];
	_ =	sdelay $0x2  }
0xb8: {  	s31 =	sshll.u32 s1, $0xD;
	s1 =	sshrl.u32 s1, $0x2  }
0xb9: {  	s3 =	sand.u32 $0x4000, s31;
	s1 =	sadd.s32 s1, s30  }
0xba: {  	s0 =	sor.u32 s3, s0;
	s1 =	sshll.u32 s1, $0x11  }
0xbb: {  	s0 =	sor.u32 s1, s0  }
0xbc: {  	s0 =	sadd.s32 $0x8F2B, s0  }
0xbd: {  	[sflag:s0] =	ssyncadd.remote.s32 $0x1  }
0xbe: {  	_ =	sfence.sel $0xFFFF  }
0xbf: {  	[dreg:$0x0] =	wrdreg $0xFFFFFFFF;
	(pc) =	sbr.abs _section_cstart, $3  }
0xc0: {  	[dreg:$0x1] =	wrdreg $0xFFFFFFFF  }
0xc1: {  	_ =	task.clear_ibuf [dreg:s7], $0x2FFFF;
	_ =	strace $0x9FFFFFFF  }
0xc2: {  	(tm) =	ssettm $0x7FFFFFFF  }
0xc3: {  	_ =	shalt  }
tec
execute0_lowered:
.L_overlay_start_1:
0x0: {  	(tag) =	ssettag $0x1  }
0x1: {  	s0 =	rddreg [dreg:$0x0]  }
0x2: {  	s2 =	rddreg [dreg:$0x1];
	s1 =	simm.s32 $0x0;
	s3 =	srdreg.scid  }
0x3: {  	s5 =	stileid.u32;
	s29 =	simm.s32 $0x7;
	s30 =	simm.s32 $0xDC00  }
0x4: {  	s31 =	simm.s32 $0xEC00;
	s28 =	simm.s32 $0x0;
	s3 =	sand.u32 $0x1, s3  }
0x5: {  	[smem:$0x7FF] =	sst s1;
	s5 =	sshll.u32 s5, $0x7;
	s4 =	ssub.s32 $0x2, s3  }
0x6: {  	s6 =	sadd.s32 $0x600, s0;
	s3 =	sshll.u32 s3, $0x6;
	s7 =	sshrl.u32 s4, $0x1  }
0x7: {  	s3 =	sor.u32 s3, s5;
	s5 =	sadd.s32 $0xC0800, s0;
	s4 =	ssub.s32 s4, s7  }
0x8: {  	s18 =	sshrl.u32 s3, $0x3;
	s9 =	sor.u32 $0x10, s3;
	s24 =	sor.u32 $0x20, s3  }
0x9: {  	s25 =	sshll.u32 s3, $0x7;
	s3 =	sor.u32 $0x30, s3;
	s8 =	sadd.s32 s6, s18  }
0xa: {  	s19 =	sor.u32 $0x100, s18;
	s20 =	sadd.s32 s5, s18;
	s21 =	sshrl.u32 s9, $0x3  }
0xb: {  	s23 =	sor.u32 $0x102, s18;
	s26 =	sshrl.u32 s24, $0x3;
	s14 =	sor.u32 $0x104, s18  }
0xc: {  	s15 =	sshrl.u32 s3, $0x3;
	s7 =	sor.u32 $0x106, s18;
	[dreg:$0x3] =	wrdreg s8  }
0xd: {  	s18 =	sadd.s32 s2, s25;
	s10 =	sadd.s32 s6, s19;
	[dreg:$0x5] =	wrdreg s20  }
0xe: {  	s3 =	sshll.u32 s3, $0x7;
	s8 =	sadd.s32 s5, s19;
	[dreg:$0x4] =	wrdreg s10  }
0xf: {  	s25 =	sadd.s32 $0xC0C00, s0;
	s22 =	sadd.s32 s6, s21;
	[dreg:$0x6] =	wrdreg s8  }
0x10: {  	s11 =	sadd.s32 s6, s23;
	s12 =	sadd.s32 s6, s26;
	[dreg:$0x7] =	wrdreg s22  }
0x11: {  	s13 =	sadd.s32 s6, s14;
	s16 =	sadd.s32 s6, s15;
	[dreg:$0x8] =	wrdreg s11  }
0x12: {  	s6 =	sadd.s32 s6, s7;
	s17 =	sadd.s32 s5, s15;
	[dreg:$0xb] =	wrdreg s12  }
0x13: {  	s19 =	sshll.u32 s9, $0x7;
	s20 =	sshll.u32 s24, $0x7;
	[dreg:$0xc] =	wrdreg s13  }
0x14: {  	s24 =	sadd.s32 $0xC0B00, s0;
	s9 =	simm.s32 $0xC400;
	[dreg:$0xf] =	wrdreg s16  }
0x15: {  	s15 =	simm.s32 $0x5;
	s10 =	sadd.s32 s5, s21;
	[dreg:$0x10] =	wrdreg s6  }
0x16: {  	s8 =	sadd.s32 s5, s23;
	s11 =	sadd.s32 s5, s26;
	[dreg:$0x11] =	wrdreg s17  }
0x17: {  	s12 =	sadd.s32 s5, s14;
	s5 =	sadd.s32 s5, s7;
	[dreg:$0x9] =	wrdreg s10  }
0x18: {  	s21 =	sadd.s32 s2, s20;
	s23 =	sadd.s32 $0xC0A00, s0;
	[dreg:$0xa] =	wrdreg s8  }
0x19: {  	s26 =	sadd.s32 $0xC0D00, s0;
	s22 =	smax.u32 s4, $0x1;
	[dreg:$0xd] =	wrdreg s11  }
0x1a: {  	s20 =	simm.s32 $0xF400;
	s13 =	simm.s32 $0x3;
	[dreg:$0xe] =	wrdreg s12  }
0x1b: {  	s0 =	simm.s32 $0x2;
	s14 =	simm.s32 $0x4;
	[dreg:$0x12] =	wrdreg s5  }
0x1c: {  	s5 =	sadd.s32 s2, s19;
	_ =	strace $0x8000004A;
	[dreg:$0x13] =	wrdreg s18  }
0x1d: {  	s2 =	sadd.s32 s2, s3;
	s8 =	simm.s32 $0x7C00;
	[dreg:$0x14] =	wrdreg s5  }
0x1e: {  	s19 =	simm.s32 $0xCC00;
	s10 =	simm.s32 $0xD400;
	[dreg:$0x15] =	wrdreg s21  }
0x1f: {  	v2 =	vlaneseq.u32;
	s11 =	simm.s32 $0xE400;
	s12 =	simm.s32 $0xFC00;
	[dreg:$0x16] =	wrdreg s2  }
0x20: {  	vm0 =	vmmov $0xffff;
	v1 =	vshrl.u32 v2, $0x3;
	s3 =	simm.s32 $0x6;
	[dreg:$0x17] =	wrdreg s22;
	s18 =	simm.s32 $0x7400  }
0x21: {  	v0 =	vand.u32 $0x7, v2;
	v2 =	vor.u32 $0x8, v2;
	v1 =	vmul.u32 $0x8, v1;
	s21 =	simm.s32 $0x1;
	s22 =	simm.s32 $0x10400;
	s2 =	simm.s32 $0x14400  }
.LBB2_1:
0x22: {  	s4 =	rddreg [dreg:$0x3]  }
0x23: {  	[tilespmem:s1], [sflag:$0x7] =	stream.linear.gather [hbm4b:s4+s1], $0x10, $0x38;
	[tilespmem:$0x18400] =	vst v63  }
0x24: {  	_ =	swait.ge [sflag:s29], $0x10  }
0x25: {  	[sflag:s29] =	ssyncset.done $0x0  }
0x26: {  	s5 =	simm.s32 $0x100;
	s17 =	rddreg [dreg:$0x4];
	[sflag:s29] =	ssyncadd.s32 $0xFFFFFFF0  }
0x27: {  	[tilespmem:s5], [sflag:$0x7] =	stream.linear.gather [hbm4b:s17+s1], $0x10, $0x38;
	[tilespmem:$0x18400] =	vst v63  }
0x28: {  	_ =	swait.ge [sflag:s29], $0x10  }
0x29: {  	[sflag:s29] =	ssyncset.done $0x0  }
0x2a: {  	s7 =	simm.s32 $0x200;
	s6 =	rddreg [dreg:$0x5];
	[sflag:s29] =	ssyncadd.s32 $0xFFFFFFF0  }
0x2b: {  	[tilespmem:s7], [sflag:$0x7] =	stream.linear.gather [hbm4b:s6+s1], $0x10, $0x38;
	[tilespmem:$0x18400] =	vst v63  }
0x2c: {  	_ =	swait.ge [sflag:s29], $0x10  }
0x2d: {  	[sflag:s29] =	ssyncset.done $0x0  }
0x2e: {  	s17 =	simm.s32 $0x300;
	s16 =	rddreg [dreg:$0x6];
	[sflag:s29] =	ssyncadd.s32 $0xFFFFFFF0  }
0x2f: {  	[tilespmem:s17], [sflag:$0x7] =	stream.linear.gather [hbm4b:s16+s1], $0x10, $0x38;
	[tilespmem:$0x18400] =	vst v63  }
0x30: {  	_ =	swait.ge [sflag:s29], $0x10  }
0x31: {  	[sflag:s29] =	ssyncset.done $0x0  }
0x32: {  	[sflag:s29] =	ssyncadd.s32 $0xFFFFFFF0  }
0x33: {  	v3 =	vld [tilespmem:$0x0];
	_ =	sdelay $0x4  }
0x34: {  	v4 =	vshll.u32 v3, $0x3  }
0x35: {  	v3 =	vand.u32 $0x7, v3;
	v4 =	vand.u32 $0xFFFFFFC0, v4  }
0x36: {  	v3 =	vor.u32 v3, v4  }
0x37: {  	v4 =	vperm.xlane v3, v0;
	_ =	sdelay $0x1  }
0x38: {  	v4 =	vadd.s32 v1, v4;
	_ =	sdelay $0x3  }
0x39: {  	s5 =	simm.s32 $0x400  }
0x3a: {  	[tilespmem:s5], [sflag:$0x1] =	stream.indirect_vreg.gather [hbm4b:s23+s1], $0x80, v4, vm0, $0xb8;
	[tilespmem:$0x18400] =	vst v63  }
0x3b: {  	s6 =	simm.s32 $0xC00;
	v3 =	vperm.xlane v3, v2  }
0x3c: {  	[tilespmem:s6], [sflag:$0x1] =	stream.indirect_vreg.gather [hbm4b:s24+s1], $0x80, v4, vm0, $0xb8;
	[tilespmem:$0x18400] =	vst v63  }
0x3d: {  	s7 =	simm.s32 $0x1400;
	v3 =	vadd.s32 v1, v3  }
0x3e: {  	[tilespmem:s7], [sflag:$0x1] =	stream.indirect_vreg.gather [hbm4b:s25+s1], $0x80, v4, vm0, $0xb8;
	[tilespmem:$0x18400] =	vst v63  }
0x3f: {  	s16 =	simm.s32 $0x1C00  }
0x40: {  	[tilespmem:s16], [sflag:$0x1] =	stream.indirect_vreg.gather [hbm4b:s26+s1], $0x80, v4, vm0, $0xb8;
	[tilespmem:$0x18400] =	vst v63  }
0x41: {  	s17 =	simm.s32 $0x2400  }
0x42: {  	[tilespmem:s17], [sflag:$0x1] =	stream.indirect_vreg.gather [hbm4b:s23+s1], $0x80, v3, vm0, $0xb8;
	[tilespmem:$0x18400] =	vst v63  }
0x43: {  	s5 =	simm.s32 $0x2C00  }
0x44: {  	[tilespmem:s5], [sflag:$0x1] =	stream.indirect_vreg.gather [hbm4b:s24+s1], $0x80, v3, vm0, $0xb8;
	[tilespmem:$0x18400] =	vst v63  }
0x45: {  	s6 =	simm.s32 $0x3400  }
0x46: {  	[tilespmem:s6], [sflag:$0x1] =	stream.indirect_vreg.gather [hbm4b:s25+s1], $0x80, v3, vm0, $0xb8;
	[tilespmem:$0x18400] =	vst v63  }
0x47: {  	s7 =	simm.s32 $0x3C00  }
0x48: {  	[tilespmem:s7], [sflag:$0x1] =	stream.indirect_vreg.gather [hbm4b:s26+s1], $0x80, v3, vm0, $0xb8;
	[tilespmem:$0x18400] =	vst v63  }
0x49: {  	v3 =	vld [tilespmem:$0x100];
	_ =	sdelay $0x4  }
0x4a: {  	v4 =	vshll.u32 v3, $0x3  }
0x4b: {  	v3 =	vand.u32 $0x7, v3;
	v4 =	vand.u32 $0xFFFFFFC0, v4  }
0x4c: {  	v3 =	vor.u32 v3, v4  }
0x4d: {  	v4 =	vperm.xlane v3, v0;
	_ =	sdelay $0x1  }
0x4e: {  	v4 =	vadd.s32 v1, v4;
	_ =	sdelay $0x3  }
0x4f: {  	s16 =	simm.s32 $0x8400  }
0x50: {  	[tilespmem:s16], [sflag:$0x3] =	stream.indirect_vreg.gather [hbm4b:s23+s1], $0x80, v4, vm0, $0xb8;
	[tilespmem:$0x18400] =	vst v63  }
0x51: {  	s17 =	simm.s32 $0x8C00;
	v3 =	vperm.xlane v3, v2  }
0x52: {  	[tilespmem:s17], [sflag:$0x3] =	stream.indirect_vreg.gather [hbm4b:s24+s1], $0x80, v4, vm0, $0xb8;
	[tilespmem:$0x18400] =	vst v63  }
0x53: {  	s5 =	simm.s32 $0x9400;
	v3 =	vadd.s32 v1, v3  }
0x54: {  	[tilespmem:s5], [sflag:$0x3] =	stream.indirect_vreg.gather [hbm4b:s25+s1], $0x80, v4, vm0, $0xb8;
	[tilespmem:$0x18400] =	vst v63  }
0x55: {  	s6 =	simm.s32 $0x9C00  }
0x56: {  	[tilespmem:s6], [sflag:$0x3] =	stream.indirect_vreg.gather [hbm4b:s26+s1], $0x80, v4, vm0, $0xb8;
	[tilespmem:$0x18400] =	vst v63  }
0x57: {  	s7 =	simm.s32 $0xA400  }
0x58: {  	[tilespmem:s7], [sflag:$0x3] =	stream.indirect_vreg.gather [hbm4b:s23+s1], $0x80, v3, vm0, $0xb8;
	[tilespmem:$0x18400] =	vst v63  }
0x59: {  	s16 =	simm.s32 $0xAC00  }
0x5a: {  	[tilespmem:s16], [sflag:$0x3] =	stream.indirect_vreg.gather [hbm4b:s24+s1], $0x80, v3, vm0, $0xb8;
	[tilespmem:$0x18400] =	vst v63  }
0x5b: {  	s17 =	simm.s32 $0xB400  }
0x5c: {  	[tilespmem:s17], [sflag:$0x3] =	stream.indirect_vreg.gather [hbm4b:s25+s1], $0x80, v3, vm0, $0xb8;
	[tilespmem:$0x18400] =	vst v63  }
0x5d: {  	s5 =	simm.s32 $0xBC00  }
0x5e: {  	[tilespmem:s5], [sflag:$0x3] =	stream.indirect_vreg.gather [hbm4b:s26+s1], $0x80, v3, vm0, $0xb8;
	[tilespmem:$0x18400] =	vst v63  }
0x5f: {  	s6 =	rddreg [dreg:$0x7];
	s7 =	simm.s32 $0x80  }
0x60: {  	[tilespmem:s7], [sflag:$0x7] =	stream.linear.gather [hbm4b:s6+s1], $0x10, $0x38;
	[tilespmem:$0x18400] =	vst v63  }
0x61: {  	_ =	swait.ge [sflag:s29], $0x10  }
0x62: {  	[sflag:s29] =	ssyncset.done $0x0  }
0x63: {  	s17 =	simm.s32 $0x180;
	s16 =	rddreg [dreg:$0x8];
	[sflag:s29] =	ssyncadd.s32 $0xFFFFFFF0  }
0x64: {  	[tilespmem:s17], [sflag:$0x7] =	stream.linear.gather [hbm4b:s16+s1], $0x10, $0x38;
	[tilespmem:$0x18400] =	vst v63  }
0x65: {  	_ =	swait.ge [sflag:s29], $0x10  }
0x66: {  	[sflag:s29] =	ssyncset.done $0x0  }
0x67: {  	s7 =	simm.s32 $0x280;
	s6 =	rddreg [dreg:$0x9];
	[sflag:s29] =	ssyncadd.s32 $0xFFFFFFF0  }
0x68: {  	[tilespmem:s7], [sflag:$0x7] =	stream.linear.gather [hbm4b:s6+s1], $0x10, $0x38;
	[tilespmem:$0x18400] =	vst v63  }
0x69: {  	_ =	swait.ge [sflag:s29], $0x10  }
0x6a: {  	[sflag:s29] =	ssyncset.done $0x0  }
0x6b: {  	s17 =	simm.s32 $0x380;
	s16 =	rddreg [dreg:$0xa];
	[sflag:s29] =	ssyncadd.s32 $0xFFFFFFF0  }
0x6c: {  	[tilespmem:s17], [sflag:$0x7] =	stream.linear.gather [hbm4b:s16+s1], $0x10, $0x38;
	[tilespmem:$0x18400] =	vst v63  }
0x6d: {  	_ =	swait.ge [sflag:s29], $0x10  }
0x6e: {  	[sflag:s29] =	ssyncset.done $0x0  }
0x6f: {  	[sflag:s29] =	ssyncadd.s32 $0xFFFFFFF0  }
0x70: {  	v3 =	vld [tilespmem:$0x80];
	_ =	sdelay $0x4  }
0x71: {  	v4 =	vshll.u32 v3, $0x3  }
0x72: {  	v3 =	vand.u32 $0x7, v3;
	v4 =	vand.u32 $0xFFFFFFC0, v4  }
0x73: {  	v3 =	vor.u32 v3, v4  }
0x74: {  	v4 =	vperm.xlane v3, v0;
	_ =	sdelay $0x1  }
0x75: {  	v4 =	vadd.s32 v1, v4;
	_ =	sdelay $0x3  }
0x76: {  	s5 =	simm.s32 $0x4400  }
0x77: {  	[tilespmem:s5], [sflag:$0x2] =	stream.indirect_vreg.gather [hbm4b:s23+s1], $0x80, v4, vm0, $0xb8;
	[tilespmem:$0x18400] =	vst v63  }
0x78: {  	s6 =	simm.s32 $0x4C00;
	v3 =	vperm.xlane v3, v2  }
0x79: {  	[tilespmem:s6], [sflag:$0x2] =	stream.indirect_vreg.gather [hbm4b:s24+s1], $0x80, v4, vm0, $0xb8;
	[tilespmem:$0x18400] =	vst v63  }
0x7a: {  	s7 =	simm.s32 $0x5400;
	v3 =	vadd.s32 v1, v3  }
0x7b: {  	[tilespmem:s7], [sflag:$0x2] =	stream.indirect_vreg.gather [hbm4b:s25+s1], $0x80, v4, vm0, $0xb8;
	[tilespmem:$0x18400] =	vst v63  }
0x7c: {  	s16 =	simm.s32 $0x5C00  }
0x7d: {  	[tilespmem:s16], [sflag:$0x2] =	stream.indirect_vreg.gather [hbm4b:s26+s1], $0x80, v4, vm0, $0xb8;
	[tilespmem:$0x18400] =	vst v63  }
0x7e: {  	s17 =	simm.s32 $0x6400  }
0x7f: {  	[tilespmem:s17], [sflag:$0x2] =	stream.indirect_vreg.gather [hbm4b:s23+s1], $0x80, v3, vm0, $0xb8;
	[tilespmem:$0x18400] =	vst v63  }
0x80: {  	s5 =	simm.s32 $0x6C00  }
0x81: {  	[tilespmem:s5], [sflag:$0x2] =	stream.indirect_vreg.gather [hbm4b:s24+s1], $0x80, v3, vm0, $0xb8;
	[tilespmem:$0x18400] =	vst v63  }
0x82: {  	_ = 	snop  }
0x83: {  	[tilespmem:s18], [sflag:$0x2] =	stream.indirect_vreg.gather [hbm4b:s25+s1], $0x80, v3, vm0, $0xb8;
	[tilespmem:$0x18400] =	vst v63  }
0x84: {  	_ = 	snop  }
0x85: {  	[tilespmem:s8], [sflag:$0x2] =	stream.indirect_vreg.gather [hbm4b:s26+s1], $0x80, v3, vm0, $0xb8;
	[tilespmem:$0x18400] =	vst v63  }
0x86: {  	v3 =	vld [tilespmem:$0x180];
	_ =	sdelay $0x4  }
0x87: {  	v4 =	vshll.u32 v3, $0x3  }
0x88: {  	v3 =	vand.u32 $0x7, v3;
	v4 =	vand.u32 $0xFFFFFFC0, v4  }
0x89: {  	v3 =	vor.u32 v3, v4  }
0x8a: {  	v4 =	vperm.xlane v3, v0;
	_ =	sdelay $0x1  }
0x8b: {  	v4 =	vadd.s32 v1, v4;
	_ =	sdelay $0x4  }
0x8c: {  	[tilespmem:s9], [sflag:$0x4] =	stream.indirect_vreg.gather [hbm4b:s23+s1], $0x80, v4, vm0, $0xb8;
	[tilespmem:$0x18400] =	vst v63  }
0x8d: {  	v3 =	vperm.xlane v3, v2  }
0x8e: {  	[tilespmem:s19], [sflag:$0x4] =	stream.indirect_vreg.gather [hbm4b:s24+s1], $0x80, v4, vm0, $0xb8;
	[tilespmem:$0x18400] =	vst v63  }
0x8f: {  	v3 =	vadd.s32 v1, v3  }
0x90: {  	[tilespmem:s10], [sflag:$0x4] =	stream.indirect_vreg.gather [hbm4b:s25+s1], $0x80, v4, vm0, $0xb8;
	[tilespmem:$0x18400] =	vst v63  }
0x91: {  	_ = 	snop  }
0x92: {  	[tilespmem:s30], [sflag:$0x4] =	stream.indirect_vreg.gather [hbm4b:s26+s1], $0x80, v4, vm0, $0xb8;
	[tilespmem:$0x18400] =	vst v63  }
0x93: {  	_ = 	snop  }
0x94: {  	[tilespmem:s11], [sflag:$0x4] =	stream.indirect_vreg.gather [hbm4b:s23+s1], $0x80, v3, vm0, $0xb8;
	[tilespmem:$0x18400] =	vst v63  }
0x95: {  	_ = 	snop  }
0x96: {  	[tilespmem:s31], [sflag:$0x4] =	stream.indirect_vreg.gather [hbm4b:s24+s1], $0x80, v3, vm0, $0xb8;
	[tilespmem:$0x18400] =	vst v63  }
0x97: {  	_ = 	snop  }
0x98: {  	[tilespmem:s20], [sflag:$0x4] =	stream.indirect_vreg.gather [hbm4b:s25+s1], $0x80, v3, vm0, $0xb8;
	[tilespmem:$0x18400] =	vst v63  }
0x99: {  	_ = 	snop  }
0x9a: {  	[tilespmem:s12], [sflag:$0x4] =	stream.indirect_vreg.gather [hbm4b:s26+s1], $0x80, v3, vm0, $0xb8;
	[tilespmem:$0x18400] =	vst v63  }
0x9b: {  	_ =	swait.ge [sflag:s21], $0x4000  }
0x9c: {  	[sflag:s21] =	ssyncset.done $0x0  }
0x9d: {  	[sflag:s21] =	ssyncadd.s32 $0xFFFFC000  }
0x9e: {  	_ =	swait.ge [sflag:s13], $0x4000  }
0x9f: {  	[sflag:s13] =	ssyncset.done $0x0  }
0xa0: {  	[sflag:s13] =	ssyncadd.s32 $0xFFFFC000  }
0xa1: {  	s6 =	sand.u32 $0x70, s1;
	s7 =	sand.u32 $0x1C00, s1;
	v21 =	vld [tilespmem:$0x200]  }
0xa2: {  	s4 =	sor.u32 s6, s7;
	v22 =	vld [tilespmem:$0x300]  }
0xa3: {  	v17 =	vld [tilespmem:s4+$0x600]  }
0xa4: {  	v18 =	vld [tilespmem:s4+$0x8500]  }
0xa5: {  	v19 =	vld [tilespmem:s4+$0x8700]  }
0xa6: {  	v20 =	vld [tilespmem:s4+$0x8600]  }
0xa7: {  	v23 =	vld [tilespmem:s4+$0x480]  }
0xa8: {  	v24 =	vld [tilespmem:s4+$0x700];
	v3 =	vbroadcast v21, $0x0;
	v4 =	vbroadcast v22, $0x0  }
0xa9: {  	v25 =	vld [tilespmem:s4+$0x500];
	v5 =	vbroadcast v21, $0x1;
	v6 =	vbroadcast v22, $0x1  }
0xaa: {  	v26 =	vld [tilespmem:s4+$0x8400];
	v7 =	vbroadcast v21, $0x2;
	v8 =	vbroadcast v22, $0x2  }
0xab: {  	v27 =	vld [tilespmem:s4+$0x8480];
	v9 =	vbroadcast v21, $0x3;
	v10 =	vbroadcast v22, $0x3  }
0xac: {  	v28 =	vld [tilespmem:s4+$0x580];
	v11 =	vbroadcast v21, $0x4;
	v12 =	vbroadcast v22, $0x4  }
0xad: {  	v29 =	vld [tilespmem:s4+$0x400];
	v13 =	vbroadcast v21, $0x6;
	v14 =	vbroadcast v22, $0x6  }
0xae: {  	v30 =	vld [tilespmem:s4+$0x8680];
	v15 =	vbroadcast v21, $0x5;
	v16 =	vbroadcast v22, $0x5  }
0xaf: {  	v31 =	vld [tilespmem:s4+$0x680];
	v19 =	vmul.f32 v19, v14;
	v24 =	vmul.f32 v24, v13  }
0xb0: {  	v32 =	vld [tilespmem:s4+$0x8580];
	v18 =	vmul.f32 v18, v8;
	v25 =	vmul.f32 v25, v7  }
0xb1: {  	v20 =	vmul.f32 v20, v12;
	v17 =	vmul.f32 v17, v11;
	v19 =	vadd.f32 v19, v24  }
0xb2: {  	v23 =	vmul.f32 v23, v5;
	v24 =	vmul.f32 v27, v6;
	v18 =	vadd.f32 v18, v25  }
0xb3: {  	v25 =	vmul.f32 v26, v4;
	v26 =	vmul.f32 v29, v3;
	v17 =	vadd.f32 v20, v17;
	[tilespmem:s4+$0x10700] =	vst v19  }
0xb4: {  	v20 =	vmul.f32 v30, v16;
	v19 =	vadd.f32 v24, v23;
	[tilespmem:s4+$0x10500] =	vst v18;
	v18 =	vmul.f32 v31, v15  }
0xb5: {  	v23 =	vmul.f32 v28, v9;
	v24 =	vadd.f32 v25, v26;
	v25 =	vmul.f32 v32, v10;
	[tilespmem:s4+$0x10600] =	vst v17  }
0xb6: {  	[tilespmem:s4+$0x10480] =	vst v19;
	v17 =	vadd.f32 v20, v18  }
0xb7: {  	v18 =	vadd.f32 v25, v23;
	[tilespmem:s4+$0x10400] =	vst v24  }
0xb8: {  	s17 =	sor.u32 s1, s1;
	[tilespmem:s4+$0x10680] =	vst v17  }
0xb9: {  	s16 =	sor.u32 $0x380, s17;
	[tilespmem:s4+$0x10580] =	vst v18  }
0xba: {  	v17 =	vld [tilespmem:s16+$0x400]  }
0xbb: {  	v18 =	vld [tilespmem:s16+$0x8400];
	_ =	sdelay $0x2  }
0xbc: {  	v29 =	vbroadcast v21, $0x7;
	v32 =	vbroadcast v22, $0x7;
	_ =	sdelay $0x1  }
0xbd: {  	v17 =	vmul.f32 v17, v29;
	v18 =	vmul.f32 v18, v32  }
0xbe: {  	v33 =	vbroadcast v21, $0xE;
	v34 =	vbroadcast v22, $0xE  }
0xbf: {  	v30 =	vbroadcast v21, $0x8;
	v27 =	vbroadcast v21, $0xD;
	v25 =	vadd.f32 v18, v17  }
0xc0: {  	v31 =	vbroadcast v22, $0x8;
	v26 =	vbroadcast v22, $0xC  }
0xc1: {  	v28 =	vbroadcast v22, $0xD;
	v20 =	vbroadcast v21, $0x9;
	[tilespmem:s16+$0x10400] =	vst v25  }
0xc2: {  	v19 =	vbroadcast v22, $0x9;
	v23 =	vbroadcast v21, $0xB;
	v37 =	vld [tilespmem:s4+$0x2400]  }
0xc3: {  	v24 =	vbroadcast v22, $0xB;
	v17 =	vbroadcast v21, $0xA;
	v38 =	vld [tilespmem:s4+$0xA400]  }
0xc4: {  	v18 =	vbroadcast v22, $0xA;
	v22 =	vbroadcast v22, $0xF;
	v35 =	vld [tilespmem:s4+$0x2680]  }
0xc5: {  	s5 =	simm.s32 $0x0;
	v25 =	vbroadcast v21, $0xC;
	v21 =	vbroadcast v21, $0xF;
	s16 =	simm.s32 $0x10;
	v36 =	vld [tilespmem:s4+$0xA600]  }
.LBB2_2:
0xc6: {  	p0 =	sne.s32 s16, $0x3F0  }
0xc7: {  	v39 =	vld [tilespmem:s4+$0xA700];
	s5 =	sadd.s32 $0x80, s5;
	s6 =	smov.u32 s16;
	s16 =	sadd.s32 $0x10, s16  }
0xc8: {  	v40 =	vld [tilespmem:s4+$0x2700]  }
0xc9: {  	v37 =	vmul.f32 v37, v30;
	v38 =	vmul.f32 v38, v31;
	v41 =	vld [tilespmem:s4+$0xA680]  }
0xca: {  	v42 =	vld [tilespmem:s4+$0x2600]  }
0xcb: {  	v37 =	vadd.f32 v38, v37;
	v38 =	vld [tilespmem:s4+$0xA500]  }
0xcc: {  	v43 =	vld [tilespmem:s4+$0xA580];
	v39 =	vmul.f32 v39, v34  }
0xcd: {  	[tilespmem:s4+$0x12400] =	vst v37;
	v37 =	vld [tilespmem:s4+$0x2580];
	v40 =	vmul.f32 v40, v33  }
0xce: {  	v44 =	vld [tilespmem:s4+$0x2480]  }
0xcf: {  	v45 =	vld [tilespmem:s4+$0xA480];
	v39 =	vadd.f32 v39, v40  }
0xd0: {  	v36 =	vmul.f32 v36, v26;
	v42 =	vmul.f32 v42, v25;
	v40 =	vld [tilespmem:s4+$0x2500]  }
0xd1: {  	v35 =	vmul.f32 v35, v27;
	v41 =	vmul.f32 v41, v28;
	[tilespmem:s4+$0x12700] =	vst v39  }
0xd2: {  	v39 =	vmul.f32 v43, v24;
	v36 =	vadd.f32 v36, v42;
	v37 =	vmul.f32 v37, v23  }
0xd3: {  	v35 =	vadd.f32 v41, v35;
	v42 =	vmul.f32 v44, v20  }
0xd4: {  	v41 =	vmul.f32 v45, v19;
	v37 =	vadd.f32 v39, v37;
	[tilespmem:s4+$0x12600] =	vst v36  }
0xd5: {  	v38 =	vmul.f32 v38, v18;
	v36 =	vmul.f32 v40, v17;
	[tilespmem:s4+$0x12680] =	vst v35  }
0xd6: {  	v35 =	vadd.f32 v41, v42;
	[tilespmem:s4+$0x12580] =	vst v37  }
0xd7: {  	v36 =	vadd.f32 v38, v36  }
0xd8: {  	[tilespmem:s4+$0x12480] =	vst v35  }
0xd9: {  	s17 =	sor.u32 $0x2380, s17;
	[tilespmem:s4+$0x12500] =	vst v36  }
0xda: {  	v35 =	vld [tilespmem:s17+$0x400]  }
0xdb: {  	v36 =	vld [tilespmem:s17+$0x8400];
	_ =	sdelay $0x3  }
0xdc: {  	v35 =	vmul.f32 v35, v21  }
0xdd: {  	v36 =	vmul.f32 v36, v22;
	_ =	sdelay $0x1  }
0xde: {  	v35 =	vadd.f32 v36, v35  }
0xdf: {  	s7 =	sand.u32 $0x1C00, s5;
	s4 =	sand.u32 $0x70, s6  }
0xe0: {  	s4 =	sor.u32 s4, s7;
	[tilespmem:s17+$0x10400] =	vst v35  }
0xe1: {  	v35 =	vld [tilespmem:s4+$0x600]  }
0xe2: {  	v36 =	vld [tilespmem:s4+$0x8500]  }
0xe3: {  	v37 =	vld [tilespmem:s4+$0x8700]  }
0xe4: {  	v38 =	vld [tilespmem:s4+$0x8600]  }
0xe5: {  	v39 =	vld [tilespmem:s4+$0x480]  }
0xe6: {  	v40 =	vld [tilespmem:s4+$0x700]  }
0xe7: {  	v41 =	vld [tilespmem:s4+$0x500]  }
0xe8: {  	v42 =	vld [tilespmem:s4+$0x8400]  }
0xe9: {  	v37 =	vmul.f32 v37, v14;
	v43 =	vld [tilespmem:s4+$0x8480]  }
0xea: {  	v36 =	vmul.f32 v36, v8;
	v44 =	vld [tilespmem:s4+$0x580]  }
0xeb: {  	v39 =	vmul.f32 v39, v5;
	v45 =	vld [tilespmem:s4+$0x400];
	v40 =	vmul.f32 v40, v13  }
0xec: {  	v41 =	vmul.f32 v41, v7;
	v46 =	vld [tilespmem:s4+$0x8680]  }
0xed: {  	v38 =	vmul.f32 v38, v12;
	v42 =	vmul.f32 v42, v4;
	v47 =	vld [tilespmem:s4+$0x8580];
	v37 =	vadd.f32 v37, v40  }
0xee: {  	v35 =	vmul.f32 v35, v11;
	v40 =	vmul.f32 v43, v6;
	v36 =	vadd.f32 v36, v41;
	v41 =	vld [tilespmem:s4+$0x680]  }
0xef: {  	v43 =	vmul.f32 v44, v9  }
0xf0: {  	v35 =	vadd.f32 v38, v35;
	v44 =	vmul.f32 v45, v3;
	v39 =	vadd.f32 v40, v39;
	_ =	sdelay $0x1  }
0xf1: {  	v38 =	vadd.f32 v42, v44;
	v40 =	vmul.f32 v47, v10;
	[tilespmem:s4+$0x10700] =	vst v37  }
0xf2: {  	v37 =	vmul.f32 v46, v16;
	[tilespmem:s4+$0x10500] =	vst v36;
	v36 =	vmul.f32 v41, v15  }
0xf3: {  	v40 =	vadd.f32 v40, v43;
	[tilespmem:s4+$0x10600] =	vst v35  }
0xf4: {  	[tilespmem:s4+$0x10480] =	vst v39;
	v35 =	vadd.f32 v37, v36  }
0xf5: {  	[tilespmem:s4+$0x10400] =	vst v38  }
0xf6: {  	s17 =	sor.u32 s6, s5;
	[tilespmem:s4+$0x10680] =	vst v35  }
0xf7: {  	s6 =	sor.u32 $0x380, s17;
	[tilespmem:s4+$0x10580] =	vst v40  }
0xf8: {  	v35 =	vld [tilespmem:s6+$0x400]  }
0xf9: {  	v36 =	vld [tilespmem:s6+$0x8400];
	_ =	sdelay $0x4  }
0xfa: {  	v35 =	vmul.f32 v35, v29;
	v36 =	vmul.f32 v36, v32;
	_ =	sdelay $0x1  }
0xfb: {  	v35 =	vadd.f32 v36, v35;
	_ =	sdelay $0x1  }
.Ltmp0:
0xfc: {  	[tilespmem:s6+$0x10400] =	vst v35;
	(pc) =	sbr.rel @p0 .LBB2_2-.Ltmp0, $4  }
0xfd: {  	v37 =	vld [tilespmem:s4+$0x2400]  }
0xfe: {  	v38 =	vld [tilespmem:s4+$0xA400]  }
0xff: {  	v35 =	vld [tilespmem:s4+$0x2680]  }
0x100: {  	v36 =	vld [tilespmem:s4+$0xA600]  }
0x101: {  	v3 =	vld [tilespmem:s4+$0xA700]  }
0x102: {  	v4 =	vld [tilespmem:s4+$0x2700]  }
0x103: {  	v7 =	vld [tilespmem:s4+$0xA680]  }
0x104: {  	v8 =	vld [tilespmem:s4+$0x2600]  }
0x105: {  	v9 =	vld [tilespmem:s4+$0xA580]  }
0x106: {  	v10 =	vld [tilespmem:s4+$0x2480];
	v5 =	vmul.f32 v37, v30;
	v6 =	vmul.f32 v38, v31  }
0x107: {  	v11 =	vld [tilespmem:s4+$0xA480]  }
0x108: {  	v12 =	vld [tilespmem:s4+$0x2500];
	v5 =	vadd.f32 v6, v5  }
0x109: {  	v6 =	vld [tilespmem:s4+$0xA500];
	v3 =	vmul.f32 v3, v34;
	v4 =	vmul.f32 v4, v33  }
0x10a: {  	v13 =	vmul.f32 v36, v26;
	v8 =	vmul.f32 v8, v25;
	[tilespmem:s4+$0x12400] =	vst v5;
	v5 =	vld [tilespmem:s4+$0x2580]  }
0x10b: {  	v7 =	vmul.f32 v7, v28;
	v3 =	vadd.f32 v3, v4;
	v4 =	vmul.f32 v35, v27  }
0x10c: {  	v8 =	vadd.f32 v13, v8  }
0x10d: {  	[tilespmem:s4+$0x12700] =	vst v3;
	v3 =	vmul.f32 v10, v20;
	v4 =	vadd.f32 v7, v4;
	v7 =	vmul.f32 v11, v19  }
0x10e: {  	[tilespmem:s4+$0x12600] =	vst v8;
	v8 =	vmul.f32 v12, v17;
	v6 =	vmul.f32 v6, v18  }
0x10f: {  	v9 =	vmul.f32 v9, v24;
	v5 =	vmul.f32 v5, v23;
	v3 =	vadd.f32 v7, v3  }
0x110: {  	[tilespmem:s4+$0x12680] =	vst v4;
	v4 =	vadd.f32 v6, v8  }
0x111: {  	v5 =	vadd.f32 v9, v5;
	[tilespmem:s4+$0x12480] =	vst v3  }
0x112: {  	[tilespmem:s4+$0x12500] =	vst v4  }
0x113: {  	s5 =	sor.u32 $0x2380, s17;
	[tilespmem:s4+$0x12580] =	vst v5  }
0x114: {  	v3 =	vld [tilespmem:s5+$0x400]  }
0x115: {  	v4 =	vld [tilespmem:s5+$0x8400];
	_ =	sdelay $0x4  }
0x116: {  	v3 =	vmul.f32 v3, v21;
	v4 =	vmul.f32 v4, v22;
	_ =	sdelay $0x1  }
0x117: {  	v3 =	vadd.f32 v4, v3;
	_ =	sdelay $0x1  }
0x118: {  	s4 =	simm.s32 $0x0;
	[tilespmem:s5+$0x10400] =	vst v3;
	s5 =	rddreg [dreg:$0x13]  }
0x119: {  	[hbm4b:s5+s4] =	stream.linear.scatter [tilespmem:s22], [sflag:$0x5], $0x4000, $0x38;
	[tilespmem:$0x18400] =	vst v63  }
0x11a: {  	s6 =	rddreg [dreg:$0xb]  }
0x11b: {  	[tilespmem:s4], [sflag:$0x7] =	stream.linear.gather [hbm4b:s6+s4], $0x10, $0x38;
	[tilespmem:$0x18400] =	vst v63  }
0x11c: {  	_ =	swait.ge [sflag:s29], $0x10  }
0x11d: {  	[sflag:s29] =	ssyncset.done $0x0  }
0x11e: {  	s6 =	simm.s32 $0x100;
	s7 =	rddreg [dreg:$0xc];
	[sflag:s29] =	ssyncadd.s32 $0xFFFFFFF0  }
0x11f: {  	[tilespmem:s6], [sflag:$0x7] =	stream.linear.gather [hbm4b:s7+s4], $0x10, $0x38;
	[tilespmem:$0x18400] =	vst v63  }
0x120: {  	_ =	swait.ge [sflag:s29], $0x10  }
0x121: {  	[sflag:s29] =	ssyncset.done $0x0  }
0x122: {  	s17 =	simm.s32 $0x200;
	s16 =	rddreg [dreg:$0xd];
	[sflag:s29] =	ssyncadd.s32 $0xFFFFFFF0  }
0x123: {  	[tilespmem:s17], [sflag:$0x7] =	stream.linear.gather [hbm4b:s16+s4], $0x10, $0x38;
	[tilespmem:$0x18400] =	vst v63  }
0x124: {  	_ =	swait.ge [sflag:s29], $0x10  }
0x125: {  	[sflag:s29] =	ssyncset.done $0x0  }
0x126: {  	s7 =	simm.s32 $0x300;
	s6 =	rddreg [dreg:$0xe];
	[sflag:s29] =	ssyncadd.s32 $0xFFFFFFF0  }
0x127: {  	[tilespmem:s7], [sflag:$0x7] =	stream.linear.gather [hbm4b:s6+s4], $0x10, $0x38;
	[tilespmem:$0x18400] =	vst v63  }
0x128: {  	_ =	swait.ge [sflag:s29], $0x10  }
0x129: {  	[sflag:s29] =	ssyncset.done $0x0  }
0x12a: {  	[sflag:s29] =	ssyncadd.s32 $0xFFFFFFF0  }
0x12b: {  	v3 =	vld [tilespmem:$0x0];
	_ =	sdelay $0x4  }
0x12c: {  	v4 =	vshll.u32 v3, $0x3  }
0x12d: {  	v3 =	vand.u32 $0x7, v3;
	v4 =	vand.u32 $0xFFFFFFC0, v4  }
0x12e: {  	v3 =	vor.u32 v3, v4  }
0x12f: {  	v4 =	vperm.xlane v3, v0;
	_ =	sdelay $0x1  }
0x130: {  	v4 =	vadd.s32 v1, v4;
	_ =	sdelay $0x3  }
0x131: {  	s16 =	simm.s32 $0x400  }
0x132: {  	[tilespmem:s16], [sflag:$0x1] =	stream.indirect_vreg.gather [hbm4b:s23+s4], $0x80, v4, vm0, $0xb8;
	[tilespmem:$0x18400] =	vst v63  }
0x133: {  	s17 =	simm.s32 $0xC00;
	v3 =	vperm.xlane v3, v2  }
0x134: {  	[tilespmem:s17], [sflag:$0x1] =	stream.indirect_vreg.gather [hbm4b:s24+s4], $0x80, v4, vm0, $0xb8;
	[tilespmem:$0x18400] =	vst v63  }
0x135: {  	s6 =	simm.s32 $0x1400;
	v3 =	vadd.s32 v1, v3  }
0x136: {  	[tilespmem:s6], [sflag:$0x1] =	stream.indirect_vreg.gather [hbm4b:s25+s4], $0x80, v4, vm0, $0xb8;
	[tilespmem:$0x18400] =	vst v63  }
0x137: {  	s7 =	simm.s32 $0x1C00  }
0x138: {  	[tilespmem:s7], [sflag:$0x1] =	stream.indirect_vreg.gather [hbm4b:s26+s4], $0x80, v4, vm0, $0xb8;
	[tilespmem:$0x18400] =	vst v63  }
0x139: {  	s16 =	simm.s32 $0x2400  }
0x13a: {  	[tilespmem:s16], [sflag:$0x1] =	stream.indirect_vreg.gather [hbm4b:s23+s4], $0x80, v3, vm0, $0xb8;
	[tilespmem:$0x18400] =	vst v63  }
0x13b: {  	s17 =	simm.s32 $0x2C00  }
0x13c: {  	[tilespmem:s17], [sflag:$0x1] =	stream.indirect_vreg.gather [hbm4b:s24+s4], $0x80, v3, vm0, $0xb8;
	[tilespmem:$0x18400] =	vst v63  }
0x13d: {  	s6 =	simm.s32 $0x3400  }
0x13e: {  	[tilespmem:s6], [sflag:$0x1] =	stream.indirect_vreg.gather [hbm4b:s25+s4], $0x80, v3, vm0, $0xb8;
	[tilespmem:$0x18400] =	vst v63  }
0x13f: {  	s7 =	simm.s32 $0x3C00  }
0x140: {  	[tilespmem:s7], [sflag:$0x1] =	stream.indirect_vreg.gather [hbm4b:s26+s4], $0x80, v3, vm0, $0xb8;
	[tilespmem:$0x18400] =	vst v63  }
0x141: {  	v3 =	vld [tilespmem:$0x100];
	_ =	sdelay $0x4  }
0x142: {  	v4 =	vshll.u32 v3, $0x3  }
0x143: {  	v3 =	vand.u32 $0x7, v3;
	v4 =	vand.u32 $0xFFFFFFC0, v4  }
0x144: {  	v3 =	vor.u32 v3, v4  }
0x145: {  	v4 =	vperm.xlane v3, v0;
	_ =	sdelay $0x1  }
0x146: {  	v4 =	vadd.s32 v1, v4;
	_ =	sdelay $0x3  }
0x147: {  	s16 =	simm.s32 $0x8400  }
0x148: {  	[tilespmem:s16], [sflag:$0x3] =	stream.indirect_vreg.gather [hbm4b:s23+s4], $0x80, v4, vm0, $0xb8;
	[tilespmem:$0x18400] =	vst v63  }
0x149: {  	s17 =	simm.s32 $0x8C00;
	v3 =	vperm.xlane v3, v2  }
0x14a: {  	[tilespmem:s17], [sflag:$0x3] =	stream.indirect_vreg.gather [hbm4b:s24+s4], $0x80, v4, vm0, $0xb8;
	[tilespmem:$0x18400] =	vst v63  }
0x14b: {  	s6 =	simm.s32 $0x9400;
	v3 =	vadd.s32 v1, v3  }
0x14c: {  	[tilespmem:s6], [sflag:$0x3] =	stream.indirect_vreg.gather [hbm4b:s25+s4], $0x80, v4, vm0, $0xb8;
	[tilespmem:$0x18400] =	vst v63  }
0x14d: {  	s7 =	simm.s32 $0x9C00  }
0x14e: {  	[tilespmem:s7], [sflag:$0x3] =	stream.indirect_vreg.gather [hbm4b:s26+s4], $0x80, v4, vm0, $0xb8;
	[tilespmem:$0x18400] =	vst v63  }
0x14f: {  	s16 =	simm.s32 $0xA400  }
0x150: {  	[tilespmem:s16], [sflag:$0x3] =	stream.indirect_vreg.gather [hbm4b:s23+s4], $0x80, v3, vm0, $0xb8;
	[tilespmem:$0x18400] =	vst v63  }
0x151: {  	s17 =	simm.s32 $0xAC00  }
0x152: {  	[tilespmem:s17], [sflag:$0x3] =	stream.indirect_vreg.gather [hbm4b:s24+s4], $0x80, v3, vm0, $0xb8;
	[tilespmem:$0x18400] =	vst v63  }
0x153: {  	s6 =	simm.s32 $0xB400  }
0x154: {  	[tilespmem:s6], [sflag:$0x3] =	stream.indirect_vreg.gather [hbm4b:s25+s4], $0x80, v3, vm0, $0xb8;
	[tilespmem:$0x18400] =	vst v63  }
0x155: {  	s7 =	simm.s32 $0xBC00  }
0x156: {  	[tilespmem:s7], [sflag:$0x3] =	stream.indirect_vreg.gather [hbm4b:s26+s4], $0x80, v3, vm0, $0xb8;
	[tilespmem:$0x18400] =	vst v63  }
0x157: {  	_ =	swait.ge [sflag:s0], $0x4000  }
0x158: {  	[sflag:s0] =	ssyncset.done $0x0  }
0x159: {  	[sflag:s0] =	ssyncadd.s32 $0xFFFFC000  }
0x15a: {  	_ =	swait.ge [sflag:s14], $0x4000  }
0x15b: {  	[sflag:s14] =	ssyncset.done $0x0  }
0x15c: {  	[sflag:s14] =	ssyncadd.s32 $0xFFFFC000  }
0x15d: {  	s16 =	sand.u32 $0x70, s4;
	s17 =	sand.u32 $0x1C00, s4;
	v21 =	vld [tilespmem:$0x280]  }
0x15e: {  	s16 =	sor.u32 s16, s17;
	v22 =	vld [tilespmem:$0x380]  }
0x15f: {  	v17 =	vld [tilespmem:s16+$0x4600]  }
0x160: {  	v18 =	vld [tilespmem:s16+$0xC500]  }
0x161: {  	v19 =	vld [tilespmem:s16+$0xC700]  }
0x162: {  	v20 =	vld [tilespmem:s16+$0xC600]  }
0x163: {  	v23 =	vld [tilespmem:s16+$0x4480]  }
0x164: {  	v24 =	vld [tilespmem:s16+$0x4700];
	v3 =	vbroadcast v21, $0x0;
	v4 =	vbroadcast v22, $0x0  }
0x165: {  	v25 =	vld [tilespmem:s16+$0x4500];
	v5 =	vbroadcast v21, $0x1;
	v6 =	vbroadcast v22, $0x1  }
0x166: {  	v26 =	vld [tilespmem:s16+$0xC400];
	v7 =	vbroadcast v21, $0x2;
	v8 =	vbroadcast v22, $0x2  }
0x167: {  	v27 =	vld [tilespmem:s16+$0xC480];
	v9 =	vbroadcast v21, $0x3;
	v10 =	vbroadcast v22, $0x3  }
0x168: {  	v28 =	vld [tilespmem:s16+$0x4580];
	v11 =	vbroadcast v21, $0x4;
	v12 =	vbroadcast v22, $0x4  }
0x169: {  	v29 =	vld [tilespmem:s16+$0x4400];
	v13 =	vbroadcast v21, $0x6;
	v14 =	vbroadcast v22, $0x6  }
0x16a: {  	v30 =	vld [tilespmem:s16+$0xC680];
	v15 =	vbroadcast v21, $0x5;
	v16 =	vbroadcast v22, $0x5  }
0x16b: {  	v31 =	vld [tilespmem:s16+$0x4680];
	v19 =	vmul.f32 v19, v14;
	v24 =	vmul.f32 v24, v13  }
0x16c: {  	v32 =	vld [tilespmem:s16+$0xC580];
	v18 =	vmul.f32 v18, v8;
	v25 =	vmul.f32 v25, v7  }
0x16d: {  	v20 =	vmul.f32 v20, v12;
	v17 =	vmul.f32 v17, v11;
	v19 =	vadd.f32 v19, v24  }
0x16e: {  	v23 =	vmul.f32 v23, v5;
	v24 =	vmul.f32 v27, v6;
	v18 =	vadd.f32 v18, v25  }
0x16f: {  	v25 =	vmul.f32 v26, v4;
	v26 =	vmul.f32 v29, v3;
	v17 =	vadd.f32 v20, v17;
	[tilespmem:s16+$0x14700] =	vst v19  }
0x170: {  	v20 =	vmul.f32 v30, v16;
	v19 =	vadd.f32 v24, v23;
	[tilespmem:s16+$0x14500] =	vst v18;
	v18 =	vmul.f32 v31, v15  }
0x171: {  	v23 =	vmul.f32 v28, v9;
	v24 =	vadd.f32 v25, v26;
	v25 =	vmul.f32 v32, v10;
	[tilespmem:s16+$0x14600] =	vst v17  }
0x172: {  	[tilespmem:s16+$0x14480] =	vst v19;
	v17 =	vadd.f32 v20, v18  }
0x173: {  	v18 =	vadd.f32 v25, v23;
	[tilespmem:s16+$0x14400] =	vst v24  }
0x174: {  	s17 =	sor.u32 s4, s4;
	[tilespmem:s16+$0x14680] =	vst v17  }
0x175: {  	s7 =	sor.u32 $0x380, s17;
	[tilespmem:s16+$0x14580] =	vst v18  }
0x176: {  	v17 =	vld [tilespmem:s7+$0x4400]  }
0x177: {  	v18 =	vld [tilespmem:s7+$0xC400];
	_ =	sdelay $0x2  }
0x178: {  	v29 =	vbroadcast v21, $0x7;
	v32 =	vbroadcast v22, $0x7;
	_ =	sdelay $0x1  }
0x179: {  	v17 =	vmul.f32 v17, v29;
	v18 =	vmul.f32 v18, v32  }
0x17a: {  	v33 =	vbroadcast v21, $0xE;
	v34 =	vbroadcast v22, $0xE  }
0x17b: {  	v30 =	vbroadcast v21, $0x8;
	v27 =	vbroadcast v21, $0xD;
	v25 =	vadd.f32 v18, v17  }
0x17c: {  	v31 =	vbroadcast v22, $0x8;
	v26 =	vbroadcast v22, $0xC  }
0x17d: {  	v28 =	vbroadcast v22, $0xD;
	v20 =	vbroadcast v21, $0x9;
	[tilespmem:s7+$0x14400] =	vst v25  }
0x17e: {  	v19 =	vbroadcast v22, $0x9;
	v23 =	vbroadcast v21, $0xB;
	v37 =	vld [tilespmem:s16+$0x6400]  }
0x17f: {  	v24 =	vbroadcast v22, $0xB;
	v17 =	vbroadcast v21, $0xA;
	v38 =	vld [tilespmem:s16+$0xE400]  }
0x180: {  	v18 =	vbroadcast v22, $0xA;
	v22 =	vbroadcast v22, $0xF;
	v35 =	vld [tilespmem:s16+$0x6680]  }
0x181: {  	s5 =	simm.s32 $0x10;
	v25 =	vbroadcast v21, $0xC;
	v21 =	vbroadcast v21, $0xF;
	v36 =	vld [tilespmem:s16+$0xE600]  }
.LBB2_4:
0x182: {  	p0 =	sne.s32 s5, $0x3F0  }
0x183: {  	v39 =	vld [tilespmem:s16+$0xE700];
	s4 =	sadd.s32 $0x80, s4;
	s6 =	smov.u32 s5;
	s5 =	sadd.s32 $0x10, s5  }
0x184: {  	v40 =	vld [tilespmem:s16+$0x6700]  }
0x185: {  	v37 =	vmul.f32 v37, v30;
	v38 =	vmul.f32 v38, v31;
	v41 =	vld [tilespmem:s16+$0xE680]  }
0x186: {  	v42 =	vld [tilespmem:s16+$0x6600]  }
0x187: {  	v37 =	vadd.f32 v38, v37;
	v38 =	vld [tilespmem:s16+$0xE500]  }
0x188: {  	v43 =	vld [tilespmem:s16+$0xE580];
	v39 =	vmul.f32 v39, v34  }
0x189: {  	[tilespmem:s16+$0x16400] =	vst v37;
	v37 =	vld [tilespmem:s16+$0x6580];
	v40 =	vmul.f32 v40, v33  }
0x18a: {  	v44 =	vld [tilespmem:s16+$0x6480]  }
0x18b: {  	v45 =	vld [tilespmem:s16+$0xE480];
	v39 =	vadd.f32 v39, v40  }
0x18c: {  	v36 =	vmul.f32 v36, v26;
	v42 =	vmul.f32 v42, v25;
	v40 =	vld [tilespmem:s16+$0x6500]  }
0x18d: {  	v35 =	vmul.f32 v35, v27;
	v41 =	vmul.f32 v41, v28;
	[tilespmem:s16+$0x16700] =	vst v39  }
0x18e: {  	v39 =	vmul.f32 v43, v24;
	v36 =	vadd.f32 v36, v42;
	v37 =	vmul.f32 v37, v23  }
0x18f: {  	v35 =	vadd.f32 v41, v35;
	v42 =	vmul.f32 v44, v20  }
0x190: {  	v41 =	vmul.f32 v45, v19;
	v37 =	vadd.f32 v39, v37;
	[tilespmem:s16+$0x16600] =	vst v36  }
0x191: {  	v38 =	vmul.f32 v38, v18;
	v36 =	vmul.f32 v40, v17;
	[tilespmem:s16+$0x16680] =	vst v35  }
0x192: {  	v35 =	vadd.f32 v41, v42;
	[tilespmem:s16+$0x16580] =	vst v37  }
0x193: {  	v36 =	vadd.f32 v38, v36  }
0x194: {  	[tilespmem:s16+$0x16480] =	vst v35  }
0x195: {  	s7 =	sor.u32 $0x2380, s17;
	[tilespmem:s16+$0x16500] =	vst v36  }
0x196: {  	v35 =	vld [tilespmem:s7+$0x4400]  }
0x197: {  	v36 =	vld [tilespmem:s7+$0xC400];
	_ =	sdelay $0x3  }
0x198: {  	v35 =	vmul.f32 v35, v21  }
0x199: {  	v36 =	vmul.f32 v36, v22;
	_ =	sdelay $0x1  }
0x19a: {  	v35 =	vadd.f32 v36, v35  }
0x19b: {  	s17 =	sand.u32 $0x1C00, s4;
	s16 =	sand.u32 $0x70, s6  }
0x19c: {  	s16 =	sor.u32 s16, s17;
	[tilespmem:s7+$0x14400] =	vst v35  }
0x19d: {  	v35 =	vld [tilespmem:s16+$0x4600]  }
0x19e: {  	v36 =	vld [tilespmem:s16+$0xC500]  }
0x19f: {  	v37 =	vld [tilespmem:s16+$0xC700]  }
0x1a0: {  	v38 =	vld [tilespmem:s16+$0xC600]  }
0x1a1: {  	v39 =	vld [tilespmem:s16+$0x4480]  }
0x1a2: {  	v40 =	vld [tilespmem:s16+$0x4700]  }
0x1a3: {  	v41 =	vld [tilespmem:s16+$0x4500]  }
0x1a4: {  	v42 =	vld [tilespmem:s16+$0xC400]  }
0x1a5: {  	v37 =	vmul.f32 v37, v14;
	v43 =	vld [tilespmem:s16+$0xC480]  }
0x1a6: {  	v36 =	vmul.f32 v36, v8;
	v44 =	vld [tilespmem:s16+$0x4580]  }
0x1a7: {  	v39 =	vmul.f32 v39, v5;
	v45 =	vld [tilespmem:s16+$0x4400];
	v40 =	vmul.f32 v40, v13  }
0x1a8: {  	v41 =	vmul.f32 v41, v7;
	v46 =	vld [tilespmem:s16+$0xC680]  }
0x1a9: {  	v38 =	vmul.f32 v38, v12;
	v42 =	vmul.f32 v42, v4;
	v47 =	vld [tilespmem:s16+$0xC580];
	v37 =	vadd.f32 v37, v40  }
0x1aa: {  	v35 =	vmul.f32 v35, v11;
	v40 =	vmul.f32 v43, v6;
	v36 =	vadd.f32 v36, v41;
	v41 =	vld [tilespmem:s16+$0x4680]  }
0x1ab: {  	v43 =	vmul.f32 v44, v9  }
0x1ac: {  	v35 =	vadd.f32 v38, v35;
	v44 =	vmul.f32 v45, v3;
	v39 =	vadd.f32 v40, v39;
	_ =	sdelay $0x1  }
0x1ad: {  	v38 =	vadd.f32 v42, v44;
	v40 =	vmul.f32 v47, v10;
	[tilespmem:s16+$0x14700] =	vst v37  }
0x1ae: {  	v37 =	vmul.f32 v46, v16;
	[tilespmem:s16+$0x14500] =	vst v36;
	v36 =	vmul.f32 v41, v15  }
0x1af: {  	v40 =	vadd.f32 v40, v43;
	[tilespmem:s16+$0x14600] =	vst v35  }
0x1b0: {  	[tilespmem:s16+$0x14480] =	vst v39;
	v35 =	vadd.f32 v37, v36  }
0x1b1: {  	[tilespmem:s16+$0x14400] =	vst v38  }
0x1b2: {  	s17 =	sor.u32 s6, s4;
	[tilespmem:s16+$0x14680] =	vst v35  }
0x1b3: {  	s6 =	sor.u32 $0x380, s17;
	[tilespmem:s16+$0x14580] =	vst v40  }
0x1b4: {  	v35 =	vld [tilespmem:s6+$0x4400]  }
0x1b5: {  	v36 =	vld [tilespmem:s6+$0xC400];
	_ =	sdelay $0x4  }
0x1b6: {  	v35 =	vmul.f32 v35, v29;
	v36 =	vmul.f32 v36, v32;
	_ =	sdelay $0x1  }
0x1b7: {  	v35 =	vadd.f32 v36, v35;
	_ =	sdelay $0x1  }
.Ltmp1:
0x1b8: {  	[tilespmem:s6+$0x14400] =	vst v35;
	(pc) =	sbr.rel @p0 .LBB2_4-.Ltmp1, $4  }
0x1b9: {  	v37 =	vld [tilespmem:s16+$0x6400]  }
0x1ba: {  	v38 =	vld [tilespmem:s16+$0xE400]  }
0x1bb: {  	v35 =	vld [tilespmem:s16+$0x6680]  }
0x1bc: {  	v36 =	vld [tilespmem:s16+$0xE600]  }
0x1bd: {  	v3 =	vld [tilespmem:s16+$0xE700]  }
0x1be: {  	v4 =	vld [tilespmem:s16+$0x6700]  }
0x1bf: {  	v7 =	vld [tilespmem:s16+$0xE680]  }
0x1c0: {  	v8 =	vld [tilespmem:s16+$0x6600]  }
0x1c1: {  	v9 =	vld [tilespmem:s16+$0xE580]  }
0x1c2: {  	v10 =	vld [tilespmem:s16+$0x6480];
	v5 =	vmul.f32 v37, v30;
	v6 =	vmul.f32 v38, v31  }
0x1c3: {  	v11 =	vld [tilespmem:s16+$0xE480]  }
0x1c4: {  	v12 =	vld [tilespmem:s16+$0x6500];
	v5 =	vadd.f32 v6, v5  }
0x1c5: {  	v6 =	vld [tilespmem:s16+$0xE500];
	v3 =	vmul.f32 v3, v34;
	v4 =	vmul.f32 v4, v33  }
0x1c6: {  	v13 =	vmul.f32 v36, v26;
	v8 =	vmul.f32 v8, v25;
	[tilespmem:s16+$0x16400] =	vst v5;
	v5 =	vld [tilespmem:s16+$0x6580]  }
0x1c7: {  	v7 =	vmul.f32 v7, v28;
	v3 =	vadd.f32 v3, v4;
	v4 =	vmul.f32 v35, v27  }
0x1c8: {  	v8 =	vadd.f32 v13, v8  }
0x1c9: {  	[tilespmem:s16+$0x16700] =	vst v3;
	v3 =	vmul.f32 v10, v20;
	v4 =	vadd.f32 v7, v4;
	v7 =	vmul.f32 v11, v19  }
0x1ca: {  	[tilespmem:s16+$0x16600] =	vst v8;
	v8 =	vmul.f32 v12, v17;
	v6 =	vmul.f32 v6, v18  }
0x1cb: {  	v9 =	vmul.f32 v9, v24;
	v5 =	vmul.f32 v5, v23;
	v3 =	vadd.f32 v7, v3  }
0x1cc: {  	[tilespmem:s16+$0x16680] =	vst v4;
	v4 =	vadd.f32 v6, v8  }
0x1cd: {  	v5 =	vadd.f32 v9, v5;
	[tilespmem:s16+$0x16480] =	vst v3  }
0x1ce: {  	[tilespmem:s16+$0x16500] =	vst v4  }
0x1cf: {  	s4 =	sor.u32 $0x2380, s17;
	[tilespmem:s16+$0x16580] =	vst v5  }
0x1d0: {  	v3 =	vld [tilespmem:s4+$0x4400]  }
0x1d1: {  	v4 =	vld [tilespmem:s4+$0xC400];
	_ =	sdelay $0x4  }
0x1d2: {  	v3 =	vmul.f32 v3, v21;
	v4 =	vmul.f32 v4, v22;
	_ =	sdelay $0x1  }
0x1d3: {  	v3 =	vadd.f32 v4, v3;
	_ =	sdelay $0x1  }
0x1d4: {  	s5 =	rddreg [dreg:$0x14];
	[tilespmem:s4+$0x14400] =	vst v3;
	s4 =	simm.s32 $0x0  }
0x1d5: {  	[hbm4b:s5+s4] =	stream.linear.scatter [tilespmem:s2], [sflag:$0x6], $0x4000, $0x38;
	[tilespmem:$0x18400] =	vst v63  }
0x1d6: {  	s7 =	rddreg [dreg:$0xf];
	s6 =	simm.s32 $0x80  }
0x1d7: {  	[tilespmem:s6], [sflag:$0x7] =	stream.linear.gather [hbm4b:s7+s4], $0x10, $0x38;
	[tilespmem:$0x18400] =	vst v63  }
0x1d8: {  	_ =	swait.ge [sflag:s29], $0x10  }
0x1d9: {  	[sflag:s29] =	ssyncset.done $0x0  }
0x1da: {  	s17 =	simm.s32 $0x180;
	s16 =	rddreg [dreg:$0x10];
	[sflag:s29] =	ssyncadd.s32 $0xFFFFFFF0  }
0x1db: {  	[tilespmem:s17], [sflag:$0x7] =	stream.linear.gather [hbm4b:s16+s4], $0x10, $0x38;
	[tilespmem:$0x18400] =	vst v63  }
0x1dc: {  	_ =	swait.ge [sflag:s29], $0x10  }
0x1dd: {  	[sflag:s29] =	ssyncset.done $0x0  }
0x1de: {  	s7 =	simm.s32 $0x280;
	s6 =	rddreg [dreg:$0x11];
	[sflag:s29] =	ssyncadd.s32 $0xFFFFFFF0  }
0x1df: {  	[tilespmem:s7], [sflag:$0x7] =	stream.linear.gather [hbm4b:s6+s4], $0x10, $0x38;
	[tilespmem:$0x18400] =	vst v63  }
0x1e0: {  	_ =	swait.ge [sflag:s29], $0x10  }
0x1e1: {  	[sflag:s29] =	ssyncset.done $0x0  }
0x1e2: {  	s17 =	simm.s32 $0x380;
	s16 =	rddreg [dreg:$0x12];
	[sflag:s29] =	ssyncadd.s32 $0xFFFFFFF0  }
0x1e3: {  	[tilespmem:s17], [sflag:$0x7] =	stream.linear.gather [hbm4b:s16+s4], $0x10, $0x38;
	[tilespmem:$0x18400] =	vst v63  }
0x1e4: {  	_ =	swait.ge [sflag:s29], $0x10  }
0x1e5: {  	[sflag:s29] =	ssyncset.done $0x0  }
0x1e6: {  	[sflag:s29] =	ssyncadd.s32 $0xFFFFFFF0  }
0x1e7: {  	v3 =	vld [tilespmem:$0x80];
	_ =	sdelay $0x4  }
0x1e8: {  	v4 =	vshll.u32 v3, $0x3  }
0x1e9: {  	v3 =	vand.u32 $0x7, v3;
	v4 =	vand.u32 $0xFFFFFFC0, v4  }
0x1ea: {  	v3 =	vor.u32 v3, v4  }
0x1eb: {  	v4 =	vperm.xlane v3, v0;
	_ =	sdelay $0x1  }
0x1ec: {  	v4 =	vadd.s32 v1, v4;
	_ =	sdelay $0x3  }
0x1ed: {  	s6 =	simm.s32 $0x4400  }
0x1ee: {  	[tilespmem:s6], [sflag:$0x2] =	stream.indirect_vreg.gather [hbm4b:s23+s4], $0x80, v4, vm0, $0xb8;
	[tilespmem:$0x18400] =	vst v63  }
0x1ef: {  	s7 =	simm.s32 $0x4C00;
	v3 =	vperm.xlane v3, v2  }
0x1f0: {  	[tilespmem:s7], [sflag:$0x2] =	stream.indirect_vreg.gather [hbm4b:s24+s4], $0x80, v4, vm0, $0xb8;
	[tilespmem:$0x18400] =	vst v63  }
0x1f1: {  	s16 =	simm.s32 $0x5400;
	v3 =	vadd.s32 v1, v3  }
0x1f2: {  	[tilespmem:s16], [sflag:$0x2] =	stream.indirect_vreg.gather [hbm4b:s25+s4], $0x80, v4, vm0, $0xb8;
	[tilespmem:$0x18400] =	vst v63  }
0x1f3: {  	s17 =	simm.s32 $0x5C00  }
0x1f4: {  	[tilespmem:s17], [sflag:$0x2] =	stream.indirect_vreg.gather [hbm4b:s26+s4], $0x80, v4, vm0, $0xb8;
	[tilespmem:$0x18400] =	vst v63  }
0x1f5: {  	s6 =	simm.s32 $0x6400  }
0x1f6: {  	[tilespmem:s6], [sflag:$0x2] =	stream.indirect_vreg.gather [hbm4b:s23+s4], $0x80, v3, vm0, $0xb8;
	[tilespmem:$0x18400] =	vst v63  }
0x1f7: {  	s7 =	simm.s32 $0x6C00  }
0x1f8: {  	[tilespmem:s7], [sflag:$0x2] =	stream.indirect_vreg.gather [hbm4b:s24+s4], $0x80, v3, vm0, $0xb8;
	[tilespmem:$0x18400] =	vst v63  }
0x1f9: {  	_ = 	snop  }
0x1fa: {  	[tilespmem:s18], [sflag:$0x2] =	stream.indirect_vreg.gather [hbm4b:s25+s4], $0x80, v3, vm0, $0xb8;
	[tilespmem:$0x18400] =	vst v63  }
0x1fb: {  	_ = 	snop  }
0x1fc: {  	[tilespmem:s8], [sflag:$0x2] =	stream.indirect_vreg.gather [hbm4b:s26+s4], $0x80, v3, vm0, $0xb8;
	[tilespmem:$0x18400] =	vst v63  }
0x1fd: {  	v3 =	vld [tilespmem:$0x180];
	_ =	sdelay $0x4  }
0x1fe: {  	v4 =	vshll.u32 v3, $0x3  }
0x1ff: {  	v3 =	vand.u32 $0x7, v3;
	v4 =	vand.u32 $0xFFFFFFC0, v4  }
0x200: {  	v3 =	vor.u32 v3, v4  }
0x201: {  	v4 =	vperm.xlane v3, v0;
	_ =	sdelay $0x1  }
0x202: {  	v4 =	vadd.s32 v1, v4;
	_ =	sdelay $0x4  }
0x203: {  	[tilespmem:s9], [sflag:$0x4] =	stream.indirect_vreg.gather [hbm4b:s23+s4], $0x80, v4, vm0, $0xb8;
	[tilespmem:$0x18400] =	vst v63  }
0x204: {  	v3 =	vperm.xlane v3, v2  }
0x205: {  	[tilespmem:s19], [sflag:$0x4] =	stream.indirect_vreg.gather [hbm4b:s24+s4], $0x80, v4, vm0, $0xb8;
	[tilespmem:$0x18400] =	vst v63  }
0x206: {  	v3 =	vadd.s32 v1, v3  }
0x207: {  	[tilespmem:s10], [sflag:$0x4] =	stream.indirect_vreg.gather [hbm4b:s25+s4], $0x80, v4, vm0, $0xb8;
	[tilespmem:$0x18400] =	vst v63  }
0x208: {  	_ = 	snop  }
0x209: {  	[tilespmem:s30], [sflag:$0x4] =	stream.indirect_vreg.gather [hbm4b:s26+s4], $0x80, v4, vm0, $0xb8;
	[tilespmem:$0x18400] =	vst v63  }
0x20a: {  	_ = 	snop  }
0x20b: {  	[tilespmem:s11], [sflag:$0x4] =	stream.indirect_vreg.gather [hbm4b:s23+s4], $0x80, v3, vm0, $0xb8;
	[tilespmem:$0x18400] =	vst v63  }
0x20c: {  	_ = 	snop  }
0x20d: {  	[tilespmem:s31], [sflag:$0x4] =	stream.indirect_vreg.gather [hbm4b:s24+s4], $0x80, v3, vm0, $0xb8;
	[tilespmem:$0x18400] =	vst v63  }
0x20e: {  	_ = 	snop  }
0x20f: {  	[tilespmem:s20], [sflag:$0x4] =	stream.indirect_vreg.gather [hbm4b:s25+s4], $0x80, v3, vm0, $0xb8;
	[tilespmem:$0x18400] =	vst v63  }
0x210: {  	_ = 	snop  }
0x211: {  	[tilespmem:s12], [sflag:$0x4] =	stream.indirect_vreg.gather [hbm4b:s26+s4], $0x80, v3, vm0, $0xb8;
	[tilespmem:$0x18400] =	vst v63  }
0x212: {  	_ =	swait.ge [sflag:s21], $0x4000  }
0x213: {  	[sflag:s21] =	ssyncset.done $0x0  }
0x214: {  	[sflag:s21] =	ssyncadd.s32 $0xFFFFC000  }
0x215: {  	_ =	swait.ge [sflag:s13], $0x4000  }
0x216: {  	[sflag:s13] =	ssyncset.done $0x0  }
0x217: {  	[sflag:s13] =	ssyncadd.s32 $0xFFFFC000  }
0x218: {  	_ =	swait.ge [sflag:s15], $0x4000  }
0x219: {  	[sflag:s15] =	ssyncset.done $0x0  }
0x21a: {  	[sflag:s15] =	ssyncadd.s32 $0xFFFFC000  }
0x21b: {  	s16 =	sand.u32 $0x70, s4;
	s17 =	sand.u32 $0x1C00, s4;
	v21 =	vld [tilespmem:$0x200]  }
0x21c: {  	s16 =	sor.u32 s16, s17;
	v22 =	vld [tilespmem:$0x300]  }
0x21d: {  	v17 =	vld [tilespmem:s16+$0x600]  }
0x21e: {  	v18 =	vld [tilespmem:s16+$0x8500]  }
0x21f: {  	v19 =	vld [tilespmem:s16+$0x8700]  }
0x220: {  	v20 =	vld [tilespmem:s16+$0x8600]  }
0x221: {  	v23 =	vld [tilespmem:s16+$0x480]  }
0x222: {  	v24 =	vld [tilespmem:s16+$0x700];
	v3 =	vbroadcast v21, $0x0;
	v4 =	vbroadcast v22, $0x0  }
0x223: {  	v25 =	vld [tilespmem:s16+$0x500];
	v5 =	vbroadcast v21, $0x1;
	v6 =	vbroadcast v22, $0x1  }
0x224: {  	v26 =	vld [tilespmem:s16+$0x8400];
	v7 =	vbroadcast v21, $0x2;
	v8 =	vbroadcast v22, $0x2  }
0x225: {  	v27 =	vld [tilespmem:s16+$0x8480];
	v9 =	vbroadcast v21, $0x3;
	v10 =	vbroadcast v22, $0x3  }
0x226: {  	v28 =	vld [tilespmem:s16+$0x580];
	v11 =	vbroadcast v21, $0x4;
	v12 =	vbroadcast v22, $0x4  }
0x227: {  	v29 =	vld [tilespmem:s16+$0x400];
	v13 =	vbroadcast v21, $0x6;
	v14 =	vbroadcast v22, $0x6  }
0x228: {  	v30 =	vld [tilespmem:s16+$0x8680];
	v15 =	vbroadcast v21, $0x5;
	v16 =	vbroadcast v22, $0x5  }
0x229: {  	v31 =	vld [tilespmem:s16+$0x680];
	v19 =	vmul.f32 v19, v14;
	v24 =	vmul.f32 v24, v13  }
0x22a: {  	v32 =	vld [tilespmem:s16+$0x8580];
	v18 =	vmul.f32 v18, v8;
	v25 =	vmul.f32 v25, v7  }
0x22b: {  	v20 =	vmul.f32 v20, v12;
	v17 =	vmul.f32 v17, v11;
	v19 =	vadd.f32 v19, v24  }
0x22c: {  	v23 =	vmul.f32 v23, v5;
	v24 =	vmul.f32 v27, v6;
	v18 =	vadd.f32 v18, v25  }
0x22d: {  	v25 =	vmul.f32 v26, v4;
	v26 =	vmul.f32 v29, v3;
	v17 =	vadd.f32 v20, v17;
	[tilespmem:s16+$0x10700] =	vst v19  }
0x22e: {  	v20 =	vmul.f32 v30, v16;
	v19 =	vadd.f32 v24, v23;
	[tilespmem:s16+$0x10500] =	vst v18;
	v18 =	vmul.f32 v31, v15  }
0x22f: {  	v23 =	vmul.f32 v28, v9;
	v24 =	vadd.f32 v25, v26;
	v25 =	vmul.f32 v32, v10;
	[tilespmem:s16+$0x10600] =	vst v17  }
0x230: {  	[tilespmem:s16+$0x10480] =	vst v19;
	v17 =	vadd.f32 v20, v18  }
0x231: {  	v18 =	vadd.f32 v25, v23;
	[tilespmem:s16+$0x10400] =	vst v24  }
0x232: {  	s17 =	sor.u32 s4, s4;
	[tilespmem:s16+$0x10680] =	vst v17  }
0x233: {  	s7 =	sor.u32 $0x380, s17;
	[tilespmem:s16+$0x10580] =	vst v18  }
0x234: {  	v17 =	vld [tilespmem:s7+$0x400]  }
0x235: {  	v18 =	vld [tilespmem:s7+$0x8400];
	_ =	sdelay $0x2  }
0x236: {  	v29 =	vbroadcast v21, $0x7;
	v32 =	vbroadcast v22, $0x7;
	_ =	sdelay $0x1  }
0x237: {  	v17 =	vmul.f32 v17, v29;
	v18 =	vmul.f32 v18, v32  }
0x238: {  	v33 =	vbroadcast v21, $0xE;
	v34 =	vbroadcast v22, $0xE  }
0x239: {  	v30 =	vbroadcast v21, $0x8;
	v27 =	vbroadcast v21, $0xD;
	v25 =	vadd.f32 v18, v17  }
0x23a: {  	v31 =	vbroadcast v22, $0x8;
	v26 =	vbroadcast v22, $0xC  }
0x23b: {  	v28 =	vbroadcast v22, $0xD;
	v20 =	vbroadcast v21, $0x9;
	[tilespmem:s7+$0x10400] =	vst v25  }
0x23c: {  	v19 =	vbroadcast v22, $0x9;
	v23 =	vbroadcast v21, $0xB;
	v37 =	vld [tilespmem:s16+$0x2400]  }
0x23d: {  	v24 =	vbroadcast v22, $0xB;
	v17 =	vbroadcast v21, $0xA;
	v38 =	vld [tilespmem:s16+$0xA400]  }
0x23e: {  	v18 =	vbroadcast v22, $0xA;
	v22 =	vbroadcast v22, $0xF;
	v35 =	vld [tilespmem:s16+$0x2680]  }
0x23f: {  	s5 =	simm.s32 $0x10;
	v25 =	vbroadcast v21, $0xC;
	v21 =	vbroadcast v21, $0xF;
	v36 =	vld [tilespmem:s16+$0xA600]  }
.LBB2_6:
0x240: {  	p0 =	sne.s32 s5, $0x3F0  }
0x241: {  	v39 =	vld [tilespmem:s16+$0xA700];
	s4 =	sadd.s32 $0x80, s4;
	s6 =	smov.u32 s5;
	s5 =	sadd.s32 $0x10, s5  }
0x242: {  	v40 =	vld [tilespmem:s16+$0x2700]  }
0x243: {  	v37 =	vmul.f32 v37, v30;
	v38 =	vmul.f32 v38, v31;
	v41 =	vld [tilespmem:s16+$0xA680]  }
0x244: {  	v42 =	vld [tilespmem:s16+$0x2600]  }
0x245: {  	v37 =	vadd.f32 v38, v37;
	v38 =	vld [tilespmem:s16+$0xA500]  }
0x246: {  	v43 =	vld [tilespmem:s16+$0xA580];
	v39 =	vmul.f32 v39, v34  }
0x247: {  	[tilespmem:s16+$0x12400] =	vst v37;
	v37 =	vld [tilespmem:s16+$0x2580];
	v40 =	vmul.f32 v40, v33  }
0x248: {  	v44 =	vld [tilespmem:s16+$0x2480]  }
0x249: {  	v45 =	vld [tilespmem:s16+$0xA480];
	v39 =	vadd.f32 v39, v40  }
0x24a: {  	v36 =	vmul.f32 v36, v26;
	v42 =	vmul.f32 v42, v25;
	v40 =	vld [tilespmem:s16+$0x2500]  }
0x24b: {  	v35 =	vmul.f32 v35, v27;
	v41 =	vmul.f32 v41, v28;
	[tilespmem:s16+$0x12700] =	vst v39  }
0x24c: {  	v39 =	vmul.f32 v43, v24;
	v36 =	vadd.f32 v36, v42;
	v37 =	vmul.f32 v37, v23  }
0x24d: {  	v35 =	vadd.f32 v41, v35;
	v42 =	vmul.f32 v44, v20  }
0x24e: {  	v41 =	vmul.f32 v45, v19;
	v37 =	vadd.f32 v39, v37;
	[tilespmem:s16+$0x12600] =	vst v36  }
0x24f: {  	v38 =	vmul.f32 v38, v18;
	v36 =	vmul.f32 v40, v17;
	[tilespmem:s16+$0x12680] =	vst v35  }
0x250: {  	v35 =	vadd.f32 v41, v42;
	[tilespmem:s16+$0x12580] =	vst v37  }
0x251: {  	v36 =	vadd.f32 v38, v36  }
0x252: {  	[tilespmem:s16+$0x12480] =	vst v35  }
0x253: {  	s7 =	sor.u32 $0x2380, s17;
	[tilespmem:s16+$0x12500] =	vst v36  }
0x254: {  	v35 =	vld [tilespmem:s7+$0x400]  }
0x255: {  	v36 =	vld [tilespmem:s7+$0x8400];
	_ =	sdelay $0x3  }
0x256: {  	v35 =	vmul.f32 v35, v21  }
0x257: {  	v36 =	vmul.f32 v36, v22;
	_ =	sdelay $0x1  }
0x258: {  	v35 =	vadd.f32 v36, v35  }
0x259: {  	s17 =	sand.u32 $0x1C00, s4;
	s16 =	sand.u32 $0x70, s6  }
0x25a: {  	s16 =	sor.u32 s16, s17;
	[tilespmem:s7+$0x10400] =	vst v35  }
0x25b: {  	v35 =	vld [tilespmem:s16+$0x600]  }
0x25c: {  	v36 =	vld [tilespmem:s16+$0x8500]  }
0x25d: {  	v37 =	vld [tilespmem:s16+$0x8700]  }
0x25e: {  	v38 =	vld [tilespmem:s16+$0x8600]  }
0x25f: {  	v39 =	vld [tilespmem:s16+$0x480]  }
0x260: {  	v40 =	vld [tilespmem:s16+$0x700]  }
0x261: {  	v41 =	vld [tilespmem:s16+$0x500]  }
0x262: {  	v42 =	vld [tilespmem:s16+$0x8400]  }
0x263: {  	v37 =	vmul.f32 v37, v14;
	v43 =	vld [tilespmem:s16+$0x8480]  }
0x264: {  	v36 =	vmul.f32 v36, v8;
	v44 =	vld [tilespmem:s16+$0x580]  }
0x265: {  	v39 =	vmul.f32 v39, v5;
	v45 =	vld [tilespmem:s16+$0x400];
	v40 =	vmul.f32 v40, v13  }
0x266: {  	v41 =	vmul.f32 v41, v7;
	v46 =	vld [tilespmem:s16+$0x8680]  }
0x267: {  	v38 =	vmul.f32 v38, v12;
	v42 =	vmul.f32 v42, v4;
	v47 =	vld [tilespmem:s16+$0x8580];
	v37 =	vadd.f32 v37, v40  }
0x268: {  	v35 =	vmul.f32 v35, v11;
	v40 =	vmul.f32 v43, v6;
	v36 =	vadd.f32 v36, v41;
	v41 =	vld [tilespmem:s16+$0x680]  }
0x269: {  	v43 =	vmul.f32 v44, v9  }
0x26a: {  	v35 =	vadd.f32 v38, v35;
	v44 =	vmul.f32 v45, v3;
	v39 =	vadd.f32 v40, v39;
	_ =	sdelay $0x1  }
0x26b: {  	v38 =	vadd.f32 v42, v44;
	v40 =	vmul.f32 v47, v10;
	[tilespmem:s16+$0x10700] =	vst v37  }
0x26c: {  	v37 =	vmul.f32 v46, v16;
	[tilespmem:s16+$0x10500] =	vst v36;
	v36 =	vmul.f32 v41, v15  }
0x26d: {  	v40 =	vadd.f32 v40, v43;
	[tilespmem:s16+$0x10600] =	vst v35  }
0x26e: {  	[tilespmem:s16+$0x10480] =	vst v39;
	v35 =	vadd.f32 v37, v36  }
0x26f: {  	[tilespmem:s16+$0x10400] =	vst v38  }
0x270: {  	s17 =	sor.u32 s6, s4;
	[tilespmem:s16+$0x10680] =	vst v35  }
0x271: {  	s6 =	sor.u32 $0x380, s17;
	[tilespmem:s16+$0x10580] =	vst v40  }
0x272: {  	v35 =	vld [tilespmem:s6+$0x400]  }
0x273: {  	v36 =	vld [tilespmem:s6+$0x8400];
	_ =	sdelay $0x4  }
0x274: {  	v35 =	vmul.f32 v35, v29;
	v36 =	vmul.f32 v36, v32;
	_ =	sdelay $0x1  }
0x275: {  	v35 =	vadd.f32 v36, v35;
	_ =	sdelay $0x1  }
.Ltmp2:
0x276: {  	[tilespmem:s6+$0x10400] =	vst v35;
	(pc) =	sbr.rel @p0 .LBB2_6-.Ltmp2, $4  }
0x277: {  	v37 =	vld [tilespmem:s16+$0x2400]  }
0x278: {  	v38 =	vld [tilespmem:s16+$0xA400]  }
0x279: {  	v35 =	vld [tilespmem:s16+$0x2680]  }
0x27a: {  	v36 =	vld [tilespmem:s16+$0xA600]  }
0x27b: {  	v3 =	vld [tilespmem:s16+$0xA700]  }
0x27c: {  	v4 =	vld [tilespmem:s16+$0x2700]  }
0x27d: {  	v7 =	vld [tilespmem:s16+$0xA680]  }
0x27e: {  	v8 =	vld [tilespmem:s16+$0x2600]  }
0x27f: {  	v9 =	vld [tilespmem:s16+$0xA580]  }
0x280: {  	v10 =	vld [tilespmem:s16+$0x2480];
	v5 =	vmul.f32 v37, v30;
	v6 =	vmul.f32 v38, v31  }
0x281: {  	v11 =	vld [tilespmem:s16+$0xA480]  }
0x282: {  	v12 =	vld [tilespmem:s16+$0x2500];
	v5 =	vadd.f32 v6, v5  }
0x283: {  	v6 =	vld [tilespmem:s16+$0xA500];
	v3 =	vmul.f32 v3, v34;
	v4 =	vmul.f32 v4, v33  }
0x284: {  	v13 =	vmul.f32 v36, v26;
	v8 =	vmul.f32 v8, v25;
	[tilespmem:s16+$0x12400] =	vst v5;
	v5 =	vld [tilespmem:s16+$0x2580]  }
0x285: {  	v7 =	vmul.f32 v7, v28;
	v3 =	vadd.f32 v3, v4;
	v4 =	vmul.f32 v35, v27  }
0x286: {  	v8 =	vadd.f32 v13, v8  }
0x287: {  	[tilespmem:s16+$0x12700] =	vst v3;
	v3 =	vmul.f32 v10, v20;
	v4 =	vadd.f32 v7, v4;
	v7 =	vmul.f32 v11, v19  }
0x288: {  	[tilespmem:s16+$0x12600] =	vst v8;
	v8 =	vmul.f32 v12, v17;
	v6 =	vmul.f32 v6, v18  }
0x289: {  	v9 =	vmul.f32 v9, v24;
	v5 =	vmul.f32 v5, v23;
	v3 =	vadd.f32 v7, v3  }
0x28a: {  	[tilespmem:s16+$0x12680] =	vst v4;
	v4 =	vadd.f32 v6, v8  }
0x28b: {  	v5 =	vadd.f32 v9, v5;
	[tilespmem:s16+$0x12480] =	vst v3  }
0x28c: {  	[tilespmem:s16+$0x12500] =	vst v4  }
0x28d: {  	s4 =	sor.u32 $0x2380, s17;
	[tilespmem:s16+$0x12580] =	vst v5  }
0x28e: {  	v3 =	vld [tilespmem:s4+$0x400]  }
0x28f: {  	v4 =	vld [tilespmem:s4+$0x8400];
	_ =	sdelay $0x4  }
0x290: {  	v3 =	vmul.f32 v3, v21;
	v4 =	vmul.f32 v4, v22;
	_ =	sdelay $0x1  }
0x291: {  	v3 =	vadd.f32 v4, v3;
	_ =	sdelay $0x1  }
0x292: {  	s5 =	rddreg [dreg:$0x15];
	s16 =	simm.s32 $0x0;
	[tilespmem:s4+$0x10400] =	vst v3  }
0x293: {  	[hbm4b:s5+s16] =	stream.linear.scatter [tilespmem:s22], [sflag:$0x5], $0x4000, $0x38;
	[tilespmem:$0x18400] =	vst v63  }
0x294: {  	_ =	swait.ge [sflag:s0], $0x4000  }
0x295: {  	[sflag:s0] =	ssyncset.done $0x0  }
0x296: {  	[sflag:s0] =	ssyncadd.s32 $0xFFFFC000  }
0x297: {  	_ =	swait.ge [sflag:s14], $0x4000  }
0x298: {  	[sflag:s14] =	ssyncset.done $0x0  }
0x299: {  	[sflag:s14] =	ssyncadd.s32 $0xFFFFC000  }
0x29a: {  	_ =	swait.ge [sflag:s3], $0x4000  }
0x29b: {  	[sflag:s3] =	ssyncset.done $0x0  }
0x29c: {  	[sflag:s3] =	ssyncadd.s32 $0xFFFFC000  }
0x29d: {  	s6 =	sand.u32 $0x70, s16;
	s5 =	sand.u32 $0x1C00, s16;
	v21 =	vld [tilespmem:$0x280]  }
0x29e: {  	s4 =	sor.u32 s6, s5;
	v22 =	vld [tilespmem:$0x380]  }
0x29f: {  	v17 =	vld [tilespmem:s4+$0x4600]  }
0x2a0: {  	v18 =	vld [tilespmem:s4+$0xC500]  }
0x2a1: {  	v19 =	vld [tilespmem:s4+$0xC700]  }
0x2a2: {  	v20 =	vld [tilespmem:s4+$0xC600]  }
0x2a3: {  	v23 =	vld [tilespmem:s4+$0x4480]  }
0x2a4: {  	v24 =	vld [tilespmem:s4+$0x4700];
	v3 =	vbroadcast v21, $0x0;
	v4 =	vbroadcast v22, $0x0  }
0x2a5: {  	v25 =	vld [tilespmem:s4+$0x4500];
	v5 =	vbroadcast v21, $0x1;
	v6 =	vbroadcast v22, $0x1  }
0x2a6: {  	v26 =	vld [tilespmem:s4+$0xC400];
	v7 =	vbroadcast v21, $0x2;
	v8 =	vbroadcast v22, $0x2  }
0x2a7: {  	v27 =	vld [tilespmem:s4+$0xC480];
	v9 =	vbroadcast v21, $0x3;
	v10 =	vbroadcast v22, $0x3  }
0x2a8: {  	v28 =	vld [tilespmem:s4+$0x4580];
	v11 =	vbroadcast v21, $0x4;
	v12 =	vbroadcast v22, $0x4  }
0x2a9: {  	v29 =	vld [tilespmem:s4+$0x4400];
	v13 =	vbroadcast v21, $0x6;
	v14 =	vbroadcast v22, $0x6  }
0x2aa: {  	v30 =	vld [tilespmem:s4+$0xC680];
	v15 =	vbroadcast v21, $0x5;
	v16 =	vbroadcast v22, $0x5  }
0x2ab: {  	v31 =	vld [tilespmem:s4+$0x4680];
	v19 =	vmul.f32 v19, v14;
	v24 =	vmul.f32 v24, v13  }
0x2ac: {  	v32 =	vld [tilespmem:s4+$0xC580];
	v18 =	vmul.f32 v18, v8;
	v25 =	vmul.f32 v25, v7  }
0x2ad: {  	v20 =	vmul.f32 v20, v12;
	v17 =	vmul.f32 v17, v11;
	v19 =	vadd.f32 v19, v24  }
0x2ae: {  	v23 =	vmul.f32 v23, v5;
	v24 =	vmul.f32 v27, v6;
	v18 =	vadd.f32 v18, v25  }
0x2af: {  	v25 =	vmul.f32 v26, v4;
	v26 =	vmul.f32 v29, v3;
	v17 =	vadd.f32 v20, v17;
	[tilespmem:s4+$0x14700] =	vst v19  }
0x2b0: {  	v20 =	vmul.f32 v30, v16;
	v19 =	vadd.f32 v24, v23;
	[tilespmem:s4+$0x14500] =	vst v18;
	v18 =	vmul.f32 v31, v15  }
0x2b1: {  	v23 =	vmul.f32 v28, v9;
	v24 =	vadd.f32 v25, v26;
	v25 =	vmul.f32 v32, v10;
	[tilespmem:s4+$0x14600] =	vst v17  }
0x2b2: {  	[tilespmem:s4+$0x14480] =	vst v19;
	v17 =	vadd.f32 v20, v18  }
0x2b3: {  	v18 =	vadd.f32 v25, v23;
	[tilespmem:s4+$0x14400] =	vst v24  }
0x2b4: {  	s17 =	sor.u32 s16, s16;
	[tilespmem:s4+$0x14680] =	vst v17  }
0x2b5: {  	s7 =	sor.u32 $0x380, s17;
	[tilespmem:s4+$0x14580] =	vst v18  }
0x2b6: {  	v17 =	vld [tilespmem:s7+$0x4400]  }
0x2b7: {  	v18 =	vld [tilespmem:s7+$0xC400];
	_ =	sdelay $0x2  }
0x2b8: {  	v29 =	vbroadcast v21, $0x7;
	v32 =	vbroadcast v22, $0x7;
	_ =	sdelay $0x1  }
0x2b9: {  	v17 =	vmul.f32 v17, v29;
	v18 =	vmul.f32 v18, v32  }
0x2ba: {  	v33 =	vbroadcast v21, $0xE;
	v34 =	vbroadcast v22, $0xE  }
0x2bb: {  	v30 =	vbroadcast v21, $0x8;
	v27 =	vbroadcast v21, $0xD;
	v25 =	vadd.f32 v18, v17  }
0x2bc: {  	v31 =	vbroadcast v22, $0x8;
	v26 =	vbroadcast v22, $0xC  }
0x2bd: {  	v28 =	vbroadcast v22, $0xD;
	v20 =	vbroadcast v21, $0x9;
	[tilespmem:s7+$0x14400] =	vst v25  }
0x2be: {  	v19 =	vbroadcast v22, $0x9;
	v23 =	vbroadcast v21, $0xB;
	v37 =	vld [tilespmem:s4+$0x6400]  }
0x2bf: {  	v24 =	vbroadcast v22, $0xB;
	v17 =	vbroadcast v21, $0xA;
	v38 =	vld [tilespmem:s4+$0xE400]  }
0x2c0: {  	v18 =	vbroadcast v22, $0xA;
	v22 =	vbroadcast v22, $0xF;
	v35 =	vld [tilespmem:s4+$0x6680]  }
0x2c1: {  	s5 =	simm.s32 $0x10;
	v25 =	vbroadcast v21, $0xC;
	v21 =	vbroadcast v21, $0xF;
	v36 =	vld [tilespmem:s4+$0xE600]  }
.LBB2_8:
0x2c2: {  	p0 =	sne.s32 s5, $0x3F0  }
0x2c3: {  	v39 =	vld [tilespmem:s4+$0xE700];
	s16 =	sadd.s32 $0x80, s16;
	s6 =	smov.u32 s5;
	s5 =	sadd.s32 $0x10, s5  }
0x2c4: {  	v40 =	vld [tilespmem:s4+$0x6700]  }
0x2c5: {  	v37 =	vmul.f32 v37, v30;
	v38 =	vmul.f32 v38, v31;
	v41 =	vld [tilespmem:s4+$0xE680]  }
0x2c6: {  	v42 =	vld [tilespmem:s4+$0x6600]  }
0x2c7: {  	v37 =	vadd.f32 v38, v37;
	v38 =	vld [tilespmem:s4+$0xE500]  }
0x2c8: {  	v43 =	vld [tilespmem:s4+$0xE580];
	v39 =	vmul.f32 v39, v34  }
0x2c9: {  	[tilespmem:s4+$0x16400] =	vst v37;
	v37 =	vld [tilespmem:s4+$0x6580];
	v40 =	vmul.f32 v40, v33  }
0x2ca: {  	v44 =	vld [tilespmem:s4+$0x6480]  }
0x2cb: {  	v45 =	vld [tilespmem:s4+$0xE480];
	v39 =	vadd.f32 v39, v40  }
0x2cc: {  	v36 =	vmul.f32 v36, v26;
	v42 =	vmul.f32 v42, v25;
	v40 =	vld [tilespmem:s4+$0x6500]  }
0x2cd: {  	v35 =	vmul.f32 v35, v27;
	v41 =	vmul.f32 v41, v28;
	[tilespmem:s4+$0x16700] =	vst v39  }
0x2ce: {  	v39 =	vmul.f32 v43, v24;
	v36 =	vadd.f32 v36, v42;
	v37 =	vmul.f32 v37, v23  }
0x2cf: {  	v35 =	vadd.f32 v41, v35;
	v42 =	vmul.f32 v44, v20  }
0x2d0: {  	v41 =	vmul.f32 v45, v19;
	v37 =	vadd.f32 v39, v37;
	[tilespmem:s4+$0x16600] =	vst v36  }
0x2d1: {  	v38 =	vmul.f32 v38, v18;
	v36 =	vmul.f32 v40, v17;
	[tilespmem:s4+$0x16680] =	vst v35  }
0x2d2: {  	v35 =	vadd.f32 v41, v42;
	[tilespmem:s4+$0x16580] =	vst v37  }
0x2d3: {  	v36 =	vadd.f32 v38, v36  }
0x2d4: {  	[tilespmem:s4+$0x16480] =	vst v35  }
0x2d5: {  	s7 =	sor.u32 $0x2380, s17;
	[tilespmem:s4+$0x16500] =	vst v36  }
0x2d6: {  	v35 =	vld [tilespmem:s7+$0x4400]  }
0x2d7: {  	v36 =	vld [tilespmem:s7+$0xC400];
	_ =	sdelay $0x3  }
0x2d8: {  	v35 =	vmul.f32 v35, v21  }
0x2d9: {  	v36 =	vmul.f32 v36, v22;
	_ =	sdelay $0x1  }
0x2da: {  	v35 =	vadd.f32 v36, v35  }
0x2db: {  	s17 =	sand.u32 $0x1C00, s16;
	s4 =	sand.u32 $0x70, s6  }
0x2dc: {  	s4 =	sor.u32 s4, s17;
	[tilespmem:s7+$0x14400] =	vst v35  }
0x2dd: {  	v35 =	vld [tilespmem:s4+$0x4600]  }
0x2de: {  	v36 =	vld [tilespmem:s4+$0xC500]  }
0x2df: {  	v37 =	vld [tilespmem:s4+$0xC700]  }
0x2e0: {  	v38 =	vld [tilespmem:s4+$0xC600]  }
0x2e1: {  	v39 =	vld [tilespmem:s4+$0x4480]  }
0x2e2: {  	v40 =	vld [tilespmem:s4+$0x4700]  }
0x2e3: {  	v41 =	vld [tilespmem:s4+$0x4500]  }
0x2e4: {  	v42 =	vld [tilespmem:s4+$0xC400]  }
0x2e5: {  	v37 =	vmul.f32 v37, v14;
	v43 =	vld [tilespmem:s4+$0xC480]  }
0x2e6: {  	v36 =	vmul.f32 v36, v8;
	v44 =	vld [tilespmem:s4+$0x4580]  }
0x2e7: {  	v39 =	vmul.f32 v39, v5;
	v45 =	vld [tilespmem:s4+$0x4400];
	v40 =	vmul.f32 v40, v13  }
0x2e8: {  	v41 =	vmul.f32 v41, v7;
	v46 =	vld [tilespmem:s4+$0xC680]  }
0x2e9: {  	v38 =	vmul.f32 v38, v12;
	v42 =	vmul.f32 v42, v4;
	v47 =	vld [tilespmem:s4+$0xC580];
	v37 =	vadd.f32 v37, v40  }
0x2ea: {  	v35 =	vmul.f32 v35, v11;
	v40 =	vmul.f32 v43, v6;
	v36 =	vadd.f32 v36, v41;
	v41 =	vld [tilespmem:s4+$0x4680]  }
0x2eb: {  	v43 =	vmul.f32 v44, v9  }
0x2ec: {  	v35 =	vadd.f32 v38, v35;
	v44 =	vmul.f32 v45, v3;
	v39 =	vadd.f32 v40, v39;
	_ =	sdelay $0x1  }
0x2ed: {  	v38 =	vadd.f32 v42, v44;
	v40 =	vmul.f32 v47, v10;
	[tilespmem:s4+$0x14700] =	vst v37  }
0x2ee: {  	v37 =	vmul.f32 v46, v16;
	[tilespmem:s4+$0x14500] =	vst v36;
	v36 =	vmul.f32 v41, v15  }
0x2ef: {  	v40 =	vadd.f32 v40, v43;
	[tilespmem:s4+$0x14600] =	vst v35  }
0x2f0: {  	[tilespmem:s4+$0x14480] =	vst v39;
	v35 =	vadd.f32 v37, v36  }
0x2f1: {  	[tilespmem:s4+$0x14400] =	vst v38  }
0x2f2: {  	s17 =	sor.u32 s6, s16;
	[tilespmem:s4+$0x14680] =	vst v35  }
0x2f3: {  	s6 =	sor.u32 $0x380, s17;
	[tilespmem:s4+$0x14580] =	vst v40  }
0x2f4: {  	v35 =	vld [tilespmem:s6+$0x4400]  }
0x2f5: {  	v36 =	vld [tilespmem:s6+$0xC400];
	_ =	sdelay $0x4  }
0x2f6: {  	v35 =	vmul.f32 v35, v29;
	v36 =	vmul.f32 v36, v32;
	_ =	sdelay $0x1  }
0x2f7: {  	v35 =	vadd.f32 v36, v35;
	_ =	sdelay $0x1  }
.Ltmp3:
0x2f8: {  	[tilespmem:s6+$0x14400] =	vst v35;
	(pc) =	sbr.rel @p0 .LBB2_8-.Ltmp3, $4  }
0x2f9: {  	v37 =	vld [tilespmem:s4+$0x6400]  }
0x2fa: {  	v38 =	vld [tilespmem:s4+$0xE400]  }
0x2fb: {  	v35 =	vld [tilespmem:s4+$0x6680]  }
0x2fc: {  	v36 =	vld [tilespmem:s4+$0xE600]  }
0x2fd: {  	v3 =	vld [tilespmem:s4+$0xE700]  }
0x2fe: {  	v4 =	vld [tilespmem:s4+$0x6700]  }
0x2ff: {  	v7 =	vld [tilespmem:s4+$0xE680]  }
0x300: {  	v8 =	vld [tilespmem:s4+$0x6600]  }
0x301: {  	v58 =	vld [tilespmem:s4+$0xE500]  }
0x302: {  	v9 =	vld [tilespmem:s4+$0xE580]  }
0x303: {  	v59 =	vld [tilespmem:s4+$0x6580]  }
0x304: {  	v12 =	vld [tilespmem:s4+$0x6500]  }
0x305: {  	v10 =	vld [tilespmem:s4+$0x6480];
	v5 =	vmul.f32 v37, v30;
	v6 =	vmul.f32 v38, v31  }
0x306: {  	v11 =	vld [tilespmem:s4+$0xE480];
	v3 =	vmul.f32 v3, v34;
	v4 =	vmul.f32 v4, v33  }
0x307: {  	v5 =	vadd.f32 v6, v5;
	v13 =	vmul.f32 v36, v26;
	v8 =	vmul.f32 v8, v25  }
0x308: {  	v60 =	vmul.f32 v35, v27;
	v7 =	vmul.f32 v7, v28;
	v3 =	vadd.f32 v3, v4  }
0x309: {  	v62 =	vmul.f32 v12, v17;
	v6 =	vmul.f32 v58, v18;
	[tilespmem:s4+$0x16400] =	vst v5;
	v8 =	vadd.f32 v13, v8  }
0x30a: {  	v9 =	vmul.f32 v9, v24;
	v5 =	vmul.f32 v59, v23;
	v4 =	vadd.f32 v7, v60;
	[tilespmem:s4+$0x16700] =	vst v3  }
0x30b: {  	v61 =	vmul.f32 v11, v19;
	v63 =	vadd.f32 v6, v62;
	v3 =	vmul.f32 v10, v20;
	[tilespmem:s4+$0x16600] =	vst v8  }
0x30c: {  	v5 =	vadd.f32 v9, v5;
	[tilespmem:s4+$0x16680] =	vst v4  }
0x30d: {  	[tilespmem:s4+$0x16500] =	vst v63;
	v3 =	vadd.f32 v61, v3  }
0x30e: {  	[tilespmem:s4+$0x16580] =	vst v5  }
0x30f: {  	s7 =	sor.u32 $0x2380, s17;
	[tilespmem:s4+$0x16480] =	vst v3  }
0x310: {  	v3 =	vld [tilespmem:s7+$0x4400]  }
0x311: {  	v4 =	vld [tilespmem:s7+$0xC400];
	_ =	sdelay $0x4  }
0x312: {  	v3 =	vmul.f32 v3, v21;
	v4 =	vmul.f32 v4, v22;
	_ =	sdelay $0x1  }
0x313: {  	v3 =	vadd.f32 v4, v3;
	_ =	sdelay $0x1  }
0x314: {  	s16 =	rddreg [dreg:$0x16];
	[tilespmem:s7+$0x14400] =	vst v3  }
0x315: {  	[hbm4b:s16+s1] =	stream.linear.scatter [tilespmem:s2], [sflag:$0x6], $0x4000, $0x38;
	[tilespmem:$0x18400] =	vst v63  }
0x316: {  	_ =	swait.ge [sflag:s15], $0x4000  }
0x317: {  	[sflag:s15] =	ssyncset.done $0x0  }
0x318: {  	[sflag:s15] =	ssyncadd.s32 $0xFFFFC000  }
0x319: {  	_ =	swait.ge [sflag:s3], $0x4000  }
0x31a: {  	s28 =	sadd.s32 $0x1, s28;
	s17 =	rddreg [dreg:$0x17]  }
0x31b: {  	p0 =	sne.s32 s28, s17  }
.Ltmp4:
0x31c: {  	_ = 	snop;
	(pc) =	sbr.rel @p0 .LBB2_1-.Ltmp4, $3  }
0x31d: {  	_ =	sdelay $0x1  }
0x31e: {  	[sflag:s3] =	ssyncset.done $0x0  }
0x31f: {  	[sflag:s3] =	ssyncadd.s32 $0xFFFFC000  }
0x320: {  	_ =	sfence.sel $0x180000  }
0x321: {  	[bflag:$0x0] =	sbarrier.arrive $0xFFFF  }
0x322: {  	_ =	strace $0x9000004A  }
0x323: {  	s0 =	stileid.u32;
	[bflag:$0x2] =	sbarrier.arrive $0xFFFF  }
0x324: {  	p0 =	sne.s32 s0, $0x0;
	s0 =	rddreg [dreg:$0x2]  }
0x325: {  	s0 =	sadd.s32 @!p0 $0x100000, s0  }
0x326: {  	[sflag:s0] =	ssyncadd.tile.s32 @!p0 $0x1;
	_ =	shalt  }
.Lfunc_end2:
_tile_overlayer_lowered:
.L_overlay_start_2:
0x327: {  	(tag) =	ssettag $0x2  }
0x328: {  	s0 =	rddreg [dreg:$0x0];
	s2 =	stileid.u32  }
0x329: {  	s1 =	rddreg [dreg:$0x1];
	p0 =	sne.s32 s2, $0x0  }
0x32a: {  	s3 =	rddreg [dreg:$0x2];
	[bflag:$0x3] =	sbarrier.arrive $0xFFFF;
	s2 =	simm.s32 @!p0 $0x1C07  }
0x32b: {  	[timem:s3], [sflag:s2] =	dma.local @!p0 [hbm:s0], s1  }
0x32c: {  	s0 =	simm.s32 @!p0 $0x7  }
0x32d: {  	_ =	swait.ge @!p0 [sflag:s0], s1  }
0x32e: {  	s1 =	ssub.s32 @!p0 $0x0, s1;
	[sflag:s0] =	ssyncset.done @!p0 $0x0  }
0x32f: {  	[sflag:s0] =	ssyncadd.s32 @!p0 s1  }
0x330: {  	[bflag:$0x3] =	sbarrier.arrive $0xFFFF  }
0x331: {  	_ =	shalt  }

</sc_bundles>
